<compile_context>
chip_gen: v7x
topology: tpu7x:2x2x1
jax: 0.10.2.dev20260603
libtpu: 0.0.44.dev20260713+nightly
codegen_flags: <defaults>
</compile_context>

<pallas_src>
import functools

import numpy as np

import jax
import jax.numpy as jnp
from jax import lax
from jax.experimental import pallas as pl
from jax.experimental.pallas import tpu as pltpu
from jax.experimental.pallas import tpu_sc as plsc

_DECAY = 0.3
_THRESHOLD = 0.9
_CHUNK = 8
_L = 16


def _sc_body(n_rows_per_tec,
             ys_ref, yt_ref, sf_ref, tf_ref,
             acc_out, cnt_out,
             ybuf, fbuf, acc, cnt):
    c = lax.axis_index("c")
    s = lax.axis_index("s")
    lanes = lax.broadcasted_iota(jnp.int32, (_L,), 0)
    perms = [lanes ^ (1 << b) for b in range(4)]
    zeros16 = jnp.zeros((_L,), jnp.float32)

    def _zero_acc(j, carry):
        acc[pl.ds(j * _L, _L)] = zeros16
        return carry

    lax.fori_loop(0, (256 * 256) // _L, _zero_acc, 0)
    for j in range(256 // _L):
        cnt[pl.ds(j * _L, _L)] = zeros16

    row_base = s * n_rows_per_tec

    def _chunk(i, carry):
        r0 = pl.multiple_of(row_base + i * _CHUNK, _CHUNK)

        @pl.when(c == 0)
        def _():
            pltpu.sync_copy(ys_ref.at[pl.ds(r0 * 256, _CHUNK * 256)], ybuf)
            pltpu.sync_copy(sf_ref.at[pl.ds(r0 * 256, _CHUNK * 256)], fbuf)

        @pl.when(c == 1)
        def _():
            pltpu.sync_copy(yt_ref.at[pl.ds(r0 * 256, _CHUNK * 256)], ybuf)
            pltpu.sync_copy(tf_ref.at[pl.ds(r0 * 256, _CHUNK * 256)], fbuf)

        for r in range(_CHUNK):
            val = ybuf[pl.ds(r * 256, _L)]
            idx = lanes
            for k in range(1, 256 // _L):
                vk = ybuf[pl.ds(r * 256 + k * _L, _L)]
                g = vk > val
                val = jnp.where(g, vk, val)
                idx = jnp.where(g, lanes + k * _L, idx)
            for b in range(4):
                pv = jnp.take(val, perms[b])
                pi = jnp.take(idx, perms[b])
                g = (pv > val) | ((pv == val) & (pi < idx))
                val = jnp.where(g, pv, val)
                idx = jnp.where(g, pi, idx)
            mx = val[0]
            lab = idx[0]
            w = jnp.where(mx > _THRESHOLD, mx, 0.0)
            cbase = pl.multiple_of((lab // _L) * _L, _L)
            onehot = jnp.where(lanes == (lab - cbase), 1.0, 0.0)
            plsc.addupdate(cnt.at[pl.ds(cbase, _L)], onehot)
            base = lab * 256
            for k in range(256 // _L):
                fv = fbuf[pl.ds(r * 256 + k * _L, _L)]
                plsc.addupdate(
                    acc.at[pl.ds(pl.multiple_of(base + k * _L, _L), _L)],
                    fv * w)
        return carry

    lax.fori_loop(0, n_rows_per_tec // _CHUNK, _chunk, 0)

    pltpu.sync_copy(acc, acc_out.at[c, s])
    pltpu.sync_copy(cnt, cnt_out.at[c, s])


def _combine_body(acc_ref, cnt_ref, sc_ref, tc_ref, out_ref):
    ssum = jnp.sum(acc_ref[0], axis=0)
    tsum = jnp.sum(acc_ref[1], axis=0)
    sn = jnp.maximum(jnp.sum(cnt_ref[0], axis=0), 1.0)
    tn = jnp.maximum(jnp.sum(cnt_ref[1], axis=0), 1.0)
    diff = ((1.0 - _DECAY) * (sc_ref[...] - tc_ref[...])
            + _DECAY * (ssum / sn - tsum / tn))
    out_ref[...] = (jnp.sum(diff * diff) / float(diff.size)).reshape(1, 1)


def kernel(s_feature, t_feature, y_s, y_t, s_centroid, t_centroid):
    n, d = s_feature.shape
    cc = y_s.shape[1]
    info = plsc.get_sparse_core_info()
    nc, ns = info.num_cores, info.num_subcores
    n_rows_per_tec = n // ns
    assert n_rows_per_tec * ns == n

    mesh = plsc.VectorSubcoreMesh(core_axis_name="c", subcore_axis_name="s")
    acc_p, cnt_p = pl.kernel(
        functools.partial(_sc_body, n_rows_per_tec),
        mesh=mesh,
        out_type=[
            jax.ShapeDtypeStruct((nc, ns, cc * d), jnp.float32),
            jax.ShapeDtypeStruct((nc, ns, cc), jnp.float32),
        ],
        scratch_types=[
            pltpu.VMEM((_CHUNK * 256,), jnp.float32),
            pltpu.VMEM((_CHUNK * 256,), jnp.float32),
            pltpu.VMEM((cc * d,), jnp.float32),
            pltpu.VMEM((cc,), jnp.float32),
        ],
    )(y_s.reshape(-1), y_t.reshape(-1),
      s_feature.reshape(-1), t_feature.reshape(-1))

    out = pl.pallas_call(
        _combine_body,
        out_specs=pl.BlockSpec((1, 1), lambda: (0, 0)),
        out_shape=jax.ShapeDtypeStruct((1, 1), jnp.float32),
    )(acc_p.reshape(nc, ns, cc, d), cnt_p.reshape(nc, ns, cc, 1),
      s_centroid, t_centroid)
    return out[0, 0]

# --- scband reference (transcript-rebuilt; emitter-appended) ---
"""Pipeline reference for scband-semantic-loss-17875653886443 (READ-ONLY COPY).

The authoritative reference and input builder live on the scoring server;
editing this copy changes nothing except your own understanding.
"""

import jax, jax.numpy as jnp
import numpy as np

N_CLASS = 256
D = 256
N = 160000
DECAY = 0.3
THRESHOLD = 0.9


def setup_inputs(seed: int = 0) -> dict:
    key = jax.random.key(seed)
    k1, k2, k3, k4 = jax.random.split(key, 4)
    s_feature = jax.random.normal(k1, (N, D), dtype=jnp.float32)
    t_feature = jax.random.normal(k2, (N, D), dtype=jnp.float32)
    y_s = jax.random.uniform(k3, (N, N_CLASS), dtype=jnp.float32)
    y_t = jax.random.uniform(k4, (N, N_CLASS), dtype=jnp.float32)
    # stateful buffers of the module (initialized to zeros in __init__)
    s_centroid = jnp.zeros((N_CLASS, D), dtype=jnp.float32)
    t_centroid = jnp.zeros((N_CLASS, D), dtype=jnp.float32)
    return {"s_feature": s_feature, "t_feature": t_feature, "y_s": y_s, "y_t": y_t,
            "s_centroid": s_centroid, "t_centroid": t_centroid}


def reference(s_feature, t_feature, y_s, y_t, s_centroid, t_centroid):
    n, d = s_feature.shape
    n_class = y_s.shape[1]
    # torch.max(y, 1) -> (values, indices)
    s_labels = jnp.argmax(y_s, axis=1)
    t_labels = jnp.argmax(y_t, axis=1)
    s_logits = jnp.max(y_s, axis=1)
    t_logits = jnp.max(y_t, axis=1)
    # per-class counts via scatter-add
    ones = jnp.ones((n,), dtype=jnp.float32)
    s_n_classes = jnp.zeros((n_class,), dtype=jnp.float32).at[s_labels].add(ones)
    t_n_classes = jnp.zeros((n_class,), dtype=jnp.float32).at[t_labels].add(ones)
    s_n_classes = jnp.maximum(s_n_classes, 1.0)
    t_n_classes = jnp.maximum(t_n_classes, 1.0)
    # confidence-thresholded weights
    s_sel = jnp.where(s_logits > THRESHOLD, s_logits, 0.0)
    t_sel = jnp.where(t_logits > THRESHOLD, t_logits, 0.0)
    # weighted per-class feature sums via scatter-add (segment reduce)
    s_sum = jnp.zeros((n_class, d), dtype=jnp.float32).at[s_labels].add(s_sel[:, None] * s_feature)
    t_sum = jnp.zeros((n_class, d), dtype=jnp.float32).at[t_labels].add(t_sel[:, None] * t_feature)
    cur_s = s_sum / s_n_classes[:, None]
    cur_t = t_sum / t_n_classes[:, None]
    s_c = (1.0 - DECAY) * s_centroid + DECAY * cur_s
    t_c = (1.0 - DECAY) * t_centroid + DECAY * cur_t
    semantic_loss = jnp.mean((s_c - t_c) ** 2)
    return semantic_loss

if __name__ == "__main__":
    import jax
    _d = setup_inputs()
    print(jax.jit(kernel)(*tuple(_d.values())))

</pallas_src>

<mosaic_0001>
#map = affine_map<(d0, d1) -> (0)>
#map1 = affine_map<(d0, d1) -> (0, 0, 0)>
module attributes {stable_mosaic.version = 14 : i64} {
  func.func @_sc_body(%arg0: i32, %arg1: i32, %arg2: memref<40960000xf32, #tpu.memory_space<hbm>>, %arg3: memref<40960000xf32, #tpu.memory_space<hbm>>, %arg4: memref<40960000xf32, #tpu.memory_space<hbm>>, %arg5: memref<40960000xf32, #tpu.memory_space<hbm>>, %arg6: memref<2x16x65536xf32, #tpu.memory_space<hbm>>, %arg7: memref<2x16x256xf32, #tpu.memory_space<hbm>>, %arg8: memref<2048xf32, #tpu.memory_space<vmem>>, %arg9: memref<2048xf32, #tpu.memory_space<vmem>>, %arg10: memref<65536xf32, #tpu.memory_space<vmem>>, %arg11: memref<256xf32, #tpu.memory_space<vmem>>) attributes {dimension_semantics = [#tpu.dimension_semantics<core_parallel>, #tpu.dimension_semantics<subcore_parallel>], iteration_bounds = array<i64: 2, 16>, scalar_prefetch = 0 : i64, scratch_operands = 4 : i64, tpu.core_type = #tpu.core_type<sc_vector_subcore>, window_params = [{transform_indices = #map}, {transform_indices = #map}, {transform_indices = #map}, {transform_indices = #map}, {transform_indices = #map1}, {transform_indices = #map1}]} {
    %iota3A = tpu.iota {dimensions = array<i32: 0>} : vector<16xi32>
    %xor3A = arith.constant 1 : i32
    %xor3A_0 = vector.broadcast %xor3A : i32 to vector<16xi32>
    %xor3A_1 = arith.xori %iota3A, %xor3A_0 : vector<16xi32>
    %xor3A_2 = arith.constant 2 : i32
    %xor3A_3 = vector.broadcast %xor3A_2 : i32 to vector<16xi32>
    %xor3A_4 = arith.xori %iota3A, %xor3A_3 : vector<16xi32>
    %xor3A_5 = arith.constant 4 : i32
    %xor3A_6 = vector.broadcast %xor3A_5 : i32 to vector<16xi32>
    %xor3A_7 = arith.xori %iota3A, %xor3A_6 : vector<16xi32>
    %xor3A_8 = arith.constant 8 : i32
    %xor3A_9 = vector.broadcast %xor3A_8 : i32 to vector<16xi32>
    %xor3A_10 = arith.xori %iota3A, %xor3A_9 : vector<16xi32>
    %broadcast_in_dim3A = arith.constant 0.000000e+00 : f32
    %broadcast_in_dim3A_11 = vector.broadcast %broadcast_in_dim3A : f32 to vector<16xf32>
    %scan3A = arith.constant 0 : i32
    %scan3A_12 = arith.constant 0 : i32
    %scan3A_13 = arith.constant 4096 : i32
    %scan3A_14 = arith.addi %scan3A_12, %scan3A_13 : i32
    %scan3A_15 = arith.constant 1 : i32
    scf.for %scan3A_87 = %scan3A_12 to %scan3A_14 step %scan3A_15  : i32 {
      %mul3A_88 = arith.constant 16 : i32
      %mul3A_89 = arith.muli %scan3A_87, %mul3A_88 : i32
      %swap3A_90 = arith.index_cast %mul3A_89 : i32 to index
      %swap3A_91 = tpu.vector_load %arg10[%swap3A_90] {strides = array<i32>} : memref<65536xf32, #tpu.memory_space<vmem>>, vector<16xf32>,
      %swap3A_92 = vector.shape_cast %swap3A_91 : vector<16xf32> to vector<16xf32>
      %swap3A_93 = vector.shape_cast %broadcast_in_dim3A_11 : vector<16xf32> to vector<16xf32>
      tpu.vector_store %arg10[%swap3A_90], %swap3A_93 {strides = array<i32>} : memref<65536xf32, #tpu.memory_space<vmem>>, vector<16xf32>,
    }
    %scan3A_16 = arith.constant 4096 : i32
    %swap3A = arith.constant 0 : index
    %swap3A_17 = tpu.vector_load %arg11[%swap3A] {strides = array<i32>} : memref<256xf32, #tpu.memory_space<vmem>>, vector<16xf32>,
    %swap3A_18 = vector.shape_cast %swap3A_17 : vector<16xf32> to vector<16xf32>
    %swap3A_19 = vector.shape_cast %broadcast_in_dim3A_11 : vector<16xf32> to vector<16xf32>
    tpu.vector_store %arg11[%swap3A], %swap3A_19 {strides = array<i32>} : memref<256xf32, #tpu.memory_space<vmem>>, vector<16xf32>,
    %swap3A_20 = arith.constant 16 : index
    %swap3A_21 = tpu.vector_load %arg11[%swap3A_20] {strides = array<i32>} : memref<256xf32, #tpu.memory_space<vmem>>, vector<16xf32>,
    %swap3A_22 = vector.shape_cast %swap3A_21 : vector<16xf32> to vector<16xf32>
    %swap3A_23 = vector.shape_cast %broadcast_in_dim3A_11 : vector<16xf32> to vector<16xf32>
    tpu.vector_store %arg11[%swap3A_20], %swap3A_23 {strides = array<i32>} : memref<256xf32, #tpu.memory_space<vmem>>, vector<16xf32>,
    %swap3A_24 = arith.constant 32 : index
    %swap3A_25 = tpu.vector_load %arg11[%swap3A_24] {strides = array<i32>} : memref<256xf32, #tpu.memory_space<vmem>>, vector<16xf32>,
    %swap3A_26 = vector.shape_cast %swap3A_25 : vector<16xf32> to vector<16xf32>
    %swap3A_27 = vector.shape_cast %broadcast_in_dim3A_11 : vector<16xf32> to vector<16xf32>
    tpu.vector_store %arg11[%swap3A_24], %swap3A_27 {strides = array<i32>} : memref<256xf32, #tpu.memory_space<vmem>>, vector<16xf32>,
    %swap3A_28 = arith.constant 48 : index
    %swap3A_29 = tpu.vector_load %arg11[%swap3A_28] {strides = array<i32>} : memref<256xf32, #tpu.memory_space<vmem>>, vector<16xf32>,
    %swap3A_30 = vector.shape_cast %swap3A_29 : vector<16xf32> to vector<16xf32>
    %swap3A_31 = vector.shape_cast %broadcast_in_dim3A_11 : vector<16xf32> to vector<16xf32>
    tpu.vector_store %arg11[%swap3A_28], %swap3A_31 {strides = array<i32>} : memref<256xf32, #tpu.memory_space<vmem>>, vector<16xf32>,
    %swap3A_32 = arith.constant 64 : index
    %swap3A_33 = tpu.vector_load %arg11[%swap3A_32] {strides = array<i32>} : memref<256xf32, #tpu.memory_space<vmem>>, vector<16xf32>,
    %swap3A_34 = vector.shape_cast %swap3A_33 : vector<16xf32> to vector<16xf32>
    %swap3A_35 = vector.shape_cast %broadcast_in_dim3A_11 : vector<16xf32> to vector<16xf32>
    tpu.vector_store %arg11[%swap3A_32], %swap3A_35 {strides = array<i32>} : memref<256xf32, #tpu.memory_space<vmem>>, vector<16xf32>,
    %swap3A_36 = arith.constant 80 : index
    %swap3A_37 = tpu.vector_load %arg11[%swap3A_36] {strides = array<i32>} : memref<256xf32, #tpu.memory_space<vmem>>, vector<16xf32>,
    %swap3A_38 = vector.shape_cast %swap3A_37 : vector<16xf32> to vector<16xf32>
    %swap3A_39 = vector.shape_cast %broadcast_in_dim3A_11 : vector<16xf32> to vector<16xf32>
    tpu.vector_store %arg11[%swap3A_36], %swap3A_39 {strides = array<i32>} : memref<256xf32, #tpu.memory_space<vmem>>, vector<16xf32>,
    %swap3A_40 = arith.constant 96 : index
    %swap3A_41 = tpu.vector_load %arg11[%swap3A_40] {strides = array<i32>} : memref<256xf32, #tpu.memory_space<vmem>>, vector<16xf32>,
    %swap3A_42 = vector.shape_cast %swap3A_41 : vector<16xf32> to vector<16xf32>
    %swap3A_43 = vector.shape_cast %broadcast_in_dim3A_11 : vector<16xf32> to vector<16xf32>
    tpu.vector_store %arg11[%swap3A_40], %swap3A_43 {strides = array<i32>} : memref<256xf32, #tpu.memory_space<vmem>>, vector<16xf32>,
    %swap3A_44 = arith.constant 112 : index
    %swap3A_45 = tpu.vector_load %arg11[%swap3A_44] {strides = array<i32>} : memref<256xf32, #tpu.memory_space<vmem>>, vector<16xf32>,
    %swap3A_46 = vector.shape_cast %swap3A_45 : vector<16xf32> to vector<16xf32>
    %swap3A_47 = vector.shape_cast %broadcast_in_dim3A_11 : vector<16xf32> to vector<16xf32>
    tpu.vector_store %arg11[%swap3A_44], %swap3A_47 {strides = array<i32>} : memref<256xf32, #tpu.memory_space<vmem>>, vector<16xf32>,
    %swap3A_48 = arith.constant 128 : index
    %swap3A_49 = tpu.vector_load %arg11[%swap3A_48] {strides = array<i32>} : memref<256xf32, #tpu.memory_space<vmem>>, vector<16xf32>,
    %swap3A_50 = vector.shape_cast %swap3A_49 : vector<16xf32> to vector<16xf32>
    %swap3A_51 = vector.shape_cast %broadcast_in_dim3A_11 : vector<16xf32> to vector<16xf32>
    tpu.vector_store %arg11[%swap3A_48], %swap3A_51 {strides = array<i32>} : memref<256xf32, #tpu.memory_space<vmem>>, vector<16xf32>,
    %swap3A_52 = arith.constant 144 : index
    %swap3A_53 = tpu.vector_load %arg11[%swap3A_52] {strides = array<i32>} : memref<256xf32, #tpu.memory_space<vmem>>, vector<16xf32>,
    %swap3A_54 = vector.shape_cast %swap3A_53 : vector<16xf32> to vector<16xf32>
    %swap3A_55 = vector.shape_cast %broadcast_in_dim3A_11 : vector<16xf32> to vector<16xf32>
    tpu.vector_store %arg11[%swap3A_52], %swap3A_55 {strides = array<i32>} : memref<256xf32, #tpu.memory_space<vmem>>, vector<16xf32>,
    %swap3A_56 = arith.constant 160 : index
    %swap3A_57 = tpu.vector_load %arg11[%swap3A_56] {strides = array<i32>} : memref<256xf32, #tpu.memory_space<vmem>>, vector<16xf32>,
    %swap3A_58 = vector.shape_cast %swap3A_57 : vector<16xf32> to vector<16xf32>
    %swap3A_59 = vector.shape_cast %broadcast_in_dim3A_11 : vector<16xf32> to vector<16xf32>
    tpu.vector_store %arg11[%swap3A_56], %swap3A_59 {strides = array<i32>} : memref<256xf32, #tpu.memory_space<vmem>>, vector<16xf32>,
    %swap3A_60 = arith.constant 176 : index
    %swap3A_61 = tpu.vector_load %arg11[%swap3A_60] {strides = array<i32>} : memref<256xf32, #tpu.memory_space<vmem>>, vector<16xf32>,
    %swap3A_62 = vector.shape_cast %swap3A_61 : vector<16xf32> to vector<16xf32>
    %swap3A_63 = vector.shape_cast %broadcast_in_dim3A_11 : vector<16xf32> to vector<16xf32>
    tpu.vector_store %arg11[%swap3A_60], %swap3A_63 {strides = array<i32>} : memref<256xf32, #tpu.memory_space<vmem>>, vector<16xf32>,
    %swap3A_64 = arith.constant 192 : index
    %swap3A_65 = tpu.vector_load %arg11[%swap3A_64] {strides = array<i32>} : memref<256xf32, #tpu.memory_space<vmem>>, vector<16xf32>,
    %swap3A_66 = vector.shape_cast %swap3A_65 : vector<16xf32> to vector<16xf32>
    %swap3A_67 = vector.shape_cast %broadcast_in_dim3A_11 : vector<16xf32> to vector<16xf32>
    tpu.vector_store %arg11[%swap3A_64], %swap3A_67 {strides = array<i32>} : memref<256xf32, #tpu.memory_space<vmem>>, vector<16xf32>,
    %swap3A_68 = arith.constant 208 : index
    %swap3A_69 = tpu.vector_load %arg11[%swap3A_68] {strides = array<i32>} : memref<256xf32, #tpu.memory_space<vmem>>, vector<16xf32>,
    %swap3A_70 = vector.shape_cast %swap3A_69 : vector<16xf32> to vector<16xf32>
    %swap3A_71 = vector.shape_cast %broadcast_in_dim3A_11 : vector<16xf32> to vector<16xf32>
    tpu.vector_store %arg11[%swap3A_68], %swap3A_71 {strides = array<i32>} : memref<256xf32, #tpu.memory_space<vmem>>, vector<16xf32>,
    %swap3A_72 = arith.constant 224 : index
    %swap3A_73 = tpu.vector_load %arg11[%swap3A_72] {strides = array<i32>} : memref<256xf32, #tpu.memory_space<vmem>>, vector<16xf32>,
    %swap3A_74 = vector.shape_cast %swap3A_73 : vector<16xf32> to vector<16xf32>
    %swap3A_75 = vector.shape_cast %broadcast_in_dim3A_11 : vector<16xf32> to vector<16xf32>
    tpu.vector_store %arg11[%swap3A_72], %swap3A_75 {strides = array<i32>} : memref<256xf32, #tpu.memory_space<vmem>>, vector<16xf32>,
    %swap3A_76 = arith.constant 240 : index
    %swap3A_77 = tpu.vector_load %arg11[%swap3A_76] {strides = array<i32>} : memref<256xf32, #tpu.memory_space<vmem>>, vector<16xf32>,
    %swap3A_78 = vector.shape_cast %swap3A_77 : vector<16xf32> to vector<16xf32>
    %swap3A_79 = vector.shape_cast %broadcast_in_dim3A_11 : vector<16xf32> to vector<16xf32>
    tpu.vector_store %arg11[%swap3A_76], %swap3A_79 {strides = array<i32>} : memref<256xf32, #tpu.memory_space<vmem>>, vector<16xf32>,
    %mul3A = arith.constant 10000 : i32
    %mul3A_80 = arith.muli %arg1, %mul3A : i32
    %scan3A_81 = arith.constant 0 : i32
    %scan3A_82 = arith.constant 0 : i32
    %scan3A_83 = arith.constant 1250 : i32
    %scan3A_84 = arith.addi %scan3A_82, %scan3A_83 : i32
    %scan3A_85 = arith.constant 1 : i32
    scf.for %scan3A_87 = %scan3A_82 to %scan3A_84 step %scan3A_85  : i32 {
      %mul3A_88 = arith.constant 8 : i32
      %mul3A_89 = arith.muli %scan3A_87, %mul3A_88 : i32
      %add3A = arith.addi %mul3A_80, %mul3A_89 : i32
      %multiple_of3A = tpu.assume_multiple %add3A, 8 : i32
      %eq3A = arith.constant 0 : i32
      %eq3A_90 = arith.cmpi eq, %arg0, %eq3A : i32
      %convert_element_type3A = arith.extui %eq3A_90 : i1 to i32
      %cond3A = arith.constant 0 : i32
      %cond3A_91 = arith.cmpi ne, %convert_element_type3A, %cond3A : i32
      scf.if %cond3A_91 {
        %mul3A_3978 = arith.constant 256 : i32
        %mul3A_3979 = arith.muli %multiple_of3A, %mul3A_3978 : i32
        "tpu.region"() ({
          %run_scoped3A = tpu.sem_alloc : memref<!tpu.dma_semaphore, #tpu.memory_space<semaphore_mem>>
          %dma_start3A = tpu.memref_slice %arg2[%mul3A_3979] : memref<40960000xf32, #tpu.memory_space<hbm>> -> memref<2048xf32, #tpu.memory_space<hbm>>
          %dma_start3A_3982 = tpu.memref_slice %arg2[%mul3A_3979] : memref<40960000xf32, #tpu.memory_space<hbm>> -> memref<2048xf32, #tpu.memory_space<hbm>>
          tpu.enqueue_dma source(%dma_start3A_3982 : memref<2048xf32, #tpu.memory_space<hbm>>) target(%arg8 : memref<2048xf32, #tpu.memory_space<vmem>>) target_semaphore(%run_scoped3A : memref<!tpu.dma_semaphore, #tpu.memory_space<semaphore_mem>>)
          %dma_wait3A = tpu.memref_slice %arg2[%mul3A_3979] : memref<40960000xf32, #tpu.memory_space<hbm>> -> memref<2048xf32, #tpu.memory_space<hbm>>
          %dma_wait3A_3983 = tpu.memref_slice %arg2[%mul3A_3979] : memref<40960000xf32, #tpu.memory_space<hbm>> -> memref<2048xf32, #tpu.memory_space<hbm>>
          tpu.wait_dma2 semaphore(%run_scoped3A : memref<!tpu.dma_semaphore, #tpu.memory_space<semaphore_mem>>) src(%dma_wait3A_3983 : memref<2048xf32, #tpu.memory_space<hbm>>) dst(%arg8 : memref<2048xf32, #tpu.memory_space<vmem>>)
          tpu.yield
        }) : () -> ()
        %mul3A_3980 = arith.constant 256 : i32
        %mul3A_3981 = arith.muli %multiple_of3A, %mul3A_3980 : i32
        "tpu.region"() ({
          %run_scoped3A = tpu.sem_alloc : memref<!tpu.dma_semaphore, #tpu.memory_space<semaphore_mem>>
          %dma_start3A = tpu.memref_slice %arg4[%mul3A_3981] : memref<40960000xf32, #tpu.memory_space<hbm>> -> memref<2048xf32, #tpu.memory_space<hbm>>
          %dma_start3A_3982 = tpu.memref_slice %arg4[%mul3A_3981] : memref<40960000xf32, #tpu.memory_space<hbm>> -> memref<2048xf32, #tpu.memory_space<hbm>>
          tpu.enqueue_dma source(%dma_start3A_3982 : memref<2048xf32, #tpu.memory_space<hbm>>) target(%arg9 : memref<2048xf32, #tpu.memory_space<vmem>>) target_semaphore(%run_scoped3A : memref<!tpu.dma_semaphore, #tpu.memory_space<semaphore_mem>>)
          %dma_wait3A = tpu.memref_slice %arg4[%mul3A_3981] : memref<40960000xf32, #tpu.memory_space<hbm>> -> memref<2048xf32, #tpu.memory_space<hbm>>
          %dma_wait3A_3983 = tpu.memref_slice %arg4[%mul3A_3981] : memref<40960000xf32, #tpu.memory_space<hbm>> -> memref<2048xf32, #tpu.memory_space<hbm>>
          tpu.wait_dma2 semaphore(%run_scoped3A : memref<!tpu.dma_semaphore, #tpu.memory_space<semaphore_mem>>) src(%dma_wait3A_3983 : memref<2048xf32, #tpu.memory_space<hbm>>) dst(%arg9 : memref<2048xf32, #tpu.memory_space<vmem>>)
          tpu.yield
        }) : () -> ()
      } else {
      }
      %eq3A_92 = arith.constant 1 : i32
      %eq3A_93 = arith.cmpi eq, %arg0, %eq3A_92 : i32
      %convert_element_type3A_94 = arith.extui %eq3A_93 : i1 to i32
      %cond3A_95 = arith.constant 0 : i32
      %cond3A_96 = arith.cmpi ne, %convert_element_type3A_94, %cond3A_95 : i32
      scf.if %cond3A_96 {
        %mul3A_3978 = arith.constant 256 : i32
        %mul3A_3979 = arith.muli %multiple_of3A, %mul3A_3978 : i32
        "tpu.region"() ({
          %run_scoped3A = tpu.sem_alloc : memref<!tpu.dma_semaphore, #tpu.memory_space<semaphore_mem>>
          %dma_start3A = tpu.memref_slice %arg3[%mul3A_3979] : memref<40960000xf32, #tpu.memory_space<hbm>> -> memref<2048xf32, #tpu.memory_space<hbm>>
          %dma_start3A_3982 = tpu.memref_slice %arg3[%mul3A_3979] : memref<40960000xf32, #tpu.memory_space<hbm>> -> memref<2048xf32, #tpu.memory_space<hbm>>
          tpu.enqueue_dma source(%dma_start3A_3982 : memref<2048xf32, #tpu.memory_space<hbm>>) target(%arg8 : memref<2048xf32, #tpu.memory_space<vmem>>) target_semaphore(%run_scoped3A : memref<!tpu.dma_semaphore, #tpu.memory_space<semaphore_mem>>)
          %dma_wait3A = tpu.memref_slice %arg3[%mul3A_3979] : memref<40960000xf32, #tpu.memory_space<hbm>> -> memref<2048xf32, #tpu.memory_space<hbm>>
          %dma_wait3A_3983 = tpu.memref_slice %arg3[%mul3A_3979] : memref<40960000xf32, #tpu.memory_space<hbm>> -> memref<2048xf32, #tpu.memory_space<hbm>>
          tpu.wait_dma2 semaphore(%run_scoped3A : memref<!tpu.dma_semaphore, #tpu.memory_space<semaphore_mem>>) src(%dma_wait3A_3983 : memref<2048xf32, #tpu.memory_space<hbm>>) dst(%arg8 : memref<2048xf32, #tpu.memory_space<vmem>>)
          tpu.yield
        }) : () -> ()
        %mul3A_3980 = arith.constant 256 : i32
        %mul3A_3981 = arith.muli %multiple_of3A, %mul3A_3980 : i32
        "tpu.region"() ({
          %run_scoped3A = tpu.sem_alloc : memref<!tpu.dma_semaphore, #tpu.memory_space<semaphore_mem>>
          %dma_start3A = tpu.memref_slice %arg5[%mul3A_3981] : memref<40960000xf32, #tpu.memory_space<hbm>> -> memref<2048xf32, #tpu.memory_space<hbm>>
          %dma_start3A_3982 = tpu.memref_slice %arg5[%mul3A_3981] : memref<40960000xf32, #tpu.memory_space<hbm>> -> memref<2048xf32, #tpu.memory_space<hbm>>
          tpu.enqueue_dma source(%dma_start3A_3982 : memref<2048xf32, #tpu.memory_space<hbm>>) target(%arg9 : memref<2048xf32, #tpu.memory_space<vmem>>) target_semaphore(%run_scoped3A : memref<!tpu.dma_semaphore, #tpu.memory_space<semaphore_mem>>)
          %dma_wait3A = tpu.memref_slice %arg5[%mul3A_3981] : memref<40960000xf32, #tpu.memory_space<hbm>> -> memref<2048xf32, #tpu.memory_space<hbm>>
          %dma_wait3A_3983 = tpu.memref_slice %arg5[%mul3A_3981] : memref<40960000xf32, #tpu.memory_space<hbm>> -> memref<2048xf32, #tpu.memory_space<hbm>>
          tpu.wait_dma2 semaphore(%run_scoped3A : memref<!tpu.dma_semaphore, #tpu.memory_space<semaphore_mem>>) src(%dma_wait3A_3983 : memref<2048xf32, #tpu.memory_space<hbm>>) dst(%arg9 : memref<2048xf32, #tpu.memory_space<vmem>>)
          tpu.yield
        }) : () -> ()
      } else {
      }
      %get3A = arith.constant 0 : index
      %get3A_97 = tpu.vector_load %arg8[%get3A] {strides = array<i32>} : memref<2048xf32, #tpu.memory_space<vmem>>, vector<16xf32>,
      %get3A_98 = vector.shape_cast %get3A_97 : vector<16xf32> to vector<16xf32>
      %get3A_99 = arith.constant 16 : index
      %get3A_100 = tpu.vector_load %arg8[%get3A_99] {strides = array<i32>} : memref<2048xf32, #tpu.memory_space<vmem>>, vector<16xf32>,
      %get3A_101 = vector.shape_cast %get3A_100 : vector<16xf32> to vector<16xf32>
      %gt3A = arith.cmpf ogt, %get3A_101, %get3A_98 : vector<16xf32>
      %select_n3A = arith.select %gt3A, %get3A_101, %get3A_98 : vector<16xi1>, vector<16xf32>
      %add3A_102 = arith.constant 16 : i32
      %add3A_103 = vector.broadcast %add3A_102 : i32 to vector<16xi32>
      %add3A_104 = arith.addi %iota3A, %add3A_103 : vector<16xi32>
      %select_n3A_105 = arith.select %gt3A, %add3A_104, %iota3A : vector<16xi1>, vector<16xi32>
      %get3A_106 = arith.constant 32 : index
      %get3A_107 = tpu.vector_load %arg8[%get3A_106] {strides = array<i32>} : memref<2048xf32, #tpu.memory_space<vmem>>, vector<16xf32>,
      %get3A_108 = vector.shape_cast %get3A_107 : vector<16xf32> to vector<16xf32>
      %gt3A_109 = arith.cmpf ogt, %get3A_108, %select_n3A : vector<16xf32>
      %select_n3A_110 = arith.select %gt3A_109, %get3A_108, %select_n3A : vector<16xi1>, vector<16xf32>
      %add3A_111 = arith.constant 32 : i32
      %add3A_112 = vector.broadcast %add3A_111 : i32 to vector<16xi32>
      %add3A_113 = arith.addi %iota3A, %add3A_112 : vector<16xi32>
      %select_n3A_114 = arith.select %gt3A_109, %add3A_113, %select_n3A_105 : vector<16xi1>, vector<16xi32>
      %get3A_115 = arith.constant 48 : index
      %get3A_116 = tpu.vector_load %arg8[%get3A_115] {strides = array<i32>} : memref<2048xf32, #tpu.memory_space<vmem>>, vector<16xf32>,
      %get3A_117 = vector.shape_cast %get3A_116 : vector<16xf32> to vector<16xf32>
      %gt3A_118 = arith.cmpf ogt, %get3A_117, %select_n3A_110 : vector<16xf32>
      %select_n3A_119 = arith.select %gt3A_118, %get3A_117, %select_n3A_110 : vector<16xi1>, vector<16xf32>
      %add3A_120 = arith.constant 48 : i32
      %add3A_121 = vector.broadcast %add3A_120 : i32 to vector<16xi32>
      %add3A_122 = arith.addi %iota3A, %add3A_121 : vector<16xi32>
      %select_n3A_123 = arith.select %gt3A_118, %add3A_122, %select_n3A_114 : vector<16xi1>, vector<16xi32>
      %get3A_124 = arith.constant 64 : index
      %get3A_125 = tpu.vector_load %arg8[%get3A_124] {strides = array<i32>} : memref<2048xf32, #tpu.memory_space<vmem>>, vector<16xf32>,
      %get3A_126 = vector.shape_cast %get3A_125 : vector<16xf32> to vector<16xf32>
      %gt3A_127 = arith.cmpf ogt, %get3A_126, %select_n3A_119 : vector<16xf32>
      %select_n3A_128 = arith.select %gt3A_127, %get3A_126, %select_n3A_119 : vector<16xi1>, vector<16xf32>
      %add3A_129 = arith.constant 64 : i32
      %add3A_130 = vector.broadcast %add3A_129 : i32 to vector<16xi32>
      %add3A_131 = arith.addi %iota3A, %add3A_130 : vector<16xi32>
      %select_n3A_132 = arith.select %gt3A_127, %add3A_131, %select_n3A_123 : vector<16xi1>, vector<16xi32>
      %get3A_133 = arith.constant 80 : index
      %get3A_134 = tpu.vector_load %arg8[%get3A_133] {strides = array<i32>} : memref<2048xf32, #tpu.memory_space<vmem>>, vector<16xf32>,
      %get3A_135 = vector.shape_cast %get3A_134 : vector<16xf32> to vector<16xf32>
      %gt3A_136 = arith.cmpf ogt, %get3A_135, %select_n3A_128 : vector<16xf32>
      %select_n3A_137 = arith.select %gt3A_136, %get3A_135, %select_n3A_128 : vector<16xi1>, vector<16xf32>
      %add3A_138 = arith.constant 80 : i32
      %add3A_139 = vector.broadcast %add3A_138 : i32 to vector<16xi32>
      %add3A_140 = arith.addi %iota3A, %add3A_139 : vector<16xi32>
      %select_n3A_141 = arith.select %gt3A_136, %add3A_140, %select_n3A_132 : vector<16xi1>, vector<16xi32>
      %get3A_142 = arith.constant 96 : index
      %get3A_143 = tpu.vector_load %arg8[%get3A_142] {strides = array<i32>} : memref<2048xf32, #tpu.memory_space<vmem>>, vector<16xf32>,
      %get3A_144 = vector.shape_cast %get3A_143 : vector<16xf32> to vector<16xf32>
      %gt3A_145 = arith.cmpf ogt, %get3A_144, %select_n3A_137 : vector<16xf32>
      %select_n3A_146 = arith.select %gt3A_145, %get3A_144, %select_n3A_137 : vector<16xi1>, vector<16xf32>
      %add3A_147 = arith.constant 96 : i32
      %add3A_148 = vector.broadcast %add3A_147 : i32 to vector<16xi32>
      %add3A_149 = arith.addi %iota3A, %add3A_148 : vector<16xi32>
      %select_n3A_150 = arith.select %gt3A_145, %add3A_149, %select_n3A_141 : vector<16xi1>, vector<16xi32>
      %get3A_151 = arith.constant 112 : index
      %get3A_152 = tpu.vector_load %arg8[%get3A_151] {strides = array<i32>} : memref<2048xf32, #tpu.memory_space<vmem>>, vector<16xf32>,
      %get3A_153 = vector.shape_cast %get3A_152 : vector<16xf32> to vector<16xf32>
      %gt3A_154 = arith.cmpf ogt, %get3A_153, %select_n3A_146 : vector<16xf32>
      %select_n3A_155 = arith.select %gt3A_154, %get3A_153, %select_n3A_146 : vector<16xi1>, vector<16xf32>
      %add3A_156 = arith.constant 112 : i32
      %add3A_157 = vector.broadcast %add3A_156 : i32 to vector<16xi32>
      %add3A_158 = arith.addi %iota3A, %add3A_157 : vector<16xi32>
      %select_n3A_159 = arith.select %gt3A_154, %add3A_158, %select_n3A_150 : vector<16xi1>, vector<16xi32>
      %get3A_160 = arith.constant 128 : index
      %get3A_161 = tpu.vector_load %arg8[%get3A_160] {strides = array<i32>} : memref<2048xf32, #tpu.memory_space<vmem>>, vector<16xf32>,
      %get3A_162 = vector.shape_cast %get3A_161 : vector<16xf32> to vector<16xf32>
      %gt3A_163 = arith.cmpf ogt, %get3A_162, %select_n3A_155 : vector<16xf32>
      %select_n3A_164 = arith.select %gt3A_163, %get3A_162, %select_n3A_155 : vector<16xi1>, vector<16xf32>
      %add3A_165 = arith.constant 128 : i32
      %add3A_166 = vector.broadcast %add3A_165 : i32 to vector<16xi32>
      %add3A_167 = arith.addi %iota3A, %add3A_166 : vector<16xi32>
      %select_n3A_168 = arith.select %gt3A_163, %add3A_167, %select_n3A_159 : vector<16xi1>, vector<16xi32>
      %get3A_169 = arith.constant 144 : index
      %get3A_170 = tpu.vector_load %arg8[%get3A_169] {strides = array<i32>} : memref<2048xf32, #tpu.memory_space<vmem>>, vector<16xf32>,
      %get3A_171 = vector.shape_cast %get3A_170 : vector<16xf32> to vector<16xf32>
      %gt3A_172 = arith.cmpf ogt, %get3A_171, %select_n3A_164 : vector<16xf32>
      %select_n3A_173 = arith.select %gt3A_172, %get3A_171, %select_n3A_164 : vector<16xi1>, vector<16xf32>
      %add3A_174 = arith.constant 144 : i32
      %add3A_175 = vector.broadcast %add3A_174 : i32 to vector<16xi32>
      %add3A_176 = arith.addi %iota3A, %add3A_175 : vector<16xi32>
      %select_n3A_177 = arith.select %gt3A_172, %add3A_176, %select_n3A_168 : vector<16xi1>, vector<16xi32>
      %get3A_178 = arith.constant 160 : index
      %get3A_179 = tpu.vector_load %arg8[%get3A_178] {strides = array<i32>} : memref<2048xf32, #tpu.memory_space<vmem>>, vector<16xf32>,
      %get3A_180 = vector.shape_cast %get3A_179 : vector<16xf32> to vector<16xf32>
      %gt3A_181 = arith.cmpf ogt, %get3A_180, %select_n3A_173 : vector<16xf32>
      %select_n3A_182 = arith.select %gt3A_181, %get3A_180, %select_n3A_173 : vector<16xi1>, vector<16xf32>
      %add3A_183 = arith.constant 160 : i32
      %add3A_184 = vector.broadcast %add3A_183 : i32 to vector<16xi32>
      %add3A_185 = arith.addi %iota3A, %add3A_184 : vector<16xi32>
      %select_n3A_186 = arith.select %gt3A_181, %add3A_185, %select_n3A_177 : vector<16xi1>, vector<16xi32>
      %get3A_187 = arith.constant 176 : index
      %get3A_188 = tpu.vector_load %arg8[%get3A_187] {strides = array<i32>} : memref<2048xf32, #tpu.memory_space<vmem>>, vector<16xf32>,
      %get3A_189 = vector.shape_cast %get3A_188 : vector<16xf32> to vector<16xf32>
      %gt3A_190 = arith.cmpf ogt, %get3A_189, %select_n3A_182 : vector<16xf32>
      %select_n3A_191 = arith.select %gt3A_190, %get3A_189, %select_n3A_182 : vector<16xi1>, vector<16xf32>
      %add3A_192 = arith.constant 176 : i32
      %add3A_193 = vector.broadcast %add3A_192 : i32 to vector<16xi32>
      %add3A_194 = arith.addi %iota3A, %add3A_193 : vector<16xi32>
      %select_n3A_195 = arith.select %gt3A_190, %add3A_194, %select_n3A_186 : vector<16xi1>, vector<16xi32>
      %get3A_196 = arith.constant 192 : index
      %get3A_197 = tpu.vector_load %arg8[%get3A_196] {strides = array<i32>} : memref<2048xf32, #tpu.memory_space<vmem>>, vector<16xf32>,
      %get3A_198 = vector.shape_cast %get3A_197 : vector<16xf32> to vector<16xf32>
      %gt3A_199 = arith.cmpf ogt, %get3A_198, %select_n3A_191 : vector<16xf32>
      %select_n3A_200 = arith.select %gt3A_199, %get3A_198, %select_n3A_191 : vector<16xi1>, vector<16xf32>
      %add3A_201 = arith.constant 192 : i32
      %add3A_202 = vector.broadcast %add3A_201 : i32 to vector<16xi32>
      %add3A_203 = arith.addi %iota3A, %add3A_202 : vector<16xi32>
      %select_n3A_204 = arith.select %gt3A_199, %add3A_203, %select_n3A_195 : vector<16xi1>, vector<16xi32>
      %get3A_205 = arith.constant 208 : index
      %get3A_206 = tpu.vector_load %arg8[%get3A_205] {strides = array<i32>} : memref<2048xf32, #tpu.memory_space<vmem>>, vector<16xf32>,
      %get3A_207 = vector.shape_cast %get3A_206 : vector<16xf32> to vector<16xf32>
      %gt3A_208 = arith.cmpf ogt, %get3A_207, %select_n3A_200 : vector<16xf32>
      %select_n3A_209 = arith.select %gt3A_208, %get3A_207, %select_n3A_200 : vector<16xi1>, vector<16xf32>
      %add3A_210 = arith.constant 208 : i32
      %add3A_211 = vector.broadcast %add3A_210 : i32 to vector<16xi32>
      %add3A_212 = arith.addi %iota3A, %add3A_211 : vector<16xi32>
      %select_n3A_213 = arith.select %gt3A_208, %add3A_212, %select_n3A_204 : vector<16xi1>, vector<16xi32>
      %get3A_214 = arith.constant 224 : index
      %get3A_215 = tpu.vector_load %arg8[%get3A_214] {strides = array<i32>} : memref<2048xf32, #tpu.memory_space<vmem>>, vector<16xf32>,
      %get3A_216 = vector.shape_cast %get3A_215 : vector<16xf32> to vector<16xf32>
      %gt3A_217 = arith.cmpf ogt, %get3A_216, %select_n3A_209 : vector<16xf32>
      %select_n3A_218 = arith.select %gt3A_217, %get3A_216, %select_n3A_209 : vector<16xi1>, vector<16xf32>
      %add3A_219 = arith.constant 224 : i32
      %add3A_220 = vector.broadcast %add3A_219 : i32 to vector<16xi32>
      %add3A_221 = arith.addi %iota3A, %add3A_220 : vector<16xi32>
      %select_n3A_222 = arith.select %gt3A_217, %add3A_221, %select_n3A_213 : vector<16xi1>, vector<16xi32>
      %get3A_223 = arith.constant 240 : index
      %get3A_224 = tpu.vector_load %arg8[%get3A_223] {strides = array<i32>} : memref<2048xf32, #tpu.memory_space<vmem>>, vector<16xf32>,
      %get3A_225 = vector.shape_cast %get3A_224 : vector<16xf32> to vector<16xf32>
      %gt3A_226 = arith.cmpf ogt, %get3A_225, %select_n3A_218 : vector<16xf32>
      %select_n3A_227 = arith.select %gt3A_226, %get3A_225, %select_n3A_218 : vector<16xi1>, vector<16xf32>
      %add3A_228 = arith.constant 240 : i32
      %add3A_229 = vector.broadcast %add3A_228 : i32 to vector<16xi32>
      %add3A_230 = arith.addi %iota3A, %add3A_229 : vector<16xi32>
      %select_n3A_231 = arith.select %gt3A_226, %add3A_230, %select_n3A_222 : vector<16xi1>, vector<16xi32>
      %lt3A = arith.constant 0 : i32
      %lt3A_232 = vector.broadcast %lt3A : i32 to vector<16xi32>
      %lt3A_233 = arith.cmpi slt, %xor3A_1, %lt3A_232 : vector<16xi32>
      %add3A_234 = arith.constant 16 : i32
      %add3A_235 = vector.broadcast %add3A_234 : i32 to vector<16xi32>
      %add3A_236 = arith.addi %xor3A_1, %add3A_235 : vector<16xi32>
      %select_n3A_237 = arith.select %lt3A_233, %add3A_236, %xor3A_1 : vector<16xi1>, vector<16xi32>
      %broadcast_in_dim3A_238 = vector.shape_cast %select_n3A_237 : vector<16xi32> to vector<16x1xi32>
      %gather3A = vector.shape_cast %broadcast_in_dim3A_238 : vector<16x1xi32> to vector<16xi32>
      %gather3A_239 = tpu.dynamic_gather %select_n3A_227[%gather3A] in [0] : vector<16xf32>, vector<16xi32> -> vector<16xf32>
      %lt3A_240 = arith.constant 0 : i32
      %lt3A_241 = vector.broadcast %lt3A_240 : i32 to vector<16xi32>
      %lt3A_242 = arith.cmpi slt, %xor3A_1, %lt3A_241 : vector<16xi32>
      %add3A_243 = arith.constant 16 : i32
      %add3A_244 = vector.broadcast %add3A_243 : i32 to vector<16xi32>
      %add3A_245 = arith.addi %xor3A_1, %add3A_244 : vector<16xi32>
      %select_n3A_246 = arith.select %lt3A_242, %add3A_245, %xor3A_1 : vector<16xi1>, vector<16xi32>
      %broadcast_in_dim3A_247 = vector.shape_cast %select_n3A_246 : vector<16xi32> to vector<16x1xi32>
      %gather3A_248 = vector.shape_cast %broadcast_in_dim3A_247 : vector<16x1xi32> to vector<16xi32>
      %gather3A_249 = tpu.dynamic_gather %select_n3A_231[%gather3A_248] in [0] : vector<16xi32>, vector<16xi32> -> vector<16xi32>
      %gt3A_250 = arith.cmpf ogt, %gather3A_239, %select_n3A_227 : vector<16xf32>
      %eq3A_251 = arith.cmpf oeq, %gather3A_239, %select_n3A_227 : vector<16xf32>
      %lt3A_252 = arith.cmpi slt, %gather3A_249, %select_n3A_231 : vector<16xi32>
      %and3A = arith.andi %eq3A_251, %lt3A_252 : vector<16xi1>
      %or3A = arith.ori %gt3A_250, %and3A : vector<16xi1>
      %select_n3A_253 = arith.select %or3A, %gather3A_239, %select_n3A_227 : vector<16xi1>, vector<16xf32>
      %select_n3A_254 = arith.select %or3A, %gather3A_249, %select_n3A_231 : vector<16xi1>, vector<16xi32>
      %lt3A_255 = arith.constant 0 : i32
      %lt3A_256 = vector.broadcast %lt3A_255 : i32 to vector<16xi32>
      %lt3A_257 = arith.cmpi slt, %xor3A_4, %lt3A_256 : vector<16xi32>
      %add3A_258 = arith.constant 16 : i32
      %add3A_259 = vector.broadcast %add3A_258 : i32 to vector<16xi32>
      %add3A_260 = arith.addi %xor3A_4, %add3A_259 : vector<16xi32>
      %select_n3A_261 = arith.select %lt3A_257, %add3A_260, %xor3A_4 : vector<16xi1>, vector<16xi32>
      %broadcast_in_dim3A_262 = vector.shape_cast %select_n3A_261 : vector<16xi32> to vector<16x1xi32>
      %gather3A_263 = vector.shape_cast %broadcast_in_dim3A_262 : vector<16x1xi32> to vector<16xi32>
      %gather3A_264 = tpu.dynamic_gather %select_n3A_253[%gather3A_263] in [0] : vector<16xf32>, vector<16xi32> -> vector<16xf32>
      %lt3A_265 = arith.constant 0 : i32
      %lt3A_266 = vector.broadcast %lt3A_265 : i32 to vector<16xi32>
      %lt3A_267 = arith.cmpi slt, %xor3A_4, %lt3A_266 : vector<16xi32>
      %add3A_268 = arith.constant 16 : i32
      %add3A_269 = vector.broadcast %add3A_268 : i32 to vector<16xi32>
      %add3A_270 = arith.addi %xor3A_4, %add3A_269 : vector<16xi32>
      %select_n3A_271 = arith.select %lt3A_267, %add3A_270, %xor3A_4 : vector<16xi1>, vector<16xi32>
      %broadcast_in_dim3A_272 = vector.shape_cast %select_n3A_271 : vector<16xi32> to vector<16x1xi32>
      %gather3A_273 = vector.shape_cast %broadcast_in_dim3A_272 : vector<16x1xi32> to vector<16xi32>
      %gather3A_274 = tpu.dynamic_gather %select_n3A_254[%gather3A_273] in [0] : vector<16xi32>, vector<16xi32> -> vector<16xi32>
      %gt3A_275 = arith.cmpf ogt, %gather3A_264, %select_n3A_253 : vector<16xf32>
      %eq3A_276 = arith.cmpf oeq, %gather3A_264, %select_n3A_253 : vector<16xf32>
      %lt3A_277 = arith.cmpi slt, %gather3A_274, %select_n3A_254 : vector<16xi32>
      %and3A_278 = arith.andi %eq3A_276, %lt3A_277 : vector<16xi1>
      %or3A_279 = arith.ori %gt3A_275, %and3A_278 : vector<16xi1>
      %select_n3A_280 = arith.select %or3A_279, %gather3A_264, %select_n3A_253 : vector<16xi1>, vector<16xf32>
      %select_n3A_281 = arith.select %or3A_279, %gather3A_274, %select_n3A_254 : vector<16xi1>, vector<16xi32>
      %lt3A_282 = arith.constant 0 : i32
      %lt3A_283 = vector.broadcast %lt3A_282 : i32 to vector<16xi32>
      %lt3A_284 = arith.cmpi slt, %xor3A_7, %lt3A_283 : vector<16xi32>
      %add3A_285 = arith.constant 16 : i32
      %add3A_286 = vector.broadcast %add3A_285 : i32 to vector<16xi32>
      %add3A_287 = arith.addi %xor3A_7, %add3A_286 : vector<16xi32>
      %select_n3A_288 = arith.select %lt3A_284, %add3A_287, %xor3A_7 : vector<16xi1>, vector<16xi32>
      %broadcast_in_dim3A_289 = vector.shape_cast %select_n3A_288 : vector<16xi32> to vector<16x1xi32>
      %gather3A_290 = vector.shape_cast %broadcast_in_dim3A_289 : vector<16x1xi32> to vector<16xi32>
      %gather3A_291 = tpu.dynamic_gather %select_n3A_280[%gather3A_290] in [0] : vector<16xf32>, vector<16xi32> -> vector<16xf32>
      %lt3A_292 = arith.constant 0 : i32
      %lt3A_293 = vector.broadcast %lt3A_292 : i32 to vector<16xi32>
      %lt3A_294 = arith.cmpi slt, %xor3A_7, %lt3A_293 : vector<16xi32>
      %add3A_295 = arith.constant 16 : i32
      %add3A_296 = vector.broadcast %add3A_295 : i32 to vector<16xi32>
      %add3A_297 = arith.addi %xor3A_7, %add3A_296 : vector<16xi32>
      %select_n3A_298 = arith.select %lt3A_294, %add3A_297, %xor3A_7 : vector<16xi1>, vector<16xi32>
      %broadcast_in_dim3A_299 = vector.shape_cast %select_n3A_298 : vector<16xi32> to vector<16x1xi32>
      %gather3A_300 = vector.shape_cast %broadcast_in_dim3A_299 : vector<16x1xi32> to vector<16xi32>
      %gather3A_301 = tpu.dynamic_gather %select_n3A_281[%gather3A_300] in [0] : vector<16xi32>, vector<16xi32> -> vector<16xi32>
      %gt3A_302 = arith.cmpf ogt, %gather3A_291, %select_n3A_280 : vector<16xf32>
      %eq3A_303 = arith.cmpf oeq, %gather3A_291, %select_n3A_280 : vector<16xf32>
      %lt3A_304 = arith.cmpi slt, %gather3A_301, %select_n3A_281 : vector<16xi32>
      %and3A_305 = arith.andi %eq3A_303, %lt3A_304 : vector<16xi1>
      %or3A_306 = arith.ori %gt3A_302, %and3A_305 : vector<16xi1>
      %select_n3A_307 = arith.select %or3A_306, %gather3A_291, %select_n3A_280 : vector<16xi1>, vector<16xf32>
      %select_n3A_308 = arith.select %or3A_306, %gather3A_301, %select_n3A_281 : vector<16xi1>, vector<16xi32>
      %lt3A_309 = arith.constant 0 : i32
      %lt3A_310 = vector.broadcast %lt3A_309 : i32 to vector<16xi32>
      %lt3A_311 = arith.cmpi slt, %xor3A_10, %lt3A_310 : vector<16xi32>
      %add3A_312 = arith.constant 16 : i32
      %add3A_313 = vector.broadcast %add3A_312 : i32 to vector<16xi32>
      %add3A_314 = arith.addi %xor3A_10, %add3A_313 : vector<16xi32>
      %select_n3A_315 = arith.select %lt3A_311, %add3A_314, %xor3A_10 : vector<16xi1>, vector<16xi32>
      %broadcast_in_dim3A_316 = vector.shape_cast %select_n3A_315 : vector<16xi32> to vector<16x1xi32>
      %gather3A_317 = vector.shape_cast %broadcast_in_dim3A_316 : vector<16x1xi32> to vector<16xi32>
      %gather3A_318 = tpu.dynamic_gather %select_n3A_307[%gather3A_317] in [0] : vector<16xf32>, vector<16xi32> -> vector<16xf32>
      %lt3A_319 = arith.constant 0 : i32
      %lt3A_320 = vector.broadcast %lt3A_319 : i32 to vector<16xi32>
      %lt3A_321 = arith.cmpi slt, %xor3A_10, %lt3A_320 : vector<16xi32>
      %add3A_322 = arith.constant 16 : i32
      %add3A_323 = vector.broadcast %add3A_322 : i32 to vector<16xi32>
      %add3A_324 = arith.addi %xor3A_10, %add3A_323 : vector<16xi32>
      %select_n3A_325 = arith.select %lt3A_321, %add3A_324, %xor3A_10 : vector<16xi1>, vector<16xi32>
      %broadcast_in_dim3A_326 = vector.shape_cast %select_n3A_325 : vector<16xi32> to vector<16x1xi32>
      %gather3A_327 = vector.shape_cast %broadcast_in_dim3A_326 : vector<16x1xi32> to vector<16xi32>
      %gather3A_328 = tpu.dynamic_gather %select_n3A_308[%gather3A_327] in [0] : vector<16xi32>, vector<16xi32> -> vector<16xi32>
      %gt3A_329 = arith.cmpf ogt, %gather3A_318, %select_n3A_307 : vector<16xf32>
      %eq3A_330 = arith.cmpf oeq, %gather3A_318, %select_n3A_307 : vector<16xf32>
      %lt3A_331 = arith.cmpi slt, %gather3A_328, %select_n3A_308 : vector<16xi32>
      %and3A_332 = arith.andi %eq3A_330, %lt3A_331 : vector<16xi1>
      %or3A_333 = arith.ori %gt3A_329, %and3A_332 : vector<16xi1>
      %select_n3A_334 = arith.select %or3A_333, %gather3A_318, %select_n3A_307 : vector<16xi1>, vector<16xf32>
      %select_n3A_335 = arith.select %or3A_333, %gather3A_328, %select_n3A_308 : vector<16xi1>, vector<16xi32>
      %slice3A = vector.extract_strided_slice %select_n3A_334 {offsets = [0], sizes = [1], strides = [1]} : vector<16xf32> to vector<1xf32>
      %squeeze3A = vector.extract %slice3A[0] : f32 from vector<1xf32>
      %slice3A_336 = vector.extract_strided_slice %select_n3A_335 {offsets = [0], sizes = [1], strides = [1]} : vector<16xi32> to vector<1xi32>
      %squeeze3A_337 = vector.extract %slice3A_336[0] : i32 from vector<1xi32>
      %gt3A_338 = arith.constant 0.899999976 : f32
      %gt3A_339 = arith.cmpf ogt, %squeeze3A, %gt3A_338 : f32
      %jit3A = arith.constant 0.000000e+00 : f32
      %select_n3A_340 = arith.select %gt3A_339, %squeeze3A, %jit3A : f32
      %jit3A_341 = arith.constant 16 : i32
      %div3A = arith.divsi %squeeze3A_337, %jit3A_341 : i32
      %sign3A = arith.constant 0 : i32
      %sign3A_342 = arith.cmpi sgt, %squeeze3A_337, %sign3A : i32
      %sign3A_343 = arith.extui %sign3A_342 : i1 to i32
      %sign3A_344 = arith.constant 0 : i32
      %sign3A_345 = arith.cmpi slt, %squeeze3A_337, %sign3A_344 : i32
      %sign3A_346 = arith.extui %sign3A_345 : i1 to i32
      %sign3A_347 = arith.subi %sign3A_343, %sign3A_346 : i32
      %sign3A_348 = arith.constant 0 : i32
      %sign3A_349 = arith.cmpi sgt, %jit3A_341, %sign3A_348 : i32
      %sign3A_350 = arith.extui %sign3A_349 : i1 to i32
      %sign3A_351 = arith.constant 0 : i32
      %sign3A_352 = arith.cmpi slt, %jit3A_341, %sign3A_351 : i32
      %sign3A_353 = arith.extui %sign3A_352 : i1 to i32
      %sign3A_354 = arith.subi %sign3A_350, %sign3A_353 : i32
      %ne3A = arith.cmpi ne, %sign3A_347, %sign3A_354 : i32
      %rem3A = arith.remsi %squeeze3A_337, %jit3A_341 : i32
      %ne3A_355 = arith.constant 0 : i32
      %ne3A_356 = arith.cmpi ne, %rem3A, %ne3A_355 : i32
      %and3A_357 = arith.andi %ne3A, %ne3A_356 : i1
      %sub3A = arith.constant 1 : i32
      %sub3A_358 = arith.subi %div3A, %sub3A : i32
      %select_n3A_359 = arith.select %and3A_357, %sub3A_358, %div3A : i32
      %mul3A_360 = arith.constant 16 : i32
      %mul3A_361 = arith.muli %select_n3A_359, %mul3A_360 : i32
      %multiple_of3A_362 = tpu.assume_multiple %mul3A_361, 16 : i32
      %sub3A_363 = arith.subi %squeeze3A_337, %multiple_of3A_362 : i32
      %eq3A_364 = vector.broadcast %sub3A_363 : i32 to vector<16xi32>
      %eq3A_365 = arith.cmpi eq, %iota3A, %eq3A_364 : vector<16xi32>
      %jit3A_366 = arith.constant 1.000000e+00 : f32
      %jit3A_367 = arith.constant 0.000000e+00 : f32
      %broadcast_in_dim3A_368 = vector.broadcast %jit3A_366 : f32 to vector<16xf32>
      %broadcast_in_dim3A_369 = vector.broadcast %jit3A_367 : f32 to vector<16xf32>
      %select_n3A_370 = arith.select %eq3A_365, %broadcast_in_dim3A_368, %broadcast_in_dim3A_369 : vector<16xi1>, vector<16xf32>
      %swap3A_371 = arith.index_cast %multiple_of3A_362 : i32 to index
      %swap3A_372 = tpu.vector_load %arg11[%swap3A_371] {strides = array<i32>} : memref<256xf32, #tpu.memory_space<vmem>>, vector<16xf32>,
      %swap3A_373 = vector.shape_cast %swap3A_372 : vector<16xf32> to vector<16xf32>
      %swap3A_374 = vector.shape_cast %select_n3A_370 : vector<16xf32> to vector<16xf32>
      tpu.vector_store %arg11[%swap3A_371], %swap3A_374 {add = true, strides = array<i32>} : memref<256xf32, #tpu.memory_space<vmem>>, vector<16xf32>,
      %mul3A_375 = arith.constant 256 : i32
      %mul3A_376 = arith.muli %squeeze3A_337, %mul3A_375 : i32
      %get3A_377 = arith.constant 0 : index
      %get3A_378 = tpu.vector_load %arg9[%get3A_377] {strides = array<i32>} : memref<2048xf32, #tpu.memory_space<vmem>>, vector<16xf32>,
      %get3A_379 = vector.shape_cast %get3A_378 : vector<16xf32> to vector<16xf32>
      %add3A_380 = arith.constant 0 : i32
      %add3A_381 = arith.addi %mul3A_376, %add3A_380 : i32
      %multiple_of3A_382 = tpu.assume_multiple %add3A_381, 16 : i32
      %mul3A_383 = vector.broadcast %select_n3A_340 : f32 to vector<16xf32>
      %mul3A_384 = arith.mulf %get3A_379, %mul3A_383 : vector<16xf32>
      %swap3A_385 = arith.index_cast %multiple_of3A_382 : i32 to index
      %swap3A_386 = tpu.vector_load %arg10[%swap3A_385] {strides = array<i32>} : memref<65536xf32, #tpu.memory_space<vmem>>, vector<16xf32>,
      %swap3A_387 = vector.shape_cast %swap3A_386 : vector<16xf32> to vector<16xf32>
      %swap3A_388 = vector.shape_cast %mul3A_384 : vector<16xf32> to vector<16xf32>
      tpu.vector_store %arg10[%swap3A_385], %swap3A_388 {add = true, strides = array<i32>} : memref<65536xf32, #tpu.memory_space<vmem>>, vector<16xf32>,
      %get3A_389 = arith.constant 16 : index
      %get3A_390 = tpu.vector_load %arg9[%get3A_389] {strides = array<i32>} : memref<2048xf32, #tpu.memory_space<vmem>>, vector<16xf32>,
      %get3A_391 = vector.shape_cast %get3A_390 : vector<16xf32> to vector<16xf32>
      %add3A_392 = arith.constant 16 : i32
      %add3A_393 = arith.addi %mul3A_376, %add3A_392 : i32
      %multiple_of3A_394 = tpu.assume_multiple %add3A_393, 16 : i32
      %mul3A_395 = vector.broadcast %select_n3A_340 : f32 to vector<16xf32>
      %mul3A_396 = arith.mulf %get3A_391, %mul3A_395 : vector<16xf32>
      %swap3A_397 = arith.index_cast %multiple_of3A_394 : i32 to index
      %swap3A_398 = tpu.vector_load %arg10[%swap3A_397] {strides = array<i32>} : memref<65536xf32, #tpu.memory_space<vmem>>, vector<16xf32>,
      %swap3A_399 = vector.shape_cast %swap3A_398 : vector<16xf32> to vector<16xf32>
      %swap3A_400 = vector.shape_cast %mul3A_396 : vector<16xf32> to vector<16xf32>
      tpu.vector_store %arg10[%swap3A_397], %swap3A_400 {add = true, strides = array<i32>} : memref<65536xf32, #tpu.memory_space<vmem>>, vector<16xf32>,
      %get3A_401 = arith.constant 32 : index
      %get3A_402 = tpu.vector_load %arg9[%get3A_401] {strides = array<i32>} : memref<2048xf32, #tpu.memory_space<vmem>>, vector<16xf32>,
      %get3A_403 = vector.shape_cast %get3A_402 : vector<16xf32> to vector<16xf32>
      %add3A_404 = arith.constant 32 : i32
      %add3A_405 = arith.addi %mul3A_376, %add3A_404 : i32
      %multiple_of3A_406 = tpu.assume_multiple %add3A_405, 16 : i32
      %mul3A_407 = vector.broadcast %select_n3A_340 : f32 to vector<16xf32>
      %mul3A_408 = arith.mulf %get3A_403, %mul3A_407 : vector<16xf32>
      %swap3A_409 = arith.index_cast %multiple_of3A_406 : i32 to index
      %swap3A_410 = tpu.vector_load %arg10[%swap3A_409] {strides = array<i32>} : memref<65536xf32, #tpu.memory_space<vmem>>, vector<16xf32>,
      %swap3A_411 = vector.shape_cast %swap3A_410 : vector<16xf32> to vector<16xf32>
      %swap3A_412 = vector.shape_cast %mul3A_408 : vector<16xf32> to vector<16xf32>
      tpu.vector_store %arg10[%swap3A_409], %swap3A_412 {add = true, strides = array<i32>} : memref<65536xf32, #tpu.memory_space<vmem>>, vector<16xf32>,
      %get3A_413 = arith.constant 48 : index
      %get3A_414 = tpu.vector_load %arg9[%get3A_413] {strides = array<i32>} : memref<2048xf32, #tpu.memory_space<vmem>>, vector<16xf32>,
      %get3A_415 = vector.shape_cast %get3A_414 : vector<16xf32> to vector<16xf32>
      %add3A_416 = arith.constant 48 : i32
      %add3A_417 = arith.addi %mul3A_376, %add3A_416 : i32
      %multiple_of3A_418 = tpu.assume_multiple %add3A_417, 16 : i32
      %mul3A_419 = vector.broadcast %select_n3A_340 : f32 to vector<16xf32>
      %mul3A_420 = arith.mulf %get3A_415, %mul3A_419 : vector<16xf32>
      %swap3A_421 = arith.index_cast %multiple_of3A_418 : i32 to index
      %swap3A_422 = tpu.vector_load %arg10[%swap3A_421] {strides = array<i32>} : memref<65536xf32, #tpu.memory_space<vmem>>, vector<16xf32>,
      %swap3A_423 = vector.shape_cast %swap3A_422 : vector<16xf32> to vector<16xf32>
      %swap3A_424 = vector.shape_cast %mul3A_420 : vector<16xf32> to vector<16xf32>
      tpu.vector_store %arg10[%swap3A_421], %swap3A_424 {add = true, strides = array<i32>} : memref<65536xf32, #tpu.memory_space<vmem>>, vector<16xf32>,
      %get3A_425 = arith.constant 64 : index
      %get3A_426 = tpu.vector_load %arg9[%get3A_425] {strides = array<i32>} : memref<2048xf32, #tpu.memory_space<vmem>>, vector<16xf32>,
      %get3A_427 = vector.shape_cast %get3A_426 : vector<16xf32> to vector<16xf32>
      %add3A_428 = arith.constant 64 : i32
      %add3A_429 = arith.addi %mul3A_376, %add3A_428 : i32
      %multiple_of3A_430 = tpu.assume_multiple %add3A_429, 16 : i32
      %mul3A_431 = vector.broadcast %select_n3A_340 : f32 to vector<16xf32>
      %mul3A_432 = arith.mulf %get3A_427, %mul3A_431 : vector<16xf32>
      %swap3A_433 = arith.index_cast %multiple_of3A_430 : i32 to index
      %swap3A_434 = tpu.vector_load %arg10[%swap3A_433] {strides = array<i32>} : memref<65536xf32, #tpu.memory_space<vmem>>, vector<16xf32>,
      %swap3A_435 = vector.shape_cast %swap3A_434 : vector<16xf32> to vector<16xf32>
      %swap3A_436 = vector.shape_cast %mul3A_432 : vector<16xf32> to vector<16xf32>
      tpu.vector_store %arg10[%swap3A_433], %swap3A_436 {add = true, strides = array<i32>} : memref<65536xf32, #tpu.memory_space<vmem>>, vector<16xf32>,
      %get3A_437 = arith.constant 80 : index
      %get3A_438 = tpu.vector_load %arg9[%get3A_437] {strides = array<i32>} : memref<2048xf32, #tpu.memory_space<vmem>>, vector<16xf32>,
      %get3A_439 = vector.shape_cast %get3A_438 : vector<16xf32> to vector<16xf32>
      %add3A_440 = arith.constant 80 : i32
      %add3A_441 = arith.addi %mul3A_376, %add3A_440 : i32
      %multiple_of3A_442 = tpu.assume_multiple %add3A_441, 16 : i32
      %mul3A_443 = vector.broadcast %select_n3A_340 : f32 to vector<16xf32>
      %mul3A_444 = arith.mulf %get3A_439, %mul3A_443 : vector<16xf32>
      %swap3A_445 = arith.index_cast %multiple_of3A_442 : i32 to index
      %swap3A_446 = tpu.vector_load %arg10[%swap3A_445] {strides = array<i32>} : memref<65536xf32, #tpu.memory_space<vmem>>, vector<16xf32>,
      %swap3A_447 = vector.shape_cast %swap3A_446 : vector<16xf32> to vector<16xf32>
      %swap3A_448 = vector.shape_cast %mul3A_444 : vector<16xf32> to vector<16xf32>
      tpu.vector_store %arg10[%swap3A_445], %swap3A_448 {add = true, strides = array<i32>} : memref<65536xf32, #tpu.memory_space<vmem>>, vector<16xf32>,
      %get3A_449 = arith.constant 96 : index
      %get3A_450 = tpu.vector_load %arg9[%get3A_449] {strides = array<i32>} : memref<2048xf32, #tpu.memory_space<vmem>>, vector<16xf32>,
      %get3A_451 = vector.shape_cast %get3A_450 : vector<16xf32> to vector<16xf32>
      %add3A_452 = arith.constant 96 : i32
      %add3A_453 = arith.addi %mul3A_376, %add3A_452 : i32
      %multiple_of3A_454 = tpu.assume_multiple %add3A_453, 16 : i32
      %mul3A_455 = vector.broadcast %select_n3A_340 : f32 to vector<16xf32>
      %mul3A_456 = arith.mulf %get3A_451, %mul3A_455 : vector<16xf32>
      %swap3A_457 = arith.index_cast %multiple_of3A_454 : i32 to index
      %swap3A_458 = tpu.vector_load %arg10[%swap3A_457] {strides = array<i32>} : memref<65536xf32, #tpu.memory_space<vmem>>, vector<16xf32>,
      %swap3A_459 = vector.shape_cast %swap3A_458 : vector<16xf32> to vector<16xf32>
      %swap3A_460 = vector.shape_cast %mul3A_456 : vector<16xf32> to vector<16xf32>
      tpu.vector_store %arg10[%swap3A_457], %swap3A_460 {add = true, strides = array<i32>} : memref<65536xf32, #tpu.memory_space<vmem>>, vector<16xf32>,
      %get3A_461 = arith.constant 112 : index
      %get3A_462 = tpu.vector_load %arg9[%get3A_461] {strides = array<i32>} : memref<2048xf32, #tpu.memory_space<vmem>>, vector<16xf32>,
      %get3A_463 = vector.shape_cast %get3A_462 : vector<16xf32> to vector<16xf32>
      %add3A_464 = arith.constant 112 : i32
      %add3A_465 = arith.addi %mul3A_376, %add3A_464 : i32
      %multiple_of3A_466 = tpu.assume_multiple %add3A_465, 16 : i32
      %mul3A_467 = vector.broadcast %select_n3A_340 : f32 to vector<16xf32>
      %mul3A_468 = arith.mulf %get3A_463, %mul3A_467 : vector<16xf32>
      %swap3A_469 = arith.index_cast %multiple_of3A_466 : i32 to index
      %swap3A_470 = tpu.vector_load %arg10[%swap3A_469] {strides = array<i32>} : memref<65536xf32, #tpu.memory_space<vmem>>, vector<16xf32>,
      %swap3A_471 = vector.shape_cast %swap3A_470 : vector<16xf32> to vector<16xf32>
      %swap3A_472 = vector.shape_cast %mul3A_468 : vector<16xf32> to vector<16xf32>
      tpu.vector_store %arg10[%swap3A_469], %swap3A_472 {add = true, strides = array<i32>} : memref<65536xf32, #tpu.memory_space<vmem>>, vector<16xf32>,
      %get3A_473 = arith.constant 128 : index
      %get3A_474 = tpu.vector_load %arg9[%get3A_473] {strides = array<i32>} : memref<2048xf32, #tpu.memory_space<vmem>>, vector<16xf32>,
      %get3A_475 = vector.shape_cast %get3A_474 : vector<16xf32> to vector<16xf32>
      %add3A_476 = arith.constant 128 : i32
      %add3A_477 = arith.addi %mul3A_376, %add3A_476 : i32
      %multiple_of3A_478 = tpu.assume_multiple %add3A_477, 16 : i32
      %mul3A_479 = vector.broadcast %select_n3A_340 : f32 to vector<16xf32>
      %mul3A_480 = arith.mulf %get3A_475, %mul3A_479 : vector<16xf32>
      %swap3A_481 = arith.index_cast %multiple_of3A_478 : i32 to index
      %swap3A_482 = tpu.vector_load %arg10[%swap3A_481] {strides = array<i32>} : memref<65536xf32, #tpu.memory_space<vmem>>, vector<16xf32>,
      %swap3A_483 = vector.shape_cast %swap3A_482 : vector<16xf32> to vector<16xf32>
      %swap3A_484 = vector.shape_cast %mul3A_480 : vector<16xf32> to vector<16xf32>
      tpu.vector_store %arg10[%swap3A_481], %swap3A_484 {add = true, strides = array<i32>} : memref<65536xf32, #tpu.memory_space<vmem>>, vector<16xf32>,
      %get3A_485 = arith.constant 144 : index
      %get3A_486 = tpu.vector_load %arg9[%get3A_485] {strides = array<i32>} : memref<2048xf32, #tpu.memory_space<vmem>>, vector<16xf32>,
      %get3A_487 = vector.shape_cast %get3A_486 : vector<16xf32> to vector<16xf32>
      %add3A_488 = arith.constant 144 : i32
      %add3A_489 = arith.addi %mul3A_376, %add3A_488 : i32
      %multiple_of3A_490 = tpu.assume_multiple %add3A_489, 16 : i32
      %mul3A_491 = vector.broadcast %select_n3A_340 : f32 to vector<16xf32>
      %mul3A_492 = arith.mulf %get3A_487, %mul3A_491 : vector<16xf32>
      %swap3A_493 = arith.index_cast %multiple_of3A_490 : i32 to index
      %swap3A_494 = tpu.vector_load %arg10[%swap3A_493] {strides = array<i32>} : memref<65536xf32, #tpu.memory_space<vmem>>, vector<16xf32>,
      %swap3A_495 = vector.shape_cast %swap3A_494 : vector<16xf32> to vector<16xf32>
      %swap3A_496 = vector.shape_cast %mul3A_492 : vector<16xf32> to vector<16xf32>
      tpu.vector_store %arg10[%swap3A_493], %swap3A_496 {add = true, strides = array<i32>} : memref<65536xf32, #tpu.memory_space<vmem>>, vector<16xf32>,
      %get3A_497 = arith.constant 160 : index
      %get3A_498 = tpu.vector_load %arg9[%get3A_497] {strides = array<i32>} : memref<2048xf32, #tpu.memory_space<vmem>>, vector<16xf32>,
      %get3A_499 = vector.shape_cast %get3A_498 : vector<16xf32> to vector<16xf32>
      %add3A_500 = arith.constant 160 : i32
      %add3A_501 = arith.addi %mul3A_376, %add3A_500 : i32
      %multiple_of3A_502 = tpu.assume_multiple %add3A_501, 16 : i32
      %mul3A_503 = vector.broadcast %select_n3A_340 : f32 to vector<16xf32>
      %mul3A_504 = arith.mulf %get3A_499, %mul3A_503 : vector<16xf32>
      %swap3A_505 = arith.index_cast %multiple_of3A_502 : i32 to index
      %swap3A_506 = tpu.vector_load %arg10[%swap3A_505] {strides = array<i32>} : memref<65536xf32, #tpu.memory_space<vmem>>, vector<16xf32>,
      %swap3A_507 = vector.shape_cast %swap3A_506 : vector<16xf32> to vector<16xf32>
      %swap3A_508 = vector.shape_cast %mul3A_504 : vector<16xf32> to vector<16xf32>
      tpu.vector_store %arg10[%swap3A_505], %swap3A_508 {add = true, strides = array<i32>} : memref<65536xf32, #tpu.memory_space<vmem>>, vector<16xf32>,
      %get3A_509 = arith.constant 176 : index
      %get3A_510 = tpu.vector_load %arg9[%get3A_509] {strides = array<i32>} : memref<2048xf32, #tpu.memory_space<vmem>>, vector<16xf32>,
      %get3A_511 = vector.shape_cast %get3A_510 : vector<16xf32> to vector<16xf32>
      %add3A_512 = arith.constant 176 : i32
      %add3A_513 = arith.addi %mul3A_376, %add3A_512 : i32
      %multiple_of3A_514 = tpu.assume_multiple %add3A_513, 16 : i32
      %mul3A_515 = vector.broadcast %select_n3A_340 : f32 to vector<16xf32>
      %mul3A_516 = arith.mulf %get3A_511, %mul3A_515 : vector<16xf32>
      %swap3A_517 = arith.index_cast %multiple_of3A_514 : i32 to index
      %swap3A_518 = tpu.vector_load %arg10[%swap3A_517] {strides = array<i32>} : memref<65536xf32, #tpu.memory_space<vmem>>, vector<16xf32>,
      %swap3A_519 = vector.shape_cast %swap3A_518 : vector<16xf32> to vector<16xf32>
      %swap3A_520 = vector.shape_cast %mul3A_516 : vector<16xf32> to vector<16xf32>
      tpu.vector_store %arg10[%swap3A_517], %swap3A_520 {add = true, strides = array<i32>} : memref<65536xf32, #tpu.memory_space<vmem>>, vector<16xf32>,
      %get3A_521 = arith.constant 192 : index
      %get3A_522 = tpu.vector_load %arg9[%get3A_521] {strides = array<i32>} : memref<2048xf32, #tpu.memory_space<vmem>>, vector<16xf32>,
      %get3A_523 = vector.shape_cast %get3A_522 : vector<16xf32> to vector<16xf32>
      %add3A_524 = arith.constant 192 : i32
      %add3A_525 = arith.addi %mul3A_376, %add3A_524 : i32
      %multiple_of3A_526 = tpu.assume_multiple %add3A_525, 16 : i32
      %mul3A_527 = vector.broadcast %select_n3A_340 : f32 to vector<16xf32>
      %mul3A_528 = arith.mulf %get3A_523, %mul3A_527 : vector<16xf32>
      %swap3A_529 = arith.index_cast %multiple_of3A_526 : i32 to index
      %swap3A_530 = tpu.vector_load %arg10[%swap3A_529] {strides = array<i32>} : memref<65536xf32, #tpu.memory_space<vmem>>, vector<16xf32>,
      %swap3A_531 = vector.shape_cast %swap3A_530 : vector<16xf32> to vector<16xf32>
      %swap3A_532 = vector.shape_cast %mul3A_528 : vector<16xf32> to vector<16xf32>
      tpu.vector_store %arg10[%swap3A_529], %swap3A_532 {add = true, strides = array<i32>} : memref<65536xf32, #tpu.memory_space<vmem>>, vector<16xf32>,
      %get3A_533 = arith.constant 208 : index
      %get3A_534 = tpu.vector_load %arg9[%get3A_533] {strides = array<i32>} : memref<2048xf32, #tpu.memory_space<vmem>>, vector<16xf32>,
      %get3A_535 = vector.shape_cast %get3A_534 : vector<16xf32> to vector<16xf32>
      %add3A_536 = arith.constant 208 : i32
      %add3A_537 = arith.addi %mul3A_376, %add3A_536 : i32
      %multiple_of3A_538 = tpu.assume_multiple %add3A_537, 16 : i32
      %mul3A_539 = vector.broadcast %select_n3A_340 : f32 to vector<16xf32>
      %mul3A_540 = arith.mulf %get3A_535, %mul3A_539 : vector<16xf32>
      %swap3A_541 = arith.index_cast %multiple_of3A_538 : i32 to index
      %swap3A_542 = tpu.vector_load %arg10[%swap3A_541] {strides = array<i32>} : memref<65536xf32, #tpu.memory_space<vmem>>, vector<16xf32>,
      %swap3A_543 = vector.shape_cast %swap3A_542 : vector<16xf32> to vector<16xf32>
      %swap3A_544 = vector.shape_cast %mul3A_540 : vector<16xf32> to vector<16xf32>
      tpu.vector_store %arg10[%swap3A_541], %swap3A_544 {add = true, strides = array<i32>} : memref<65536xf32, #tpu.memory_space<vmem>>, vector<16xf32>,
      %get3A_545 = arith.constant 224 : index
      %get3A_546 = tpu.vector_load %arg9[%get3A_545] {strides = array<i32>} : memref<2048xf32, #tpu.memory_space<vmem>>, vector<16xf32>,
      %get3A_547 = vector.shape_cast %get3A_546 : vector<16xf32> to vector<16xf32>
      %add3A_548 = arith.constant 224 : i32
      %add3A_549 = arith.addi %mul3A_376, %add3A_548 : i32
      %multiple_of3A_550 = tpu.assume_multiple %add3A_549, 16 : i32
      %mul3A_551 = vector.broadcast %select_n3A_340 : f32 to vector<16xf32>
      %mul3A_552 = arith.mulf %get3A_547, %mul3A_551 : vector<16xf32>
      %swap3A_553 = arith.index_cast %multiple_of3A_550 : i32 to index
      %swap3A_554 = tpu.vector_load %arg10[%swap3A_553] {strides = array<i32>} : memref<65536xf32, #tpu.memory_space<vmem>>, vector<16xf32>,
      %swap3A_555 = vector.shape_cast %swap3A_554 : vector<16xf32> to vector<16xf32>
      %swap3A_556 = vector.shape_cast %mul3A_552 : vector<16xf32> to vector<16xf32>
      tpu.vector_store %arg10[%swap3A_553], %swap3A_556 {add = true, strides = array<i32>} : memref<65536xf32, #tpu.memory_space<vmem>>, vector<16xf32>,
      %get3A_557 = arith.constant 240 : index
      %get3A_558 = tpu.vector_load %arg9[%get3A_557] {strides = array<i32>} : memref<2048xf32, #tpu.memory_space<vmem>>, vector<16xf32>,
      %get3A_559 = vector.shape_cast %get3A_558 : vector<16xf32> to vector<16xf32>
      %add3A_560 = arith.constant 240 : i32
      %add3A_561 = arith.addi %mul3A_376, %add3A_560 : i32
      %multiple_of3A_562 = tpu.assume_multiple %add3A_561, 16 : i32
      %mul3A_563 = vector.broadcast %select_n3A_340 : f32 to vector<16xf32>
      %mul3A_564 = arith.mulf %get3A_559, %mul3A_563 : vector<16xf32>
      %swap3A_565 = arith.index_cast %multiple_of3A_562 : i32 to index
      %swap3A_566 = tpu.vector_load %arg10[%swap3A_565] {strides = array<i32>} : memref<65536xf32, #tpu.memory_space<vmem>>, vector<16xf32>,
      %swap3A_567 = vector.shape_cast %swap3A_566 : vector<16xf32> to vector<16xf32>
      %swap3A_568 = vector.shape_cast %mul3A_564 : vector<16xf32> to vector<16xf32>
      tpu.vector_store %arg10[%swap3A_565], %swap3A_568 {add = true, strides = array<i32>} : memref<65536xf32, #tpu.memory_space<vmem>>, vector<16xf32>,
      %get3A_569 = arith.constant 256 : index
      %get3A_570 = tpu.vector_load %arg8[%get3A_569] {strides = array<i32>} : memref<2048xf32, #tpu.memory_space<vmem>>, vector<16xf32>,
      %get3A_571 = vector.shape_cast %get3A_570 : vector<16xf32> to vector<16xf32>
      %get3A_572 = arith.constant 272 : index
      %get3A_573 = tpu.vector_load %arg8[%get3A_572] {strides = array<i32>} : memref<2048xf32, #tpu.memory_space<vmem>>, vector<16xf32>,
      %get3A_574 = vector.shape_cast %get3A_573 : vector<16xf32> to vector<16xf32>
      %gt3A_575 = arith.cmpf ogt, %get3A_574, %get3A_571 : vector<16xf32>
      %select_n3A_576 = arith.select %gt3A_575, %get3A_574, %get3A_571 : vector<16xi1>, vector<16xf32>
      %add3A_577 = arith.constant 16 : i32
      %add3A_578 = vector.broadcast %add3A_577 : i32 to vector<16xi32>
      %add3A_579 = arith.addi %iota3A, %add3A_578 : vector<16xi32>
      %select_n3A_580 = arith.select %gt3A_575, %add3A_579, %iota3A : vector<16xi1>, vector<16xi32>
      %get3A_581 = arith.constant 288 : index
      %get3A_582 = tpu.vector_load %arg8[%get3A_581] {strides = array<i32>} : memref<2048xf32, #tpu.memory_space<vmem>>, vector<16xf32>,
      %get3A_583 = vector.shape_cast %get3A_582 : vector<16xf32> to vector<16xf32>
      %gt3A_584 = arith.cmpf ogt, %get3A_583, %select_n3A_576 : vector<16xf32>
      %select_n3A_585 = arith.select %gt3A_584, %get3A_583, %select_n3A_576 : vector<16xi1>, vector<16xf32>
      %add3A_586 = arith.constant 32 : i32
      %add3A_587 = vector.broadcast %add3A_586 : i32 to vector<16xi32>
      %add3A_588 = arith.addi %iota3A, %add3A_587 : vector<16xi32>
      %select_n3A_589 = arith.select %gt3A_584, %add3A_588, %select_n3A_580 : vector<16xi1>, vector<16xi32>
      %get3A_590 = arith.constant 304 : index
      %get3A_591 = tpu.vector_load %arg8[%get3A_590] {strides = array<i32>} : memref<2048xf32, #tpu.memory_space<vmem>>, vector<16xf32>,
      %get3A_592 = vector.shape_cast %get3A_591 : vector<16xf32> to vector<16xf32>
      %gt3A_593 = arith.cmpf ogt, %get3A_592, %select_n3A_585 : vector<16xf32>
      %select_n3A_594 = arith.select %gt3A_593, %get3A_592, %select_n3A_585 : vector<16xi1>, vector<16xf32>
      %add3A_595 = arith.constant 48 : i32
      %add3A_596 = vector.broadcast %add3A_595 : i32 to vector<16xi32>
      %add3A_597 = arith.addi %iota3A, %add3A_596 : vector<16xi32>
      %select_n3A_598 = arith.select %gt3A_593, %add3A_597, %select_n3A_589 : vector<16xi1>, vector<16xi32>
      %get3A_599 = arith.constant 320 : index
      %get3A_600 = tpu.vector_load %arg8[%get3A_599] {strides = array<i32>} : memref<2048xf32, #tpu.memory_space<vmem>>, vector<16xf32>,
      %get3A_601 = vector.shape_cast %get3A_600 : vector<16xf32> to vector<16xf32>
      %gt3A_602 = arith.cmpf ogt, %get3A_601, %select_n3A_594 : vector<16xf32>
      %select_n3A_603 = arith.select %gt3A_602, %get3A_601, %select_n3A_594 : vector<16xi1>, vector<16xf32>
      %add3A_604 = arith.constant 64 : i32
      %add3A_605 = vector.broadcast %add3A_604 : i32 to vector<16xi32>
      %add3A_606 = arith.addi %iota3A, %add3A_605 : vector<16xi32>
      %select_n3A_607 = arith.select %gt3A_602, %add3A_606, %select_n3A_598 : vector<16xi1>, vector<16xi32>
      %get3A_608 = arith.constant 336 : index
      %get3A_609 = tpu.vector_load %arg8[%get3A_608] {strides = array<i32>} : memref<2048xf32, #tpu.memory_space<vmem>>, vector<16xf32>,
      %get3A_610 = vector.shape_cast %get3A_609 : vector<16xf32> to vector<16xf32>
      %gt3A_611 = arith.cmpf ogt, %get3A_610, %select_n3A_603 : vector<16xf32>
      %select_n3A_612 = arith.select %gt3A_611, %get3A_610, %select_n3A_603 : vector<16xi1>, vector<16xf32>
      %add3A_613 = arith.constant 80 : i32
      %add3A_614 = vector.broadcast %add3A_613 : i32 to vector<16xi32>
      %add3A_615 = arith.addi %iota3A, %add3A_614 : vector<16xi32>
      %select_n3A_616 = arith.select %gt3A_611, %add3A_615, %select_n3A_607 : vector<16xi1>, vector<16xi32>
      %get3A_617 = arith.constant 352 : index
      %get3A_618 = tpu.vector_load %arg8[%get3A_617] {strides = array<i32>} : memref<2048xf32, #tpu.memory_space<vmem>>, vector<16xf32>,
      %get3A_619 = vector.shape_cast %get3A_618 : vector<16xf32> to vector<16xf32>
      %gt3A_620 = arith.cmpf ogt, %get3A_619, %select_n3A_612 : vector<16xf32>
      %select_n3A_621 = arith.select %gt3A_620, %get3A_619, %select_n3A_612 : vector<16xi1>, vector<16xf32>
      %add3A_622 = arith.constant 96 : i32
      %add3A_623 = vector.broadcast %add3A_622 : i32 to vector<16xi32>
      %add3A_624 = arith.addi %iota3A, %add3A_623 : vector<16xi32>
      %select_n3A_625 = arith.select %gt3A_620, %add3A_624, %select_n3A_616 : vector<16xi1>, vector<16xi32>
      %get3A_626 = arith.constant 368 : index
      %get3A_627 = tpu.vector_load %arg8[%get3A_626] {strides = array<i32>} : memref<2048xf32, #tpu.memory_space<vmem>>, vector<16xf32>,
      %get3A_628 = vector.shape_cast %get3A_627 : vector<16xf32> to vector<16xf32>
      %gt3A_629 = arith.cmpf ogt, %get3A_628, %select_n3A_621 : vector<16xf32>
      %select_n3A_630 = arith.select %gt3A_629, %get3A_628, %select_n3A_621 : vector<16xi1>, vector<16xf32>
      %add3A_631 = arith.constant 112 : i32
      %add3A_632 = vector.broadcast %add3A_631 : i32 to vector<16xi32>
      %add3A_633 = arith.addi %iota3A, %add3A_632 : vector<16xi32>
      %select_n3A_634 = arith.select %gt3A_629, %add3A_633, %select_n3A_625 : vector<16xi1>, vector<16xi32>
      %get3A_635 = arith.constant 384 : index
      %get3A_636 = tpu.vector_load %arg8[%get3A_635] {strides = array<i32>} : memref<2048xf32, #tpu.memory_space<vmem>>, vector<16xf32>,
      %get3A_637 = vector.shape_cast %get3A_636 : vector<16xf32> to vector<16xf32>
      %gt3A_638 = arith.cmpf ogt, %get3A_637, %select_n3A_630 : vector<16xf32>
      %select_n3A_639 = arith.select %gt3A_638, %get3A_637, %select_n3A_630 : vector<16xi1>, vector<16xf32>
      %add3A_640 = arith.constant 128 : i32
      %add3A_641 = vector.broadcast %add3A_640 : i32 to vector<16xi32>
      %add3A_642 = arith.addi %iota3A, %add3A_641 : vector<16xi32>
      %select_n3A_643 = arith.select %gt3A_638, %add3A_642, %select_n3A_634 : vector<16xi1>, vector<16xi32>
      %get3A_644 = arith.constant 400 : index
      %get3A_645 = tpu.vector_load %arg8[%get3A_644] {strides = array<i32>} : memref<2048xf32, #tpu.memory_space<vmem>>, vector<16xf32>,
      %get3A_646 = vector.shape_cast %get3A_645 : vector<16xf32> to vector<16xf32>
      %gt3A_647 = arith.cmpf ogt, %get3A_646, %select_n3A_639 : vector<16xf32>
      %select_n3A_648 = arith.select %gt3A_647, %get3A_646, %select_n3A_639 : vector<16xi1>, vector<16xf32>
      %add3A_649 = arith.constant 144 : i32
      %add3A_650 = vector.broadcast %add3A_649 : i32 to vector<16xi32>
      %add3A_651 = arith.addi %iota3A, %add3A_650 : vector<16xi32>
      %select_n3A_652 = arith.select %gt3A_647, %add3A_651, %select_n3A_643 : vector<16xi1>, vector<16xi32>
      %get3A_653 = arith.constant 416 : index
      %get3A_654 = tpu.vector_load %arg8[%get3A_653] {strides = array<i32>} : memref<2048xf32, #tpu.memory_space<vmem>>, vector<16xf32>,
      %get3A_655 = vector.shape_cast %get3A_654 : vector<16xf32> to vector<16xf32>
      %gt3A_656 = arith.cmpf ogt, %get3A_655, %select_n3A_648 : vector<16xf32>
      %select_n3A_657 = arith.select %gt3A_656, %get3A_655, %select_n3A_648 : vector<16xi1>, vector<16xf32>
      %add3A_658 = arith.constant 160 : i32
      %add3A_659 = vector.broadcast %add3A_658 : i32 to vector<16xi32>
      %add3A_660 = arith.addi %iota3A, %add3A_659 : vector<16xi32>
      %select_n3A_661 = arith.select %gt3A_656, %add3A_660, %select_n3A_652 : vector<16xi1>, vector<16xi32>
      %get3A_662 = arith.constant 432 : index
      %get3A_663 = tpu.vector_load %arg8[%get3A_662] {strides = array<i32>} : memref<2048xf32, #tpu.memory_space<vmem>>, vector<16xf32>,
      %get3A_664 = vector.shape_cast %get3A_663 : vector<16xf32> to vector<16xf32>
      %gt3A_665 = arith.cmpf ogt, %get3A_664, %select_n3A_657 : vector<16xf32>
      %select_n3A_666 = arith.select %gt3A_665, %get3A_664, %select_n3A_657 : vector<16xi1>, vector<16xf32>
      %add3A_667 = arith.constant 176 : i32
      %add3A_668 = vector.broadcast %add3A_667 : i32 to vector<16xi32>
      %add3A_669 = arith.addi %iota3A, %add3A_668 : vector<16xi32>
      %select_n3A_670 = arith.select %gt3A_665, %add3A_669, %select_n3A_661 : vector<16xi1>, vector<16xi32>
      %get3A_671 = arith.constant 448 : index
      %get3A_672 = tpu.vector_load %arg8[%get3A_671] {strides = array<i32>} : memref<2048xf32, #tpu.memory_space<vmem>>, vector<16xf32>,
      %get3A_673 = vector.shape_cast %get3A_672 : vector<16xf32> to vector<16xf32>
      %gt3A_674 = arith.cmpf ogt, %get3A_673, %select_n3A_666 : vector<16xf32>
      %select_n3A_675 = arith.select %gt3A_674, %get3A_673, %select_n3A_666 : vector<16xi1>, vector<16xf32>
      %add3A_676 = arith.constant 192 : i32
      %add3A_677 = vector.broadcast %add3A_676 : i32 to vector<16xi32>
      %add3A_678 = arith.addi %iota3A, %add3A_677 : vector<16xi32>
      %select_n3A_679 = arith.select %gt3A_674, %add3A_678, %select_n3A_670 : vector<16xi1>, vector<16xi32>
      %get3A_680 = arith.constant 464 : index
      %get3A_681 = tpu.vector_load %arg8[%get3A_680] {strides = array<i32>} : memref<2048xf32, #tpu.memory_space<vmem>>, vector<16xf32>,
      %get3A_682 = vector.shape_cast %get3A_681 : vector<16xf32> to vector<16xf32>
      %gt3A_683 = arith.cmpf ogt, %get3A_682, %select_n3A_675 : vector<16xf32>
      %select_n3A_684 = arith.select %gt3A_683, %get3A_682, %select_n3A_675 : vector<16xi1>, vector<16xf32>
      %add3A_685 = arith.constant 208 : i32
      %add3A_686 = vector.broadcast %add3A_685 : i32 to vector<16xi32>
      %add3A_687 = arith.addi %iota3A, %add3A_686 : vector<16xi32>
      %select_n3A_688 = arith.select %gt3A_683, %add3A_687, %select_n3A_679 : vector<16xi1>, vector<16xi32>
      %get3A_689 = arith.constant 480 : index
      %get3A_690 = tpu.vector_load %arg8[%get3A_689] {strides = array<i32>} : memref<2048xf32, #tpu.memory_space<vmem>>, vector<16xf32>,
      %get3A_691 = vector.shape_cast %get3A_690 : vector<16xf32> to vector<16xf32>
      %gt3A_692 = arith.cmpf ogt, %get3A_691, %select_n3A_684 : vector<16xf32>
      %select_n3A_693 = arith.select %gt3A_692, %get3A_691, %select_n3A_684 : vector<16xi1>, vector<16xf32>
      %add3A_694 = arith.constant 224 : i32
      %add3A_695 = vector.broadcast %add3A_694 : i32 to vector<16xi32>
      %add3A_696 = arith.addi %iota3A, %add3A_695 : vector<16xi32>
      %select_n3A_697 = arith.select %gt3A_692, %add3A_696, %select_n3A_688 : vector<16xi1>, vector<16xi32>
      %get3A_698 = arith.constant 496 : index
      %get3A_699 = tpu.vector_load %arg8[%get3A_698] {strides = array<i32>} : memref<2048xf32, #tpu.memory_space<vmem>>, vector<16xf32>,
      %get3A_700 = vector.shape_cast %get3A_699 : vector<16xf32> to vector<16xf32>
      %gt3A_701 = arith.cmpf ogt, %get3A_700, %select_n3A_693 : vector<16xf32>
      %select_n3A_702 = arith.select %gt3A_701, %get3A_700, %select_n3A_693 : vector<16xi1>, vector<16xf32>
      %add3A_703 = arith.constant 240 : i32
      %add3A_704 = vector.broadcast %add3A_703 : i32 to vector<16xi32>
      %add3A_705 = arith.addi %iota3A, %add3A_704 : vector<16xi32>
      %select_n3A_706 = arith.select %gt3A_701, %add3A_705, %select_n3A_697 : vector<16xi1>, vector<16xi32>
      %lt3A_707 = arith.constant 0 : i32
      %lt3A_708 = vector.broadcast %lt3A_707 : i32 to vector<16xi32>
      %lt3A_709 = arith.cmpi slt, %xor3A_1, %lt3A_708 : vector<16xi32>
      %add3A_710 = arith.constant 16 : i32
      %add3A_711 = vector.broadcast %add3A_710 : i32 to vector<16xi32>
      %add3A_712 = arith.addi %xor3A_1, %add3A_711 : vector<16xi32>
      %select_n3A_713 = arith.select %lt3A_709, %add3A_712, %xor3A_1 : vector<16xi1>, vector<16xi32>
      %broadcast_in_dim3A_714 = vector.shape_cast %select_n3A_713 : vector<16xi32> to vector<16x1xi32>
      %gather3A_715 = vector.shape_cast %broadcast_in_dim3A_714 : vector<16x1xi32> to vector<16xi32>
      %gather3A_716 = tpu.dynamic_gather %select_n3A_702[%gather3A_715] in [0] : vector<16xf32>, vector<16xi32> -> vector<16xf32>
      %lt3A_717 = arith.constant 0 : i32
      %lt3A_718 = vector.broadcast %lt3A_717 : i32 to vector<16xi32>
      %lt3A_719 = arith.cmpi slt, %xor3A_1, %lt3A_718 : vector<16xi32>
      %add3A_720 = arith.constant 16 : i32
      %add3A_721 = vector.broadcast %add3A_720 : i32 to vector<16xi32>
      %add3A_722 = arith.addi %xor3A_1, %add3A_721 : vector<16xi32>
      %select_n3A_723 = arith.select %lt3A_719, %add3A_722, %xor3A_1 : vector<16xi1>, vector<16xi32>
      %broadcast_in_dim3A_724 = vector.shape_cast %select_n3A_723 : vector<16xi32> to vector<16x1xi32>
      %gather3A_725 = vector.shape_cast %broadcast_in_dim3A_724 : vector<16x1xi32> to vector<16xi32>
      %gather3A_726 = tpu.dynamic_gather %select_n3A_706[%gather3A_725] in [0] : vector<16xi32>, vector<16xi32> -> vector<16xi32>
      %gt3A_727 = arith.cmpf ogt, %gather3A_716, %select_n3A_702 : vector<16xf32>
      %eq3A_728 = arith.cmpf oeq, %gather3A_716, %select_n3A_702 : vector<16xf32>
      %lt3A_729 = arith.cmpi slt, %gather3A_726, %select_n3A_706 : vector<16xi32>
      %and3A_730 = arith.andi %eq3A_728, %lt3A_729 : vector<16xi1>
      %or3A_731 = arith.ori %gt3A_727, %and3A_730 : vector<16xi1>
      %select_n3A_732 = arith.select %or3A_731, %gather3A_716, %select_n3A_702 : vector<16xi1>, vector<16xf32>
      %select_n3A_733 = arith.select %or3A_731, %gather3A_726, %select_n3A_706 : vector<16xi1>, vector<16xi32>
      %lt3A_734 = arith.constant 0 : i32
      %lt3A_735 = vector.broadcast %lt3A_734 : i32 to vector<16xi32>
      %lt3A_736 = arith.cmpi slt, %xor3A_4, %lt3A_735 : vector<16xi32>
      %add3A_737 = arith.constant 16 : i32
      %add3A_738 = vector.broadcast %add3A_737 : i32 to vector<16xi32>
      %add3A_739 = arith.addi %xor3A_4, %add3A_738 : vector<16xi32>
      %select_n3A_740 = arith.select %lt3A_736, %add3A_739, %xor3A_4 : vector<16xi1>, vector<16xi32>
      %broadcast_in_dim3A_741 = vector.shape_cast %select_n3A_740 : vector<16xi32> to vector<16x1xi32>
      %gather3A_742 = vector.shape_cast %broadcast_in_dim3A_741 : vector<16x1xi32> to vector<16xi32>
      %gather3A_743 = tpu.dynamic_gather %select_n3A_732[%gather3A_742] in [0] : vector<16xf32>, vector<16xi32> -> vector<16xf32>
      %lt3A_744 = arith.constant 0 : i32
      %lt3A_745 = vector.broadcast %lt3A_744 : i32 to vector<16xi32>
      %lt3A_746 = arith.cmpi slt, %xor3A_4, %lt3A_745 : vector<16xi32>
      %add3A_747 = arith.constant 16 : i32
      %add3A_748 = vector.broadcast %add3A_747 : i32 to vector<16xi32>
      %add3A_749 = arith.addi %xor3A_4, %add3A_748 : vector<16xi32>
      %select_n3A_750 = arith.select %lt3A_746, %add3A_749, %xor3A_4 : vector<16xi1>, vector<16xi32>
      %broadcast_in_dim3A_751 = vector.shape_cast %select_n3A_750 : vector<16xi32> to vector<16x1xi32>
      %gather3A_752 = vector.shape_cast %broadcast_in_dim3A_751 : vector<16x1xi32> to vector<16xi32>
      %gather3A_753 = tpu.dynamic_gather %select_n3A_733[%gather3A_752] in [0] : vector<16xi32>, vector<16xi32> -> vector<16xi32>
      %gt3A_754 = arith.cmpf ogt, %gather3A_743, %select_n3A_732 : vector<16xf32>
      %eq3A_755 = arith.cmpf oeq, %gather3A_743, %select_n3A_732 : vector<16xf32>
      %lt3A_756 = arith.cmpi slt, %gather3A_753, %select_n3A_733 : vector<16xi32>
      %and3A_757 = arith.andi %eq3A_755, %lt3A_756 : vector<16xi1>
      %or3A_758 = arith.ori %gt3A_754, %and3A_757 : vector<16xi1>
      %select_n3A_759 = arith.select %or3A_758, %gather3A_743, %select_n3A_732 : vector<16xi1>, vector<16xf32>
      %select_n3A_760 = arith.select %or3A_758, %gather3A_753, %select_n3A_733 : vector<16xi1>, vector<16xi32>
      %lt3A_761 = arith.constant 0 : i32
      %lt3A_762 = vector.broadcast %lt3A_761 : i32 to vector<16xi32>
      %lt3A_763 = arith.cmpi slt, %xor3A_7, %lt3A_762 : vector<16xi32>
      %add3A_764 = arith.constant 16 : i32
      %add3A_765 = vector.broadcast %add3A_764 : i32 to vector<16xi32>
      %add3A_766 = arith.addi %xor3A_7, %add3A_765 : vector<16xi32>
      %select_n3A_767 = arith.select %lt3A_763, %add3A_766, %xor3A_7 : vector<16xi1>, vector<16xi32>
      %broadcast_in_dim3A_768 = vector.shape_cast %select_n3A_767 : vector<16xi32> to vector<16x1xi32>
      %gather3A_769 = vector.shape_cast %broadcast_in_dim3A_768 : vector<16x1xi32> to vector<16xi32>
      %gather3A_770 = tpu.dynamic_gather %select_n3A_759[%gather3A_769] in [0] : vector<16xf32>, vector<16xi32> -> vector<16xf32>
      %lt3A_771 = arith.constant 0 : i32
      %lt3A_772 = vector.broadcast %lt3A_771 : i32 to vector<16xi32>
      %lt3A_773 = arith.cmpi slt, %xor3A_7, %lt3A_772 : vector<16xi32>
      %add3A_774 = arith.constant 16 : i32
      %add3A_775 = vector.broadcast %add3A_774 : i32 to vector<16xi32>
      %add3A_776 = arith.addi %xor3A_7, %add3A_775 : vector<16xi32>
      %select_n3A_777 = arith.select %lt3A_773, %add3A_776, %xor3A_7 : vector<16xi1>, vector<16xi32>
      %broadcast_in_dim3A_778 = vector.shape_cast %select_n3A_777 : vector<16xi32> to vector<16x1xi32>
      %gather3A_779 = vector.shape_cast %broadcast_in_dim3A_778 : vector<16x1xi32> to vector<16xi32>
      %gather3A_780 = tpu.dynamic_gather %select_n3A_760[%gather3A_779] in [0] : vector<16xi32>, vector<16xi32> -> vector<16xi32>
      %gt3A_781 = arith.cmpf ogt, %gather3A_770, %select_n3A_759 : vector<16xf32>
      %eq3A_782 = arith.cmpf oeq, %gather3A_770, %select_n3A_759 : vector<16xf32>
      %lt3A_783 = arith.cmpi slt, %gather3A_780, %select_n3A_760 : vector<16xi32>
      %and3A_784 = arith.andi %eq3A_782, %lt3A_783 : vector<16xi1>
      %or3A_785 = arith.ori %gt3A_781, %and3A_784 : vector<16xi1>
      %select_n3A_786 = arith.select %or3A_785, %gather3A_770, %select_n3A_759 : vector<16xi1>, vector<16xf32>
      %select_n3A_787 = arith.select %or3A_785, %gather3A_780, %select_n3A_760 : vector<16xi1>, vector<16xi32>
      %lt3A_788 = arith.constant 0 : i32
      %lt3A_789 = vector.broadcast %lt3A_788 : i32 to vector<16xi32>
      %lt3A_790 = arith.cmpi slt, %xor3A_10, %lt3A_789 : vector<16xi32>
      %add3A_791 = arith.constant 16 : i32
      %add3A_792 = vector.broadcast %add3A_791 : i32 to vector<16xi32>
      %add3A_793 = arith.addi %xor3A_10, %add3A_792 : vector<16xi32>
      %select_n3A_794 = arith.select %lt3A_790, %add3A_793, %xor3A_10 : vector<16xi1>, vector<16xi32>
      %broadcast_in_dim3A_795 = vector.shape_cast %select_n3A_794 : vector<16xi32> to vector<16x1xi32>
      %gather3A_796 = vector.shape_cast %broadcast_in_dim3A_795 : vector<16x1xi32> to vector<16xi32>
      %gather3A_797 = tpu.dynamic_gather %select_n3A_786[%gather3A_796] in [0] : vector<16xf32>, vector<16xi32> -> vector<16xf32>
      %lt3A_798 = arith.constant 0 : i32
      %lt3A_799 = vector.broadcast %lt3A_798 : i32 to vector<16xi32>
      %lt3A_800 = arith.cmpi slt, %xor3A_10, %lt3A_799 : vector<16xi32>
      %add3A_801 = arith.constant 16 : i32
      %add3A_802 = vector.broadcast %add3A_801 : i32 to vector<16xi32>
      %add3A_803 = arith.addi %xor3A_10, %add3A_802 : vector<16xi32>
      %select_n3A_804 = arith.select %lt3A_800, %add3A_803, %xor3A_10 : vector<16xi1>, vector<16xi32>
      %broadcast_in_dim3A_805 = vector.shape_cast %select_n3A_804 : vector<16xi32> to vector<16x1xi32>
      %gather3A_806 = vector.shape_cast %broadcast_in_dim3A_805 : vector<16x1xi32> to vector<16xi32>
      %gather3A_807 = tpu.dynamic_gather %select_n3A_787[%gather3A_806] in [0] : vector<16xi32>, vector<16xi32> -> vector<16xi32>
      %gt3A_808 = arith.cmpf ogt, %gather3A_797, %select_n3A_786 : vector<16xf32>
      %eq3A_809 = arith.cmpf oeq, %gather3A_797, %select_n3A_786 : vector<16xf32>
      %lt3A_810 = arith.cmpi slt, %gather3A_807, %select_n3A_787 : vector<16xi32>
      %and3A_811 = arith.andi %eq3A_809, %lt3A_810 : vector<16xi1>
      %or3A_812 = arith.ori %gt3A_808, %and3A_811 : vector<16xi1>
      %select_n3A_813 = arith.select %or3A_812, %gather3A_797, %select_n3A_786 : vector<16xi1>, vector<16xf32>
      %select_n3A_814 = arith.select %or3A_812, %gather3A_807, %select_n3A_787 : vector<16xi1>, vector<16xi32>
      %slice3A_815 = vector.extract_strided_slice %select_n3A_813 {offsets = [0], sizes = [1], strides = [1]} : vector<16xf32> to vector<1xf32>
      %squeeze3A_816 = vector.extract %slice3A_815[0] : f32 from vector<1xf32>
      %slice3A_817 = vector.extract_strided_slice %select_n3A_814 {offsets = [0], sizes = [1], strides = [1]} : vector<16xi32> to vector<1xi32>
      %squeeze3A_818 = vector.extract %slice3A_817[0] : i32 from vector<1xi32>
      %gt3A_819 = arith.constant 0.899999976 : f32
      %gt3A_820 = arith.cmpf ogt, %squeeze3A_816, %gt3A_819 : f32
      %jit3A_821 = arith.constant 0.000000e+00 : f32
      %select_n3A_822 = arith.select %gt3A_820, %squeeze3A_816, %jit3A_821 : f32
      %jit3A_823 = arith.constant 16 : i32
      %div3A_824 = arith.divsi %squeeze3A_818, %jit3A_823 : i32
      %sign3A_825 = arith.constant 0 : i32
      %sign3A_826 = arith.cmpi sgt, %squeeze3A_818, %sign3A_825 : i32
      %sign3A_827 = arith.extui %sign3A_826 : i1 to i32
      %sign3A_828 = arith.constant 0 : i32
      %sign3A_829 = arith.cmpi slt, %squeeze3A_818, %sign3A_828 : i32
      %sign3A_830 = arith.extui %sign3A_829 : i1 to i32
      %sign3A_831 = arith.subi %sign3A_827, %sign3A_830 : i32
      %sign3A_832 = arith.constant 0 : i32
      %sign3A_833 = arith.cmpi sgt, %jit3A_823, %sign3A_832 : i32
      %sign3A_834 = arith.extui %sign3A_833 : i1 to i32
      %sign3A_835 = arith.constant 0 : i32
      %sign3A_836 = arith.cmpi slt, %jit3A_823, %sign3A_835 : i32
      %sign3A_837 = arith.extui %sign3A_836 : i1 to i32
      %sign3A_838 = arith.subi %sign3A_834, %sign3A_837 : i32
      %ne3A_839 = arith.cmpi ne, %sign3A_831, %sign3A_838 : i32
      %rem3A_840 = arith.remsi %squeeze3A_818, %jit3A_823 : i32
      %ne3A_841 = arith.constant 0 : i32
      %ne3A_842 = arith.cmpi ne, %rem3A_840, %ne3A_841 : i32
      %and3A_843 = arith.andi %ne3A_839, %ne3A_842 : i1
      %sub3A_844 = arith.constant 1 : i32
      %sub3A_845 = arith.subi %div3A_824, %sub3A_844 : i32
      %select_n3A_846 = arith.select %and3A_843, %sub3A_845, %div3A_824 : i32
      %mul3A_847 = arith.constant 16 : i32
      %mul3A_848 = arith.muli %select_n3A_846, %mul3A_847 : i32
      %multiple_of3A_849 = tpu.assume_multiple %mul3A_848, 16 : i32
      %sub3A_850 = arith.subi %squeeze3A_818, %multiple_of3A_849 : i32
      %eq3A_851 = vector.broadcast %sub3A_850 : i32 to vector<16xi32>
      %eq3A_852 = arith.cmpi eq, %iota3A, %eq3A_851 : vector<16xi32>
      %jit3A_853 = arith.constant 1.000000e+00 : f32
      %jit3A_854 = arith.constant 0.000000e+00 : f32
      %broadcast_in_dim3A_855 = vector.broadcast %jit3A_853 : f32 to vector<16xf32>
      %broadcast_in_dim3A_856 = vector.broadcast %jit3A_854 : f32 to vector<16xf32>
      %select_n3A_857 = arith.select %eq3A_852, %broadcast_in_dim3A_855, %broadcast_in_dim3A_856 : vector<16xi1>, vector<16xf32>
      %swap3A_858 = arith.index_cast %multiple_of3A_849 : i32 to index
      %swap3A_859 = tpu.vector_load %arg11[%swap3A_858] {strides = array<i32>} : memref<256xf32, #tpu.memory_space<vmem>>, vector<16xf32>,
      %swap3A_860 = vector.shape_cast %swap3A_859 : vector<16xf32> to vector<16xf32>
      %swap3A_861 = vector.shape_cast %select_n3A_857 : vector<16xf32> to vector<16xf32>
      tpu.vector_store %arg11[%swap3A_858], %swap3A_861 {add = true, strides = array<i32>} : memref<256xf32, #tpu.memory_space<vmem>>, vector<16xf32>,
      %mul3A_862 = arith.constant 256 : i32
      %mul3A_863 = arith.muli %squeeze3A_818, %mul3A_862 : i32
      %get3A_864 = arith.constant 256 : index
      %get3A_865 = tpu.vector_load %arg9[%get3A_864] {strides = array<i32>} : memref<2048xf32, #tpu.memory_space<vmem>>, vector<16xf32>,
      %get3A_866 = vector.shape_cast %get3A_865 : vector<16xf32> to vector<16xf32>
      %add3A_867 = arith.constant 0 : i32
      %add3A_868 = arith.addi %mul3A_863, %add3A_867 : i32
      %multiple_of3A_869 = tpu.assume_multiple %add3A_868, 16 : i32
      %mul3A_870 = vector.broadcast %select_n3A_822 : f32 to vector<16xf32>
      %mul3A_871 = arith.mulf %get3A_866, %mul3A_870 : vector<16xf32>
      %swap3A_872 = arith.index_cast %multiple_of3A_869 : i32 to index
      %swap3A_873 = tpu.vector_load %arg10[%swap3A_872] {strides = array<i32>} : memref<65536xf32, #tpu.memory_space<vmem>>, vector<16xf32>,
      %swap3A_874 = vector.shape_cast %swap3A_873 : vector<16xf32> to vector<16xf32>
      %swap3A_875 = vector.shape_cast %mul3A_871 : vector<16xf32> to vector<16xf32>
      tpu.vector_store %arg10[%swap3A_872], %swap3A_875 {add = true, strides = array<i32>} : memref<65536xf32, #tpu.memory_space<vmem>>, vector<16xf32>,
      %get3A_876 = arith.constant 272 : index
      %get3A_877 = tpu.vector_load %arg9[%get3A_876] {strides = array<i32>} : memref<2048xf32, #tpu.memory_space<vmem>>, vector<16xf32>,
      %get3A_878 = vector.shape_cast %get3A_877 : vector<16xf32> to vector<16xf32>
      %add3A_879 = arith.constant 16 : i32
      %add3A_880 = arith.addi %mul3A_863, %add3A_879 : i32
      %multiple_of3A_881 = tpu.assume_multiple %add3A_880, 16 : i32
      %mul3A_882 = vector.broadcast %select_n3A_822 : f32 to vector<16xf32>
      %mul3A_883 = arith.mulf %get3A_878, %mul3A_882 : vector<16xf32>
      %swap3A_884 = arith.index_cast %multiple_of3A_881 : i32 to index
      %swap3A_885 = tpu.vector_load %arg10[%swap3A_884] {strides = array<i32>} : memref<65536xf32, #tpu.memory_space<vmem>>, vector<16xf32>,
      %swap3A_886 = vector.shape_cast %swap3A_885 : vector<16xf32> to vector<16xf32>
      %swap3A_887 = vector.shape_cast %mul3A_883 : vector<16xf32> to vector<16xf32>
      tpu.vector_store %arg10[%swap3A_884], %swap3A_887 {add = true, strides = array<i32>} : memref<65536xf32, #tpu.memory_space<vmem>>, vector<16xf32>,
      %get3A_888 = arith.constant 288 : index
      %get3A_889 = tpu.vector_load %arg9[%get3A_888] {strides = array<i32>} : memref<2048xf32, #tpu.memory_space<vmem>>, vector<16xf32>,
      %get3A_890 = vector.shape_cast %get3A_889 : vector<16xf32> to vector<16xf32>
      %add3A_891 = arith.constant 32 : i32
      %add3A_892 = arith.addi %mul3A_863, %add3A_891 : i32
      %multiple_of3A_893 = tpu.assume_multiple %add3A_892, 16 : i32
      %mul3A_894 = vector.broadcast %select_n3A_822 : f32 to vector<16xf32>
      %mul3A_895 = arith.mulf %get3A_890, %mul3A_894 : vector<16xf32>
      %swap3A_896 = arith.index_cast %multiple_of3A_893 : i32 to index
      %swap3A_897 = tpu.vector_load %arg10[%swap3A_896] {strides = array<i32>} : memref<65536xf32, #tpu.memory_space<vmem>>, vector<16xf32>,
      %swap3A_898 = vector.shape_cast %swap3A_897 : vector<16xf32> to vector<16xf32>
      %swap3A_899 = vector.shape_cast %mul3A_895 : vector<16xf32> to vector<16xf32>
      tpu.vector_store %arg10[%swap3A_896], %swap3A_899 {add = true, strides = array<i32>} : memref<65536xf32, #tpu.memory_space<vmem>>, vector<16xf32>,
      %get3A_900 = arith.constant 304 : index
      %get3A_901 = tpu.vector_load %arg9[%get3A_900] {strides = array<i32>} : memref<2048xf32, #tpu.memory_space<vmem>>, vector<16xf32>,
      %get3A_902 = vector.shape_cast %get3A_901 : vector<16xf32> to vector<16xf32>
      %add3A_903 = arith.constant 48 : i32
      %add3A_904 = arith.addi %mul3A_863, %add3A_903 : i32
      %multiple_of3A_905 = tpu.assume_multiple %add3A_904, 16 : i32
      %mul3A_906 = vector.broadcast %select_n3A_822 : f32 to vector<16xf32>
      %mul3A_907 = arith.mulf %get3A_902, %mul3A_906 : vector<16xf32>
      %swap3A_908 = arith.index_cast %multiple_of3A_905 : i32 to index
      %swap3A_909 = tpu.vector_load %arg10[%swap3A_908] {strides = array<i32>} : memref<65536xf32, #tpu.memory_space<vmem>>, vector<16xf32>,
      %swap3A_910 = vector.shape_cast %swap3A_909 : vector<16xf32> to vector<16xf32>
      %swap3A_911 = vector.shape_cast %mul3A_907 : vector<16xf32> to vector<16xf32>
      tpu.vector_store %arg10[%swap3A_908], %swap3A_911 {add = true, strides = array<i32>} : memref<65536xf32, #tpu.memory_space<vmem>>, vector<16xf32>,
      %get3A_912 = arith.constant 320 : index
      %get3A_913 = tpu.vector_load %arg9[%get3A_912] {strides = array<i32>} : memref<2048xf32, #tpu.memory_space<vmem>>, vector<16xf32>,
      %get3A_914 = vector.shape_cast %get3A_913 : vector<16xf32> to vector<16xf32>
      %add3A_915 = arith.constant 64 : i32
      %add3A_916 = arith.addi %mul3A_863, %add3A_915 : i32
      %multiple_of3A_917 = tpu.assume_multiple %add3A_916, 16 : i32
      %mul3A_918 = vector.broadcast %select_n3A_822 : f32 to vector<16xf32>
      %mul3A_919 = arith.mulf %get3A_914, %mul3A_918 : vector<16xf32>
      %swap3A_920 = arith.index_cast %multiple_of3A_917 : i32 to index
      %swap3A_921 = tpu.vector_load %arg10[%swap3A_920] {strides = array<i32>} : memref<65536xf32, #tpu.memory_space<vmem>>, vector<16xf32>,
      %swap3A_922 = vector.shape_cast %swap3A_921 : vector<16xf32> to vector<16xf32>
      %swap3A_923 = vector.shape_cast %mul3A_919 : vector<16xf32> to vector<16xf32>
      tpu.vector_store %arg10[%swap3A_920], %swap3A_923 {add = true, strides = array<i32>} : memref<65536xf32, #tpu.memory_space<vmem>>, vector<16xf32>,
      %get3A_924 = arith.constant 336 : index
      %get3A_925 = tpu.vector_load %arg9[%get3A_924] {strides = array<i32>} : memref<2048xf32, #tpu.memory_space<vmem>>, vector<16xf32>,
      %get3A_926 = vector.shape_cast %get3A_925 : vector<16xf32> to vector<16xf32>
      %add3A_927 = arith.constant 80 : i32
      %add3A_928 = arith.addi %mul3A_863, %add3A_927 : i32
      %multiple_of3A_929 = tpu.assume_multiple %add3A_928, 16 : i32
      %mul3A_930 = vector.broadcast %select_n3A_822 : f32 to vector<16xf32>
      %mul3A_931 = arith.mulf %get3A_926, %mul3A_930 : vector<16xf32>
      %swap3A_932 = arith.index_cast %multiple_of3A_929 : i32 to index
      %swap3A_933 = tpu.vector_load %arg10[%swap3A_932] {strides = array<i32>} : memref<65536xf32, #tpu.memory_space<vmem>>, vector<16xf32>,
      %swap3A_934 = vector.shape_cast %swap3A_933 : vector<16xf32> to vector<16xf32>
      %swap3A_935 = vector.shape_cast %mul3A_931 : vector<16xf32> to vector<16xf32>
      tpu.vector_store %arg10[%swap3A_932], %swap3A_935 {add = true, strides = array<i32>} : memref<65536xf32, #tpu.memory_space<vmem>>, vector<16xf32>,
      %get3A_936 = arith.constant 352 : index
      %get3A_937 = tpu.vector_load %arg9[%get3A_936] {strides = array<i32>} : memref<2048xf32, #tpu.memory_space<vmem>>, vector<16xf32>,
      %get3A_938 = vector.shape_cast %get3A_937 : vector<16xf32> to vector<16xf32>
      %add3A_939 = arith.constant 96 : i32
      %add3A_940 = arith.addi %mul3A_863, %add3A_939 : i32
      %multiple_of3A_941 = tpu.assume_multiple %add3A_940, 16 : i32
      %mul3A_942 = vector.broadcast %select_n3A_822 : f32 to vector<16xf32>
      %mul3A_943 = arith.mulf %get3A_938, %mul3A_942 : vector<16xf32>
      %swap3A_944 = arith.index_cast %multiple_of3A_941 : i32 to index
      %swap3A_945 = tpu.vector_load %arg10[%swap3A_944] {strides = array<i32>} : memref<65536xf32, #tpu.memory_space<vmem>>, vector<16xf32>,
      %swap3A_946 = vector.shape_cast %swap3A_945 : vector<16xf32> to vector<16xf32>
      %swap3A_947 = vector.shape_cast %mul3A_943 : vector<16xf32> to vector<16xf32>
      tpu.vector_store %arg10[%swap3A_944], %swap3A_947 {add = true, strides = array<i32>} : memref<65536xf32, #tpu.memory_space<vmem>>, vector<16xf32>,
      %get3A_948 = arith.constant 368 : index
      %get3A_949 = tpu.vector_load %arg9[%get3A_948] {strides = array<i32>} : memref<2048xf32, #tpu.memory_space<vmem>>, vector<16xf32>,
      %get3A_950 = vector.shape_cast %get3A_949 : vector<16xf32> to vector<16xf32>
      %add3A_951 = arith.constant 112 : i32
      %add3A_952 = arith.addi %mul3A_863, %add3A_951 : i32
      %multiple_of3A_953 = tpu.assume_multiple %add3A_952, 16 : i32
      %mul3A_954 = vector.broadcast %select_n3A_822 : f32 to vector<16xf32>
      %mul3A_955 = arith.mulf %get3A_950, %mul3A_954 : vector<16xf32>
      %swap3A_956 = arith.index_cast %multiple_of3A_953 : i32 to index
      %swap3A_957 = tpu.vector_load %arg10[%swap3A_956] {strides = array<i32>} : memref<65536xf32, #tpu.memory_space<vmem>>, vector<16xf32>,
      %swap3A_958 = vector.shape_cast %swap3A_957 : vector<16xf32> to vector<16xf32>
      %swap3A_959 = vector.shape_cast %mul3A_955 : vector<16xf32> to vector<16xf32>
      tpu.vector_store %arg10[%swap3A_956], %swap3A_959 {add = true, strides = array<i32>} : memref<65536xf32, #tpu.memory_space<vmem>>, vector<16xf32>,
      %get3A_960 = arith.constant 384 : index
      %get3A_961 = tpu.vector_load %arg9[%get3A_960] {strides = array<i32>} : memref<2048xf32, #tpu.memory_space<vmem>>, vector<16xf32>,
      %get3A_962 = vector.shape_cast %get3A_961 : vector<16xf32> to vector<16xf32>
      %add3A_963 = arith.constant 128 : i32
      %add3A_964 = arith.addi %mul3A_863, %add3A_963 : i32
      %multiple_of3A_965 = tpu.assume_multiple %add3A_964, 16 : i32
      %mul3A_966 = vector.broadcast %select_n3A_822 : f32 to vector<16xf32>
      %mul3A_967 = arith.mulf %get3A_962, %mul3A_966 : vector<16xf32>
      %swap3A_968 = arith.index_cast %multiple_of3A_965 : i32 to index
      %swap3A_969 = tpu.vector_load %arg10[%swap3A_968] {strides = array<i32>} : memref<65536xf32, #tpu.memory_space<vmem>>, vector<16xf32>,
      %swap3A_970 = vector.shape_cast %swap3A_969 : vector<16xf32> to vector<16xf32>
      %swap3A_971 = vector.shape_cast %mul3A_967 : vector<16xf32> to vector<16xf32>
      tpu.vector_store %arg10[%swap3A_968], %swap3A_971 {add = true, strides = array<i32>} : memref<65536xf32, #tpu.memory_space<vmem>>, vector<16xf32>,
      %get3A_972 = arith.constant 400 : index
      %get3A_973 = tpu.vector_load %arg9[%get3A_972] {strides = array<i32>} : memref<2048xf32, #tpu.memory_space<vmem>>, vector<16xf32>,
      %get3A_974 = vector.shape_cast %get3A_973 : vector<16xf32> to vector<16xf32>
      %add3A_975 = arith.constant 144 : i32
      %add3A_976 = arith.addi %mul3A_863, %add3A_975 : i32
      %multiple_of3A_977 = tpu.assume_multiple %add3A_976, 16 : i32
      %mul3A_978 = vector.broadcast %select_n3A_822 : f32 to vector<16xf32>
      %mul3A_979 = arith.mulf %get3A_974, %mul3A_978 : vector<16xf32>
      %swap3A_980 = arith.index_cast %multiple_of3A_977 : i32 to index
      %swap3A_981 = tpu.vector_load %arg10[%swap3A_980] {strides = array<i32>} : memref<65536xf32, #tpu.memory_space<vmem>>, vector<16xf32>,
      %swap3A_982 = vector.shape_cast %swap3A_981 : vector<16xf32> to vector<16xf32>
      %swap3A_983 = vector.shape_cast %mul3A_979 : vector<16xf32> to vector<16xf32>
      tpu.vector_store %arg10[%swap3A_980], %swap3A_983 {add = true, strides = array<i32>} : memref<65536xf32, #tpu.memory_space<vmem>>, vector<16xf32>,
      %get3A_984 = arith.constant 416 : index
      %get3A_985 = tpu.vector_load %arg9[%get3A_984] {strides = array<i32>} : memref<2048xf32, #tpu.memory_space<vmem>>, vector<16xf32>,
      %get3A_986 = vector.shape_cast %get3A_985 : vector<16xf32> to vector<16xf32>
      %add3A_987 = arith.constant 160 : i32
      %add3A_988 = arith.addi %mul3A_863, %add3A_987 : i32
      %multiple_of3A_989 = tpu.assume_multiple %add3A_988, 16 : i32
      %mul3A_990 = vector.broadcast %select_n3A_822 : f32 to vector<16xf32>
      %mul3A_991 = arith.mulf %get3A_986, %mul3A_990 : vector<16xf32>
      %swap3A_992 = arith.index_cast %multiple_of3A_989 : i32 to index
      %swap3A_993 = tpu.vector_load %arg10[%swap3A_992] {strides = array<i32>} : memref<65536xf32, #tpu.memory_space<vmem>>, vector<16xf32>,
      %swap3A_994 = vector.shape_cast %swap3A_993 : vector<16xf32> to vector<16xf32>
      %swap3A_995 = vector.shape_cast %mul3A_991 : vector<16xf32> to vector<16xf32>
      tpu.vector_store %arg10[%swap3A_992], %swap3A_995 {add = true, strides = array<i32>} : memref<65536xf32, #tpu.memory_space<vmem>>, vector<16xf32>,
      %get3A_996 = arith.constant 432 : index
      %get3A_997 = tpu.vector_load %arg9[%get3A_996] {strides = array<i32>} : memref<2048xf32, #tpu.memory_space<vmem>>, vector<16xf32>,
      %get3A_998 = vector.shape_cast %get3A_997 : vector<16xf32> to vector<16xf32>
      %add3A_999 = arith.constant 176 : i32
      %add3A_1000 = arith.addi %mul3A_863, %add3A_999 : i32
      %multiple_of3A_1001 = tpu.assume_multiple %add3A_1000, 16 : i32
      %mul3A_1002 = vector.broadcast %select_n3A_822 : f32 to vector<16xf32>
      %mul3A_1003 = arith.mulf %get3A_998, %mul3A_1002 : vector<16xf32>
      %swap3A_1004 = arith.index_cast %multiple_of3A_1001 : i32 to index
      %swap3A_1005 = tpu.vector_load %arg10[%swap3A_1004] {strides = array<i32>} : memref<65536xf32, #tpu.memory_space<vmem>>, vector<16xf32>,
      %swap3A_1006 = vector.shape_cast %swap3A_1005 : vector<16xf32> to vector<16xf32>
      %swap3A_1007 = vector.shape_cast %mul3A_1003 : vector<16xf32> to vector<16xf32>
      tpu.vector_store %arg10[%swap3A_1004], %swap3A_1007 {add = true, strides = array<i32>} : memref<65536xf32, #tpu.memory_space<vmem>>, vector<16xf32>,
      %get3A_1008 = arith.constant 448 : index
      %get3A_1009 = tpu.vector_load %arg9[%get3A_1008] {strides = array<i32>} : memref<2048xf32, #tpu.memory_space<vmem>>, vector<16xf32>,
      %get3A_1010 = vector.shape_cast %get3A_1009 : vector<16xf32> to vector<16xf32>
      %add3A_1011 = arith.constant 192 : i32
      %add3A_1012 = arith.addi %mul3A_863, %add3A_1011 : i32
      %multiple_of3A_1013 = tpu.assume_multiple %add3A_1012, 16 : i32
      %mul3A_1014 = vector.broadcast %select_n3A_822 : f32 to vector<16xf32>
      %mul3A_1015 = arith.mulf %get3A_1010, %mul3A_1014 : vector<16xf32>
      %swap3A_1016 = arith.index_cast %multiple_of3A_1013 : i32 to index
      %swap3A_1017 = tpu.vector_load %arg10[%swap3A_1016] {strides = array<i32>} : memref<65536xf32, #tpu.memory_space<vmem>>, vector<16xf32>,
      %swap3A_1018 = vector.shape_cast %swap3A_1017 : vector<16xf32> to vector<16xf32>
      %swap3A_1019 = vector.shape_cast %mul3A_1015 : vector<16xf32> to vector<16xf32>
      tpu.vector_store %arg10[%swap3A_1016], %swap3A_1019 {add = true, strides = array<i32>} : memref<65536xf32, #tpu.memory_space<vmem>>, vector<16xf32>,
      %get3A_1020 = arith.constant 464 : index
      %get3A_1021 = tpu.vector_load %arg9[%get3A_1020] {strides = array<i32>} : memref<2048xf32, #tpu.memory_space<vmem>>, vector<16xf32>,
      %get3A_1022 = vector.shape_cast %get3A_1021 : vector<16xf32> to vector<16xf32>
      %add3A_1023 = arith.constant 208 : i32
      %add3A_1024 = arith.addi %mul3A_863, %add3A_1023 : i32
      %multiple_of3A_1025 = tpu.assume_multiple %add3A_1024, 16 : i32
      %mul3A_1026 = vector.broadcast %select_n3A_822 : f32 to vector<16xf32>
      %mul3A_1027 = arith.mulf %get3A_1022, %mul3A_1026 : vector<16xf32>
      %swap3A_1028 = arith.index_cast %multiple_of3A_1025 : i32 to index
      %swap3A_1029 = tpu.vector_load %arg10[%swap3A_1028] {strides = array<i32>} : memref<65536xf32, #tpu.memory_space<vmem>>, vector<16xf32>,
      %swap3A_1030 = vector.shape_cast %swap3A_1029 : vector<16xf32> to vector<16xf32>
      %swap3A_1031 = vector.shape_cast %mul3A_1027 : vector<16xf32> to vector<16xf32>
      tpu.vector_store %arg10[%swap3A_1028], %swap3A_1031 {add = true, strides = array<i32>} : memref<65536xf32, #tpu.memory_space<vmem>>, vector<16xf32>,
      %get3A_1032 = arith.constant 480 : index
      %get3A_1033 = tpu.vector_load %arg9[%get3A_1032] {strides = array<i32>} : memref<2048xf32, #tpu.memory_space<vmem>>, vector<16xf32>,
      %get3A_1034 = vector.shape_cast %get3A_1033 : vector<16xf32> to vector<16xf32>
      %add3A_1035 = arith.constant 224 : i32
      %add3A_1036 = arith.addi %mul3A_863, %add3A_1035 : i32
      %multiple_of3A_1037 = tpu.assume_multiple %add3A_1036, 16 : i32
      %mul3A_1038 = vector.broadcast %select_n3A_822 : f32 to vector<16xf32>
      %mul3A_1039 = arith.mulf %get3A_1034, %mul3A_1038 : vector<16xf32>
      %swap3A_1040 = arith.index_cast %multiple_of3A_1037 : i32 to index
      %swap3A_1041 = tpu.vector_load %arg10[%swap3A_1040] {strides = array<i32>} : memref<65536xf32, #tpu.memory_space<vmem>>, vector<16xf32>,
      %swap3A_1042 = vector.shape_cast %swap3A_1041 : vector<16xf32> to vector<16xf32>
      %swap3A_1043 = vector.shape_cast %mul3A_1039 : vector<16xf32> to vector<16xf32>
      tpu.vector_store %arg10[%swap3A_1040], %swap3A_1043 {add = true, strides = array<i32>} : memref<65536xf32, #tpu.memory_space<vmem>>, vector<16xf32>,
      %get3A_1044 = arith.constant 496 : index
      %get3A_1045 = tpu.vector_load %arg9[%get3A_1044] {strides = array<i32>} : memref<2048xf32, #tpu.memory_space<vmem>>, vector<16xf32>,
      %get3A_1046 = vector.shape_cast %get3A_1045 : vector<16xf32> to vector<16xf32>
      %add3A_1047 = arith.constant 240 : i32
      %add3A_1048 = arith.addi %mul3A_863, %add3A_1047 : i32
      %multiple_of3A_1049 = tpu.assume_multiple %add3A_1048, 16 : i32
      %mul3A_1050 = vector.broadcast %select_n3A_822 : f32 to vector<16xf32>
      %mul3A_1051 = arith.mulf %get3A_1046, %mul3A_1050 : vector<16xf32>
      %swap3A_1052 = arith.index_cast %multiple_of3A_1049 : i32 to index
      %swap3A_1053 = tpu.vector_load %arg10[%swap3A_1052] {strides = array<i32>} : memref<65536xf32, #tpu.memory_space<vmem>>, vector<16xf32>,
      %swap3A_1054 = vector.shape_cast %swap3A_1053 : vector<16xf32> to vector<16xf32>
      %swap3A_1055 = vector.shape_cast %mul3A_1051 : vector<16xf32> to vector<16xf32>
      tpu.vector_store %arg10[%swap3A_1052], %swap3A_1055 {add = true, strides = array<i32>} : memref<65536xf32, #tpu.memory_space<vmem>>, vector<16xf32>,
      %get3A_1056 = arith.constant 512 : index
      %get3A_1057 = tpu.vector_load %arg8[%get3A_1056] {strides = array<i32>} : memref<2048xf32, #tpu.memory_space<vmem>>, vector<16xf32>,
      %get3A_1058 = vector.shape_cast %get3A_1057 : vector<16xf32> to vector<16xf32>
      %get3A_1059 = arith.constant 528 : index
      %get3A_1060 = tpu.vector_load %arg8[%get3A_1059] {strides = array<i32>} : memref<2048xf32, #tpu.memory_space<vmem>>, vector<16xf32>,
      %get3A_1061 = vector.shape_cast %get3A_1060 : vector<16xf32> to vector<16xf32>
      %gt3A_1062 = arith.cmpf ogt, %get3A_1061, %get3A_1058 : vector<16xf32>
      %select_n3A_1063 = arith.select %gt3A_1062, %get3A_1061, %get3A_1058 : vector<16xi1>, vector<16xf32>
      %add3A_1064 = arith.constant 16 : i32
      %add3A_1065 = vector.broadcast %add3A_1064 : i32 to vector<16xi32>
      %add3A_1066 = arith.addi %iota3A, %add3A_1065 : vector<16xi32>
      %select_n3A_1067 = arith.select %gt3A_1062, %add3A_1066, %iota3A : vector<16xi1>, vector<16xi32>
      %get3A_1068 = arith.constant 544 : index
      %get3A_1069 = tpu.vector_load %arg8[%get3A_1068] {strides = array<i32>} : memref<2048xf32, #tpu.memory_space<vmem>>, vector<16xf32>,
      %get3A_1070 = vector.shape_cast %get3A_1069 : vector<16xf32> to vector<16xf32>
      %gt3A_1071 = arith.cmpf ogt, %get3A_1070, %select_n3A_1063 : vector<16xf32>
      %select_n3A_1072 = arith.select %gt3A_1071, %get3A_1070, %select_n3A_1063 : vector<16xi1>, vector<16xf32>
      %add3A_1073 = arith.constant 32 : i32
      %add3A_1074 = vector.broadcast %add3A_1073 : i32 to vector<16xi32>
      %add3A_1075 = arith.addi %iota3A, %add3A_1074 : vector<16xi32>
      %select_n3A_1076 = arith.select %gt3A_1071, %add3A_1075, %select_n3A_1067 : vector<16xi1>, vector<16xi32>
      %get3A_1077 = arith.constant 560 : index
      %get3A_1078 = tpu.vector_load %arg8[%get3A_1077] {strides = array<i32>} : memref<2048xf32, #tpu.memory_space<vmem>>, vector<16xf32>,
      %get3A_1079 = vector.shape_cast %get3A_1078 : vector<16xf32> to vector<16xf32>
      %gt3A_1080 = arith.cmpf ogt, %get3A_1079, %select_n3A_1072 : vector<16xf32>
      %select_n3A_1081 = arith.select %gt3A_1080, %get3A_1079, %select_n3A_1072 : vector<16xi1>, vector<16xf32>
      %add3A_1082 = arith.constant 48 : i32
      %add3A_1083 = vector.broadcast %add3A_1082 : i32 to vector<16xi32>
      %add3A_1084 = arith.addi %iota3A, %add3A_1083 : vector<16xi32>
      %select_n3A_1085 = arith.select %gt3A_1080, %add3A_1084, %select_n3A_1076 : vector<16xi1>, vector<16xi32>
      %get3A_1086 = arith.constant 576 : index
      %get3A_1087 = tpu.vector_load %arg8[%get3A_1086] {strides = array<i32>} : memref<2048xf32, #tpu.memory_space<vmem>>, vector<16xf32>,
      %get3A_1088 = vector.shape_cast %get3A_1087 : vector<16xf32> to vector<16xf32>
      %gt3A_1089 = arith.cmpf ogt, %get3A_1088, %select_n3A_1081 : vector<16xf32>
      %select_n3A_1090 = arith.select %gt3A_1089, %get3A_1088, %select_n3A_1081 : vector<16xi1>, vector<16xf32>
      %add3A_1091 = arith.constant 64 : i32
      %add3A_1092 = vector.broadcast %add3A_1091 : i32 to vector<16xi32>
      %add3A_1093 = arith.addi %iota3A, %add3A_1092 : vector<16xi32>
      %select_n3A_1094 = arith.select %gt3A_1089, %add3A_1093, %select_n3A_1085 : vector<16xi1>, vector<16xi32>
      %get3A_1095 = arith.constant 592 : index
      %get3A_1096 = tpu.vector_load %arg8[%get3A_1095] {strides = array<i32>} : memref<2048xf32, #tpu.memory_space<vmem>>, vector<16xf32>,
      %get3A_1097 = vector.shape_cast %get3A_1096 : vector<16xf32> to vector<16xf32>
      %gt3A_1098 = arith.cmpf ogt, %get3A_1097, %select_n3A_1090 : vector<16xf32>
      %select_n3A_1099 = arith.select %gt3A_1098, %get3A_1097, %select_n3A_1090 : vector<16xi1>, vector<16xf32>
      %add3A_1100 = arith.constant 80 : i32
      %add3A_1101 = vector.broadcast %add3A_1100 : i32 to vector<16xi32>
      %add3A_1102 = arith.addi %iota3A, %add3A_1101 : vector<16xi32>
      %select_n3A_1103 = arith.select %gt3A_1098, %add3A_1102, %select_n3A_1094 : vector<16xi1>, vector<16xi32>
      %get3A_1104 = arith.constant 608 : index
      %get3A_1105 = tpu.vector_load %arg8[%get3A_1104] {strides = array<i32>} : memref<2048xf32, #tpu.memory_space<vmem>>, vector<16xf32>,
      %get3A_1106 = vector.shape_cast %get3A_1105 : vector<16xf32> to vector<16xf32>
      %gt3A_1107 = arith.cmpf ogt, %get3A_1106, %select_n3A_1099 : vector<16xf32>
      %select_n3A_1108 = arith.select %gt3A_1107, %get3A_1106, %select_n3A_1099 : vector<16xi1>, vector<16xf32>
      %add3A_1109 = arith.constant 96 : i32
      %add3A_1110 = vector.broadcast %add3A_1109 : i32 to vector<16xi32>
      %add3A_1111 = arith.addi %iota3A, %add3A_1110 : vector<16xi32>
      %select_n3A_1112 = arith.select %gt3A_1107, %add3A_1111, %select_n3A_1103 : vector<16xi1>, vector<16xi32>
      %get3A_1113 = arith.constant 624 : index
      %get3A_1114 = tpu.vector_load %arg8[%get3A_1113] {strides = array<i32>} : memref<2048xf32, #tpu.memory_space<vmem>>, vector<16xf32>,
      %get3A_1115 = vector.shape_cast %get3A_1114 : vector<16xf32> to vector<16xf32>
      %gt3A_1116 = arith.cmpf ogt, %get3A_1115, %select_n3A_1108 : vector<16xf32>
      %select_n3A_1117 = arith.select %gt3A_1116, %get3A_1115, %select_n3A_1108 : vector<16xi1>, vector<16xf32>
      %add3A_1118 = arith.constant 112 : i32
      %add3A_1119 = vector.broadcast %add3A_1118 : i32 to vector<16xi32>
      %add3A_1120 = arith.addi %iota3A, %add3A_1119 : vector<16xi32>
      %select_n3A_1121 = arith.select %gt3A_1116, %add3A_1120, %select_n3A_1112 : vector<16xi1>, vector<16xi32>
      %get3A_1122 = arith.constant 640 : index
      %get3A_1123 = tpu.vector_load %arg8[%get3A_1122] {strides = array<i32>} : memref<2048xf32, #tpu.memory_space<vmem>>, vector<16xf32>,
      %get3A_1124 = vector.shape_cast %get3A_1123 : vector<16xf32> to vector<16xf32>
      %gt3A_1125 = arith.cmpf ogt, %get3A_1124, %select_n3A_1117 : vector<16xf32>
      %select_n3A_1126 = arith.select %gt3A_1125, %get3A_1124, %select_n3A_1117 : vector<16xi1>, vector<16xf32>
      %add3A_1127 = arith.constant 128 : i32
      %add3A_1128 = vector.broadcast %add3A_1127 : i32 to vector<16xi32>
      %add3A_1129 = arith.addi %iota3A, %add3A_1128 : vector<16xi32>
      %select_n3A_1130 = arith.select %gt3A_1125, %add3A_1129, %select_n3A_1121 : vector<16xi1>, vector<16xi32>
      %get3A_1131 = arith.constant 656 : index
      %get3A_1132 = tpu.vector_load %arg8[%get3A_1131] {strides = array<i32>} : memref<2048xf32, #tpu.memory_space<vmem>>, vector<16xf32>,
      %get3A_1133 = vector.shape_cast %get3A_1132 : vector<16xf32> to vector<16xf32>
      %gt3A_1134 = arith.cmpf ogt, %get3A_1133, %select_n3A_1126 : vector<16xf32>
      %select_n3A_1135 = arith.select %gt3A_1134, %get3A_1133, %select_n3A_1126 : vector<16xi1>, vector<16xf32>
      %add3A_1136 = arith.constant 144 : i32
      %add3A_1137 = vector.broadcast %add3A_1136 : i32 to vector<16xi32>
      %add3A_1138 = arith.addi %iota3A, %add3A_1137 : vector<16xi32>
      %select_n3A_1139 = arith.select %gt3A_1134, %add3A_1138, %select_n3A_1130 : vector<16xi1>, vector<16xi32>
      %get3A_1140 = arith.constant 672 : index
      %get3A_1141 = tpu.vector_load %arg8[%get3A_1140] {strides = array<i32>} : memref<2048xf32, #tpu.memory_space<vmem>>, vector<16xf32>,
      %get3A_1142 = vector.shape_cast %get3A_1141 : vector<16xf32> to vector<16xf32>
      %gt3A_1143 = arith.cmpf ogt, %get3A_1142, %select_n3A_1135 : vector<16xf32>
      %select_n3A_1144 = arith.select %gt3A_1143, %get3A_1142, %select_n3A_1135 : vector<16xi1>, vector<16xf32>
      %add3A_1145 = arith.constant 160 : i32
      %add3A_1146 = vector.broadcast %add3A_1145 : i32 to vector<16xi32>
      %add3A_1147 = arith.addi %iota3A, %add3A_1146 : vector<16xi32>
      %select_n3A_1148 = arith.select %gt3A_1143, %add3A_1147, %select_n3A_1139 : vector<16xi1>, vector<16xi32>
      %get3A_1149 = arith.constant 688 : index
      %get3A_1150 = tpu.vector_load %arg8[%get3A_1149] {strides = array<i32>} : memref<2048xf32, #tpu.memory_space<vmem>>, vector<16xf32>,
      %get3A_1151 = vector.shape_cast %get3A_1150 : vector<16xf32> to vector<16xf32>
      %gt3A_1152 = arith.cmpf ogt, %get3A_1151, %select_n3A_1144 : vector<16xf32>
      %select_n3A_1153 = arith.select %gt3A_1152, %get3A_1151, %select_n3A_1144 : vector<16xi1>, vector<16xf32>
      %add3A_1154 = arith.constant 176 : i32
      %add3A_1155 = vector.broadcast %add3A_1154 : i32 to vector<16xi32>
      %add3A_1156 = arith.addi %iota3A, %add3A_1155 : vector<16xi32>
      %select_n3A_1157 = arith.select %gt3A_1152, %add3A_1156, %select_n3A_1148 : vector<16xi1>, vector<16xi32>
      %get3A_1158 = arith.constant 704 : index
      %get3A_1159 = tpu.vector_load %arg8[%get3A_1158] {strides = array<i32>} : memref<2048xf32, #tpu.memory_space<vmem>>, vector<16xf32>,
      %get3A_1160 = vector.shape_cast %get3A_1159 : vector<16xf32> to vector<16xf32>
      %gt3A_1161 = arith.cmpf ogt, %get3A_1160, %select_n3A_1153 : vector<16xf32>
      %select_n3A_1162 = arith.select %gt3A_1161, %get3A_1160, %select_n3A_1153 : vector<16xi1>, vector<16xf32>
      %add3A_1163 = arith.constant 192 : i32
      %add3A_1164 = vector.broadcast %add3A_1163 : i32 to vector<16xi32>
      %add3A_1165 = arith.addi %iota3A, %add3A_1164 : vector<16xi32>
      %select_n3A_1166 = arith.select %gt3A_1161, %add3A_1165, %select_n3A_1157 : vector<16xi1>, vector<16xi32>
      %get3A_1167 = arith.constant 720 : index
      %get3A_1168 = tpu.vector_load %arg8[%get3A_1167] {strides = array<i32>} : memref<2048xf32, #tpu.memory_space<vmem>>, vector<16xf32>,
      %get3A_1169 = vector.shape_cast %get3A_1168 : vector<16xf32> to vector<16xf32>
      %gt3A_1170 = arith.cmpf ogt, %get3A_1169, %select_n3A_1162 : vector<16xf32>
      %select_n3A_1171 = arith.select %gt3A_1170, %get3A_1169, %select_n3A_1162 : vector<16xi1>, vector<16xf32>
      %add3A_1172 = arith.constant 208 : i32
      %add3A_1173 = vector.broadcast %add3A_1172 : i32 to vector<16xi32>
      %add3A_1174 = arith.addi %iota3A, %add3A_1173 : vector<16xi32>
      %select_n3A_1175 = arith.select %gt3A_1170, %add3A_1174, %select_n3A_1166 : vector<16xi1>, vector<16xi32>
      %get3A_1176 = arith.constant 736 : index
      %get3A_1177 = tpu.vector_load %arg8[%get3A_1176] {strides = array<i32>} : memref<2048xf32, #tpu.memory_space<vmem>>, vector<16xf32>,
      %get3A_1178 = vector.shape_cast %get3A_1177 : vector<16xf32> to vector<16xf32>
      %gt3A_1179 = arith.cmpf ogt, %get3A_1178, %select_n3A_1171 : vector<16xf32>
      %select_n3A_1180 = arith.select %gt3A_1179, %get3A_1178, %select_n3A_1171 : vector<16xi1>, vector<16xf32>
      %add3A_1181 = arith.constant 224 : i32
      %add3A_1182 = vector.broadcast %add3A_1181 : i32 to vector<16xi32>
      %add3A_1183 = arith.addi %iota3A, %add3A_1182 : vector<16xi32>
      %select_n3A_1184 = arith.select %gt3A_1179, %add3A_1183, %select_n3A_1175 : vector<16xi1>, vector<16xi32>
      %get3A_1185 = arith.constant 752 : index
      %get3A_1186 = tpu.vector_load %arg8[%get3A_1185] {strides = array<i32>} : memref<2048xf32, #tpu.memory_space<vmem>>, vector<16xf32>,
      %get3A_1187 = vector.shape_cast %get3A_1186 : vector<16xf32> to vector<16xf32>
      %gt3A_1188 = arith.cmpf ogt, %get3A_1187, %select_n3A_1180 : vector<16xf32>
      %select_n3A_1189 = arith.select %gt3A_1188, %get3A_1187, %select_n3A_1180 : vector<16xi1>, vector<16xf32>
      %add3A_1190 = arith.constant 240 : i32
      %add3A_1191 = vector.broadcast %add3A_1190 : i32 to vector<16xi32>
      %add3A_1192 = arith.addi %iota3A, %add3A_1191 : vector<16xi32>
      %select_n3A_1193 = arith.select %gt3A_1188, %add3A_1192, %select_n3A_1184 : vector<16xi1>, vector<16xi32>
      %lt3A_1194 = arith.constant 0 : i32
      %lt3A_1195 = vector.broadcast %lt3A_1194 : i32 to vector<16xi32>
      %lt3A_1196 = arith.cmpi slt, %xor3A_1, %lt3A_1195 : vector<16xi32>
      %add3A_1197 = arith.constant 16 : i32
      %add3A_1198 = vector.broadcast %add3A_1197 : i32 to vector<16xi32>
      %add3A_1199 = arith.addi %xor3A_1, %add3A_1198 : vector<16xi32>
      %select_n3A_1200 = arith.select %lt3A_1196, %add3A_1199, %xor3A_1 : vector<16xi1>, vector<16xi32>
      %broadcast_in_dim3A_1201 = vector.shape_cast %select_n3A_1200 : vector<16xi32> to vector<16x1xi32>
      %gather3A_1202 = vector.shape_cast %broadcast_in_dim3A_1201 : vector<16x1xi32> to vector<16xi32>
      %gather3A_1203 = tpu.dynamic_gather %select_n3A_1189[%gather3A_1202] in [0] : vector<16xf32>, vector<16xi32> -> vector<16xf32>
      %lt3A_1204 = arith.constant 0 : i32
      %lt3A_1205 = vector.broadcast %lt3A_1204 : i32 to vector<16xi32>
      %lt3A_1206 = arith.cmpi slt, %xor3A_1, %lt3A_1205 : vector<16xi32>
      %add3A_1207 = arith.constant 16 : i32
      %add3A_1208 = vector.broadcast %add3A_1207 : i32 to vector<16xi32>
      %add3A_1209 = arith.addi %xor3A_1, %add3A_1208 : vector<16xi32>
      %select_n3A_1210 = arith.select %lt3A_1206, %add3A_1209, %xor3A_1 : vector<16xi1>, vector<16xi32>
      %broadcast_in_dim3A_1211 = vector.shape_cast %select_n3A_1210 : vector<16xi32> to vector<16x1xi32>
      %gather3A_1212 = vector.shape_cast %broadcast_in_dim3A_1211 : vector<16x1xi32> to vector<16xi32>
      %gather3A_1213 = tpu.dynamic_gather %select_n3A_1193[%gather3A_1212] in [0] : vector<16xi32>, vector<16xi32> -> vector<16xi32>
      %gt3A_1214 = arith.cmpf ogt, %gather3A_1203, %select_n3A_1189 : vector<16xf32>
      %eq3A_1215 = arith.cmpf oeq, %gather3A_1203, %select_n3A_1189 : vector<16xf32>
      %lt3A_1216 = arith.cmpi slt, %gather3A_1213, %select_n3A_1193 : vector<16xi32>
      %and3A_1217 = arith.andi %eq3A_1215, %lt3A_1216 : vector<16xi1>
      %or3A_1218 = arith.ori %gt3A_1214, %and3A_1217 : vector<16xi1>
      %select_n3A_1219 = arith.select %or3A_1218, %gather3A_1203, %select_n3A_1189 : vector<16xi1>, vector<16xf32>
      %select_n3A_1220 = arith.select %or3A_1218, %gather3A_1213, %select_n3A_1193 : vector<16xi1>, vector<16xi32>
      %lt3A_1221 = arith.constant 0 : i32
      %lt3A_1222 = vector.broadcast %lt3A_1221 : i32 to vector<16xi32>
      %lt3A_1223 = arith.cmpi slt, %xor3A_4, %lt3A_1222 : vector<16xi32>
      %add3A_1224 = arith.constant 16 : i32
      %add3A_1225 = vector.broadcast %add3A_1224 : i32 to vector<16xi32>
      %add3A_1226 = arith.addi %xor3A_4, %add3A_1225 : vector<16xi32>
      %select_n3A_1227 = arith.select %lt3A_1223, %add3A_1226, %xor3A_4 : vector<16xi1>, vector<16xi32>
      %broadcast_in_dim3A_1228 = vector.shape_cast %select_n3A_1227 : vector<16xi32> to vector<16x1xi32>
      %gather3A_1229 = vector.shape_cast %broadcast_in_dim3A_1228 : vector<16x1xi32> to vector<16xi32>
      %gather3A_1230 = tpu.dynamic_gather %select_n3A_1219[%gather3A_1229] in [0] : vector<16xf32>, vector<16xi32> -> vector<16xf32>
      %lt3A_1231 = arith.constant 0 : i32
      %lt3A_1232 = vector.broadcast %lt3A_1231 : i32 to vector<16xi32>
      %lt3A_1233 = arith.cmpi slt, %xor3A_4, %lt3A_1232 : vector<16xi32>
      %add3A_1234 = arith.constant 16 : i32
      %add3A_1235 = vector.broadcast %add3A_1234 : i32 to vector<16xi32>
      %add3A_1236 = arith.addi %xor3A_4, %add3A_1235 : vector<16xi32>
      %select_n3A_1237 = arith.select %lt3A_1233, %add3A_1236, %xor3A_4 : vector<16xi1>, vector<16xi32>
      %broadcast_in_dim3A_1238 = vector.shape_cast %select_n3A_1237 : vector<16xi32> to vector<16x1xi32>
      %gather3A_1239 = vector.shape_cast %broadcast_in_dim3A_1238 : vector<16x1xi32> to vector<16xi32>
      %gather3A_1240 = tpu.dynamic_gather %select_n3A_1220[%gather3A_1239] in [0] : vector<16xi32>, vector<16xi32> -> vector<16xi32>
      %gt3A_1241 = arith.cmpf ogt, %gather3A_1230, %select_n3A_1219 : vector<16xf32>
      %eq3A_1242 = arith.cmpf oeq, %gather3A_1230, %select_n3A_1219 : vector<16xf32>
      %lt3A_1243 = arith.cmpi slt, %gather3A_1240, %select_n3A_1220 : vector<16xi32>
      %and3A_1244 = arith.andi %eq3A_1242, %lt3A_1243 : vector<16xi1>
      %or3A_1245 = arith.ori %gt3A_1241, %and3A_1244 : vector<16xi1>
      %select_n3A_1246 = arith.select %or3A_1245, %gather3A_1230, %select_n3A_1219 : vector<16xi1>, vector<16xf32>
      %select_n3A_1247 = arith.select %or3A_1245, %gather3A_1240, %select_n3A_1220 : vector<16xi1>, vector<16xi32>
      %lt3A_1248 = arith.constant 0 : i32
      %lt3A_1249 = vector.broadcast %lt3A_1248 : i32 to vector<16xi32>
      %lt3A_1250 = arith.cmpi slt, %xor3A_7, %lt3A_1249 : vector<16xi32>
      %add3A_1251 = arith.constant 16 : i32
      %add3A_1252 = vector.broadcast %add3A_1251 : i32 to vector<16xi32>
      %add3A_1253 = arith.addi %xor3A_7, %add3A_1252 : vector<16xi32>
      %select_n3A_1254 = arith.select %lt3A_1250, %add3A_1253, %xor3A_7 : vector<16xi1>, vector<16xi32>
      %broadcast_in_dim3A_1255 = vector.shape_cast %select_n3A_1254 : vector<16xi32> to vector<16x1xi32>
      %gather3A_1256 = vector.shape_cast %broadcast_in_dim3A_1255 : vector<16x1xi32> to vector<16xi32>
      %gather3A_1257 = tpu.dynamic_gather %select_n3A_1246[%gather3A_1256] in [0] : vector<16xf32>, vector<16xi32> -> vector<16xf32>
      %lt3A_1258 = arith.constant 0 : i32
      %lt3A_1259 = vector.broadcast %lt3A_1258 : i32 to vector<16xi32>
      %lt3A_1260 = arith.cmpi slt, %xor3A_7, %lt3A_1259 : vector<16xi32>
      %add3A_1261 = arith.constant 16 : i32
      %add3A_1262 = vector.broadcast %add3A_1261 : i32 to vector<16xi32>
      %add3A_1263 = arith.addi %xor3A_7, %add3A_1262 : vector<16xi32>
      %select_n3A_1264 = arith.select %lt3A_1260, %add3A_1263, %xor3A_7 : vector<16xi1>, vector<16xi32>
      %broadcast_in_dim3A_1265 = vector.shape_cast %select_n3A_1264 : vector<16xi32> to vector<16x1xi32>
      %gather3A_1266 = vector.shape_cast %broadcast_in_dim3A_1265 : vector<16x1xi32> to vector<16xi32>
      %gather3A_1267 = tpu.dynamic_gather %select_n3A_1247[%gather3A_1266] in [0] : vector<16xi32>, vector<16xi32> -> vector<16xi32>
      %gt3A_1268 = arith.cmpf ogt, %gather3A_1257, %select_n3A_1246 : vector<16xf32>
      %eq3A_1269 = arith.cmpf oeq, %gather3A_1257, %select_n3A_1246 : vector<16xf32>
      %lt3A_1270 = arith.cmpi slt, %gather3A_1267, %select_n3A_1247 : vector<16xi32>
      %and3A_1271 = arith.andi %eq3A_1269, %lt3A_1270 : vector<16xi1>
      %or3A_1272 = arith.ori %gt3A_1268, %and3A_1271 : vector<16xi1>
      %select_n3A_1273 = arith.select %or3A_1272, %gather3A_1257, %select_n3A_1246 : vector<16xi1>, vector<16xf32>
      %select_n3A_1274 = arith.select %or3A_1272, %gather3A_1267, %select_n3A_1247 : vector<16xi1>, vector<16xi32>
      %lt3A_1275 = arith.constant 0 : i32
      %lt3A_1276 = vector.broadcast %lt3A_1275 : i32 to vector<16xi32>
      %lt3A_1277 = arith.cmpi slt, %xor3A_10, %lt3A_1276 : vector<16xi32>
      %add3A_1278 = arith.constant 16 : i32
      %add3A_1279 = vector.broadcast %add3A_1278 : i32 to vector<16xi32>
      %add3A_1280 = arith.addi %xor3A_10, %add3A_1279 : vector<16xi32>
      %select_n3A_1281 = arith.select %lt3A_1277, %add3A_1280, %xor3A_10 : vector<16xi1>, vector<16xi32>
      %broadcast_in_dim3A_1282 = vector.shape_cast %select_n3A_1281 : vector<16xi32> to vector<16x1xi32>
      %gather3A_1283 = vector.shape_cast %broadcast_in_dim3A_1282 : vector<16x1xi32> to vector<16xi32>
      %gather3A_1284 = tpu.dynamic_gather %select_n3A_1273[%gather3A_1283] in [0] : vector<16xf32>, vector<16xi32> -> vector<16xf32>
      %lt3A_1285 = arith.constant 0 : i32
      %lt3A_1286 = vector.broadcast %lt3A_1285 : i32 to vector<16xi32>
      %lt3A_1287 = arith.cmpi slt, %xor3A_10, %lt3A_1286 : vector<16xi32>
      %add3A_1288 = arith.constant 16 : i32
      %add3A_1289 = vector.broadcast %add3A_1288 : i32 to vector<16xi32>
      %add3A_1290 = arith.addi %xor3A_10, %add3A_1289 : vector<16xi32>
      %select_n3A_1291 = arith.select %lt3A_1287, %add3A_1290, %xor3A_10 : vector<16xi1>, vector<16xi32>
      %broadcast_in_dim3A_1292 = vector.shape_cast %select_n3A_1291 : vector<16xi32> to vector<16x1xi32>
      %gather3A_1293 = vector.shape_cast %broadcast_in_dim3A_1292 : vector<16x1xi32> to vector<16xi32>
      %gather3A_1294 = tpu.dynamic_gather %select_n3A_1274[%gather3A_1293] in [0] : vector<16xi32>, vector<16xi32> -> vector<16xi32>
      %gt3A_1295 = arith.cmpf ogt, %gather3A_1284, %select_n3A_1273 : vector<16xf32>
      %eq3A_1296 = arith.cmpf oeq, %gather3A_1284, %select_n3A_1273 : vector<16xf32>
      %lt3A_1297 = arith.cmpi slt, %gather3A_1294, %select_n3A_1274 : vector<16xi32>
      %and3A_1298 = arith.andi %eq3A_1296, %lt3A_1297 : vector<16xi1>
      %or3A_1299 = arith.ori %gt3A_1295, %and3A_1298 : vector<16xi1>
      %select_n3A_1300 = arith.select %or3A_1299, %gather3A_1284, %select_n3A_1273 : vector<16xi1>, vector<16xf32>
      %select_n3A_1301 = arith.select %or3A_1299, %gather3A_1294, %select_n3A_1274 : vector<16xi1>, vector<16xi32>
      %slice3A_1302 = vector.extract_strided_slice %select_n3A_1300 {offsets = [0], sizes = [1], strides = [1]} : vector<16xf32> to vector<1xf32>
      %squeeze3A_1303 = vector.extract %slice3A_1302[0] : f32 from vector<1xf32>
      %slice3A_1304 = vector.extract_strided_slice %select_n3A_1301 {offsets = [0], sizes = [1], strides = [1]} : vector<16xi32> to vector<1xi32>
      %squeeze3A_1305 = vector.extract %slice3A_1304[0] : i32 from vector<1xi32>
      %gt3A_1306 = arith.constant 0.899999976 : f32
      %gt3A_1307 = arith.cmpf ogt, %squeeze3A_1303, %gt3A_1306 : f32
      %jit3A_1308 = arith.constant 0.000000e+00 : f32
      %select_n3A_1309 = arith.select %gt3A_1307, %squeeze3A_1303, %jit3A_1308 : f32
      %jit3A_1310 = arith.constant 16 : i32
      %div3A_1311 = arith.divsi %squeeze3A_1305, %jit3A_1310 : i32
      %sign3A_1312 = arith.constant 0 : i32
      %sign3A_1313 = arith.cmpi sgt, %squeeze3A_1305, %sign3A_1312 : i32
      %sign3A_1314 = arith.extui %sign3A_1313 : i1 to i32
      %sign3A_1315 = arith.constant 0 : i32
      %sign3A_1316 = arith.cmpi slt, %squeeze3A_1305, %sign3A_1315 : i32
      %sign3A_1317 = arith.extui %sign3A_1316 : i1 to i32
      %sign3A_1318 = arith.subi %sign3A_1314, %sign3A_1317 : i32
      %sign3A_1319 = arith.constant 0 : i32
      %sign3A_1320 = arith.cmpi sgt, %jit3A_1310, %sign3A_1319 : i32
      %sign3A_1321 = arith.extui %sign3A_1320 : i1 to i32
      %sign3A_1322 = arith.constant 0 : i32
      %sign3A_1323 = arith.cmpi slt, %jit3A_1310, %sign3A_1322 : i32
      %sign3A_1324 = arith.extui %sign3A_1323 : i1 to i32
      %sign3A_1325 = arith.subi %sign3A_1321, %sign3A_1324 : i32
      %ne3A_1326 = arith.cmpi ne, %sign3A_1318, %sign3A_1325 : i32
      %rem3A_1327 = arith.remsi %squeeze3A_1305, %jit3A_1310 : i32
      %ne3A_1328 = arith.constant 0 : i32
      %ne3A_1329 = arith.cmpi ne, %rem3A_1327, %ne3A_1328 : i32
      %and3A_1330 = arith.andi %ne3A_1326, %ne3A_1329 : i1
      %sub3A_1331 = arith.constant 1 : i32
      %sub3A_1332 = arith.subi %div3A_1311, %sub3A_1331 : i32
      %select_n3A_1333 = arith.select %and3A_1330, %sub3A_1332, %div3A_1311 : i32
      %mul3A_1334 = arith.constant 16 : i32
      %mul3A_1335 = arith.muli %select_n3A_1333, %mul3A_1334 : i32
      %multiple_of3A_1336 = tpu.assume_multiple %mul3A_1335, 16 : i32
      %sub3A_1337 = arith.subi %squeeze3A_1305, %multiple_of3A_1336 : i32
      %eq3A_1338 = vector.broadcast %sub3A_1337 : i32 to vector<16xi32>
      %eq3A_1339 = arith.cmpi eq, %iota3A, %eq3A_1338 : vector<16xi32>
      %jit3A_1340 = arith.constant 1.000000e+00 : f32
      %jit3A_1341 = arith.constant 0.000000e+00 : f32
      %broadcast_in_dim3A_1342 = vector.broadcast %jit3A_1340 : f32 to vector<16xf32>
      %broadcast_in_dim3A_1343 = vector.broadcast %jit3A_1341 : f32 to vector<16xf32>
      %select_n3A_1344 = arith.select %eq3A_1339, %broadcast_in_dim3A_1342, %broadcast_in_dim3A_1343 : vector<16xi1>, vector<16xf32>
      %swap3A_1345 = arith.index_cast %multiple_of3A_1336 : i32 to index
      %swap3A_1346 = tpu.vector_load %arg11[%swap3A_1345] {strides = array<i32>} : memref<256xf32, #tpu.memory_space<vmem>>, vector<16xf32>,
      %swap3A_1347 = vector.shape_cast %swap3A_1346 : vector<16xf32> to vector<16xf32>
      %swap3A_1348 = vector.shape_cast %select_n3A_1344 : vector<16xf32> to vector<16xf32>
      tpu.vector_store %arg11[%swap3A_1345], %swap3A_1348 {add = true, strides = array<i32>} : memref<256xf32, #tpu.memory_space<vmem>>, vector<16xf32>,
      %mul3A_1349 = arith.constant 256 : i32
      %mul3A_1350 = arith.muli %squeeze3A_1305, %mul3A_1349 : i32
      %get3A_1351 = arith.constant 512 : index
      %get3A_1352 = tpu.vector_load %arg9[%get3A_1351] {strides = array<i32>} : memref<2048xf32, #tpu.memory_space<vmem>>, vector<16xf32>,
      %get3A_1353 = vector.shape_cast %get3A_1352 : vector<16xf32> to vector<16xf32>
      %add3A_1354 = arith.constant 0 : i32
      %add3A_1355 = arith.addi %mul3A_1350, %add3A_1354 : i32
      %multiple_of3A_1356 = tpu.assume_multiple %add3A_1355, 16 : i32
      %mul3A_1357 = vector.broadcast %select_n3A_1309 : f32 to vector<16xf32>
      %mul3A_1358 = arith.mulf %get3A_1353, %mul3A_1357 : vector<16xf32>
      %swap3A_1359 = arith.index_cast %multiple_of3A_1356 : i32 to index
      %swap3A_1360 = tpu.vector_load %arg10[%swap3A_1359] {strides = array<i32>} : memref<65536xf32, #tpu.memory_space<vmem>>, vector<16xf32>,
      %swap3A_1361 = vector.shape_cast %swap3A_1360 : vector<16xf32> to vector<16xf32>
      %swap3A_1362 = vector.shape_cast %mul3A_1358 : vector<16xf32> to vector<16xf32>
      tpu.vector_store %arg10[%swap3A_1359], %swap3A_1362 {add = true, strides = array<i32>} : memref<65536xf32, #tpu.memory_space<vmem>>, vector<16xf32>,
      %get3A_1363 = arith.constant 528 : index
      %get3A_1364 = tpu.vector_load %arg9[%get3A_1363] {strides = array<i32>} : memref<2048xf32, #tpu.memory_space<vmem>>, vector<16xf32>,
      %get3A_1365 = vector.shape_cast %get3A_1364 : vector<16xf32> to vector<16xf32>
      %add3A_1366 = arith.constant 16 : i32
      %add3A_1367 = arith.addi %mul3A_1350, %add3A_1366 : i32
      %multiple_of3A_1368 = tpu.assume_multiple %add3A_1367, 16 : i32
      %mul3A_1369 = vector.broadcast %select_n3A_1309 : f32 to vector<16xf32>
      %mul3A_1370 = arith.mulf %get3A_1365, %mul3A_1369 : vector<16xf32>
      %swap3A_1371 = arith.index_cast %multiple_of3A_1368 : i32 to index
      %swap3A_1372 = tpu.vector_load %arg10[%swap3A_1371] {strides = array<i32>} : memref<65536xf32, #tpu.memory_space<vmem>>, vector<16xf32>,
      %swap3A_1373 = vector.shape_cast %swap3A_1372 : vector<16xf32> to vector<16xf32>
      %swap3A_1374 = vector.shape_cast %mul3A_1370 : vector<16xf32> to vector<16xf32>
      tpu.vector_store %arg10[%swap3A_1371], %swap3A_1374 {add = true, strides = array<i32>} : memref<65536xf32, #tpu.memory_space<vmem>>, vector<16xf32>,
      %get3A_1375 = arith.constant 544 : index
      %get3A_1376 = tpu.vector_load %arg9[%get3A_1375] {strides = array<i32>} : memref<2048xf32, #tpu.memory_space<vmem>>, vector<16xf32>,
      %get3A_1377 = vector.shape_cast %get3A_1376 : vector<16xf32> to vector<16xf32>
      %add3A_1378 = arith.constant 32 : i32
      %add3A_1379 = arith.addi %mul3A_1350, %add3A_1378 : i32
      %multiple_of3A_1380 = tpu.assume_multiple %add3A_1379, 16 : i32
      %mul3A_1381 = vector.broadcast %select_n3A_1309 : f32 to vector<16xf32>
      %mul3A_1382 = arith.mulf %get3A_1377, %mul3A_1381 : vector<16xf32>
      %swap3A_1383 = arith.index_cast %multiple_of3A_1380 : i32 to index
      %swap3A_1384 = tpu.vector_load %arg10[%swap3A_1383] {strides = array<i32>} : memref<65536xf32, #tpu.memory_space<vmem>>, vector<16xf32>,
      %swap3A_1385 = vector.shape_cast %swap3A_1384 : vector<16xf32> to vector<16xf32>
      %swap3A_1386 = vector.shape_cast %mul3A_1382 : vector<16xf32> to vector<16xf32>
      tpu.vector_store %arg10[%swap3A_1383], %swap3A_1386 {add = true, strides = array<i32>} : memref<65536xf32, #tpu.memory_space<vmem>>, vector<16xf32>,
      %get3A_1387 = arith.constant 560 : index
      %get3A_1388 = tpu.vector_load %arg9[%get3A_1387] {strides = array<i32>} : memref<2048xf32, #tpu.memory_space<vmem>>, vector<16xf32>,
      %get3A_1389 = vector.shape_cast %get3A_1388 : vector<16xf32> to vector<16xf32>
      %add3A_1390 = arith.constant 48 : i32
      %add3A_1391 = arith.addi %mul3A_1350, %add3A_1390 : i32
      %multiple_of3A_1392 = tpu.assume_multiple %add3A_1391, 16 : i32
      %mul3A_1393 = vector.broadcast %select_n3A_1309 : f32 to vector<16xf32>
      %mul3A_1394 = arith.mulf %get3A_1389, %mul3A_1393 : vector<16xf32>
      %swap3A_1395 = arith.index_cast %multiple_of3A_1392 : i32 to index
      %swap3A_1396 = tpu.vector_load %arg10[%swap3A_1395] {strides = array<i32>} : memref<65536xf32, #tpu.memory_space<vmem>>, vector<16xf32>,
      %swap3A_1397 = vector.shape_cast %swap3A_1396 : vector<16xf32> to vector<16xf32>
      %swap3A_1398 = vector.shape_cast %mul3A_1394 : vector<16xf32> to vector<16xf32>
      tpu.vector_store %arg10[%swap3A_1395], %swap3A_1398 {add = true, strides = array<i32>} : memref<65536xf32, #tpu.memory_space<vmem>>, vector<16xf32>,
      %get3A_1399 = arith.constant 576 : index
      %get3A_1400 = tpu.vector_load %arg9[%get3A_1399] {strides = array<i32>} : memref<2048xf32, #tpu.memory_space<vmem>>, vector<16xf32>,
      %get3A_1401 = vector.shape_cast %get3A_1400 : vector<16xf32> to vector<16xf32>
      %add3A_1402 = arith.constant 64 : i32
      %add3A_1403 = arith.addi %mul3A_1350, %add3A_1402 : i32
      %multiple_of3A_1404 = tpu.assume_multiple %add3A_1403, 16 : i32
      %mul3A_1405 = vector.broadcast %select_n3A_1309 : f32 to vector<16xf32>
      %mul3A_1406 = arith.mulf %get3A_1401, %mul3A_1405 : vector<16xf32>
      %swap3A_1407 = arith.index_cast %multiple_of3A_1404 : i32 to index
      %swap3A_1408 = tpu.vector_load %arg10[%swap3A_1407] {strides = array<i32>} : memref<65536xf32, #tpu.memory_space<vmem>>, vector<16xf32>,
      %swap3A_1409 = vector.shape_cast %swap3A_1408 : vector<16xf32> to vector<16xf32>
      %swap3A_1410 = vector.shape_cast %mul3A_1406 : vector<16xf32> to vector<16xf32>
      tpu.vector_store %arg10[%swap3A_1407], %swap3A_1410 {add = true, strides = array<i32>} : memref<65536xf32, #tpu.memory_space<vmem>>, vector<16xf32>,
      %get3A_1411 = arith.constant 592 : index
      %get3A_1412 = tpu.vector_load %arg9[%get3A_1411] {strides = array<i32>} : memref<2048xf32, #tpu.memory_space<vmem>>, vector<16xf32>,
      %get3A_1413 = vector.shape_cast %get3A_1412 : vector<16xf32> to vector<16xf32>
      %add3A_1414 = arith.constant 80 : i32
      %add3A_1415 = arith.addi %mul3A_1350, %add3A_1414 : i32
      %multiple_of3A_1416 = tpu.assume_multiple %add3A_1415, 16 : i32
      %mul3A_1417 = vector.broadcast %select_n3A_1309 : f32 to vector<16xf32>
      %mul3A_1418 = arith.mulf %get3A_1413, %mul3A_1417 : vector<16xf32>
      %swap3A_1419 = arith.index_cast %multiple_of3A_1416 : i32 to index
      %swap3A_1420 = tpu.vector_load %arg10[%swap3A_1419] {strides = array<i32>} : memref<65536xf32, #tpu.memory_space<vmem>>, vector<16xf32>,
      %swap3A_1421 = vector.shape_cast %swap3A_1420 : vector<16xf32> to vector<16xf32>
      %swap3A_1422 = vector.shape_cast %mul3A_1418 : vector<16xf32> to vector<16xf32>
      tpu.vector_store %arg10[%swap3A_1419], %swap3A_1422 {add = true, strides = array<i32>} : memref<65536xf32, #tpu.memory_space<vmem>>, vector<16xf32>,
      %get3A_1423 = arith.constant 608 : index
      %get3A_1424 = tpu.vector_load %arg9[%get3A_1423] {strides = array<i32>} : memref<2048xf32, #tpu.memory_space<vmem>>, vector<16xf32>,
      %get3A_1425 = vector.shape_cast %get3A_1424 : vector<16xf32> to vector<16xf32>
      %add3A_1426 = arith.constant 96 : i32
      %add3A_1427 = arith.addi %mul3A_1350, %add3A_1426 : i32
      %multiple_of3A_1428 = tpu.assume_multiple %add3A_1427, 16 : i32
      %mul3A_1429 = vector.broadcast %select_n3A_1309 : f32 to vector<16xf32>
      %mul3A_1430 = arith.mulf %get3A_1425, %mul3A_1429 : vector<16xf32>
      %swap3A_1431 = arith.index_cast %multiple_of3A_1428 : i32 to index
      %swap3A_1432 = tpu.vector_load %arg10[%swap3A_1431] {strides = array<i32>} : memref<65536xf32, #tpu.memory_space<vmem>>, vector<16xf32>,
      %swap3A_1433 = vector.shape_cast %swap3A_1432 : vector<16xf32> to vector<16xf32>
      %swap3A_1434 = vector.shape_cast %mul3A_1430 : vector<16xf32> to vector<16xf32>
      tpu.vector_store %arg10[%swap3A_1431], %swap3A_1434 {add = true, strides = array<i32>} : memref<65536xf32, #tpu.memory_space<vmem>>, vector<16xf32>,
      %get3A_1435 = arith.constant 624 : index
      %get3A_1436 = tpu.vector_load %arg9[%get3A_1435] {strides = array<i32>} : memref<2048xf32, #tpu.memory_space<vmem>>, vector<16xf32>,
      %get3A_1437 = vector.shape_cast %get3A_1436 : vector<16xf32> to vector<16xf32>
      %add3A_1438 = arith.constant 112 : i32
      %add3A_1439 = arith.addi %mul3A_1350, %add3A_1438 : i32
      %multiple_of3A_1440 = tpu.assume_multiple %add3A_1439, 16 : i32
      %mul3A_1441 = vector.broadcast %select_n3A_1309 : f32 to vector<16xf32>
      %mul3A_1442 = arith.mulf %get3A_1437, %mul3A_1441 : vector<16xf32>
      %swap3A_1443 = arith.index_cast %multiple_of3A_1440 : i32 to index
      %swap3A_1444 = tpu.vector_load %arg10[%swap3A_1443] {strides = array<i32>} : memref<65536xf32, #tpu.memory_space<vmem>>, vector<16xf32>,
      %swap3A_1445 = vector.shape_cast %swap3A_1444 : vector<16xf32> to vector<16xf32>
      %swap3A_1446 = vector.shape_cast %mul3A_1442 : vector<16xf32> to vector<16xf32>
      tpu.vector_store %arg10[%swap3A_1443], %swap3A_1446 {add = true, strides = array<i32>} : memref<65536xf32, #tpu.memory_space<vmem>>, vector<16xf32>,
      %get3A_1447 = arith.constant 640 : index
      %get3A_1448 = tpu.vector_load %arg9[%get3A_1447] {strides = array<i32>} : memref<2048xf32, #tpu.memory_space<vmem>>, vector<16xf32>,
      %get3A_1449 = vector.shape_cast %get3A_1448 : vector<16xf32> to vector<16xf32>
      %add3A_1450 = arith.constant 128 : i32
      %add3A_1451 = arith.addi %mul3A_1350, %add3A_1450 : i32
      %multiple_of3A_1452 = tpu.assume_multiple %add3A_1451, 16 : i32
      %mul3A_1453 = vector.broadcast %select_n3A_1309 : f32 to vector<16xf32>
      %mul3A_1454 = arith.mulf %get3A_1449, %mul3A_1453 : vector<16xf32>
      %swap3A_1455 = arith.index_cast %multiple_of3A_1452 : i32 to index
      %swap3A_1456 = tpu.vector_load %arg10[%swap3A_1455] {strides = array<i32>} : memref<65536xf32, #tpu.memory_space<vmem>>, vector<16xf32>,
      %swap3A_1457 = vector.shape_cast %swap3A_1456 : vector<16xf32> to vector<16xf32>
      %swap3A_1458 = vector.shape_cast %mul3A_1454 : vector<16xf32> to vector<16xf32>
      tpu.vector_store %arg10[%swap3A_1455], %swap3A_1458 {add = true, strides = array<i32>} : memref<65536xf32, #tpu.memory_space<vmem>>, vector<16xf32>,
      %get3A_1459 = arith.constant 656 : index
      %get3A_1460 = tpu.vector_load %arg9[%get3A_1459] {strides = array<i32>} : memref<2048xf32, #tpu.memory_space<vmem>>, vector<16xf32>,
      %get3A_1461 = vector.shape_cast %get3A_1460 : vector<16xf32> to vector<16xf32>
      %add3A_1462 = arith.constant 144 : i32
      %add3A_1463 = arith.addi %mul3A_1350, %add3A_1462 : i32
      %multiple_of3A_1464 = tpu.assume_multiple %add3A_1463, 16 : i32
      %mul3A_1465 = vector.broadcast %select_n3A_1309 : f32 to vector<16xf32>
      %mul3A_1466 = arith.mulf %get3A_1461, %mul3A_1465 : vector<16xf32>
      %swap3A_1467 = arith.index_cast %multiple_of3A_1464 : i32 to index
      %swap3A_1468 = tpu.vector_load %arg10[%swap3A_1467] {strides = array<i32>} : memref<65536xf32, #tpu.memory_space<vmem>>, vector<16xf32>,
      %swap3A_1469 = vector.shape_cast %swap3A_1468 : vector<16xf32> to vector<16xf32>
      %swap3A_1470 = vector.shape_cast %mul3A_1466 : vector<16xf32> to vector<16xf32>
      tpu.vector_store %arg10[%swap3A_1467], %swap3A_1470 {add = true, strides = array<i32>} : memref<65536xf32, #tpu.memory_space<vmem>>, vector<16xf32>,
      %get3A_1471 = arith.constant 672 : index
      %get3A_1472 = tpu.vector_load %arg9[%get3A_1471] {strides = array<i32>} : memref<2048xf32, #tpu.memory_space<vmem>>, vector<16xf32>,
      %get3A_1473 = vector.shape_cast %get3A_1472 : vector<16xf32> to vector<16xf32>
      %add3A_1474 = arith.constant 160 : i32
      %add3A_1475 = arith.addi %mul3A_1350, %add3A_1474 : i32
      %multiple_of3A_1476 = tpu.assume_multiple %add3A_1475, 16 : i32
      %mul3A_1477 = vector.broadcast %select_n3A_1309 : f32 to vector<16xf32>
      %mul3A_1478 = arith.mulf %get3A_1473, %mul3A_1477 : vector<16xf32>
      %swap3A_1479 = arith.index_cast %multiple_of3A_1476 : i32 to index
      %swap3A_1480 = tpu.vector_load %arg10[%swap3A_1479] {strides = array<i32>} : memref<65536xf32, #tpu.memory_space<vmem>>, vector<16xf32>,
      %swap3A_1481 = vector.shape_cast %swap3A_1480 : vector<16xf32> to vector<16xf32>
      %swap3A_1482 = vector.shape_cast %mul3A_1478 : vector<16xf32> to vector<16xf32>
      tpu.vector_store %arg10[%swap3A_1479], %swap3A_1482 {add = true, strides = array<i32>} : memref<65536xf32, #tpu.memory_space<vmem>>, vector<16xf32>,
      %get3A_1483 = arith.constant 688 : index
      %get3A_1484 = tpu.vector_load %arg9[%get3A_1483] {strides = array<i32>} : memref<2048xf32, #tpu.memory_space<vmem>>, vector<16xf32>,
      %get3A_1485 = vector.shape_cast %get3A_1484 : vector<16xf32> to vector<16xf32>
      %add3A_1486 = arith.constant 176 : i32
      %add3A_1487 = arith.addi %mul3A_1350, %add3A_1486 : i32
      %multiple_of3A_1488 = tpu.assume_multiple %add3A_1487, 16 : i32
      %mul3A_1489 = vector.broadcast %select_n3A_1309 : f32 to vector<16xf32>
      %mul3A_1490 = arith.mulf %get3A_1485, %mul3A_1489 : vector<16xf32>
      %swap3A_1491 = arith.index_cast %multiple_of3A_1488 : i32 to index
      %swap3A_1492 = tpu.vector_load %arg10[%swap3A_1491] {strides = array<i32>} : memref<65536xf32, #tpu.memory_space<vmem>>, vector<16xf32>,
      %swap3A_1493 = vector.shape_cast %swap3A_1492 : vector<16xf32> to vector<16xf32>
      %swap3A_1494 = vector.shape_cast %mul3A_1490 : vector<16xf32> to vector<16xf32>
      tpu.vector_store %arg10[%swap3A_1491], %swap3A_1494 {add = true, strides = array<i32>} : memref<65536xf32, #tpu.memory_space<vmem>>, vector<16xf32>,
      %get3A_1495 = arith.constant 704 : index
      %get3A_1496 = tpu.vector_load %arg9[%get3A_1495] {strides = array<i32>} : memref<2048xf32, #tpu.memory_space<vmem>>, vector<16xf32>,
      %get3A_1497 = vector.shape_cast %get3A_1496 : vector<16xf32> to vector<16xf32>
      %add3A_1498 = arith.constant 192 : i32
      %add3A_1499 = arith.addi %mul3A_1350, %add3A_1498 : i32
      %multiple_of3A_1500 = tpu.assume_multiple %add3A_1499, 16 : i32
      %mul3A_1501 = vector.broadcast %select_n3A_1309 : f32 to vector<16xf32>
      %mul3A_1502 = arith.mulf %get3A_1497, %mul3A_1501 : vector<16xf32>
      %swap3A_1503 = arith.index_cast %multiple_of3A_1500 : i32 to index
      %swap3A_1504 = tpu.vector_load %arg10[%swap3A_1503] {strides = array<i32>} : memref<65536xf32, #tpu.memory_space<vmem>>, vector<16xf32>,
      %swap3A_1505 = vector.shape_cast %swap3A_1504 : vector<16xf32> to vector<16xf32>
      %swap3A_1506 = vector.shape_cast %mul3A_1502 : vector<16xf32> to vector<16xf32>
      tpu.vector_store %arg10[%swap3A_1503], %swap3A_1506 {add = true, strides = array<i32>} : memref<65536xf32, #tpu.memory_space<vmem>>, vector<16xf32>,
      %get3A_1507 = arith.constant 720 : index
      %get3A_1508 = tpu.vector_load %arg9[%get3A_1507] {strides = array<i32>} : memref<2048xf32, #tpu.memory_space<vmem>>, vector<16xf32>,
      %get3A_1509 = vector.shape_cast %get3A_1508 : vector<16xf32> to vector<16xf32>
      %add3A_1510 = arith.constant 208 : i32
      %add3A_1511 = arith.addi %mul3A_1350, %add3A_1510 : i32
      %multiple_of3A_1512 = tpu.assume_multiple %add3A_1511, 16 : i32
      %mul3A_1513 = vector.broadcast %select_n3A_1309 : f32 to vector<16xf32>
      %mul3A_1514 = arith.mulf %get3A_1509, %mul3A_1513 : vector<16xf32>
      %swap3A_1515 = arith.index_cast %multiple_of3A_1512 : i32 to index
      %swap3A_1516 = tpu.vector_load %arg10[%swap3A_1515] {strides = array<i32>} : memref<65536xf32, #tpu.memory_space<vmem>>, vector<16xf32>,
      %swap3A_1517 = vector.shape_cast %swap3A_1516 : vector<16xf32> to vector<16xf32>
      %swap3A_1518 = vector.shape_cast %mul3A_1514 : vector<16xf32> to vector<16xf32>
      tpu.vector_store %arg10[%swap3A_1515], %swap3A_1518 {add = true, strides = array<i32>} : memref<65536xf32, #tpu.memory_space<vmem>>, vector<16xf32>,
      %get3A_1519 = arith.constant 736 : index
      %get3A_1520 = tpu.vector_load %arg9[%get3A_1519] {strides = array<i32>} : memref<2048xf32, #tpu.memory_space<vmem>>, vector<16xf32>,
      %get3A_1521 = vector.shape_cast %get3A_1520 : vector<16xf32> to vector<16xf32>
      %add3A_1522 = arith.constant 224 : i32
      %add3A_1523 = arith.addi %mul3A_1350, %add3A_1522 : i32
      %multiple_of3A_1524 = tpu.assume_multiple %add3A_1523, 16 : i32
      %mul3A_1525 = vector.broadcast %select_n3A_1309 : f32 to vector<16xf32>
      %mul3A_1526 = arith.mulf %get3A_1521, %mul3A_1525 : vector<16xf32>
      %swap3A_1527 = arith.index_cast %multiple_of3A_1524 : i32 to index
      %swap3A_1528 = tpu.vector_load %arg10[%swap3A_1527] {strides = array<i32>} : memref<65536xf32, #tpu.memory_space<vmem>>, vector<16xf32>,
      %swap3A_1529 = vector.shape_cast %swap3A_1528 : vector<16xf32> to vector<16xf32>
      %swap3A_1530 = vector.shape_cast %mul3A_1526 : vector<16xf32> to vector<16xf32>
      tpu.vector_store %arg10[%swap3A_1527], %swap3A_1530 {add = true, strides = array<i32>} : memref<65536xf32, #tpu.memory_space<vmem>>, vector<16xf32>,
      %get3A_1531 = arith.constant 752 : index
      %get3A_1532 = tpu.vector_load %arg9[%get3A_1531] {strides = array<i32>} : memref<2048xf32, #tpu.memory_space<vmem>>, vector<16xf32>,
      %get3A_1533 = vector.shape_cast %get3A_1532 : vector<16xf32> to vector<16xf32>
      %add3A_1534 = arith.constant 240 : i32
      %add3A_1535 = arith.addi %mul3A_1350, %add3A_1534 : i32
      %multiple_of3A_1536 = tpu.assume_multiple %add3A_1535, 16 : i32
      %mul3A_1537 = vector.broadcast %select_n3A_1309 : f32 to vector<16xf32>
      %mul3A_1538 = arith.mulf %get3A_1533, %mul3A_1537 : vector<16xf32>
      %swap3A_1539 = arith.index_cast %multiple_of3A_1536 : i32 to index
      %swap3A_1540 = tpu.vector_load %arg10[%swap3A_1539] {strides = array<i32>} : memref<65536xf32, #tpu.memory_space<vmem>>, vector<16xf32>,
      %swap3A_1541 = vector.shape_cast %swap3A_1540 : vector<16xf32> to vector<16xf32>
      %swap3A_1542 = vector.shape_cast %mul3A_1538 : vector<16xf32> to vector<16xf32>
      tpu.vector_store %arg10[%swap3A_1539], %swap3A_1542 {add = true, strides = array<i32>} : memref<65536xf32, #tpu.memory_space<vmem>>, vector<16xf32>,
      %get3A_1543 = arith.constant 768 : index
      %get3A_1544 = tpu.vector_load %arg8[%get3A_1543] {strides = array<i32>} : memref<2048xf32, #tpu.memory_space<vmem>>, vector<16xf32>,
      %get3A_1545 = vector.shape_cast %get3A_1544 : vector<16xf32> to vector<16xf32>
      %get3A_1546 = arith.constant 784 : index
      %get3A_1547 = tpu.vector_load %arg8[%get3A_1546] {strides = array<i32>} : memref<2048xf32, #tpu.memory_space<vmem>>, vector<16xf32>,
      %get3A_1548 = vector.shape_cast %get3A_1547 : vector<16xf32> to vector<16xf32>
      %gt3A_1549 = arith.cmpf ogt, %get3A_1548, %get3A_1545 : vector<16xf32>
      %select_n3A_1550 = arith.select %gt3A_1549, %get3A_1548, %get3A_1545 : vector<16xi1>, vector<16xf32>
      %add3A_1551 = arith.constant 16 : i32
      %add3A_1552 = vector.broadcast %add3A_1551 : i32 to vector<16xi32>
      %add3A_1553 = arith.addi %iota3A, %add3A_1552 : vector<16xi32>
      %select_n3A_1554 = arith.select %gt3A_1549, %add3A_1553, %iota3A : vector<16xi1>, vector<16xi32>
      %get3A_1555 = arith.constant 800 : index
      %get3A_1556 = tpu.vector_load %arg8[%get3A_1555] {strides = array<i32>} : memref<2048xf32, #tpu.memory_space<vmem>>, vector<16xf32>,
      %get3A_1557 = vector.shape_cast %get3A_1556 : vector<16xf32> to vector<16xf32>
      %gt3A_1558 = arith.cmpf ogt, %get3A_1557, %select_n3A_1550 : vector<16xf32>
      %select_n3A_1559 = arith.select %gt3A_1558, %get3A_1557, %select_n3A_1550 : vector<16xi1>, vector<16xf32>
      %add3A_1560 = arith.constant 32 : i32
      %add3A_1561 = vector.broadcast %add3A_1560 : i32 to vector<16xi32>
      %add3A_1562 = arith.addi %iota3A, %add3A_1561 : vector<16xi32>
      %select_n3A_1563 = arith.select %gt3A_1558, %add3A_1562, %select_n3A_1554 : vector<16xi1>, vector<16xi32>
      %get3A_1564 = arith.constant 816 : index
      %get3A_1565 = tpu.vector_load %arg8[%get3A_1564] {strides = array<i32>} : memref<2048xf32, #tpu.memory_space<vmem>>, vector<16xf32>,
      %get3A_1566 = vector.shape_cast %get3A_1565 : vector<16xf32> to vector<16xf32>
      %gt3A_1567 = arith.cmpf ogt, %get3A_1566, %select_n3A_1559 : vector<16xf32>
      %select_n3A_1568 = arith.select %gt3A_1567, %get3A_1566, %select_n3A_1559 : vector<16xi1>, vector<16xf32>
      %add3A_1569 = arith.constant 48 : i32
      %add3A_1570 = vector.broadcast %add3A_1569 : i32 to vector<16xi32>
      %add3A_1571 = arith.addi %iota3A, %add3A_1570 : vector<16xi32>
      %select_n3A_1572 = arith.select %gt3A_1567, %add3A_1571, %select_n3A_1563 : vector<16xi1>, vector<16xi32>
      %get3A_1573 = arith.constant 832 : index
      %get3A_1574 = tpu.vector_load %arg8[%get3A_1573] {strides = array<i32>} : memref<2048xf32, #tpu.memory_space<vmem>>, vector<16xf32>,
      %get3A_1575 = vector.shape_cast %get3A_1574 : vector<16xf32> to vector<16xf32>
      %gt3A_1576 = arith.cmpf ogt, %get3A_1575, %select_n3A_1568 : vector<16xf32>
      %select_n3A_1577 = arith.select %gt3A_1576, %get3A_1575, %select_n3A_1568 : vector<16xi1>, vector<16xf32>
      %add3A_1578 = arith.constant 64 : i32
      %add3A_1579 = vector.broadcast %add3A_1578 : i32 to vector<16xi32>
      %add3A_1580 = arith.addi %iota3A, %add3A_1579 : vector<16xi32>
      %select_n3A_1581 = arith.select %gt3A_1576, %add3A_1580, %select_n3A_1572 : vector<16xi1>, vector<16xi32>
      %get3A_1582 = arith.constant 848 : index
      %get3A_1583 = tpu.vector_load %arg8[%get3A_1582] {strides = array<i32>} : memref<2048xf32, #tpu.memory_space<vmem>>, vector<16xf32>,
      %get3A_1584 = vector.shape_cast %get3A_1583 : vector<16xf32> to vector<16xf32>
      %gt3A_1585 = arith.cmpf ogt, %get3A_1584, %select_n3A_1577 : vector<16xf32>
      %select_n3A_1586 = arith.select %gt3A_1585, %get3A_1584, %select_n3A_1577 : vector<16xi1>, vector<16xf32>
      %add3A_1587 = arith.constant 80 : i32
      %add3A_1588 = vector.broadcast %add3A_1587 : i32 to vector<16xi32>
      %add3A_1589 = arith.addi %iota3A, %add3A_1588 : vector<16xi32>
      %select_n3A_1590 = arith.select %gt3A_1585, %add3A_1589, %select_n3A_1581 : vector<16xi1>, vector<16xi32>
      %get3A_1591 = arith.constant 864 : index
      %get3A_1592 = tpu.vector_load %arg8[%get3A_1591] {strides = array<i32>} : memref<2048xf32, #tpu.memory_space<vmem>>, vector<16xf32>,
      %get3A_1593 = vector.shape_cast %get3A_1592 : vector<16xf32> to vector<16xf32>
      %gt3A_1594 = arith.cmpf ogt, %get3A_1593, %select_n3A_1586 : vector<16xf32>
      %select_n3A_1595 = arith.select %gt3A_1594, %get3A_1593, %select_n3A_1586 : vector<16xi1>, vector<16xf32>
      %add3A_1596 = arith.constant 96 : i32
      %add3A_1597 = vector.broadcast %add3A_1596 : i32 to vector<16xi32>
      %add3A_1598 = arith.addi %iota3A, %add3A_1597 : vector<16xi32>
      %select_n3A_1599 = arith.select %gt3A_1594, %add3A_1598, %select_n3A_1590 : vector<16xi1>, vector<16xi32>
      %get3A_1600 = arith.constant 880 : index
      %get3A_1601 = tpu.vector_load %arg8[%get3A_1600] {strides = array<i32>} : memref<2048xf32, #tpu.memory_space<vmem>>, vector<16xf32>,
      %get3A_1602 = vector.shape_cast %get3A_1601 : vector<16xf32> to vector<16xf32>
      %gt3A_1603 = arith.cmpf ogt, %get3A_1602, %select_n3A_1595 : vector<16xf32>
      %select_n3A_1604 = arith.select %gt3A_1603, %get3A_1602, %select_n3A_1595 : vector<16xi1>, vector<16xf32>
      %add3A_1605 = arith.constant 112 : i32
      %add3A_1606 = vector.broadcast %add3A_1605 : i32 to vector<16xi32>
      %add3A_1607 = arith.addi %iota3A, %add3A_1606 : vector<16xi32>
      %select_n3A_1608 = arith.select %gt3A_1603, %add3A_1607, %select_n3A_1599 : vector<16xi1>, vector<16xi32>
      %get3A_1609 = arith.constant 896 : index
      %get3A_1610 = tpu.vector_load %arg8[%get3A_1609] {strides = array<i32>} : memref<2048xf32, #tpu.memory_space<vmem>>, vector<16xf32>,
      %get3A_1611 = vector.shape_cast %get3A_1610 : vector<16xf32> to vector<16xf32>
      %gt3A_1612 = arith.cmpf ogt, %get3A_1611, %select_n3A_1604 : vector<16xf32>
      %select_n3A_1613 = arith.select %gt3A_1612, %get3A_1611, %select_n3A_1604 : vector<16xi1>, vector<16xf32>
      %add3A_1614 = arith.constant 128 : i32
      %add3A_1615 = vector.broadcast %add3A_1614 : i32 to vector<16xi32>
      %add3A_1616 = arith.addi %iota3A, %add3A_1615 : vector<16xi32>
      %select_n3A_1617 = arith.select %gt3A_1612, %add3A_1616, %select_n3A_1608 : vector<16xi1>, vector<16xi32>
      %get3A_1618 = arith.constant 912 : index
      %get3A_1619 = tpu.vector_load %arg8[%get3A_1618] {strides = array<i32>} : memref<2048xf32, #tpu.memory_space<vmem>>, vector<16xf32>,
      %get3A_1620 = vector.shape_cast %get3A_1619 : vector<16xf32> to vector<16xf32>
      %gt3A_1621 = arith.cmpf ogt, %get3A_1620, %select_n3A_1613 : vector<16xf32>
      %select_n3A_1622 = arith.select %gt3A_1621, %get3A_1620, %select_n3A_1613 : vector<16xi1>, vector<16xf32>
      %add3A_1623 = arith.constant 144 : i32
      %add3A_1624 = vector.broadcast %add3A_1623 : i32 to vector<16xi32>
      %add3A_1625 = arith.addi %iota3A, %add3A_1624 : vector<16xi32>
      %select_n3A_1626 = arith.select %gt3A_1621, %add3A_1625, %select_n3A_1617 : vector<16xi1>, vector<16xi32>
      %get3A_1627 = arith.constant 928 : index
      %get3A_1628 = tpu.vector_load %arg8[%get3A_1627] {strides = array<i32>} : memref<2048xf32, #tpu.memory_space<vmem>>, vector<16xf32>,
      %get3A_1629 = vector.shape_cast %get3A_1628 : vector<16xf32> to vector<16xf32>
      %gt3A_1630 = arith.cmpf ogt, %get3A_1629, %select_n3A_1622 : vector<16xf32>
      %select_n3A_1631 = arith.select %gt3A_1630, %get3A_1629, %select_n3A_1622 : vector<16xi1>, vector<16xf32>
      %add3A_1632 = arith.constant 160 : i32
      %add3A_1633 = vector.broadcast %add3A_1632 : i32 to vector<16xi32>
      %add3A_1634 = arith.addi %iota3A, %add3A_1633 : vector<16xi32>
      %select_n3A_1635 = arith.select %gt3A_1630, %add3A_1634, %select_n3A_1626 : vector<16xi1>, vector<16xi32>
      %get3A_1636 = arith.constant 944 : index
      %get3A_1637 = tpu.vector_load %arg8[%get3A_1636] {strides = array<i32>} : memref<2048xf32, #tpu.memory_space<vmem>>, vector<16xf32>,
      %get3A_1638 = vector.shape_cast %get3A_1637 : vector<16xf32> to vector<16xf32>
      %gt3A_1639 = arith.cmpf ogt, %get3A_1638, %select_n3A_1631 : vector<16xf32>
      %select_n3A_1640 = arith.select %gt3A_1639, %get3A_1638, %select_n3A_1631 : vector<16xi1>, vector<16xf32>
      %add3A_1641 = arith.constant 176 : i32
      %add3A_1642 = vector.broadcast %add3A_1641 : i32 to vector<16xi32>
      %add3A_1643 = arith.addi %iota3A, %add3A_1642 : vector<16xi32>
      %select_n3A_1644 = arith.select %gt3A_1639, %add3A_1643, %select_n3A_1635 : vector<16xi1>, vector<16xi32>
      %get3A_1645 = arith.constant 960 : index
      %get3A_1646 = tpu.vector_load %arg8[%get3A_1645] {strides = array<i32>} : memref<2048xf32, #tpu.memory_space<vmem>>, vector<16xf32>,
      %get3A_1647 = vector.shape_cast %get3A_1646 : vector<16xf32> to vector<16xf32>
      %gt3A_1648 = arith.cmpf ogt, %get3A_1647, %select_n3A_1640 : vector<16xf32>
      %select_n3A_1649 = arith.select %gt3A_1648, %get3A_1647, %select_n3A_1640 : vector<16xi1>, vector<16xf32>
      %add3A_1650 = arith.constant 192 : i32
      %add3A_1651 = vector.broadcast %add3A_1650 : i32 to vector<16xi32>
      %add3A_1652 = arith.addi %iota3A, %add3A_1651 : vector<16xi32>
      %select_n3A_1653 = arith.select %gt3A_1648, %add3A_1652, %select_n3A_1644 : vector<16xi1>, vector<16xi32>
      %get3A_1654 = arith.constant 976 : index
      %get3A_1655 = tpu.vector_load %arg8[%get3A_1654] {strides = array<i32>} : memref<2048xf32, #tpu.memory_space<vmem>>, vector<16xf32>,
      %get3A_1656 = vector.shape_cast %get3A_1655 : vector<16xf32> to vector<16xf32>
      %gt3A_1657 = arith.cmpf ogt, %get3A_1656, %select_n3A_1649 : vector<16xf32>
      %select_n3A_1658 = arith.select %gt3A_1657, %get3A_1656, %select_n3A_1649 : vector<16xi1>, vector<16xf32>
      %add3A_1659 = arith.constant 208 : i32
      %add3A_1660 = vector.broadcast %add3A_1659 : i32 to vector<16xi32>
      %add3A_1661 = arith.addi %iota3A, %add3A_1660 : vector<16xi32>
      %select_n3A_1662 = arith.select %gt3A_1657, %add3A_1661, %select_n3A_1653 : vector<16xi1>, vector<16xi32>
      %get3A_1663 = arith.constant 992 : index
      %get3A_1664 = tpu.vector_load %arg8[%get3A_1663] {strides = array<i32>} : memref<2048xf32, #tpu.memory_space<vmem>>, vector<16xf32>,
      %get3A_1665 = vector.shape_cast %get3A_1664 : vector<16xf32> to vector<16xf32>
      %gt3A_1666 = arith.cmpf ogt, %get3A_1665, %select_n3A_1658 : vector<16xf32>
      %select_n3A_1667 = arith.select %gt3A_1666, %get3A_1665, %select_n3A_1658 : vector<16xi1>, vector<16xf32>
      %add3A_1668 = arith.constant 224 : i32
      %add3A_1669 = vector.broadcast %add3A_1668 : i32 to vector<16xi32>
      %add3A_1670 = arith.addi %iota3A, %add3A_1669 : vector<16xi32>
      %select_n3A_1671 = arith.select %gt3A_1666, %add3A_1670, %select_n3A_1662 : vector<16xi1>, vector<16xi32>
      %get3A_1672 = arith.constant 1008 : index
      %get3A_1673 = tpu.vector_load %arg8[%get3A_1672] {strides = array<i32>} : memref<2048xf32, #tpu.memory_space<vmem>>, vector<16xf32>,
      %get3A_1674 = vector.shape_cast %get3A_1673 : vector<16xf32> to vector<16xf32>
      %gt3A_1675 = arith.cmpf ogt, %get3A_1674, %select_n3A_1667 : vector<16xf32>
      %select_n3A_1676 = arith.select %gt3A_1675, %get3A_1674, %select_n3A_1667 : vector<16xi1>, vector<16xf32>
      %add3A_1677 = arith.constant 240 : i32
      %add3A_1678 = vector.broadcast %add3A_1677 : i32 to vector<16xi32>
      %add3A_1679 = arith.addi %iota3A, %add3A_1678 : vector<16xi32>
      %select_n3A_1680 = arith.select %gt3A_1675, %add3A_1679, %select_n3A_1671 : vector<16xi1>, vector<16xi32>
      %lt3A_1681 = arith.constant 0 : i32
      %lt3A_1682 = vector.broadcast %lt3A_1681 : i32 to vector<16xi32>
      %lt3A_1683 = arith.cmpi slt, %xor3A_1, %lt3A_1682 : vector<16xi32>
      %add3A_1684 = arith.constant 16 : i32
      %add3A_1685 = vector.broadcast %add3A_1684 : i32 to vector<16xi32>
      %add3A_1686 = arith.addi %xor3A_1, %add3A_1685 : vector<16xi32>
      %select_n3A_1687 = arith.select %lt3A_1683, %add3A_1686, %xor3A_1 : vector<16xi1>, vector<16xi32>
      %broadcast_in_dim3A_1688 = vector.shape_cast %select_n3A_1687 : vector<16xi32> to vector<16x1xi32>
      %gather3A_1689 = vector.shape_cast %broadcast_in_dim3A_1688 : vector<16x1xi32> to vector<16xi32>
      %gather3A_1690 = tpu.dynamic_gather %select_n3A_1676[%gather3A_1689] in [0] : vector<16xf32>, vector<16xi32> -> vector<16xf32>
      %lt3A_1691 = arith.constant 0 : i32
      %lt3A_1692 = vector.broadcast %lt3A_1691 : i32 to vector<16xi32>
      %lt3A_1693 = arith.cmpi slt, %xor3A_1, %lt3A_1692 : vector<16xi32>
      %add3A_1694 = arith.constant 16 : i32
      %add3A_1695 = vector.broadcast %add3A_1694 : i32 to vector<16xi32>
      %add3A_1696 = arith.addi %xor3A_1, %add3A_1695 : vector<16xi32>
      %select_n3A_1697 = arith.select %lt3A_1693, %add3A_1696, %xor3A_1 : vector<16xi1>, vector<16xi32>
      %broadcast_in_dim3A_1698 = vector.shape_cast %select_n3A_1697 : vector<16xi32> to vector<16x1xi32>
      %gather3A_1699 = vector.shape_cast %broadcast_in_dim3A_1698 : vector<16x1xi32> to vector<16xi32>
      %gather3A_1700 = tpu.dynamic_gather %select_n3A_1680[%gather3A_1699] in [0] : vector<16xi32>, vector<16xi32> -> vector<16xi32>
      %gt3A_1701 = arith.cmpf ogt, %gather3A_1690, %select_n3A_1676 : vector<16xf32>
      %eq3A_1702 = arith.cmpf oeq, %gather3A_1690, %select_n3A_1676 : vector<16xf32>
      %lt3A_1703 = arith.cmpi slt, %gather3A_1700, %select_n3A_1680 : vector<16xi32>
      %and3A_1704 = arith.andi %eq3A_1702, %lt3A_1703 : vector<16xi1>
      %or3A_1705 = arith.ori %gt3A_1701, %and3A_1704 : vector<16xi1>
      %select_n3A_1706 = arith.select %or3A_1705, %gather3A_1690, %select_n3A_1676 : vector<16xi1>, vector<16xf32>
      %select_n3A_1707 = arith.select %or3A_1705, %gather3A_1700, %select_n3A_1680 : vector<16xi1>, vector<16xi32>
      %lt3A_1708 = arith.constant 0 : i32
      %lt3A_1709 = vector.broadcast %lt3A_1708 : i32 to vector<16xi32>
      %lt3A_1710 = arith.cmpi slt, %xor3A_4, %lt3A_1709 : vector<16xi32>
      %add3A_1711 = arith.constant 16 : i32
      %add3A_1712 = vector.broadcast %add3A_1711 : i32 to vector<16xi32>
      %add3A_1713 = arith.addi %xor3A_4, %add3A_1712 : vector<16xi32>
      %select_n3A_1714 = arith.select %lt3A_1710, %add3A_1713, %xor3A_4 : vector<16xi1>, vector<16xi32>
      %broadcast_in_dim3A_1715 = vector.shape_cast %select_n3A_1714 : vector<16xi32> to vector<16x1xi32>
      %gather3A_1716 = vector.shape_cast %broadcast_in_dim3A_1715 : vector<16x1xi32> to vector<16xi32>
      %gather3A_1717 = tpu.dynamic_gather %select_n3A_1706[%gather3A_1716] in [0] : vector<16xf32>, vector<16xi32> -> vector<16xf32>
      %lt3A_1718 = arith.constant 0 : i32
      %lt3A_1719 = vector.broadcast %lt3A_1718 : i32 to vector<16xi32>
      %lt3A_1720 = arith.cmpi slt, %xor3A_4, %lt3A_1719 : vector<16xi32>
      %add3A_1721 = arith.constant 16 : i32
      %add3A_1722 = vector.broadcast %add3A_1721 : i32 to vector<16xi32>
      %add3A_1723 = arith.addi %xor3A_4, %add3A_1722 : vector<16xi32>
      %select_n3A_1724 = arith.select %lt3A_1720, %add3A_1723, %xor3A_4 : vector<16xi1>, vector<16xi32>
      %broadcast_in_dim3A_1725 = vector.shape_cast %select_n3A_1724 : vector<16xi32> to vector<16x1xi32>
      %gather3A_1726 = vector.shape_cast %broadcast_in_dim3A_1725 : vector<16x1xi32> to vector<16xi32>
      %gather3A_1727 = tpu.dynamic_gather %select_n3A_1707[%gather3A_1726] in [0] : vector<16xi32>, vector<16xi32> -> vector<16xi32>
      %gt3A_1728 = arith.cmpf ogt, %gather3A_1717, %select_n3A_1706 : vector<16xf32>
      %eq3A_1729 = arith.cmpf oeq, %gather3A_1717, %select_n3A_1706 : vector<16xf32>
      %lt3A_1730 = arith.cmpi slt, %gather3A_1727, %select_n3A_1707 : vector<16xi32>
      %and3A_1731 = arith.andi %eq3A_1729, %lt3A_1730 : vector<16xi1>
      %or3A_1732 = arith.ori %gt3A_1728, %and3A_1731 : vector<16xi1>
      %select_n3A_1733 = arith.select %or3A_1732, %gather3A_1717, %select_n3A_1706 : vector<16xi1>, vector<16xf32>
      %select_n3A_1734 = arith.select %or3A_1732, %gather3A_1727, %select_n3A_1707 : vector<16xi1>, vector<16xi32>
      %lt3A_1735 = arith.constant 0 : i32
      %lt3A_1736 = vector.broadcast %lt3A_1735 : i32 to vector<16xi32>
      %lt3A_1737 = arith.cmpi slt, %xor3A_7, %lt3A_1736 : vector<16xi32>
      %add3A_1738 = arith.constant 16 : i32
      %add3A_1739 = vector.broadcast %add3A_1738 : i32 to vector<16xi32>
      %add3A_1740 = arith.addi %xor3A_7, %add3A_1739 : vector<16xi32>
      %select_n3A_1741 = arith.select %lt3A_1737, %add3A_1740, %xor3A_7 : vector<16xi1>, vector<16xi32>
      %broadcast_in_dim3A_1742 = vector.shape_cast %select_n3A_1741 : vector<16xi32> to vector<16x1xi32>
      %gather3A_1743 = vector.shape_cast %broadcast_in_dim3A_1742 : vector<16x1xi32> to vector<16xi32>
      %gather3A_1744 = tpu.dynamic_gather %select_n3A_1733[%gather3A_1743] in [0] : vector<16xf32>, vector<16xi32> -> vector<16xf32>
      %lt3A_1745 = arith.constant 0 : i32
      %lt3A_1746 = vector.broadcast %lt3A_1745 : i32 to vector<16xi32>
      %lt3A_1747 = arith.cmpi slt, %xor3A_7, %lt3A_1746 : vector<16xi32>
      %add3A_1748 = arith.constant 16 : i32
      %add3A_1749 = vector.broadcast %add3A_1748 : i32 to vector<16xi32>
      %add3A_1750 = arith.addi %xor3A_7, %add3A_1749 : vector<16xi32>
      %select_n3A_1751 = arith.select %lt3A_1747, %add3A_1750, %xor3A_7 : vector<16xi1>, vector<16xi32>
      %broadcast_in_dim3A_1752 = vector.shape_cast %select_n3A_1751 : vector<16xi32> to vector<16x1xi32>
      %gather3A_1753 = vector.shape_cast %broadcast_in_dim3A_1752 : vector<16x1xi32> to vector<16xi32>
      %gather3A_1754 = tpu.dynamic_gather %select_n3A_1734[%gather3A_1753] in [0] : vector<16xi32>, vector<16xi32> -> vector<16xi32>
      %gt3A_1755 = arith.cmpf ogt, %gather3A_1744, %select_n3A_1733 : vector<16xf32>
      %eq3A_1756 = arith.cmpf oeq, %gather3A_1744, %select_n3A_1733 : vector<16xf32>
      %lt3A_1757 = arith.cmpi slt, %gather3A_1754, %select_n3A_1734 : vector<16xi32>
      %and3A_1758 = arith.andi %eq3A_1756, %lt3A_1757 : vector<16xi1>
      %or3A_1759 = arith.ori %gt3A_1755, %and3A_1758 : vector<16xi1>
      %select_n3A_1760 = arith.select %or3A_1759, %gather3A_1744, %select_n3A_1733 : vector<16xi1>, vector<16xf32>
      %select_n3A_1761 = arith.select %or3A_1759, %gather3A_1754, %select_n3A_1734 : vector<16xi1>, vector<16xi32>
      %lt3A_1762 = arith.constant 0 : i32
      %lt3A_1763 = vector.broadcast %lt3A_1762 : i32 to vector<16xi32>
      %lt3A_1764 = arith.cmpi slt, %xor3A_10, %lt3A_1763 : vector<16xi32>
      %add3A_1765 = arith.constant 16 : i32
      %add3A_1766 = vector.broadcast %add3A_1765 : i32 to vector<16xi32>
      %add3A_1767 = arith.addi %xor3A_10, %add3A_1766 : vector<16xi32>
      %select_n3A_1768 = arith.select %lt3A_1764, %add3A_1767, %xor3A_10 : vector<16xi1>, vector<16xi32>
      %broadcast_in_dim3A_1769 = vector.shape_cast %select_n3A_1768 : vector<16xi32> to vector<16x1xi32>
      %gather3A_1770 = vector.shape_cast %broadcast_in_dim3A_1769 : vector<16x1xi32> to vector<16xi32>
      %gather3A_1771 = tpu.dynamic_gather %select_n3A_1760[%gather3A_1770] in [0] : vector<16xf32>, vector<16xi32> -> vector<16xf32>
      %lt3A_1772 = arith.constant 0 : i32
      %lt3A_1773 = vector.broadcast %lt3A_1772 : i32 to vector<16xi32>
      %lt3A_1774 = arith.cmpi slt, %xor3A_10, %lt3A_1773 : vector<16xi32>
      %add3A_1775 = arith.constant 16 : i32
      %add3A_1776 = vector.broadcast %add3A_1775 : i32 to vector<16xi32>
      %add3A_1777 = arith.addi %xor3A_10, %add3A_1776 : vector<16xi32>
      %select_n3A_1778 = arith.select %lt3A_1774, %add3A_1777, %xor3A_10 : vector<16xi1>, vector<16xi32>
      %broadcast_in_dim3A_1779 = vector.shape_cast %select_n3A_1778 : vector<16xi32> to vector<16x1xi32>
      %gather3A_1780 = vector.shape_cast %broadcast_in_dim3A_1779 : vector<16x1xi32> to vector<16xi32>
      %gather3A_1781 = tpu.dynamic_gather %select_n3A_1761[%gather3A_1780] in [0] : vector<16xi32>, vector<16xi32> -> vector<16xi32>
      %gt3A_1782 = arith.cmpf ogt, %gather3A_1771, %select_n3A_1760 : vector<16xf32>
      %eq3A_1783 = arith.cmpf oeq, %gather3A_1771, %select_n3A_1760 : vector<16xf32>
      %lt3A_1784 = arith.cmpi slt, %gather3A_1781, %select_n3A_1761 : vector<16xi32>
      %and3A_1785 = arith.andi %eq3A_1783, %lt3A_1784 : vector<16xi1>
      %or3A_1786 = arith.ori %gt3A_1782, %and3A_1785 : vector<16xi1>
      %select_n3A_1787 = arith.select %or3A_1786, %gather3A_1771, %select_n3A_1760 : vector<16xi1>, vector<16xf32>
      %select_n3A_1788 = arith.select %or3A_1786, %gather3A_1781, %select_n3A_1761 : vector<16xi1>, vector<16xi32>
      %slice3A_1789 = vector.extract_strided_slice %select_n3A_1787 {offsets = [0], sizes = [1], strides = [1]} : vector<16xf32> to vector<1xf32>
      %squeeze3A_1790 = vector.extract %slice3A_1789[0] : f32 from vector<1xf32>
      %slice3A_1791 = vector.extract_strided_slice %select_n3A_1788 {offsets = [0], sizes = [1], strides = [1]} : vector<16xi32> to vector<1xi32>
      %squeeze3A_1792 = vector.extract %slice3A_1791[0] : i32 from vector<1xi32>
      %gt3A_1793 = arith.constant 0.899999976 : f32
      %gt3A_1794 = arith.cmpf ogt, %squeeze3A_1790, %gt3A_1793 : f32
      %jit3A_1795 = arith.constant 0.000000e+00 : f32
      %select_n3A_1796 = arith.select %gt3A_1794, %squeeze3A_1790, %jit3A_1795 : f32
      %jit3A_1797 = arith.constant 16 : i32
      %div3A_1798 = arith.divsi %squeeze3A_1792, %jit3A_1797 : i32
      %sign3A_1799 = arith.constant 0 : i32
      %sign3A_1800 = arith.cmpi sgt, %squeeze3A_1792, %sign3A_1799 : i32
      %sign3A_1801 = arith.extui %sign3A_1800 : i1 to i32
      %sign3A_1802 = arith.constant 0 : i32
      %sign3A_1803 = arith.cmpi slt, %squeeze3A_1792, %sign3A_1802 : i32
      %sign3A_1804 = arith.extui %sign3A_1803 : i1 to i32
      %sign3A_1805 = arith.subi %sign3A_1801, %sign3A_1804 : i32
      %sign3A_1806 = arith.constant 0 : i32
      %sign3A_1807 = arith.cmpi sgt, %jit3A_1797, %sign3A_1806 : i32
      %sign3A_1808 = arith.extui %sign3A_1807 : i1 to i32
      %sign3A_1809 = arith.constant 0 : i32
      %sign3A_1810 = arith.cmpi slt, %jit3A_1797, %sign3A_1809 : i32
      %sign3A_1811 = arith.extui %sign3A_1810 : i1 to i32
      %sign3A_1812 = arith.subi %sign3A_1808, %sign3A_1811 : i32
      %ne3A_1813 = arith.cmpi ne, %sign3A_1805, %sign3A_1812 : i32
      %rem3A_1814 = arith.remsi %squeeze3A_1792, %jit3A_1797 : i32
      %ne3A_1815 = arith.constant 0 : i32
      %ne3A_1816 = arith.cmpi ne, %rem3A_1814, %ne3A_1815 : i32
      %and3A_1817 = arith.andi %ne3A_1813, %ne3A_1816 : i1
      %sub3A_1818 = arith.constant 1 : i32
      %sub3A_1819 = arith.subi %div3A_1798, %sub3A_1818 : i32
      %select_n3A_1820 = arith.select %and3A_1817, %sub3A_1819, %div3A_1798 : i32
      %mul3A_1821 = arith.constant 16 : i32
      %mul3A_1822 = arith.muli %select_n3A_1820, %mul3A_1821 : i32
      %multiple_of3A_1823 = tpu.assume_multiple %mul3A_1822, 16 : i32
      %sub3A_1824 = arith.subi %squeeze3A_1792, %multiple_of3A_1823 : i32
      %eq3A_1825 = vector.broadcast %sub3A_1824 : i32 to vector<16xi32>
      %eq3A_1826 = arith.cmpi eq, %iota3A, %eq3A_1825 : vector<16xi32>
      %jit3A_1827 = arith.constant 1.000000e+00 : f32
      %jit3A_1828 = arith.constant 0.000000e+00 : f32
      %broadcast_in_dim3A_1829 = vector.broadcast %jit3A_1827 : f32 to vector<16xf32>
      %broadcast_in_dim3A_1830 = vector.broadcast %jit3A_1828 : f32 to vector<16xf32>
      %select_n3A_1831 = arith.select %eq3A_1826, %broadcast_in_dim3A_1829, %broadcast_in_dim3A_1830 : vector<16xi1>, vector<16xf32>
      %swap3A_1832 = arith.index_cast %multiple_of3A_1823 : i32 to index
      %swap3A_1833 = tpu.vector_load %arg11[%swap3A_1832] {strides = array<i32>} : memref<256xf32, #tpu.memory_space<vmem>>, vector<16xf32>,
      %swap3A_1834 = vector.shape_cast %swap3A_1833 : vector<16xf32> to vector<16xf32>
      %swap3A_1835 = vector.shape_cast %select_n3A_1831 : vector<16xf32> to vector<16xf32>
      tpu.vector_store %arg11[%swap3A_1832], %swap3A_1835 {add = true, strides = array<i32>} : memref<256xf32, #tpu.memory_space<vmem>>, vector<16xf32>,
      %mul3A_1836 = arith.constant 256 : i32
      %mul3A_1837 = arith.muli %squeeze3A_1792, %mul3A_1836 : i32
      %get3A_1838 = arith.constant 768 : index
      %get3A_1839 = tpu.vector_load %arg9[%get3A_1838] {strides = array<i32>} : memref<2048xf32, #tpu.memory_space<vmem>>, vector<16xf32>,
      %get3A_1840 = vector.shape_cast %get3A_1839 : vector<16xf32> to vector<16xf32>
      %add3A_1841 = arith.constant 0 : i32
      %add3A_1842 = arith.addi %mul3A_1837, %add3A_1841 : i32
      %multiple_of3A_1843 = tpu.assume_multiple %add3A_1842, 16 : i32
      %mul3A_1844 = vector.broadcast %select_n3A_1796 : f32 to vector<16xf32>
      %mul3A_1845 = arith.mulf %get3A_1840, %mul3A_1844 : vector<16xf32>
      %swap3A_1846 = arith.index_cast %multiple_of3A_1843 : i32 to index
      %swap3A_1847 = tpu.vector_load %arg10[%swap3A_1846] {strides = array<i32>} : memref<65536xf32, #tpu.memory_space<vmem>>, vector<16xf32>,
      %swap3A_1848 = vector.shape_cast %swap3A_1847 : vector<16xf32> to vector<16xf32>
      %swap3A_1849 = vector.shape_cast %mul3A_1845 : vector<16xf32> to vector<16xf32>
      tpu.vector_store %arg10[%swap3A_1846], %swap3A_1849 {add = true, strides = array<i32>} : memref<65536xf32, #tpu.memory_space<vmem>>, vector<16xf32>,
      %get3A_1850 = arith.constant 784 : index
      %get3A_1851 = tpu.vector_load %arg9[%get3A_1850] {strides = array<i32>} : memref<2048xf32, #tpu.memory_space<vmem>>, vector<16xf32>,
      %get3A_1852 = vector.shape_cast %get3A_1851 : vector<16xf32> to vector<16xf32>
      %add3A_1853 = arith.constant 16 : i32
      %add3A_1854 = arith.addi %mul3A_1837, %add3A_1853 : i32
      %multiple_of3A_1855 = tpu.assume_multiple %add3A_1854, 16 : i32
      %mul3A_1856 = vector.broadcast %select_n3A_1796 : f32 to vector<16xf32>
      %mul3A_1857 = arith.mulf %get3A_1852, %mul3A_1856 : vector<16xf32>
      %swap3A_1858 = arith.index_cast %multiple_of3A_1855 : i32 to index
      %swap3A_1859 = tpu.vector_load %arg10[%swap3A_1858] {strides = array<i32>} : memref<65536xf32, #tpu.memory_space<vmem>>, vector<16xf32>,
      %swap3A_1860 = vector.shape_cast %swap3A_1859 : vector<16xf32> to vector<16xf32>
      %swap3A_1861 = vector.shape_cast %mul3A_1857 : vector<16xf32> to vector<16xf32>
      tpu.vector_store %arg10[%swap3A_1858], %swap3A_1861 {add = true, strides = array<i32>} : memref<65536xf32, #tpu.memory_space<vmem>>, vector<16xf32>,
      %get3A_1862 = arith.constant 800 : index
      %get3A_1863 = tpu.vector_load %arg9[%get3A_1862] {strides = array<i32>} : memref<2048xf32, #tpu.memory_space<vmem>>, vector<16xf32>,
      %get3A_1864 = vector.shape_cast %get3A_1863 : vector<16xf32> to vector<16xf32>
      %add3A_1865 = arith.constant 32 : i32
      %add3A_1866 = arith.addi %mul3A_1837, %add3A_1865 : i32
      %multiple_of3A_1867 = tpu.assume_multiple %add3A_1866, 16 : i32
      %mul3A_1868 = vector.broadcast %select_n3A_1796 : f32 to vector<16xf32>
      %mul3A_1869 = arith.mulf %get3A_1864, %mul3A_1868 : vector<16xf32>
      %swap3A_1870 = arith.index_cast %multiple_of3A_1867 : i32 to index
      %swap3A_1871 = tpu.vector_load %arg10[%swap3A_1870] {strides = array<i32>} : memref<65536xf32, #tpu.memory_space<vmem>>, vector<16xf32>,
      %swap3A_1872 = vector.shape_cast %swap3A_1871 : vector<16xf32> to vector<16xf32>
      %swap3A_1873 = vector.shape_cast %mul3A_1869 : vector<16xf32> to vector<16xf32>
      tpu.vector_store %arg10[%swap3A_1870], %swap3A_1873 {add = true, strides = array<i32>} : memref<65536xf32, #tpu.memory_space<vmem>>, vector<16xf32>,
      %get3A_1874 = arith.constant 816 : index
      %get3A_1875 = tpu.vector_load %arg9[%get3A_1874] {strides = array<i32>} : memref<2048xf32, #tpu.memory_space<vmem>>, vector<16xf32>,
      %get3A_1876 = vector.shape_cast %get3A_1875 : vector<16xf32> to vector<16xf32>
      %add3A_1877 = arith.constant 48 : i32
      %add3A_1878 = arith.addi %mul3A_1837, %add3A_1877 : i32
      %multiple_of3A_1879 = tpu.assume_multiple %add3A_1878, 16 : i32
      %mul3A_1880 = vector.broadcast %select_n3A_1796 : f32 to vector<16xf32>
      %mul3A_1881 = arith.mulf %get3A_1876, %mul3A_1880 : vector<16xf32>
      %swap3A_1882 = arith.index_cast %multiple_of3A_1879 : i32 to index
      %swap3A_1883 = tpu.vector_load %arg10[%swap3A_1882] {strides = array<i32>} : memref<65536xf32, #tpu.memory_space<vmem>>, vector<16xf32>,
      %swap3A_1884 = vector.shape_cast %swap3A_1883 : vector<16xf32> to vector<16xf32>
      %swap3A_1885 = vector.shape_cast %mul3A_1881 : vector<16xf32> to vector<16xf32>
      tpu.vector_store %arg10[%swap3A_1882], %swap3A_1885 {add = true, strides = array<i32>} : memref<65536xf32, #tpu.memory_space<vmem>>, vector<16xf32>,
      %get3A_1886 = arith.constant 832 : index
      %get3A_1887 = tpu.vector_load %arg9[%get3A_1886] {strides = array<i32>} : memref<2048xf32, #tpu.memory_space<vmem>>, vector<16xf32>,
      %get3A_1888 = vector.shape_cast %get3A_1887 : vector<16xf32> to vector<16xf32>
      %add3A_1889 = arith.constant 64 : i32
      %add3A_1890 = arith.addi %mul3A_1837, %add3A_1889 : i32
      %multiple_of3A_1891 = tpu.assume_multiple %add3A_1890, 16 : i32
      %mul3A_1892 = vector.broadcast %select_n3A_1796 : f32 to vector<16xf32>
      %mul3A_1893 = arith.mulf %get3A_1888, %mul3A_1892 : vector<16xf32>
      %swap3A_1894 = arith.index_cast %multiple_of3A_1891 : i32 to index
      %swap3A_1895 = tpu.vector_load %arg10[%swap3A_1894] {strides = array<i32>} : memref<65536xf32, #tpu.memory_space<vmem>>, vector<16xf32>,
      %swap3A_1896 = vector.shape_cast %swap3A_1895 : vector<16xf32> to vector<16xf32>
      %swap3A_1897 = vector.shape_cast %mul3A_1893 : vector<16xf32> to vector<16xf32>
      tpu.vector_store %arg10[%swap3A_1894], %swap3A_1897 {add = true, strides = array<i32>} : memref<65536xf32, #tpu.memory_space<vmem>>, vector<16xf32>,
      %get3A_1898 = arith.constant 848 : index
      %get3A_1899 = tpu.vector_load %arg9[%get3A_1898] {strides = array<i32>} : memref<2048xf32, #tpu.memory_space<vmem>>, vector<16xf32>,
      %get3A_1900 = vector.shape_cast %get3A_1899 : vector<16xf32> to vector<16xf32>
      %add3A_1901 = arith.constant 80 : i32
      %add3A_1902 = arith.addi %mul3A_1837, %add3A_1901 : i32
      %multiple_of3A_1903 = tpu.assume_multiple %add3A_1902, 16 : i32
      %mul3A_1904 = vector.broadcast %select_n3A_1796 : f32 to vector<16xf32>
      %mul3A_1905 = arith.mulf %get3A_1900, %mul3A_1904 : vector<16xf32>
      %swap3A_1906 = arith.index_cast %multiple_of3A_1903 : i32 to index
      %swap3A_1907 = tpu.vector_load %arg10[%swap3A_1906] {strides = array<i32>} : memref<65536xf32, #tpu.memory_space<vmem>>, vector<16xf32>,
      %swap3A_1908 = vector.shape_cast %swap3A_1907 : vector<16xf32> to vector<16xf32>
      %swap3A_1909 = vector.shape_cast %mul3A_1905 : vector<16xf32> to vector<16xf32>
      tpu.vector_store %arg10[%swap3A_1906], %swap3A_1909 {add = true, strides = array<i32>} : memref<65536xf32, #tpu.memory_space<vmem>>, vector<16xf32>,
      %get3A_1910 = arith.constant 864 : index
      %get3A_1911 = tpu.vector_load %arg9[%get3A_1910] {strides = array<i32>} : memref<2048xf32, #tpu.memory_space<vmem>>, vector<16xf32>,
      %get3A_1912 = vector.shape_cast %get3A_1911 : vector<16xf32> to vector<16xf32>
      %add3A_1913 = arith.constant 96 : i32
      %add3A_1914 = arith.addi %mul3A_1837, %add3A_1913 : i32
      %multiple_of3A_1915 = tpu.assume_multiple %add3A_1914, 16 : i32
      %mul3A_1916 = vector.broadcast %select_n3A_1796 : f32 to vector<16xf32>
      %mul3A_1917 = arith.mulf %get3A_1912, %mul3A_1916 : vector<16xf32>
      %swap3A_1918 = arith.index_cast %multiple_of3A_1915 : i32 to index
      %swap3A_1919 = tpu.vector_load %arg10[%swap3A_1918] {strides = array<i32>} : memref<65536xf32, #tpu.memory_space<vmem>>, vector<16xf32>,
      %swap3A_1920 = vector.shape_cast %swap3A_1919 : vector<16xf32> to vector<16xf32>
      %swap3A_1921 = vector.shape_cast %mul3A_1917 : vector<16xf32> to vector<16xf32>
      tpu.vector_store %arg10[%swap3A_1918], %swap3A_1921 {add = true, strides = array<i32>} : memref<65536xf32, #tpu.memory_space<vmem>>, vector<16xf32>,
      %get3A_1922 = arith.constant 880 : index
      %get3A_1923 = tpu.vector_load %arg9[%get3A_1922] {strides = array<i32>} : memref<2048xf32, #tpu.memory_space<vmem>>, vector<16xf32>,
      %get3A_1924 = vector.shape_cast %get3A_1923 : vector<16xf32> to vector<16xf32>
      %add3A_1925 = arith.constant 112 : i32
      %add3A_1926 = arith.addi %mul3A_1837, %add3A_1925 : i32
      %multiple_of3A_1927 = tpu.assume_multiple %add3A_1926, 16 : i32
      %mul3A_1928 = vector.broadcast %select_n3A_1796 : f32 to vector<16xf32>
      %mul3A_1929 = arith.mulf %get3A_1924, %mul3A_1928 : vector<16xf32>
      %swap3A_1930 = arith.index_cast %multiple_of3A_1927 : i32 to index
      %swap3A_1931 = tpu.vector_load %arg10[%swap3A_1930] {strides = array<i32>} : memref<65536xf32, #tpu.memory_space<vmem>>, vector<16xf32>,
      %swap3A_1932 = vector.shape_cast %swap3A_1931 : vector<16xf32> to vector<16xf32>
      %swap3A_1933 = vector.shape_cast %mul3A_1929 : vector<16xf32> to vector<16xf32>
      tpu.vector_store %arg10[%swap3A_1930], %swap3A_1933 {add = true, strides = array<i32>} : memref<65536xf32, #tpu.memory_space<vmem>>, vector<16xf32>,
      %get3A_1934 = arith.constant 896 : index
      %get3A_1935 = tpu.vector_load %arg9[%get3A_1934] {strides = array<i32>} : memref<2048xf32, #tpu.memory_space<vmem>>, vector<16xf32>,
      %get3A_1936 = vector.shape_cast %get3A_1935 : vector<16xf32> to vector<16xf32>
      %add3A_1937 = arith.constant 128 : i32
      %add3A_1938 = arith.addi %mul3A_1837, %add3A_1937 : i32
      %multiple_of3A_1939 = tpu.assume_multiple %add3A_1938, 16 : i32
      %mul3A_1940 = vector.broadcast %select_n3A_1796 : f32 to vector<16xf32>
      %mul3A_1941 = arith.mulf %get3A_1936, %mul3A_1940 : vector<16xf32>
      %swap3A_1942 = arith.index_cast %multiple_of3A_1939 : i32 to index
      %swap3A_1943 = tpu.vector_load %arg10[%swap3A_1942] {strides = array<i32>} : memref<65536xf32, #tpu.memory_space<vmem>>, vector<16xf32>,
      %swap3A_1944 = vector.shape_cast %swap3A_1943 : vector<16xf32> to vector<16xf32>
      %swap3A_1945 = vector.shape_cast %mul3A_1941 : vector<16xf32> to vector<16xf32>
      tpu.vector_store %arg10[%swap3A_1942], %swap3A_1945 {add = true, strides = array<i32>} : memref<65536xf32, #tpu.memory_space<vmem>>, vector<16xf32>,
      %get3A_1946 = arith.constant 912 : index
      %get3A_1947 = tpu.vector_load %arg9[%get3A_1946] {strides = array<i32>} : memref<2048xf32, #tpu.memory_space<vmem>>, vector<16xf32>,
      %get3A_1948 = vector.shape_cast %get3A_1947 : vector<16xf32> to vector<16xf32>
      %add3A_1949 = arith.constant 144 : i32
      %add3A_1950 = arith.addi %mul3A_1837, %add3A_1949 : i32
      %multiple_of3A_1951 = tpu.assume_multiple %add3A_1950, 16 : i32
      %mul3A_1952 = vector.broadcast %select_n3A_1796 : f32 to vector<16xf32>
      %mul3A_1953 = arith.mulf %get3A_1948, %mul3A_1952 : vector<16xf32>
      %swap3A_1954 = arith.index_cast %multiple_of3A_1951 : i32 to index
      %swap3A_1955 = tpu.vector_load %arg10[%swap3A_1954] {strides = array<i32>} : memref<65536xf32, #tpu.memory_space<vmem>>, vector<16xf32>,
      %swap3A_1956 = vector.shape_cast %swap3A_1955 : vector<16xf32> to vector<16xf32>
      %swap3A_1957 = vector.shape_cast %mul3A_1953 : vector<16xf32> to vector<16xf32>
      tpu.vector_store %arg10[%swap3A_1954], %swap3A_1957 {add = true, strides = array<i32>} : memref<65536xf32, #tpu.memory_space<vmem>>, vector<16xf32>,
      %get3A_1958 = arith.constant 928 : index
      %get3A_1959 = tpu.vector_load %arg9[%get3A_1958] {strides = array<i32>} : memref<2048xf32, #tpu.memory_space<vmem>>, vector<16xf32>,
      %get3A_1960 = vector.shape_cast %get3A_1959 : vector<16xf32> to vector<16xf32>
      %add3A_1961 = arith.constant 160 : i32
      %add3A_1962 = arith.addi %mul3A_1837, %add3A_1961 : i32
      %multiple_of3A_1963 = tpu.assume_multiple %add3A_1962, 16 : i32
      %mul3A_1964 = vector.broadcast %select_n3A_1796 : f32 to vector<16xf32>
      %mul3A_1965 = arith.mulf %get3A_1960, %mul3A_1964 : vector<16xf32>
      %swap3A_1966 = arith.index_cast %multiple_of3A_1963 : i32 to index
      %swap3A_1967 = tpu.vector_load %arg10[%swap3A_1966] {strides = array<i32>} : memref<65536xf32, #tpu.memory_space<vmem>>, vector<16xf32>,
      %swap3A_1968 = vector.shape_cast %swap3A_1967 : vector<16xf32> to vector<16xf32>
      %swap3A_1969 = vector.shape_cast %mul3A_1965 : vector<16xf32> to vector<16xf32>
      tpu.vector_store %arg10[%swap3A_1966], %swap3A_1969 {add = true, strides = array<i32>} : memref<65536xf32, #tpu.memory_space<vmem>>, vector<16xf32>,
      %get3A_1970 = arith.constant 944 : index
      %get3A_1971 = tpu.vector_load %arg9[%get3A_1970] {strides = array<i32>} : memref<2048xf32, #tpu.memory_space<vmem>>, vector<16xf32>,
      %get3A_1972 = vector.shape_cast %get3A_1971 : vector<16xf32> to vector<16xf32>
      %add3A_1973 = arith.constant 176 : i32
      %add3A_1974 = arith.addi %mul3A_1837, %add3A_1973 : i32
      %multiple_of3A_1975 = tpu.assume_multiple %add3A_1974, 16 : i32
      %mul3A_1976 = vector.broadcast %select_n3A_1796 : f32 to vector<16xf32>
      %mul3A_1977 = arith.mulf %get3A_1972, %mul3A_1976 : vector<16xf32>
      %swap3A_1978 = arith.index_cast %multiple_of3A_1975 : i32 to index
      %swap3A_1979 = tpu.vector_load %arg10[%swap3A_1978] {strides = array<i32>} : memref<65536xf32, #tpu.memory_space<vmem>>, vector<16xf32>,
      %swap3A_1980 = vector.shape_cast %swap3A_1979 : vector<16xf32> to vector<16xf32>
      %swap3A_1981 = vector.shape_cast %mul3A_1977 : vector<16xf32> to vector<16xf32>
      tpu.vector_store %arg10[%swap3A_1978], %swap3A_1981 {add = true, strides = array<i32>} : memref<65536xf32, #tpu.memory_space<vmem>>, vector<16xf32>,
      %get3A_1982 = arith.constant 960 : index
      %get3A_1983 = tpu.vector_load %arg9[%get3A_1982] {strides = array<i32>} : memref<2048xf32, #tpu.memory_space<vmem>>, vector<16xf32>,
      %get3A_1984 = vector.shape_cast %get3A_1983 : vector<16xf32> to vector<16xf32>
      %add3A_1985 = arith.constant 192 : i32
      %add3A_1986 = arith.addi %mul3A_1837, %add3A_1985 : i32
      %multiple_of3A_1987 = tpu.assume_multiple %add3A_1986, 16 : i32
      %mul3A_1988 = vector.broadcast %select_n3A_1796 : f32 to vector<16xf32>
      %mul3A_1989 = arith.mulf %get3A_1984, %mul3A_1988 : vector<16xf32>
      %swap3A_1990 = arith.index_cast %multiple_of3A_1987 : i32 to index
      %swap3A_1991 = tpu.vector_load %arg10[%swap3A_1990] {strides = array<i32>} : memref<65536xf32, #tpu.memory_space<vmem>>, vector<16xf32>,
      %swap3A_1992 = vector.shape_cast %swap3A_1991 : vector<16xf32> to vector<16xf32>
      %swap3A_1993 = vector.shape_cast %mul3A_1989 : vector<16xf32> to vector<16xf32>
      tpu.vector_store %arg10[%swap3A_1990], %swap3A_1993 {add = true, strides = array<i32>} : memref<65536xf32, #tpu.memory_space<vmem>>, vector<16xf32>,
      %get3A_1994 = arith.constant 976 : index
      %get3A_1995 = tpu.vector_load %arg9[%get3A_1994] {strides = array<i32>} : memref<2048xf32, #tpu.memory_space<vmem>>, vector<16xf32>,
      %get3A_1996 = vector.shape_cast %get3A_1995 : vector<16xf32> to vector<16xf32>
      %add3A_1997 = arith.constant 208 : i32
      %add3A_1998 = arith.addi %mul3A_1837, %add3A_1997 : i32
      %multiple_of3A_1999 = tpu.assume_multiple %add3A_1998, 16 : i32
      %mul3A_2000 = vector.broadcast %select_n3A_1796 : f32 to vector<16xf32>
      %mul3A_2001 = arith.mulf %get3A_1996, %mul3A_2000 : vector<16xf32>
      %swap3A_2002 = arith.index_cast %multiple_of3A_1999 : i32 to index
      %swap3A_2003 = tpu.vector_load %arg10[%swap3A_2002] {strides = array<i32>} : memref<65536xf32, #tpu.memory_space<vmem>>, vector<16xf32>,
      %swap3A_2004 = vector.shape_cast %swap3A_2003 : vector<16xf32> to vector<16xf32>
      %swap3A_2005 = vector.shape_cast %mul3A_2001 : vector<16xf32> to vector<16xf32>
      tpu.vector_store %arg10[%swap3A_2002], %swap3A_2005 {add = true, strides = array<i32>} : memref<65536xf32, #tpu.memory_space<vmem>>, vector<16xf32>,
      %get3A_2006 = arith.constant 992 : index
      %get3A_2007 = tpu.vector_load %arg9[%get3A_2006] {strides = array<i32>} : memref<2048xf32, #tpu.memory_space<vmem>>, vector<16xf32>,
      %get3A_2008 = vector.shape_cast %get3A_2007 : vector<16xf32> to vector<16xf32>
      %add3A_2009 = arith.constant 224 : i32
      %add3A_2010 = arith.addi %mul3A_1837, %add3A_2009 : i32
      %multiple_of3A_2011 = tpu.assume_multiple %add3A_2010, 16 : i32
      %mul3A_2012 = vector.broadcast %select_n3A_1796 : f32 to vector<16xf32>
      %mul3A_2013 = arith.mulf %get3A_2008, %mul3A_2012 : vector<16xf32>
      %swap3A_2014 = arith.index_cast %multiple_of3A_2011 : i32 to index
      %swap3A_2015 = tpu.vector_load %arg10[%swap3A_2014] {strides = array<i32>} : memref<65536xf32, #tpu.memory_space<vmem>>, vector<16xf32>,
      %swap3A_2016 = vector.shape_cast %swap3A_2015 : vector<16xf32> to vector<16xf32>
      %swap3A_2017 = vector.shape_cast %mul3A_2013 : vector<16xf32> to vector<16xf32>
      tpu.vector_store %arg10[%swap3A_2014], %swap3A_2017 {add = true, strides = array<i32>} : memref<65536xf32, #tpu.memory_space<vmem>>, vector<16xf32>,
      %get3A_2018 = arith.constant 1008 : index
      %get3A_2019 = tpu.vector_load %arg9[%get3A_2018] {strides = array<i32>} : memref<2048xf32, #tpu.memory_space<vmem>>, vector<16xf32>,
      %get3A_2020 = vector.shape_cast %get3A_2019 : vector<16xf32> to vector<16xf32>
      %add3A_2021 = arith.constant 240 : i32
      %add3A_2022 = arith.addi %mul3A_1837, %add3A_2021 : i32
      %multiple_of3A_2023 = tpu.assume_multiple %add3A_2022, 16 : i32
      %mul3A_2024 = vector.broadcast %select_n3A_1796 : f32 to vector<16xf32>
      %mul3A_2025 = arith.mulf %get3A_2020, %mul3A_2024 : vector<16xf32>
      %swap3A_2026 = arith.index_cast %multiple_of3A_2023 : i32 to index
      %swap3A_2027 = tpu.vector_load %arg10[%swap3A_2026] {strides = array<i32>} : memref<65536xf32, #tpu.memory_space<vmem>>, vector<16xf32>,
      %swap3A_2028 = vector.shape_cast %swap3A_2027 : vector<16xf32> to vector<16xf32>
      %swap3A_2029 = vector.shape_cast %mul3A_2025 : vector<16xf32> to vector<16xf32>
      tpu.vector_store %arg10[%swap3A_2026], %swap3A_2029 {add = true, strides = array<i32>} : memref<65536xf32, #tpu.memory_space<vmem>>, vector<16xf32>,
      %get3A_2030 = arith.constant 1024 : index
      %get3A_2031 = tpu.vector_load %arg8[%get3A_2030] {strides = array<i32>} : memref<2048xf32, #tpu.memory_space<vmem>>, vector<16xf32>,
      %get3A_2032 = vector.shape_cast %get3A_2031 : vector<16xf32> to vector<16xf32>
      %get3A_2033 = arith.constant 1040 : index
      %get3A_2034 = tpu.vector_load %arg8[%get3A_2033] {strides = array<i32>} : memref<2048xf32, #tpu.memory_space<vmem>>, vector<16xf32>,
      %get3A_2035 = vector.shape_cast %get3A_2034 : vector<16xf32> to vector<16xf32>
      %gt3A_2036 = arith.cmpf ogt, %get3A_2035, %get3A_2032 : vector<16xf32>
      %select_n3A_2037 = arith.select %gt3A_2036, %get3A_2035, %get3A_2032 : vector<16xi1>, vector<16xf32>
      %add3A_2038 = arith.constant 16 : i32
      %add3A_2039 = vector.broadcast %add3A_2038 : i32 to vector<16xi32>
      %add3A_2040 = arith.addi %iota3A, %add3A_2039 : vector<16xi32>
      %select_n3A_2041 = arith.select %gt3A_2036, %add3A_2040, %iota3A : vector<16xi1>, vector<16xi32>
      %get3A_2042 = arith.constant 1056 : index
      %get3A_2043 = tpu.vector_load %arg8[%get3A_2042] {strides = array<i32>} : memref<2048xf32, #tpu.memory_space<vmem>>, vector<16xf32>,
      %get3A_2044 = vector.shape_cast %get3A_2043 : vector<16xf32> to vector<16xf32>
      %gt3A_2045 = arith.cmpf ogt, %get3A_2044, %select_n3A_2037 : vector<16xf32>
      %select_n3A_2046 = arith.select %gt3A_2045, %get3A_2044, %select_n3A_2037 : vector<16xi1>, vector<16xf32>
      %add3A_2047 = arith.constant 32 : i32
      %add3A_2048 = vector.broadcast %add3A_2047 : i32 to vector<16xi32>
      %add3A_2049 = arith.addi %iota3A, %add3A_2048 : vector<16xi32>
      %select_n3A_2050 = arith.select %gt3A_2045, %add3A_2049, %select_n3A_2041 : vector<16xi1>, vector<16xi32>
      %get3A_2051 = arith.constant 1072 : index
      %get3A_2052 = tpu.vector_load %arg8[%get3A_2051] {strides = array<i32>} : memref<2048xf32, #tpu.memory_space<vmem>>, vector<16xf32>,
      %get3A_2053 = vector.shape_cast %get3A_2052 : vector<16xf32> to vector<16xf32>
      %gt3A_2054 = arith.cmpf ogt, %get3A_2053, %select_n3A_2046 : vector<16xf32>
      %select_n3A_2055 = arith.select %gt3A_2054, %get3A_2053, %select_n3A_2046 : vector<16xi1>, vector<16xf32>
      %add3A_2056 = arith.constant 48 : i32
      %add3A_2057 = vector.broadcast %add3A_2056 : i32 to vector<16xi32>
      %add3A_2058 = arith.addi %iota3A, %add3A_2057 : vector<16xi32>
      %select_n3A_2059 = arith.select %gt3A_2054, %add3A_2058, %select_n3A_2050 : vector<16xi1>, vector<16xi32>
      %get3A_2060 = arith.constant 1088 : index
      %get3A_2061 = tpu.vector_load %arg8[%get3A_2060] {strides = array<i32>} : memref<2048xf32, #tpu.memory_space<vmem>>, vector<16xf32>,
      %get3A_2062 = vector.shape_cast %get3A_2061 : vector<16xf32> to vector<16xf32>
      %gt3A_2063 = arith.cmpf ogt, %get3A_2062, %select_n3A_2055 : vector<16xf32>
      %select_n3A_2064 = arith.select %gt3A_2063, %get3A_2062, %select_n3A_2055 : vector<16xi1>, vector<16xf32>
      %add3A_2065 = arith.constant 64 : i32
      %add3A_2066 = vector.broadcast %add3A_2065 : i32 to vector<16xi32>
      %add3A_2067 = arith.addi %iota3A, %add3A_2066 : vector<16xi32>
      %select_n3A_2068 = arith.select %gt3A_2063, %add3A_2067, %select_n3A_2059 : vector<16xi1>, vector<16xi32>
      %get3A_2069 = arith.constant 1104 : index
      %get3A_2070 = tpu.vector_load %arg8[%get3A_2069] {strides = array<i32>} : memref<2048xf32, #tpu.memory_space<vmem>>, vector<16xf32>,
      %get3A_2071 = vector.shape_cast %get3A_2070 : vector<16xf32> to vector<16xf32>
      %gt3A_2072 = arith.cmpf ogt, %get3A_2071, %select_n3A_2064 : vector<16xf32>
      %select_n3A_2073 = arith.select %gt3A_2072, %get3A_2071, %select_n3A_2064 : vector<16xi1>, vector<16xf32>
      %add3A_2074 = arith.constant 80 : i32
      %add3A_2075 = vector.broadcast %add3A_2074 : i32 to vector<16xi32>
      %add3A_2076 = arith.addi %iota3A, %add3A_2075 : vector<16xi32>
      %select_n3A_2077 = arith.select %gt3A_2072, %add3A_2076, %select_n3A_2068 : vector<16xi1>, vector<16xi32>
      %get3A_2078 = arith.constant 1120 : index
      %get3A_2079 = tpu.vector_load %arg8[%get3A_2078] {strides = array<i32>} : memref<2048xf32, #tpu.memory_space<vmem>>, vector<16xf32>,
      %get3A_2080 = vector.shape_cast %get3A_2079 : vector<16xf32> to vector<16xf32>
      %gt3A_2081 = arith.cmpf ogt, %get3A_2080, %select_n3A_2073 : vector<16xf32>
      %select_n3A_2082 = arith.select %gt3A_2081, %get3A_2080, %select_n3A_2073 : vector<16xi1>, vector<16xf32>
      %add3A_2083 = arith.constant 96 : i32
      %add3A_2084 = vector.broadcast %add3A_2083 : i32 to vector<16xi32>
      %add3A_2085 = arith.addi %iota3A, %add3A_2084 : vector<16xi32>
      %select_n3A_2086 = arith.select %gt3A_2081, %add3A_2085, %select_n3A_2077 : vector<16xi1>, vector<16xi32>
      %get3A_2087 = arith.constant 1136 : index
      %get3A_2088 = tpu.vector_load %arg8[%get3A_2087] {strides = array<i32>} : memref<2048xf32, #tpu.memory_space<vmem>>, vector<16xf32>,
      %get3A_2089 = vector.shape_cast %get3A_2088 : vector<16xf32> to vector<16xf32>
      %gt3A_2090 = arith.cmpf ogt, %get3A_2089, %select_n3A_2082 : vector<16xf32>
      %select_n3A_2091 = arith.select %gt3A_2090, %get3A_2089, %select_n3A_2082 : vector<16xi1>, vector<16xf32>
      %add3A_2092 = arith.constant 112 : i32
      %add3A_2093 = vector.broadcast %add3A_2092 : i32 to vector<16xi32>
      %add3A_2094 = arith.addi %iota3A, %add3A_2093 : vector<16xi32>
      %select_n3A_2095 = arith.select %gt3A_2090, %add3A_2094, %select_n3A_2086 : vector<16xi1>, vector<16xi32>
      %get3A_2096 = arith.constant 1152 : index
      %get3A_2097 = tpu.vector_load %arg8[%get3A_2096] {strides = array<i32>} : memref<2048xf32, #tpu.memory_space<vmem>>, vector<16xf32>,
      %get3A_2098 = vector.shape_cast %get3A_2097 : vector<16xf32> to vector<16xf32>
      %gt3A_2099 = arith.cmpf ogt, %get3A_2098, %select_n3A_2091 : vector<16xf32>
      %select_n3A_2100 = arith.select %gt3A_2099, %get3A_2098, %select_n3A_2091 : vector<16xi1>, vector<16xf32>
      %add3A_2101 = arith.constant 128 : i32
      %add3A_2102 = vector.broadcast %add3A_2101 : i32 to vector<16xi32>
      %add3A_2103 = arith.addi %iota3A, %add3A_2102 : vector<16xi32>
      %select_n3A_2104 = arith.select %gt3A_2099, %add3A_2103, %select_n3A_2095 : vector<16xi1>, vector<16xi32>
      %get3A_2105 = arith.constant 1168 : index
      %get3A_2106 = tpu.vector_load %arg8[%get3A_2105] {strides = array<i32>} : memref<2048xf32, #tpu.memory_space<vmem>>, vector<16xf32>,
      %get3A_2107 = vector.shape_cast %get3A_2106 : vector<16xf32> to vector<16xf32>
      %gt3A_2108 = arith.cmpf ogt, %get3A_2107, %select_n3A_2100 : vector<16xf32>
      %select_n3A_2109 = arith.select %gt3A_2108, %get3A_2107, %select_n3A_2100 : vector<16xi1>, vector<16xf32>
      %add3A_2110 = arith.constant 144 : i32
      %add3A_2111 = vector.broadcast %add3A_2110 : i32 to vector<16xi32>
      %add3A_2112 = arith.addi %iota3A, %add3A_2111 : vector<16xi32>
      %select_n3A_2113 = arith.select %gt3A_2108, %add3A_2112, %select_n3A_2104 : vector<16xi1>, vector<16xi32>
      %get3A_2114 = arith.constant 1184 : index
      %get3A_2115 = tpu.vector_load %arg8[%get3A_2114] {strides = array<i32>} : memref<2048xf32, #tpu.memory_space<vmem>>, vector<16xf32>,
      %get3A_2116 = vector.shape_cast %get3A_2115 : vector<16xf32> to vector<16xf32>
      %gt3A_2117 = arith.cmpf ogt, %get3A_2116, %select_n3A_2109 : vector<16xf32>
      %select_n3A_2118 = arith.select %gt3A_2117, %get3A_2116, %select_n3A_2109 : vector<16xi1>, vector<16xf32>
      %add3A_2119 = arith.constant 160 : i32
      %add3A_2120 = vector.broadcast %add3A_2119 : i32 to vector<16xi32>
      %add3A_2121 = arith.addi %iota3A, %add3A_2120 : vector<16xi32>
      %select_n3A_2122 = arith.select %gt3A_2117, %add3A_2121, %select_n3A_2113 : vector<16xi1>, vector<16xi32>
      %get3A_2123 = arith.constant 1200 : index
      %get3A_2124 = tpu.vector_load %arg8[%get3A_2123] {strides = array<i32>} : memref<2048xf32, #tpu.memory_space<vmem>>, vector<16xf32>,
      %get3A_2125 = vector.shape_cast %get3A_2124 : vector<16xf32> to vector<16xf32>
      %gt3A_2126 = arith.cmpf ogt, %get3A_2125, %select_n3A_2118 : vector<16xf32>
      %select_n3A_2127 = arith.select %gt3A_2126, %get3A_2125, %select_n3A_2118 : vector<16xi1>, vector<16xf32>
      %add3A_2128 = arith.constant 176 : i32
      %add3A_2129 = vector.broadcast %add3A_2128 : i32 to vector<16xi32>
      %add3A_2130 = arith.addi %iota3A, %add3A_2129 : vector<16xi32>
      %select_n3A_2131 = arith.select %gt3A_2126, %add3A_2130, %select_n3A_2122 : vector<16xi1>, vector<16xi32>
      %get3A_2132 = arith.constant 1216 : index
      %get3A_2133 = tpu.vector_load %arg8[%get3A_2132] {strides = array<i32>} : memref<2048xf32, #tpu.memory_space<vmem>>, vector<16xf32>,
      %get3A_2134 = vector.shape_cast %get3A_2133 : vector<16xf32> to vector<16xf32>
      %gt3A_2135 = arith.cmpf ogt, %get3A_2134, %select_n3A_2127 : vector<16xf32>
      %select_n3A_2136 = arith.select %gt3A_2135, %get3A_2134, %select_n3A_2127 : vector<16xi1>, vector<16xf32>
      %add3A_2137 = arith.constant 192 : i32
      %add3A_2138 = vector.broadcast %add3A_2137 : i32 to vector<16xi32>
      %add3A_2139 = arith.addi %iota3A, %add3A_2138 : vector<16xi32>
      %select_n3A_2140 = arith.select %gt3A_2135, %add3A_2139, %select_n3A_2131 : vector<16xi1>, vector<16xi32>
      %get3A_2141 = arith.constant 1232 : index
      %get3A_2142 = tpu.vector_load %arg8[%get3A_2141] {strides = array<i32>} : memref<2048xf32, #tpu.memory_space<vmem>>, vector<16xf32>,
      %get3A_2143 = vector.shape_cast %get3A_2142 : vector<16xf32> to vector<16xf32>
      %gt3A_2144 = arith.cmpf ogt, %get3A_2143, %select_n3A_2136 : vector<16xf32>
      %select_n3A_2145 = arith.select %gt3A_2144, %get3A_2143, %select_n3A_2136 : vector<16xi1>, vector<16xf32>
      %add3A_2146 = arith.constant 208 : i32
      %add3A_2147 = vector.broadcast %add3A_2146 : i32 to vector<16xi32>
      %add3A_2148 = arith.addi %iota3A, %add3A_2147 : vector<16xi32>
      %select_n3A_2149 = arith.select %gt3A_2144, %add3A_2148, %select_n3A_2140 : vector<16xi1>, vector<16xi32>
      %get3A_2150 = arith.constant 1248 : index
      %get3A_2151 = tpu.vector_load %arg8[%get3A_2150] {strides = array<i32>} : memref<2048xf32, #tpu.memory_space<vmem>>, vector<16xf32>,
      %get3A_2152 = vector.shape_cast %get3A_2151 : vector<16xf32> to vector<16xf32>
      %gt3A_2153 = arith.cmpf ogt, %get3A_2152, %select_n3A_2145 : vector<16xf32>
      %select_n3A_2154 = arith.select %gt3A_2153, %get3A_2152, %select_n3A_2145 : vector<16xi1>, vector<16xf32>
      %add3A_2155 = arith.constant 224 : i32
      %add3A_2156 = vector.broadcast %add3A_2155 : i32 to vector<16xi32>
      %add3A_2157 = arith.addi %iota3A, %add3A_2156 : vector<16xi32>
      %select_n3A_2158 = arith.select %gt3A_2153, %add3A_2157, %select_n3A_2149 : vector<16xi1>, vector<16xi32>
      %get3A_2159 = arith.constant 1264 : index
      %get3A_2160 = tpu.vector_load %arg8[%get3A_2159] {strides = array<i32>} : memref<2048xf32, #tpu.memory_space<vmem>>, vector<16xf32>,
      %get3A_2161 = vector.shape_cast %get3A_2160 : vector<16xf32> to vector<16xf32>
      %gt3A_2162 = arith.cmpf ogt, %get3A_2161, %select_n3A_2154 : vector<16xf32>
      %select_n3A_2163 = arith.select %gt3A_2162, %get3A_2161, %select_n3A_2154 : vector<16xi1>, vector<16xf32>
      %add3A_2164 = arith.constant 240 : i32
      %add3A_2165 = vector.broadcast %add3A_2164 : i32 to vector<16xi32>
      %add3A_2166 = arith.addi %iota3A, %add3A_2165 : vector<16xi32>
      %select_n3A_2167 = arith.select %gt3A_2162, %add3A_2166, %select_n3A_2158 : vector<16xi1>, vector<16xi32>
      %lt3A_2168 = arith.constant 0 : i32
      %lt3A_2169 = vector.broadcast %lt3A_2168 : i32 to vector<16xi32>
      %lt3A_2170 = arith.cmpi slt, %xor3A_1, %lt3A_2169 : vector<16xi32>
      %add3A_2171 = arith.constant 16 : i32
      %add3A_2172 = vector.broadcast %add3A_2171 : i32 to vector<16xi32>
      %add3A_2173 = arith.addi %xor3A_1, %add3A_2172 : vector<16xi32>
      %select_n3A_2174 = arith.select %lt3A_2170, %add3A_2173, %xor3A_1 : vector<16xi1>, vector<16xi32>
      %broadcast_in_dim3A_2175 = vector.shape_cast %select_n3A_2174 : vector<16xi32> to vector<16x1xi32>
      %gather3A_2176 = vector.shape_cast %broadcast_in_dim3A_2175 : vector<16x1xi32> to vector<16xi32>
      %gather3A_2177 = tpu.dynamic_gather %select_n3A_2163[%gather3A_2176] in [0] : vector<16xf32>, vector<16xi32> -> vector<16xf32>
      %lt3A_2178 = arith.constant 0 : i32
      %lt3A_2179 = vector.broadcast %lt3A_2178 : i32 to vector<16xi32>
      %lt3A_2180 = arith.cmpi slt, %xor3A_1, %lt3A_2179 : vector<16xi32>
      %add3A_2181 = arith.constant 16 : i32
      %add3A_2182 = vector.broadcast %add3A_2181 : i32 to vector<16xi32>
      %add3A_2183 = arith.addi %xor3A_1, %add3A_2182 : vector<16xi32>
      %select_n3A_2184 = arith.select %lt3A_2180, %add3A_2183, %xor3A_1 : vector<16xi1>, vector<16xi32>
      %broadcast_in_dim3A_2185 = vector.shape_cast %select_n3A_2184 : vector<16xi32> to vector<16x1xi32>
      %gather3A_2186 = vector.shape_cast %broadcast_in_dim3A_2185 : vector<16x1xi32> to vector<16xi32>
      %gather3A_2187 = tpu.dynamic_gather %select_n3A_2167[%gather3A_2186] in [0] : vector<16xi32>, vector<16xi32> -> vector<16xi32>
      %gt3A_2188 = arith.cmpf ogt, %gather3A_2177, %select_n3A_2163 : vector<16xf32>
      %eq3A_2189 = arith.cmpf oeq, %gather3A_2177, %select_n3A_2163 : vector<16xf32>
      %lt3A_2190 = arith.cmpi slt, %gather3A_2187, %select_n3A_2167 : vector<16xi32>
      %and3A_2191 = arith.andi %eq3A_2189, %lt3A_2190 : vector<16xi1>
      %or3A_2192 = arith.ori %gt3A_2188, %and3A_2191 : vector<16xi1>
      %select_n3A_2193 = arith.select %or3A_2192, %gather3A_2177, %select_n3A_2163 : vector<16xi1>, vector<16xf32>
      %select_n3A_2194 = arith.select %or3A_2192, %gather3A_2187, %select_n3A_2167 : vector<16xi1>, vector<16xi32>
      %lt3A_2195 = arith.constant 0 : i32
      %lt3A_2196 = vector.broadcast %lt3A_2195 : i32 to vector<16xi32>
      %lt3A_2197 = arith.cmpi slt, %xor3A_4, %lt3A_2196 : vector<16xi32>
      %add3A_2198 = arith.constant 16 : i32
      %add3A_2199 = vector.broadcast %add3A_2198 : i32 to vector<16xi32>
      %add3A_2200 = arith.addi %xor3A_4, %add3A_2199 : vector<16xi32>
      %select_n3A_2201 = arith.select %lt3A_2197, %add3A_2200, %xor3A_4 : vector<16xi1>, vector<16xi32>
      %broadcast_in_dim3A_2202 = vector.shape_cast %select_n3A_2201 : vector<16xi32> to vector<16x1xi32>
      %gather3A_2203 = vector.shape_cast %broadcast_in_dim3A_2202 : vector<16x1xi32> to vector<16xi32>
      %gather3A_2204 = tpu.dynamic_gather %select_n3A_2193[%gather3A_2203] in [0] : vector<16xf32>, vector<16xi32> -> vector<16xf32>
      %lt3A_2205 = arith.constant 0 : i32
      %lt3A_2206 = vector.broadcast %lt3A_2205 : i32 to vector<16xi32>
      %lt3A_2207 = arith.cmpi slt, %xor3A_4, %lt3A_2206 : vector<16xi32>
      %add3A_2208 = arith.constant 16 : i32
      %add3A_2209 = vector.broadcast %add3A_2208 : i32 to vector<16xi32>
      %add3A_2210 = arith.addi %xor3A_4, %add3A_2209 : vector<16xi32>
      %select_n3A_2211 = arith.select %lt3A_2207, %add3A_2210, %xor3A_4 : vector<16xi1>, vector<16xi32>
      %broadcast_in_dim3A_2212 = vector.shape_cast %select_n3A_2211 : vector<16xi32> to vector<16x1xi32>
      %gather3A_2213 = vector.shape_cast %broadcast_in_dim3A_2212 : vector<16x1xi32> to vector<16xi32>
      %gather3A_2214 = tpu.dynamic_gather %select_n3A_2194[%gather3A_2213] in [0] : vector<16xi32>, vector<16xi32> -> vector<16xi32>
      %gt3A_2215 = arith.cmpf ogt, %gather3A_2204, %select_n3A_2193 : vector<16xf32>
      %eq3A_2216 = arith.cmpf oeq, %gather3A_2204, %select_n3A_2193 : vector<16xf32>
      %lt3A_2217 = arith.cmpi slt, %gather3A_2214, %select_n3A_2194 : vector<16xi32>
      %and3A_2218 = arith.andi %eq3A_2216, %lt3A_2217 : vector<16xi1>
      %or3A_2219 = arith.ori %gt3A_2215, %and3A_2218 : vector<16xi1>
      %select_n3A_2220 = arith.select %or3A_2219, %gather3A_2204, %select_n3A_2193 : vector<16xi1>, vector<16xf32>
      %select_n3A_2221 = arith.select %or3A_2219, %gather3A_2214, %select_n3A_2194 : vector<16xi1>, vector<16xi32>
      %lt3A_2222 = arith.constant 0 : i32
      %lt3A_2223 = vector.broadcast %lt3A_2222 : i32 to vector<16xi32>
      %lt3A_2224 = arith.cmpi slt, %xor3A_7, %lt3A_2223 : vector<16xi32>
      %add3A_2225 = arith.constant 16 : i32
      %add3A_2226 = vector.broadcast %add3A_2225 : i32 to vector<16xi32>
      %add3A_2227 = arith.addi %xor3A_7, %add3A_2226 : vector<16xi32>
      %select_n3A_2228 = arith.select %lt3A_2224, %add3A_2227, %xor3A_7 : vector<16xi1>, vector<16xi32>
      %broadcast_in_dim3A_2229 = vector.shape_cast %select_n3A_2228 : vector<16xi32> to vector<16x1xi32>
      %gather3A_2230 = vector.shape_cast %broadcast_in_dim3A_2229 : vector<16x1xi32> to vector<16xi32>
      %gather3A_2231 = tpu.dynamic_gather %select_n3A_2220[%gather3A_2230] in [0] : vector<16xf32>, vector<16xi32> -> vector<16xf32>
      %lt3A_2232 = arith.constant 0 : i32
      %lt3A_2233 = vector.broadcast %lt3A_2232 : i32 to vector<16xi32>
      %lt3A_2234 = arith.cmpi slt, %xor3A_7, %lt3A_2233 : vector<16xi32>
      %add3A_2235 = arith.constant 16 : i32
      %add3A_2236 = vector.broadcast %add3A_2235 : i32 to vector<16xi32>
      %add3A_2237 = arith.addi %xor3A_7, %add3A_2236 : vector<16xi32>
      %select_n3A_2238 = arith.select %lt3A_2234, %add3A_2237, %xor3A_7 : vector<16xi1>, vector<16xi32>
      %broadcast_in_dim3A_2239 = vector.shape_cast %select_n3A_2238 : vector<16xi32> to vector<16x1xi32>
      %gather3A_2240 = vector.shape_cast %broadcast_in_dim3A_2239 : vector<16x1xi32> to vector<16xi32>
      %gather3A_2241 = tpu.dynamic_gather %select_n3A_2221[%gather3A_2240] in [0] : vector<16xi32>, vector<16xi32> -> vector<16xi32>
      %gt3A_2242 = arith.cmpf ogt, %gather3A_2231, %select_n3A_2220 : vector<16xf32>
      %eq3A_2243 = arith.cmpf oeq, %gather3A_2231, %select_n3A_2220 : vector<16xf32>
      %lt3A_2244 = arith.cmpi slt, %gather3A_2241, %select_n3A_2221 : vector<16xi32>
      %and3A_2245 = arith.andi %eq3A_2243, %lt3A_2244 : vector<16xi1>
      %or3A_2246 = arith.ori %gt3A_2242, %and3A_2245 : vector<16xi1>
      %select_n3A_2247 = arith.select %or3A_2246, %gather3A_2231, %select_n3A_2220 : vector<16xi1>, vector<16xf32>
      %select_n3A_2248 = arith.select %or3A_2246, %gather3A_2241, %select_n3A_2221 : vector<16xi1>, vector<16xi32>
      %lt3A_2249 = arith.constant 0 : i32
      %lt3A_2250 = vector.broadcast %lt3A_2249 : i32 to vector<16xi32>
      %lt3A_2251 = arith.cmpi slt, %xor3A_10, %lt3A_2250 : vector<16xi32>
      %add3A_2252 = arith.constant 16 : i32
      %add3A_2253 = vector.broadcast %add3A_2252 : i32 to vector<16xi32>
      %add3A_2254 = arith.addi %xor3A_10, %add3A_2253 : vector<16xi32>
      %select_n3A_2255 = arith.select %lt3A_2251, %add3A_2254, %xor3A_10 : vector<16xi1>, vector<16xi32>
      %broadcast_in_dim3A_2256 = vector.shape_cast %select_n3A_2255 : vector<16xi32> to vector<16x1xi32>
      %gather3A_2257 = vector.shape_cast %broadcast_in_dim3A_2256 : vector<16x1xi32> to vector<16xi32>
      %gather3A_2258 = tpu.dynamic_gather %select_n3A_2247[%gather3A_2257] in [0] : vector<16xf32>, vector<16xi32> -> vector<16xf32>
      %lt3A_2259 = arith.constant 0 : i32
      %lt3A_2260 = vector.broadcast %lt3A_2259 : i32 to vector<16xi32>
      %lt3A_2261 = arith.cmpi slt, %xor3A_10, %lt3A_2260 : vector<16xi32>
      %add3A_2262 = arith.constant 16 : i32
      %add3A_2263 = vector.broadcast %add3A_2262 : i32 to vector<16xi32>
      %add3A_2264 = arith.addi %xor3A_10, %add3A_2263 : vector<16xi32>
      %select_n3A_2265 = arith.select %lt3A_2261, %add3A_2264, %xor3A_10 : vector<16xi1>, vector<16xi32>
      %broadcast_in_dim3A_2266 = vector.shape_cast %select_n3A_2265 : vector<16xi32> to vector<16x1xi32>
      %gather3A_2267 = vector.shape_cast %broadcast_in_dim3A_2266 : vector<16x1xi32> to vector<16xi32>
      %gather3A_2268 = tpu.dynamic_gather %select_n3A_2248[%gather3A_2267] in [0] : vector<16xi32>, vector<16xi32> -> vector<16xi32>
      %gt3A_2269 = arith.cmpf ogt, %gather3A_2258, %select_n3A_2247 : vector<16xf32>
      %eq3A_2270 = arith.cmpf oeq, %gather3A_2258, %select_n3A_2247 : vector<16xf32>
      %lt3A_2271 = arith.cmpi slt, %gather3A_2268, %select_n3A_2248 : vector<16xi32>
      %and3A_2272 = arith.andi %eq3A_2270, %lt3A_2271 : vector<16xi1>
      %or3A_2273 = arith.ori %gt3A_2269, %and3A_2272 : vector<16xi1>
      %select_n3A_2274 = arith.select %or3A_2273, %gather3A_2258, %select_n3A_2247 : vector<16xi1>, vector<16xf32>
      %select_n3A_2275 = arith.select %or3A_2273, %gather3A_2268, %select_n3A_2248 : vector<16xi1>, vector<16xi32>
      %slice3A_2276 = vector.extract_strided_slice %select_n3A_2274 {offsets = [0], sizes = [1], strides = [1]} : vector<16xf32> to vector<1xf32>
      %squeeze3A_2277 = vector.extract %slice3A_2276[0] : f32 from vector<1xf32>
      %slice3A_2278 = vector.extract_strided_slice %select_n3A_2275 {offsets = [0], sizes = [1], strides = [1]} : vector<16xi32> to vector<1xi32>
      %squeeze3A_2279 = vector.extract %slice3A_2278[0] : i32 from vector<1xi32>
      %gt3A_2280 = arith.constant 0.899999976 : f32
      %gt3A_2281 = arith.cmpf ogt, %squeeze3A_2277, %gt3A_2280 : f32
      %jit3A_2282 = arith.constant 0.000000e+00 : f32
      %select_n3A_2283 = arith.select %gt3A_2281, %squeeze3A_2277, %jit3A_2282 : f32
      %jit3A_2284 = arith.constant 16 : i32
      %div3A_2285 = arith.divsi %squeeze3A_2279, %jit3A_2284 : i32
      %sign3A_2286 = arith.constant 0 : i32
      %sign3A_2287 = arith.cmpi sgt, %squeeze3A_2279, %sign3A_2286 : i32
      %sign3A_2288 = arith.extui %sign3A_2287 : i1 to i32
      %sign3A_2289 = arith.constant 0 : i32
      %sign3A_2290 = arith.cmpi slt, %squeeze3A_2279, %sign3A_2289 : i32
      %sign3A_2291 = arith.extui %sign3A_2290 : i1 to i32
      %sign3A_2292 = arith.subi %sign3A_2288, %sign3A_2291 : i32
      %sign3A_2293 = arith.constant 0 : i32
      %sign3A_2294 = arith.cmpi sgt, %jit3A_2284, %sign3A_2293 : i32
      %sign3A_2295 = arith.extui %sign3A_2294 : i1 to i32
      %sign3A_2296 = arith.constant 0 : i32
      %sign3A_2297 = arith.cmpi slt, %jit3A_2284, %sign3A_2296 : i32
      %sign3A_2298 = arith.extui %sign3A_2297 : i1 to i32
      %sign3A_2299 = arith.subi %sign3A_2295, %sign3A_2298 : i32
      %ne3A_2300 = arith.cmpi ne, %sign3A_2292, %sign3A_2299 : i32
      %rem3A_2301 = arith.remsi %squeeze3A_2279, %jit3A_2284 : i32
      %ne3A_2302 = arith.constant 0 : i32
      %ne3A_2303 = arith.cmpi ne, %rem3A_2301, %ne3A_2302 : i32
      %and3A_2304 = arith.andi %ne3A_2300, %ne3A_2303 : i1
      %sub3A_2305 = arith.constant 1 : i32
      %sub3A_2306 = arith.subi %div3A_2285, %sub3A_2305 : i32
      %select_n3A_2307 = arith.select %and3A_2304, %sub3A_2306, %div3A_2285 : i32
      %mul3A_2308 = arith.constant 16 : i32
      %mul3A_2309 = arith.muli %select_n3A_2307, %mul3A_2308 : i32
      %multiple_of3A_2310 = tpu.assume_multiple %mul3A_2309, 16 : i32
      %sub3A_2311 = arith.subi %squeeze3A_2279, %multiple_of3A_2310 : i32
      %eq3A_2312 = vector.broadcast %sub3A_2311 : i32 to vector<16xi32>
      %eq3A_2313 = arith.cmpi eq, %iota3A, %eq3A_2312 : vector<16xi32>
      %jit3A_2314 = arith.constant 1.000000e+00 : f32
      %jit3A_2315 = arith.constant 0.000000e+00 : f32
      %broadcast_in_dim3A_2316 = vector.broadcast %jit3A_2314 : f32 to vector<16xf32>
      %broadcast_in_dim3A_2317 = vector.broadcast %jit3A_2315 : f32 to vector<16xf32>
      %select_n3A_2318 = arith.select %eq3A_2313, %broadcast_in_dim3A_2316, %broadcast_in_dim3A_2317 : vector<16xi1>, vector<16xf32>
      %swap3A_2319 = arith.index_cast %multiple_of3A_2310 : i32 to index
      %swap3A_2320 = tpu.vector_load %arg11[%swap3A_2319] {strides = array<i32>} : memref<256xf32, #tpu.memory_space<vmem>>, vector<16xf32>,
      %swap3A_2321 = vector.shape_cast %swap3A_2320 : vector<16xf32> to vector<16xf32>
      %swap3A_2322 = vector.shape_cast %select_n3A_2318 : vector<16xf32> to vector<16xf32>
      tpu.vector_store %arg11[%swap3A_2319], %swap3A_2322 {add = true, strides = array<i32>} : memref<256xf32, #tpu.memory_space<vmem>>, vector<16xf32>,
      %mul3A_2323 = arith.constant 256 : i32
      %mul3A_2324 = arith.muli %squeeze3A_2279, %mul3A_2323 : i32
      %get3A_2325 = arith.constant 1024 : index
      %get3A_2326 = tpu.vector_load %arg9[%get3A_2325] {strides = array<i32>} : memref<2048xf32, #tpu.memory_space<vmem>>, vector<16xf32>,
      %get3A_2327 = vector.shape_cast %get3A_2326 : vector<16xf32> to vector<16xf32>
      %add3A_2328 = arith.constant 0 : i32
      %add3A_2329 = arith.addi %mul3A_2324, %add3A_2328 : i32
      %multiple_of3A_2330 = tpu.assume_multiple %add3A_2329, 16 : i32
      %mul3A_2331 = vector.broadcast %select_n3A_2283 : f32 to vector<16xf32>
      %mul3A_2332 = arith.mulf %get3A_2327, %mul3A_2331 : vector<16xf32>
      %swap3A_2333 = arith.index_cast %multiple_of3A_2330 : i32 to index
      %swap3A_2334 = tpu.vector_load %arg10[%swap3A_2333] {strides = array<i32>} : memref<65536xf32, #tpu.memory_space<vmem>>, vector<16xf32>,
      %swap3A_2335 = vector.shape_cast %swap3A_2334 : vector<16xf32> to vector<16xf32>
      %swap3A_2336 = vector.shape_cast %mul3A_2332 : vector<16xf32> to vector<16xf32>
      tpu.vector_store %arg10[%swap3A_2333], %swap3A_2336 {add = true, strides = array<i32>} : memref<65536xf32, #tpu.memory_space<vmem>>, vector<16xf32>,
      %get3A_2337 = arith.constant 1040 : index
      %get3A_2338 = tpu.vector_load %arg9[%get3A_2337] {strides = array<i32>} : memref<2048xf32, #tpu.memory_space<vmem>>, vector<16xf32>,
      %get3A_2339 = vector.shape_cast %get3A_2338 : vector<16xf32> to vector<16xf32>
      %add3A_2340 = arith.constant 16 : i32
      %add3A_2341 = arith.addi %mul3A_2324, %add3A_2340 : i32
      %multiple_of3A_2342 = tpu.assume_multiple %add3A_2341, 16 : i32
      %mul3A_2343 = vector.broadcast %select_n3A_2283 : f32 to vector<16xf32>
      %mul3A_2344 = arith.mulf %get3A_2339, %mul3A_2343 : vector<16xf32>
      %swap3A_2345 = arith.index_cast %multiple_of3A_2342 : i32 to index
      %swap3A_2346 = tpu.vector_load %arg10[%swap3A_2345] {strides = array<i32>} : memref<65536xf32, #tpu.memory_space<vmem>>, vector<16xf32>,
      %swap3A_2347 = vector.shape_cast %swap3A_2346 : vector<16xf32> to vector<16xf32>
      %swap3A_2348 = vector.shape_cast %mul3A_2344 : vector<16xf32> to vector<16xf32>
      tpu.vector_store %arg10[%swap3A_2345], %swap3A_2348 {add = true, strides = array<i32>} : memref<65536xf32, #tpu.memory_space<vmem>>, vector<16xf32>,
      %get3A_2349 = arith.constant 1056 : index
      %get3A_2350 = tpu.vector_load %arg9[%get3A_2349] {strides = array<i32>} : memref<2048xf32, #tpu.memory_space<vmem>>, vector<16xf32>,
      %get3A_2351 = vector.shape_cast %get3A_2350 : vector<16xf32> to vector<16xf32>
      %add3A_2352 = arith.constant 32 : i32
      %add3A_2353 = arith.addi %mul3A_2324, %add3A_2352 : i32
      %multiple_of3A_2354 = tpu.assume_multiple %add3A_2353, 16 : i32
      %mul3A_2355 = vector.broadcast %select_n3A_2283 : f32 to vector<16xf32>
      %mul3A_2356 = arith.mulf %get3A_2351, %mul3A_2355 : vector<16xf32>
      %swap3A_2357 = arith.index_cast %multiple_of3A_2354 : i32 to index
      %swap3A_2358 = tpu.vector_load %arg10[%swap3A_2357] {strides = array<i32>} : memref<65536xf32, #tpu.memory_space<vmem>>, vector<16xf32>,
      %swap3A_2359 = vector.shape_cast %swap3A_2358 : vector<16xf32> to vector<16xf32>
      %swap3A_2360 = vector.shape_cast %mul3A_2356 : vector<16xf32> to vector<16xf32>
      tpu.vector_store %arg10[%swap3A_2357], %swap3A_2360 {add = true, strides = array<i32>} : memref<65536xf32, #tpu.memory_space<vmem>>, vector<16xf32>,
      %get3A_2361 = arith.constant 1072 : index
      %get3A_2362 = tpu.vector_load %arg9[%get3A_2361] {strides = array<i32>} : memref<2048xf32, #tpu.memory_space<vmem>>, vector<16xf32>,
      %get3A_2363 = vector.shape_cast %get3A_2362 : vector<16xf32> to vector<16xf32>
      %add3A_2364 = arith.constant 48 : i32
      %add3A_2365 = arith.addi %mul3A_2324, %add3A_2364 : i32
      %multiple_of3A_2366 = tpu.assume_multiple %add3A_2365, 16 : i32
      %mul3A_2367 = vector.broadcast %select_n3A_2283 : f32 to vector<16xf32>
      %mul3A_2368 = arith.mulf %get3A_2363, %mul3A_2367 : vector<16xf32>
      %swap3A_2369 = arith.index_cast %multiple_of3A_2366 : i32 to index
      %swap3A_2370 = tpu.vector_load %arg10[%swap3A_2369] {strides = array<i32>} : memref<65536xf32, #tpu.memory_space<vmem>>, vector<16xf32>,
      %swap3A_2371 = vector.shape_cast %swap3A_2370 : vector<16xf32> to vector<16xf32>
      %swap3A_2372 = vector.shape_cast %mul3A_2368 : vector<16xf32> to vector<16xf32>
      tpu.vector_store %arg10[%swap3A_2369], %swap3A_2372 {add = true, strides = array<i32>} : memref<65536xf32, #tpu.memory_space<vmem>>, vector<16xf32>,
      %get3A_2373 = arith.constant 1088 : index
      %get3A_2374 = tpu.vector_load %arg9[%get3A_2373] {strides = array<i32>} : memref<2048xf32, #tpu.memory_space<vmem>>, vector<16xf32>,
      %get3A_2375 = vector.shape_cast %get3A_2374 : vector<16xf32> to vector<16xf32>
      %add3A_2376 = arith.constant 64 : i32
      %add3A_2377 = arith.addi %mul3A_2324, %add3A_2376 : i32
      %multiple_of3A_2378 = tpu.assume_multiple %add3A_2377, 16 : i32
      %mul3A_2379 = vector.broadcast %select_n3A_2283 : f32 to vector<16xf32>
      %mul3A_2380 = arith.mulf %get3A_2375, %mul3A_2379 : vector<16xf32>
      %swap3A_2381 = arith.index_cast %multiple_of3A_2378 : i32 to index
      %swap3A_2382 = tpu.vector_load %arg10[%swap3A_2381] {strides = array<i32>} : memref<65536xf32, #tpu.memory_space<vmem>>, vector<16xf32>,
      %swap3A_2383 = vector.shape_cast %swap3A_2382 : vector<16xf32> to vector<16xf32>
      %swap3A_2384 = vector.shape_cast %mul3A_2380 : vector<16xf32> to vector<16xf32>
      tpu.vector_store %arg10[%swap3A_2381], %swap3A_2384 {add = true, strides = array<i32>} : memref<65536xf32, #tpu.memory_space<vmem>>, vector<16xf32>,
      %get3A_2385 = arith.constant 1104 : index
      %get3A_2386 = tpu.vector_load %arg9[%get3A_2385] {strides = array<i32>} : memref<2048xf32, #tpu.memory_space<vmem>>, vector<16xf32>,
      %get3A_2387 = vector.shape_cast %get3A_2386 : vector<16xf32> to vector<16xf32>
      %add3A_2388 = arith.constant 80 : i32
      %add3A_2389 = arith.addi %mul3A_2324, %add3A_2388 : i32
      %multiple_of3A_2390 = tpu.assume_multiple %add3A_2389, 16 : i32
      %mul3A_2391 = vector.broadcast %select_n3A_2283 : f32 to vector<16xf32>
      %mul3A_2392 = arith.mulf %get3A_2387, %mul3A_2391 : vector<16xf32>
      %swap3A_2393 = arith.index_cast %multiple_of3A_2390 : i32 to index
      %swap3A_2394 = tpu.vector_load %arg10[%swap3A_2393] {strides = array<i32>} : memref<65536xf32, #tpu.memory_space<vmem>>, vector<16xf32>,
      %swap3A_2395 = vector.shape_cast %swap3A_2394 : vector<16xf32> to vector<16xf32>
      %swap3A_2396 = vector.shape_cast %mul3A_2392 : vector<16xf32> to vector<16xf32>
      tpu.vector_store %arg10[%swap3A_2393], %swap3A_2396 {add = true, strides = array<i32>} : memref<65536xf32, #tpu.memory_space<vmem>>, vector<16xf32>,
      %get3A_2397 = arith.constant 1120 : index
      %get3A_2398 = tpu.vector_load %arg9[%get3A_2397] {strides = array<i32>} : memref<2048xf32, #tpu.memory_space<vmem>>, vector<16xf32>,
      %get3A_2399 = vector.shape_cast %get3A_2398 : vector<16xf32> to vector<16xf32>
      %add3A_2400 = arith.constant 96 : i32
      %add3A_2401 = arith.addi %mul3A_2324, %add3A_2400 : i32
      %multiple_of3A_2402 = tpu.assume_multiple %add3A_2401, 16 : i32
      %mul3A_2403 = vector.broadcast %select_n3A_2283 : f32 to vector<16xf32>
      %mul3A_2404 = arith.mulf %get3A_2399, %mul3A_2403 : vector<16xf32>
      %swap3A_2405 = arith.index_cast %multiple_of3A_2402 : i32 to index
      %swap3A_2406 = tpu.vector_load %arg10[%swap3A_2405] {strides = array<i32>} : memref<65536xf32, #tpu.memory_space<vmem>>, vector<16xf32>,
      %swap3A_2407 = vector.shape_cast %swap3A_2406 : vector<16xf32> to vector<16xf32>
      %swap3A_2408 = vector.shape_cast %mul3A_2404 : vector<16xf32> to vector<16xf32>
      tpu.vector_store %arg10[%swap3A_2405], %swap3A_2408 {add = true, strides = array<i32>} : memref<65536xf32, #tpu.memory_space<vmem>>, vector<16xf32>,
      %get3A_2409 = arith.constant 1136 : index
      %get3A_2410 = tpu.vector_load %arg9[%get3A_2409] {strides = array<i32>} : memref<2048xf32, #tpu.memory_space<vmem>>, vector<16xf32>,
      %get3A_2411 = vector.shape_cast %get3A_2410 : vector<16xf32> to vector<16xf32>
      %add3A_2412 = arith.constant 112 : i32
      %add3A_2413 = arith.addi %mul3A_2324, %add3A_2412 : i32
      %multiple_of3A_2414 = tpu.assume_multiple %add3A_2413, 16 : i32
      %mul3A_2415 = vector.broadcast %select_n3A_2283 : f32 to vector<16xf32>
      %mul3A_2416 = arith.mulf %get3A_2411, %mul3A_2415 : vector<16xf32>
      %swap3A_2417 = arith.index_cast %multiple_of3A_2414 : i32 to index
      %swap3A_2418 = tpu.vector_load %arg10[%swap3A_2417] {strides = array<i32>} : memref<65536xf32, #tpu.memory_space<vmem>>, vector<16xf32>,
      %swap3A_2419 = vector.shape_cast %swap3A_2418 : vector<16xf32> to vector<16xf32>
      %swap3A_2420 = vector.shape_cast %mul3A_2416 : vector<16xf32> to vector<16xf32>
      tpu.vector_store %arg10[%swap3A_2417], %swap3A_2420 {add = true, strides = array<i32>} : memref<65536xf32, #tpu.memory_space<vmem>>, vector<16xf32>,
      %get3A_2421 = arith.constant 1152 : index
      %get3A_2422 = tpu.vector_load %arg9[%get3A_2421] {strides = array<i32>} : memref<2048xf32, #tpu.memory_space<vmem>>, vector<16xf32>,
      %get3A_2423 = vector.shape_cast %get3A_2422 : vector<16xf32> to vector<16xf32>
      %add3A_2424 = arith.constant 128 : i32
      %add3A_2425 = arith.addi %mul3A_2324, %add3A_2424 : i32
      %multiple_of3A_2426 = tpu.assume_multiple %add3A_2425, 16 : i32
      %mul3A_2427 = vector.broadcast %select_n3A_2283 : f32 to vector<16xf32>
      %mul3A_2428 = arith.mulf %get3A_2423, %mul3A_2427 : vector<16xf32>
      %swap3A_2429 = arith.index_cast %multiple_of3A_2426 : i32 to index
      %swap3A_2430 = tpu.vector_load %arg10[%swap3A_2429] {strides = array<i32>} : memref<65536xf32, #tpu.memory_space<vmem>>, vector<16xf32>,
      %swap3A_2431 = vector.shape_cast %swap3A_2430 : vector<16xf32> to vector<16xf32>
      %swap3A_2432 = vector.shape_cast %mul3A_2428 : vector<16xf32> to vector<16xf32>
      tpu.vector_store %arg10[%swap3A_2429], %swap3A_2432 {add = true, strides = array<i32>} : memref<65536xf32, #tpu.memory_space<vmem>>, vector<16xf32>,
      %get3A_2433 = arith.constant 1168 : index
      %get3A_2434 = tpu.vector_load %arg9[%get3A_2433] {strides = array<i32>} : memref<2048xf32, #tpu.memory_space<vmem>>, vector<16xf32>,
      %get3A_2435 = vector.shape_cast %get3A_2434 : vector<16xf32> to vector<16xf32>
      %add3A_2436 = arith.constant 144 : i32
      %add3A_2437 = arith.addi %mul3A_2324, %add3A_2436 : i32
      %multiple_of3A_2438 = tpu.assume_multiple %add3A_2437, 16 : i32
      %mul3A_2439 = vector.broadcast %select_n3A_2283 : f32 to vector<16xf32>
      %mul3A_2440 = arith.mulf %get3A_2435, %mul3A_2439 : vector<16xf32>
      %swap3A_2441 = arith.index_cast %multiple_of3A_2438 : i32 to index
      %swap3A_2442 = tpu.vector_load %arg10[%swap3A_2441] {strides = array<i32>} : memref<65536xf32, #tpu.memory_space<vmem>>, vector<16xf32>,
      %swap3A_2443 = vector.shape_cast %swap3A_2442 : vector<16xf32> to vector<16xf32>
      %swap3A_2444 = vector.shape_cast %mul3A_2440 : vector<16xf32> to vector<16xf32>
      tpu.vector_store %arg10[%swap3A_2441], %swap3A_2444 {add = true, strides = array<i32>} : memref<65536xf32, #tpu.memory_space<vmem>>, vector<16xf32>,
      %get3A_2445 = arith.constant 1184 : index
      %get3A_2446 = tpu.vector_load %arg9[%get3A_2445] {strides = array<i32>} : memref<2048xf32, #tpu.memory_space<vmem>>, vector<16xf32>,
      %get3A_2447 = vector.shape_cast %get3A_2446 : vector<16xf32> to vector<16xf32>
      %add3A_2448 = arith.constant 160 : i32
      %add3A_2449 = arith.addi %mul3A_2324, %add3A_2448 : i32
      %multiple_of3A_2450 = tpu.assume_multiple %add3A_2449, 16 : i32
      %mul3A_2451 = vector.broadcast %select_n3A_2283 : f32 to vector<16xf32>
      %mul3A_2452 = arith.mulf %get3A_2447, %mul3A_2451 : vector<16xf32>
      %swap3A_2453 = arith.index_cast %multiple_of3A_2450 : i32 to index
      %swap3A_2454 = tpu.vector_load %arg10[%swap3A_2453] {strides = array<i32>} : memref<65536xf32, #tpu.memory_space<vmem>>, vector<16xf32>,
      %swap3A_2455 = vector.shape_cast %swap3A_2454 : vector<16xf32> to vector<16xf32>
      %swap3A_2456 = vector.shape_cast %mul3A_2452 : vector<16xf32> to vector<16xf32>
      tpu.vector_store %arg10[%swap3A_2453], %swap3A_2456 {add = true, strides = array<i32>} : memref<65536xf32, #tpu.memory_space<vmem>>, vector<16xf32>,
      %get3A_2457 = arith.constant 1200 : index
      %get3A_2458 = tpu.vector_load %arg9[%get3A_2457] {strides = array<i32>} : memref<2048xf32, #tpu.memory_space<vmem>>, vector<16xf32>,
      %get3A_2459 = vector.shape_cast %get3A_2458 : vector<16xf32> to vector<16xf32>
      %add3A_2460 = arith.constant 176 : i32
      %add3A_2461 = arith.addi %mul3A_2324, %add3A_2460 : i32
      %multiple_of3A_2462 = tpu.assume_multiple %add3A_2461, 16 : i32
      %mul3A_2463 = vector.broadcast %select_n3A_2283 : f32 to vector<16xf32>
      %mul3A_2464 = arith.mulf %get3A_2459, %mul3A_2463 : vector<16xf32>
      %swap3A_2465 = arith.index_cast %multiple_of3A_2462 : i32 to index
      %swap3A_2466 = tpu.vector_load %arg10[%swap3A_2465] {strides = array<i32>} : memref<65536xf32, #tpu.memory_space<vmem>>, vector<16xf32>,
      %swap3A_2467 = vector.shape_cast %swap3A_2466 : vector<16xf32> to vector<16xf32>
      %swap3A_2468 = vector.shape_cast %mul3A_2464 : vector<16xf32> to vector<16xf32>
      tpu.vector_store %arg10[%swap3A_2465], %swap3A_2468 {add = true, strides = array<i32>} : memref<65536xf32, #tpu.memory_space<vmem>>, vector<16xf32>,
      %get3A_2469 = arith.constant 1216 : index
      %get3A_2470 = tpu.vector_load %arg9[%get3A_2469] {strides = array<i32>} : memref<2048xf32, #tpu.memory_space<vmem>>, vector<16xf32>,
      %get3A_2471 = vector.shape_cast %get3A_2470 : vector<16xf32> to vector<16xf32>
      %add3A_2472 = arith.constant 192 : i32
      %add3A_2473 = arith.addi %mul3A_2324, %add3A_2472 : i32
      %multiple_of3A_2474 = tpu.assume_multiple %add3A_2473, 16 : i32
      %mul3A_2475 = vector.broadcast %select_n3A_2283 : f32 to vector<16xf32>
      %mul3A_2476 = arith.mulf %get3A_2471, %mul3A_2475 : vector<16xf32>
      %swap3A_2477 = arith.index_cast %multiple_of3A_2474 : i32 to index
      %swap3A_2478 = tpu.vector_load %arg10[%swap3A_2477] {strides = array<i32>} : memref<65536xf32, #tpu.memory_space<vmem>>, vector<16xf32>,
      %swap3A_2479 = vector.shape_cast %swap3A_2478 : vector<16xf32> to vector<16xf32>
      %swap3A_2480 = vector.shape_cast %mul3A_2476 : vector<16xf32> to vector<16xf32>
      tpu.vector_store %arg10[%swap3A_2477], %swap3A_2480 {add = true, strides = array<i32>} : memref<65536xf32, #tpu.memory_space<vmem>>, vector<16xf32>,
      %get3A_2481 = arith.constant 1232 : index
      %get3A_2482 = tpu.vector_load %arg9[%get3A_2481] {strides = array<i32>} : memref<2048xf32, #tpu.memory_space<vmem>>, vector<16xf32>,
      %get3A_2483 = vector.shape_cast %get3A_2482 : vector<16xf32> to vector<16xf32>
      %add3A_2484 = arith.constant 208 : i32
      %add3A_2485 = arith.addi %mul3A_2324, %add3A_2484 : i32
      %multiple_of3A_2486 = tpu.assume_multiple %add3A_2485, 16 : i32
      %mul3A_2487 = vector.broadcast %select_n3A_2283 : f32 to vector<16xf32>
      %mul3A_2488 = arith.mulf %get3A_2483, %mul3A_2487 : vector<16xf32>
      %swap3A_2489 = arith.index_cast %multiple_of3A_2486 : i32 to index
      %swap3A_2490 = tpu.vector_load %arg10[%swap3A_2489] {strides = array<i32>} : memref<65536xf32, #tpu.memory_space<vmem>>, vector<16xf32>,
      %swap3A_2491 = vector.shape_cast %swap3A_2490 : vector<16xf32> to vector<16xf32>
      %swap3A_2492 = vector.shape_cast %mul3A_2488 : vector<16xf32> to vector<16xf32>
      tpu.vector_store %arg10[%swap3A_2489], %swap3A_2492 {add = true, strides = array<i32>} : memref<65536xf32, #tpu.memory_space<vmem>>, vector<16xf32>,
      %get3A_2493 = arith.constant 1248 : index
      %get3A_2494 = tpu.vector_load %arg9[%get3A_2493] {strides = array<i32>} : memref<2048xf32, #tpu.memory_space<vmem>>, vector<16xf32>,
      %get3A_2495 = vector.shape_cast %get3A_2494 : vector<16xf32> to vector<16xf32>
      %add3A_2496 = arith.constant 224 : i32
      %add3A_2497 = arith.addi %mul3A_2324, %add3A_2496 : i32
      %multiple_of3A_2498 = tpu.assume_multiple %add3A_2497, 16 : i32
      %mul3A_2499 = vector.broadcast %select_n3A_2283 : f32 to vector<16xf32>
      %mul3A_2500 = arith.mulf %get3A_2495, %mul3A_2499 : vector<16xf32>
      %swap3A_2501 = arith.index_cast %multiple_of3A_2498 : i32 to index
      %swap3A_2502 = tpu.vector_load %arg10[%swap3A_2501] {strides = array<i32>} : memref<65536xf32, #tpu.memory_space<vmem>>, vector<16xf32>,
      %swap3A_2503 = vector.shape_cast %swap3A_2502 : vector<16xf32> to vector<16xf32>
      %swap3A_2504 = vector.shape_cast %mul3A_2500 : vector<16xf32> to vector<16xf32>
      tpu.vector_store %arg10[%swap3A_2501], %swap3A_2504 {add = true, strides = array<i32>} : memref<65536xf32, #tpu.memory_space<vmem>>, vector<16xf32>,
      %get3A_2505 = arith.constant 1264 : index
      %get3A_2506 = tpu.vector_load %arg9[%get3A_2505] {strides = array<i32>} : memref<2048xf32, #tpu.memory_space<vmem>>, vector<16xf32>,
      %get3A_2507 = vector.shape_cast %get3A_2506 : vector<16xf32> to vector<16xf32>
      %add3A_2508 = arith.constant 240 : i32
      %add3A_2509 = arith.addi %mul3A_2324, %add3A_2508 : i32
      %multiple_of3A_2510 = tpu.assume_multiple %add3A_2509, 16 : i32
      %mul3A_2511 = vector.broadcast %select_n3A_2283 : f32 to vector<16xf32>
      %mul3A_2512 = arith.mulf %get3A_2507, %mul3A_2511 : vector<16xf32>
      %swap3A_2513 = arith.index_cast %multiple_of3A_2510 : i32 to index
      %swap3A_2514 = tpu.vector_load %arg10[%swap3A_2513] {strides = array<i32>} : memref<65536xf32, #tpu.memory_space<vmem>>, vector<16xf32>,
      %swap3A_2515 = vector.shape_cast %swap3A_2514 : vector<16xf32> to vector<16xf32>
      %swap3A_2516 = vector.shape_cast %mul3A_2512 : vector<16xf32> to vector<16xf32>
      tpu.vector_store %arg10[%swap3A_2513], %swap3A_2516 {add = true, strides = array<i32>} : memref<65536xf32, #tpu.memory_space<vmem>>, vector<16xf32>,
      %get3A_2517 = arith.constant 1280 : index
      %get3A_2518 = tpu.vector_load %arg8[%get3A_2517] {strides = array<i32>} : memref<2048xf32, #tpu.memory_space<vmem>>, vector<16xf32>,
      %get3A_2519 = vector.shape_cast %get3A_2518 : vector<16xf32> to vector<16xf32>
      %get3A_2520 = arith.constant 1296 : index
      %get3A_2521 = tpu.vector_load %arg8[%get3A_2520] {strides = array<i32>} : memref<2048xf32, #tpu.memory_space<vmem>>, vector<16xf32>,
      %get3A_2522 = vector.shape_cast %get3A_2521 : vector<16xf32> to vector<16xf32>
      %gt3A_2523 = arith.cmpf ogt, %get3A_2522, %get3A_2519 : vector<16xf32>
      %select_n3A_2524 = arith.select %gt3A_2523, %get3A_2522, %get3A_2519 : vector<16xi1>, vector<16xf32>
      %add3A_2525 = arith.constant 16 : i32
      %add3A_2526 = vector.broadcast %add3A_2525 : i32 to vector<16xi32>
      %add3A_2527 = arith.addi %iota3A, %add3A_2526 : vector<16xi32>
      %select_n3A_2528 = arith.select %gt3A_2523, %add3A_2527, %iota3A : vector<16xi1>, vector<16xi32>
      %get3A_2529 = arith.constant 1312 : index
      %get3A_2530 = tpu.vector_load %arg8[%get3A_2529] {strides = array<i32>} : memref<2048xf32, #tpu.memory_space<vmem>>, vector<16xf32>,
      %get3A_2531 = vector.shape_cast %get3A_2530 : vector<16xf32> to vector<16xf32>
      %gt3A_2532 = arith.cmpf ogt, %get3A_2531, %select_n3A_2524 : vector<16xf32>
      %select_n3A_2533 = arith.select %gt3A_2532, %get3A_2531, %select_n3A_2524 : vector<16xi1>, vector<16xf32>
      %add3A_2534 = arith.constant 32 : i32
      %add3A_2535 = vector.broadcast %add3A_2534 : i32 to vector<16xi32>
      %add3A_2536 = arith.addi %iota3A, %add3A_2535 : vector<16xi32>
      %select_n3A_2537 = arith.select %gt3A_2532, %add3A_2536, %select_n3A_2528 : vector<16xi1>, vector<16xi32>
      %get3A_2538 = arith.constant 1328 : index
      %get3A_2539 = tpu.vector_load %arg8[%get3A_2538] {strides = array<i32>} : memref<2048xf32, #tpu.memory_space<vmem>>, vector<16xf32>,
      %get3A_2540 = vector.shape_cast %get3A_2539 : vector<16xf32> to vector<16xf32>
      %gt3A_2541 = arith.cmpf ogt, %get3A_2540, %select_n3A_2533 : vector<16xf32>
      %select_n3A_2542 = arith.select %gt3A_2541, %get3A_2540, %select_n3A_2533 : vector<16xi1>, vector<16xf32>
      %add3A_2543 = arith.constant 48 : i32
      %add3A_2544 = vector.broadcast %add3A_2543 : i32 to vector<16xi32>
      %add3A_2545 = arith.addi %iota3A, %add3A_2544 : vector<16xi32>
      %select_n3A_2546 = arith.select %gt3A_2541, %add3A_2545, %select_n3A_2537 : vector<16xi1>, vector<16xi32>
      %get3A_2547 = arith.constant 1344 : index
      %get3A_2548 = tpu.vector_load %arg8[%get3A_2547] {strides = array<i32>} : memref<2048xf32, #tpu.memory_space<vmem>>, vector<16xf32>,
      %get3A_2549 = vector.shape_cast %get3A_2548 : vector<16xf32> to vector<16xf32>
      %gt3A_2550 = arith.cmpf ogt, %get3A_2549, %select_n3A_2542 : vector<16xf32>
      %select_n3A_2551 = arith.select %gt3A_2550, %get3A_2549, %select_n3A_2542 : vector<16xi1>, vector<16xf32>
      %add3A_2552 = arith.constant 64 : i32
      %add3A_2553 = vector.broadcast %add3A_2552 : i32 to vector<16xi32>
      %add3A_2554 = arith.addi %iota3A, %add3A_2553 : vector<16xi32>
      %select_n3A_2555 = arith.select %gt3A_2550, %add3A_2554, %select_n3A_2546 : vector<16xi1>, vector<16xi32>
      %get3A_2556 = arith.constant 1360 : index
      %get3A_2557 = tpu.vector_load %arg8[%get3A_2556] {strides = array<i32>} : memref<2048xf32, #tpu.memory_space<vmem>>, vector<16xf32>,
      %get3A_2558 = vector.shape_cast %get3A_2557 : vector<16xf32> to vector<16xf32>
      %gt3A_2559 = arith.cmpf ogt, %get3A_2558, %select_n3A_2551 : vector<16xf32>
      %select_n3A_2560 = arith.select %gt3A_2559, %get3A_2558, %select_n3A_2551 : vector<16xi1>, vector<16xf32>
      %add3A_2561 = arith.constant 80 : i32
      %add3A_2562 = vector.broadcast %add3A_2561 : i32 to vector<16xi32>
      %add3A_2563 = arith.addi %iota3A, %add3A_2562 : vector<16xi32>
      %select_n3A_2564 = arith.select %gt3A_2559, %add3A_2563, %select_n3A_2555 : vector<16xi1>, vector<16xi32>
      %get3A_2565 = arith.constant 1376 : index
      %get3A_2566 = tpu.vector_load %arg8[%get3A_2565] {strides = array<i32>} : memref<2048xf32, #tpu.memory_space<vmem>>, vector<16xf32>,
      %get3A_2567 = vector.shape_cast %get3A_2566 : vector<16xf32> to vector<16xf32>
      %gt3A_2568 = arith.cmpf ogt, %get3A_2567, %select_n3A_2560 : vector<16xf32>
      %select_n3A_2569 = arith.select %gt3A_2568, %get3A_2567, %select_n3A_2560 : vector<16xi1>, vector<16xf32>
      %add3A_2570 = arith.constant 96 : i32
      %add3A_2571 = vector.broadcast %add3A_2570 : i32 to vector<16xi32>
      %add3A_2572 = arith.addi %iota3A, %add3A_2571 : vector<16xi32>
      %select_n3A_2573 = arith.select %gt3A_2568, %add3A_2572, %select_n3A_2564 : vector<16xi1>, vector<16xi32>
      %get3A_2574 = arith.constant 1392 : index
      %get3A_2575 = tpu.vector_load %arg8[%get3A_2574] {strides = array<i32>} : memref<2048xf32, #tpu.memory_space<vmem>>, vector<16xf32>,
      %get3A_2576 = vector.shape_cast %get3A_2575 : vector<16xf32> to vector<16xf32>
      %gt3A_2577 = arith.cmpf ogt, %get3A_2576, %select_n3A_2569 : vector<16xf32>
      %select_n3A_2578 = arith.select %gt3A_2577, %get3A_2576, %select_n3A_2569 : vector<16xi1>, vector<16xf32>
      %add3A_2579 = arith.constant 112 : i32
      %add3A_2580 = vector.broadcast %add3A_2579 : i32 to vector<16xi32>
      %add3A_2581 = arith.addi %iota3A, %add3A_2580 : vector<16xi32>
      %select_n3A_2582 = arith.select %gt3A_2577, %add3A_2581, %select_n3A_2573 : vector<16xi1>, vector<16xi32>
      %get3A_2583 = arith.constant 1408 : index
      %get3A_2584 = tpu.vector_load %arg8[%get3A_2583] {strides = array<i32>} : memref<2048xf32, #tpu.memory_space<vmem>>, vector<16xf32>,
      %get3A_2585 = vector.shape_cast %get3A_2584 : vector<16xf32> to vector<16xf32>
      %gt3A_2586 = arith.cmpf ogt, %get3A_2585, %select_n3A_2578 : vector<16xf32>
      %select_n3A_2587 = arith.select %gt3A_2586, %get3A_2585, %select_n3A_2578 : vector<16xi1>, vector<16xf32>
      %add3A_2588 = arith.constant 128 : i32
      %add3A_2589 = vector.broadcast %add3A_2588 : i32 to vector<16xi32>
      %add3A_2590 = arith.addi %iota3A, %add3A_2589 : vector<16xi32>
      %select_n3A_2591 = arith.select %gt3A_2586, %add3A_2590, %select_n3A_2582 : vector<16xi1>, vector<16xi32>
      %get3A_2592 = arith.constant 1424 : index
      %get3A_2593 = tpu.vector_load %arg8[%get3A_2592] {strides = array<i32>} : memref<2048xf32, #tpu.memory_space<vmem>>, vector<16xf32>,
      %get3A_2594 = vector.shape_cast %get3A_2593 : vector<16xf32> to vector<16xf32>
      %gt3A_2595 = arith.cmpf ogt, %get3A_2594, %select_n3A_2587 : vector<16xf32>
      %select_n3A_2596 = arith.select %gt3A_2595, %get3A_2594, %select_n3A_2587 : vector<16xi1>, vector<16xf32>
      %add3A_2597 = arith.constant 144 : i32
      %add3A_2598 = vector.broadcast %add3A_2597 : i32 to vector<16xi32>
      %add3A_2599 = arith.addi %iota3A, %add3A_2598 : vector<16xi32>
      %select_n3A_2600 = arith.select %gt3A_2595, %add3A_2599, %select_n3A_2591 : vector<16xi1>, vector<16xi32>
      %get3A_2601 = arith.constant 1440 : index
      %get3A_2602 = tpu.vector_load %arg8[%get3A_2601] {strides = array<i32>} : memref<2048xf32, #tpu.memory_space<vmem>>, vector<16xf32>,
      %get3A_2603 = vector.shape_cast %get3A_2602 : vector<16xf32> to vector<16xf32>
      %gt3A_2604 = arith.cmpf ogt, %get3A_2603, %select_n3A_2596 : vector<16xf32>
      %select_n3A_2605 = arith.select %gt3A_2604, %get3A_2603, %select_n3A_2596 : vector<16xi1>, vector<16xf32>
      %add3A_2606 = arith.constant 160 : i32
      %add3A_2607 = vector.broadcast %add3A_2606 : i32 to vector<16xi32>
      %add3A_2608 = arith.addi %iota3A, %add3A_2607 : vector<16xi32>
      %select_n3A_2609 = arith.select %gt3A_2604, %add3A_2608, %select_n3A_2600 : vector<16xi1>, vector<16xi32>
      %get3A_2610 = arith.constant 1456 : index
      %get3A_2611 = tpu.vector_load %arg8[%get3A_2610] {strides = array<i32>} : memref<2048xf32, #tpu.memory_space<vmem>>, vector<16xf32>,
      %get3A_2612 = vector.shape_cast %get3A_2611 : vector<16xf32> to vector<16xf32>
      %gt3A_2613 = arith.cmpf ogt, %get3A_2612, %select_n3A_2605 : vector<16xf32>
      %select_n3A_2614 = arith.select %gt3A_2613, %get3A_2612, %select_n3A_2605 : vector<16xi1>, vector<16xf32>
      %add3A_2615 = arith.constant 176 : i32
      %add3A_2616 = vector.broadcast %add3A_2615 : i32 to vector<16xi32>
      %add3A_2617 = arith.addi %iota3A, %add3A_2616 : vector<16xi32>
      %select_n3A_2618 = arith.select %gt3A_2613, %add3A_2617, %select_n3A_2609 : vector<16xi1>, vector<16xi32>
      %get3A_2619 = arith.constant 1472 : index
      %get3A_2620 = tpu.vector_load %arg8[%get3A_2619] {strides = array<i32>} : memref<2048xf32, #tpu.memory_space<vmem>>, vector<16xf32>,
      %get3A_2621 = vector.shape_cast %get3A_2620 : vector<16xf32> to vector<16xf32>
      %gt3A_2622 = arith.cmpf ogt, %get3A_2621, %select_n3A_2614 : vector<16xf32>
      %select_n3A_2623 = arith.select %gt3A_2622, %get3A_2621, %select_n3A_2614 : vector<16xi1>, vector<16xf32>
      %add3A_2624 = arith.constant 192 : i32
      %add3A_2625 = vector.broadcast %add3A_2624 : i32 to vector<16xi32>
      %add3A_2626 = arith.addi %iota3A, %add3A_2625 : vector<16xi32>
      %select_n3A_2627 = arith.select %gt3A_2622, %add3A_2626, %select_n3A_2618 : vector<16xi1>, vector<16xi32>
      %get3A_2628 = arith.constant 1488 : index
      %get3A_2629 = tpu.vector_load %arg8[%get3A_2628] {strides = array<i32>} : memref<2048xf32, #tpu.memory_space<vmem>>, vector<16xf32>,
      %get3A_2630 = vector.shape_cast %get3A_2629 : vector<16xf32> to vector<16xf32>
      %gt3A_2631 = arith.cmpf ogt, %get3A_2630, %select_n3A_2623 : vector<16xf32>
      %select_n3A_2632 = arith.select %gt3A_2631, %get3A_2630, %select_n3A_2623 : vector<16xi1>, vector<16xf32>
      %add3A_2633 = arith.constant 208 : i32
      %add3A_2634 = vector.broadcast %add3A_2633 : i32 to vector<16xi32>
      %add3A_2635 = arith.addi %iota3A, %add3A_2634 : vector<16xi32>
      %select_n3A_2636 = arith.select %gt3A_2631, %add3A_2635, %select_n3A_2627 : vector<16xi1>, vector<16xi32>
      %get3A_2637 = arith.constant 1504 : index
      %get3A_2638 = tpu.vector_load %arg8[%get3A_2637] {strides = array<i32>} : memref<2048xf32, #tpu.memory_space<vmem>>, vector<16xf32>,
      %get3A_2639 = vector.shape_cast %get3A_2638 : vector<16xf32> to vector<16xf32>
      %gt3A_2640 = arith.cmpf ogt, %get3A_2639, %select_n3A_2632 : vector<16xf32>
      %select_n3A_2641 = arith.select %gt3A_2640, %get3A_2639, %select_n3A_2632 : vector<16xi1>, vector<16xf32>
      %add3A_2642 = arith.constant 224 : i32
      %add3A_2643 = vector.broadcast %add3A_2642 : i32 to vector<16xi32>
      %add3A_2644 = arith.addi %iota3A, %add3A_2643 : vector<16xi32>
      %select_n3A_2645 = arith.select %gt3A_2640, %add3A_2644, %select_n3A_2636 : vector<16xi1>, vector<16xi32>
      %get3A_2646 = arith.constant 1520 : index
      %get3A_2647 = tpu.vector_load %arg8[%get3A_2646] {strides = array<i32>} : memref<2048xf32, #tpu.memory_space<vmem>>, vector<16xf32>,
      %get3A_2648 = vector.shape_cast %get3A_2647 : vector<16xf32> to vector<16xf32>
      %gt3A_2649 = arith.cmpf ogt, %get3A_2648, %select_n3A_2641 : vector<16xf32>
      %select_n3A_2650 = arith.select %gt3A_2649, %get3A_2648, %select_n3A_2641 : vector<16xi1>, vector<16xf32>
      %add3A_2651 = arith.constant 240 : i32
      %add3A_2652 = vector.broadcast %add3A_2651 : i32 to vector<16xi32>
      %add3A_2653 = arith.addi %iota3A, %add3A_2652 : vector<16xi32>
      %select_n3A_2654 = arith.select %gt3A_2649, %add3A_2653, %select_n3A_2645 : vector<16xi1>, vector<16xi32>
      %lt3A_2655 = arith.constant 0 : i32
      %lt3A_2656 = vector.broadcast %lt3A_2655 : i32 to vector<16xi32>
      %lt3A_2657 = arith.cmpi slt, %xor3A_1, %lt3A_2656 : vector<16xi32>
      %add3A_2658 = arith.constant 16 : i32
      %add3A_2659 = vector.broadcast %add3A_2658 : i32 to vector<16xi32>
      %add3A_2660 = arith.addi %xor3A_1, %add3A_2659 : vector<16xi32>
      %select_n3A_2661 = arith.select %lt3A_2657, %add3A_2660, %xor3A_1 : vector<16xi1>, vector<16xi32>
      %broadcast_in_dim3A_2662 = vector.shape_cast %select_n3A_2661 : vector<16xi32> to vector<16x1xi32>
      %gather3A_2663 = vector.shape_cast %broadcast_in_dim3A_2662 : vector<16x1xi32> to vector<16xi32>
      %gather3A_2664 = tpu.dynamic_gather %select_n3A_2650[%gather3A_2663] in [0] : vector<16xf32>, vector<16xi32> -> vector<16xf32>
      %lt3A_2665 = arith.constant 0 : i32
      %lt3A_2666 = vector.broadcast %lt3A_2665 : i32 to vector<16xi32>
      %lt3A_2667 = arith.cmpi slt, %xor3A_1, %lt3A_2666 : vector<16xi32>
      %add3A_2668 = arith.constant 16 : i32
      %add3A_2669 = vector.broadcast %add3A_2668 : i32 to vector<16xi32>
      %add3A_2670 = arith.addi %xor3A_1, %add3A_2669 : vector<16xi32>
      %select_n3A_2671 = arith.select %lt3A_2667, %add3A_2670, %xor3A_1 : vector<16xi1>, vector<16xi32>
      %broadcast_in_dim3A_2672 = vector.shape_cast %select_n3A_2671 : vector<16xi32> to vector<16x1xi32>
      %gather3A_2673 = vector.shape_cast %broadcast_in_dim3A_2672 : vector<16x1xi32> to vector<16xi32>
      %gather3A_2674 = tpu.dynamic_gather %select_n3A_2654[%gather3A_2673] in [0] : vector<16xi32>, vector<16xi32> -> vector<16xi32>
      %gt3A_2675 = arith.cmpf ogt, %gather3A_2664, %select_n3A_2650 : vector<16xf32>
      %eq3A_2676 = arith.cmpf oeq, %gather3A_2664, %select_n3A_2650 : vector<16xf32>
      %lt3A_2677 = arith.cmpi slt, %gather3A_2674, %select_n3A_2654 : vector<16xi32>
      %and3A_2678 = arith.andi %eq3A_2676, %lt3A_2677 : vector<16xi1>
      %or3A_2679 = arith.ori %gt3A_2675, %and3A_2678 : vector<16xi1>
      %select_n3A_2680 = arith.select %or3A_2679, %gather3A_2664, %select_n3A_2650 : vector<16xi1>, vector<16xf32>
      %select_n3A_2681 = arith.select %or3A_2679, %gather3A_2674, %select_n3A_2654 : vector<16xi1>, vector<16xi32>
      %lt3A_2682 = arith.constant 0 : i32
      %lt3A_2683 = vector.broadcast %lt3A_2682 : i32 to vector<16xi32>
      %lt3A_2684 = arith.cmpi slt, %xor3A_4, %lt3A_2683 : vector<16xi32>
      %add3A_2685 = arith.constant 16 : i32
      %add3A_2686 = vector.broadcast %add3A_2685 : i32 to vector<16xi32>
      %add3A_2687 = arith.addi %xor3A_4, %add3A_2686 : vector<16xi32>
      %select_n3A_2688 = arith.select %lt3A_2684, %add3A_2687, %xor3A_4 : vector<16xi1>, vector<16xi32>
      %broadcast_in_dim3A_2689 = vector.shape_cast %select_n3A_2688 : vector<16xi32> to vector<16x1xi32>
      %gather3A_2690 = vector.shape_cast %broadcast_in_dim3A_2689 : vector<16x1xi32> to vector<16xi32>
      %gather3A_2691 = tpu.dynamic_gather %select_n3A_2680[%gather3A_2690] in [0] : vector<16xf32>, vector<16xi32> -> vector<16xf32>
      %lt3A_2692 = arith.constant 0 : i32
      %lt3A_2693 = vector.broadcast %lt3A_2692 : i32 to vector<16xi32>
      %lt3A_2694 = arith.cmpi slt, %xor3A_4, %lt3A_2693 : vector<16xi32>
      %add3A_2695 = arith.constant 16 : i32
      %add3A_2696 = vector.broadcast %add3A_2695 : i32 to vector<16xi32>
      %add3A_2697 = arith.addi %xor3A_4, %add3A_2696 : vector<16xi32>
      %select_n3A_2698 = arith.select %lt3A_2694, %add3A_2697, %xor3A_4 : vector<16xi1>, vector<16xi32>
      %broadcast_in_dim3A_2699 = vector.shape_cast %select_n3A_2698 : vector<16xi32> to vector<16x1xi32>
      %gather3A_2700 = vector.shape_cast %broadcast_in_dim3A_2699 : vector<16x1xi32> to vector<16xi32>
      %gather3A_2701 = tpu.dynamic_gather %select_n3A_2681[%gather3A_2700] in [0] : vector<16xi32>, vector<16xi32> -> vector<16xi32>
      %gt3A_2702 = arith.cmpf ogt, %gather3A_2691, %select_n3A_2680 : vector<16xf32>
      %eq3A_2703 = arith.cmpf oeq, %gather3A_2691, %select_n3A_2680 : vector<16xf32>
      %lt3A_2704 = arith.cmpi slt, %gather3A_2701, %select_n3A_2681 : vector<16xi32>
      %and3A_2705 = arith.andi %eq3A_2703, %lt3A_2704 : vector<16xi1>
      %or3A_2706 = arith.ori %gt3A_2702, %and3A_2705 : vector<16xi1>
      %select_n3A_2707 = arith.select %or3A_2706, %gather3A_2691, %select_n3A_2680 : vector<16xi1>, vector<16xf32>
      %select_n3A_2708 = arith.select %or3A_2706, %gather3A_2701, %select_n3A_2681 : vector<16xi1>, vector<16xi32>
      %lt3A_2709 = arith.constant 0 : i32
      %lt3A_2710 = vector.broadcast %lt3A_2709 : i32 to vector<16xi32>
      %lt3A_2711 = arith.cmpi slt, %xor3A_7, %lt3A_2710 : vector<16xi32>
      %add3A_2712 = arith.constant 16 : i32
      %add3A_2713 = vector.broadcast %add3A_2712 : i32 to vector<16xi32>
      %add3A_2714 = arith.addi %xor3A_7, %add3A_2713 : vector<16xi32>
      %select_n3A_2715 = arith.select %lt3A_2711, %add3A_2714, %xor3A_7 : vector<16xi1>, vector<16xi32>
      %broadcast_in_dim3A_2716 = vector.shape_cast %select_n3A_2715 : vector<16xi32> to vector<16x1xi32>
      %gather3A_2717 = vector.shape_cast %broadcast_in_dim3A_2716 : vector<16x1xi32> to vector<16xi32>
      %gather3A_2718 = tpu.dynamic_gather %select_n3A_2707[%gather3A_2717] in [0] : vector<16xf32>, vector<16xi32> -> vector<16xf32>
      %lt3A_2719 = arith.constant 0 : i32
      %lt3A_2720 = vector.broadcast %lt3A_2719 : i32 to vector<16xi32>
      %lt3A_2721 = arith.cmpi slt, %xor3A_7, %lt3A_2720 : vector<16xi32>
      %add3A_2722 = arith.constant 16 : i32
      %add3A_2723 = vector.broadcast %add3A_2722 : i32 to vector<16xi32>
      %add3A_2724 = arith.addi %xor3A_7, %add3A_2723 : vector<16xi32>
      %select_n3A_2725 = arith.select %lt3A_2721, %add3A_2724, %xor3A_7 : vector<16xi1>, vector<16xi32>
      %broadcast_in_dim3A_2726 = vector.shape_cast %select_n3A_2725 : vector<16xi32> to vector<16x1xi32>
      %gather3A_2727 = vector.shape_cast %broadcast_in_dim3A_2726 : vector<16x1xi32> to vector<16xi32>
      %gather3A_2728 = tpu.dynamic_gather %select_n3A_2708[%gather3A_2727] in [0] : vector<16xi32>, vector<16xi32> -> vector<16xi32>
      %gt3A_2729 = arith.cmpf ogt, %gather3A_2718, %select_n3A_2707 : vector<16xf32>
      %eq3A_2730 = arith.cmpf oeq, %gather3A_2718, %select_n3A_2707 : vector<16xf32>
      %lt3A_2731 = arith.cmpi slt, %gather3A_2728, %select_n3A_2708 : vector<16xi32>
      %and3A_2732 = arith.andi %eq3A_2730, %lt3A_2731 : vector<16xi1>
      %or3A_2733 = arith.ori %gt3A_2729, %and3A_2732 : vector<16xi1>
      %select_n3A_2734 = arith.select %or3A_2733, %gather3A_2718, %select_n3A_2707 : vector<16xi1>, vector<16xf32>
      %select_n3A_2735 = arith.select %or3A_2733, %gather3A_2728, %select_n3A_2708 : vector<16xi1>, vector<16xi32>
      %lt3A_2736 = arith.constant 0 : i32
      %lt3A_2737 = vector.broadcast %lt3A_2736 : i32 to vector<16xi32>
      %lt3A_2738 = arith.cmpi slt, %xor3A_10, %lt3A_2737 : vector<16xi32>
      %add3A_2739 = arith.constant 16 : i32
      %add3A_2740 = vector.broadcast %add3A_2739 : i32 to vector<16xi32>
      %add3A_2741 = arith.addi %xor3A_10, %add3A_2740 : vector<16xi32>
      %select_n3A_2742 = arith.select %lt3A_2738, %add3A_2741, %xor3A_10 : vector<16xi1>, vector<16xi32>
      %broadcast_in_dim3A_2743 = vector.shape_cast %select_n3A_2742 : vector<16xi32> to vector<16x1xi32>
      %gather3A_2744 = vector.shape_cast %broadcast_in_dim3A_2743 : vector<16x1xi32> to vector<16xi32>
      %gather3A_2745 = tpu.dynamic_gather %select_n3A_2734[%gather3A_2744] in [0] : vector<16xf32>, vector<16xi32> -> vector<16xf32>
      %lt3A_2746 = arith.constant 0 : i32
      %lt3A_2747 = vector.broadcast %lt3A_2746 : i32 to vector<16xi32>
      %lt3A_2748 = arith.cmpi slt, %xor3A_10, %lt3A_2747 : vector<16xi32>
      %add3A_2749 = arith.constant 16 : i32
      %add3A_2750 = vector.broadcast %add3A_2749 : i32 to vector<16xi32>
      %add3A_2751 = arith.addi %xor3A_10, %add3A_2750 : vector<16xi32>
      %select_n3A_2752 = arith.select %lt3A_2748, %add3A_2751, %xor3A_10 : vector<16xi1>, vector<16xi32>
      %broadcast_in_dim3A_2753 = vector.shape_cast %select_n3A_2752 : vector<16xi32> to vector<16x1xi32>
      %gather3A_2754 = vector.shape_cast %broadcast_in_dim3A_2753 : vector<16x1xi32> to vector<16xi32>
      %gather3A_2755 = tpu.dynamic_gather %select_n3A_2735[%gather3A_2754] in [0] : vector<16xi32>, vector<16xi32> -> vector<16xi32>
      %gt3A_2756 = arith.cmpf ogt, %gather3A_2745, %select_n3A_2734 : vector<16xf32>
      %eq3A_2757 = arith.cmpf oeq, %gather3A_2745, %select_n3A_2734 : vector<16xf32>
      %lt3A_2758 = arith.cmpi slt, %gather3A_2755, %select_n3A_2735 : vector<16xi32>
      %and3A_2759 = arith.andi %eq3A_2757, %lt3A_2758 : vector<16xi1>
      %or3A_2760 = arith.ori %gt3A_2756, %and3A_2759 : vector<16xi1>
      %select_n3A_2761 = arith.select %or3A_2760, %gather3A_2745, %select_n3A_2734 : vector<16xi1>, vector<16xf32>
      %select_n3A_2762 = arith.select %or3A_2760, %gather3A_2755, %select_n3A_2735 : vector<16xi1>, vector<16xi32>
      %slice3A_2763 = vector.extract_strided_slice %select_n3A_2761 {offsets = [0], sizes = [1], strides = [1]} : vector<16xf32> to vector<1xf32>
      %squeeze3A_2764 = vector.extract %slice3A_2763[0] : f32 from vector<1xf32>
      %slice3A_2765 = vector.extract_strided_slice %select_n3A_2762 {offsets = [0], sizes = [1], strides = [1]} : vector<16xi32> to vector<1xi32>
      %squeeze3A_2766 = vector.extract %slice3A_2765[0] : i32 from vector<1xi32>
      %gt3A_2767 = arith.constant 0.899999976 : f32
      %gt3A_2768 = arith.cmpf ogt, %squeeze3A_2764, %gt3A_2767 : f32
      %jit3A_2769 = arith.constant 0.000000e+00 : f32
      %select_n3A_2770 = arith.select %gt3A_2768, %squeeze3A_2764, %jit3A_2769 : f32
      %jit3A_2771 = arith.constant 16 : i32
      %div3A_2772 = arith.divsi %squeeze3A_2766, %jit3A_2771 : i32
      %sign3A_2773 = arith.constant 0 : i32
      %sign3A_2774 = arith.cmpi sgt, %squeeze3A_2766, %sign3A_2773 : i32
      %sign3A_2775 = arith.extui %sign3A_2774 : i1 to i32
      %sign3A_2776 = arith.constant 0 : i32
      %sign3A_2777 = arith.cmpi slt, %squeeze3A_2766, %sign3A_2776 : i32
      %sign3A_2778 = arith.extui %sign3A_2777 : i1 to i32
      %sign3A_2779 = arith.subi %sign3A_2775, %sign3A_2778 : i32
      %sign3A_2780 = arith.constant 0 : i32
      %sign3A_2781 = arith.cmpi sgt, %jit3A_2771, %sign3A_2780 : i32
      %sign3A_2782 = arith.extui %sign3A_2781 : i1 to i32
      %sign3A_2783 = arith.constant 0 : i32
      %sign3A_2784 = arith.cmpi slt, %jit3A_2771, %sign3A_2783 : i32
      %sign3A_2785 = arith.extui %sign3A_2784 : i1 to i32
      %sign3A_2786 = arith.subi %sign3A_2782, %sign3A_2785 : i32
      %ne3A_2787 = arith.cmpi ne, %sign3A_2779, %sign3A_2786 : i32
      %rem3A_2788 = arith.remsi %squeeze3A_2766, %jit3A_2771 : i32
      %ne3A_2789 = arith.constant 0 : i32
      %ne3A_2790 = arith.cmpi ne, %rem3A_2788, %ne3A_2789 : i32
      %and3A_2791 = arith.andi %ne3A_2787, %ne3A_2790 : i1
      %sub3A_2792 = arith.constant 1 : i32
      %sub3A_2793 = arith.subi %div3A_2772, %sub3A_2792 : i32
      %select_n3A_2794 = arith.select %and3A_2791, %sub3A_2793, %div3A_2772 : i32
      %mul3A_2795 = arith.constant 16 : i32
      %mul3A_2796 = arith.muli %select_n3A_2794, %mul3A_2795 : i32
      %multiple_of3A_2797 = tpu.assume_multiple %mul3A_2796, 16 : i32
      %sub3A_2798 = arith.subi %squeeze3A_2766, %multiple_of3A_2797 : i32
      %eq3A_2799 = vector.broadcast %sub3A_2798 : i32 to vector<16xi32>
      %eq3A_2800 = arith.cmpi eq, %iota3A, %eq3A_2799 : vector<16xi32>
      %jit3A_2801 = arith.constant 1.000000e+00 : f32
      %jit3A_2802 = arith.constant 0.000000e+00 : f32
      %broadcast_in_dim3A_2803 = vector.broadcast %jit3A_2801 : f32 to vector<16xf32>
      %broadcast_in_dim3A_2804 = vector.broadcast %jit3A_2802 : f32 to vector<16xf32>
      %select_n3A_2805 = arith.select %eq3A_2800, %broadcast_in_dim3A_2803, %broadcast_in_dim3A_2804 : vector<16xi1>, vector<16xf32>
      %swap3A_2806 = arith.index_cast %multiple_of3A_2797 : i32 to index
      %swap3A_2807 = tpu.vector_load %arg11[%swap3A_2806] {strides = array<i32>} : memref<256xf32, #tpu.memory_space<vmem>>, vector<16xf32>,
      %swap3A_2808 = vector.shape_cast %swap3A_2807 : vector<16xf32> to vector<16xf32>
      %swap3A_2809 = vector.shape_cast %select_n3A_2805 : vector<16xf32> to vector<16xf32>
      tpu.vector_store %arg11[%swap3A_2806], %swap3A_2809 {add = true, strides = array<i32>} : memref<256xf32, #tpu.memory_space<vmem>>, vector<16xf32>,
      %mul3A_2810 = arith.constant 256 : i32
      %mul3A_2811 = arith.muli %squeeze3A_2766, %mul3A_2810 : i32
      %get3A_2812 = arith.constant 1280 : index
      %get3A_2813 = tpu.vector_load %arg9[%get3A_2812] {strides = array<i32>} : memref<2048xf32, #tpu.memory_space<vmem>>, vector<16xf32>,
      %get3A_2814 = vector.shape_cast %get3A_2813 : vector<16xf32> to vector<16xf32>
      %add3A_2815 = arith.constant 0 : i32
      %add3A_2816 = arith.addi %mul3A_2811, %add3A_2815 : i32
      %multiple_of3A_2817 = tpu.assume_multiple %add3A_2816, 16 : i32
      %mul3A_2818 = vector.broadcast %select_n3A_2770 : f32 to vector<16xf32>
      %mul3A_2819 = arith.mulf %get3A_2814, %mul3A_2818 : vector<16xf32>
      %swap3A_2820 = arith.index_cast %multiple_of3A_2817 : i32 to index
      %swap3A_2821 = tpu.vector_load %arg10[%swap3A_2820] {strides = array<i32>} : memref<65536xf32, #tpu.memory_space<vmem>>, vector<16xf32>,
      %swap3A_2822 = vector.shape_cast %swap3A_2821 : vector<16xf32> to vector<16xf32>
      %swap3A_2823 = vector.shape_cast %mul3A_2819 : vector<16xf32> to vector<16xf32>
      tpu.vector_store %arg10[%swap3A_2820], %swap3A_2823 {add = true, strides = array<i32>} : memref<65536xf32, #tpu.memory_space<vmem>>, vector<16xf32>,
      %get3A_2824 = arith.constant 1296 : index
      %get3A_2825 = tpu.vector_load %arg9[%get3A_2824] {strides = array<i32>} : memref<2048xf32, #tpu.memory_space<vmem>>, vector<16xf32>,
      %get3A_2826 = vector.shape_cast %get3A_2825 : vector<16xf32> to vector<16xf32>
      %add3A_2827 = arith.constant 16 : i32
      %add3A_2828 = arith.addi %mul3A_2811, %add3A_2827 : i32
      %multiple_of3A_2829 = tpu.assume_multiple %add3A_2828, 16 : i32
      %mul3A_2830 = vector.broadcast %select_n3A_2770 : f32 to vector<16xf32>
      %mul3A_2831 = arith.mulf %get3A_2826, %mul3A_2830 : vector<16xf32>
      %swap3A_2832 = arith.index_cast %multiple_of3A_2829 : i32 to index
      %swap3A_2833 = tpu.vector_load %arg10[%swap3A_2832] {strides = array<i32>} : memref<65536xf32, #tpu.memory_space<vmem>>, vector<16xf32>,
      %swap3A_2834 = vector.shape_cast %swap3A_2833 : vector<16xf32> to vector<16xf32>
      %swap3A_2835 = vector.shape_cast %mul3A_2831 : vector<16xf32> to vector<16xf32>
      tpu.vector_store %arg10[%swap3A_2832], %swap3A_2835 {add = true, strides = array<i32>} : memref<65536xf32, #tpu.memory_space<vmem>>, vector<16xf32>,
      %get3A_2836 = arith.constant 1312 : index
      %get3A_2837 = tpu.vector_load %arg9[%get3A_2836] {strides = array<i32>} : memref<2048xf32, #tpu.memory_space<vmem>>, vector<16xf32>,
      %get3A_2838 = vector.shape_cast %get3A_2837 : vector<16xf32> to vector<16xf32>
      %add3A_2839 = arith.constant 32 : i32
      %add3A_2840 = arith.addi %mul3A_2811, %add3A_2839 : i32
      %multiple_of3A_2841 = tpu.assume_multiple %add3A_2840, 16 : i32
      %mul3A_2842 = vector.broadcast %select_n3A_2770 : f32 to vector<16xf32>
      %mul3A_2843 = arith.mulf %get3A_2838, %mul3A_2842 : vector<16xf32>
      %swap3A_2844 = arith.index_cast %multiple_of3A_2841 : i32 to index
      %swap3A_2845 = tpu.vector_load %arg10[%swap3A_2844] {strides = array<i32>} : memref<65536xf32, #tpu.memory_space<vmem>>, vector<16xf32>,
      %swap3A_2846 = vector.shape_cast %swap3A_2845 : vector<16xf32> to vector<16xf32>
      %swap3A_2847 = vector.shape_cast %mul3A_2843 : vector<16xf32> to vector<16xf32>
      tpu.vector_store %arg10[%swap3A_2844], %swap3A_2847 {add = true, strides = array<i32>} : memref<65536xf32, #tpu.memory_space<vmem>>, vector<16xf32>,
      %get3A_2848 = arith.constant 1328 : index
      %get3A_2849 = tpu.vector_load %arg9[%get3A_2848] {strides = array<i32>} : memref<2048xf32, #tpu.memory_space<vmem>>, vector<16xf32>,
      %get3A_2850 = vector.shape_cast %get3A_2849 : vector<16xf32> to vector<16xf32>
      %add3A_2851 = arith.constant 48 : i32
      %add3A_2852 = arith.addi %mul3A_2811, %add3A_2851 : i32
      %multiple_of3A_2853 = tpu.assume_multiple %add3A_2852, 16 : i32
      %mul3A_2854 = vector.broadcast %select_n3A_2770 : f32 to vector<16xf32>
      %mul3A_2855 = arith.mulf %get3A_2850, %mul3A_2854 : vector<16xf32>
      %swap3A_2856 = arith.index_cast %multiple_of3A_2853 : i32 to index
      %swap3A_2857 = tpu.vector_load %arg10[%swap3A_2856] {strides = array<i32>} : memref<65536xf32, #tpu.memory_space<vmem>>, vector<16xf32>,
      %swap3A_2858 = vector.shape_cast %swap3A_2857 : vector<16xf32> to vector<16xf32>
      %swap3A_2859 = vector.shape_cast %mul3A_2855 : vector<16xf32> to vector<16xf32>
      tpu.vector_store %arg10[%swap3A_2856], %swap3A_2859 {add = true, strides = array<i32>} : memref<65536xf32, #tpu.memory_space<vmem>>, vector<16xf32>,
      %get3A_2860 = arith.constant 1344 : index
      %get3A_2861 = tpu.vector_load %arg9[%get3A_2860] {strides = array<i32>} : memref<2048xf32, #tpu.memory_space<vmem>>, vector<16xf32>,
      %get3A_2862 = vector.shape_cast %get3A_2861 : vector<16xf32> to vector<16xf32>
      %add3A_2863 = arith.constant 64 : i32
      %add3A_2864 = arith.addi %mul3A_2811, %add3A_2863 : i32
      %multiple_of3A_2865 = tpu.assume_multiple %add3A_2864, 16 : i32
      %mul3A_2866 = vector.broadcast %select_n3A_2770 : f32 to vector<16xf32>
      %mul3A_2867 = arith.mulf %get3A_2862, %mul3A_2866 : vector<16xf32>
      %swap3A_2868 = arith.index_cast %multiple_of3A_2865 : i32 to index
      %swap3A_2869 = tpu.vector_load %arg10[%swap3A_2868] {strides = array<i32>} : memref<65536xf32, #tpu.memory_space<vmem>>, vector<16xf32>,
      %swap3A_2870 = vector.shape_cast %swap3A_2869 : vector<16xf32> to vector<16xf32>
      %swap3A_2871 = vector.shape_cast %mul3A_2867 : vector<16xf32> to vector<16xf32>
      tpu.vector_store %arg10[%swap3A_2868], %swap3A_2871 {add = true, strides = array<i32>} : memref<65536xf32, #tpu.memory_space<vmem>>, vector<16xf32>,
      %get3A_2872 = arith.constant 1360 : index
      %get3A_2873 = tpu.vector_load %arg9[%get3A_2872] {strides = array<i32>} : memref<2048xf32, #tpu.memory_space<vmem>>, vector<16xf32>,
      %get3A_2874 = vector.shape_cast %get3A_2873 : vector<16xf32> to vector<16xf32>
      %add3A_2875 = arith.constant 80 : i32
      %add3A_2876 = arith.addi %mul3A_2811, %add3A_2875 : i32
      %multiple_of3A_2877 = tpu.assume_multiple %add3A_2876, 16 : i32
      %mul3A_2878 = vector.broadcast %select_n3A_2770 : f32 to vector<16xf32>
      %mul3A_2879 = arith.mulf %get3A_2874, %mul3A_2878 : vector<16xf32>
      %swap3A_2880 = arith.index_cast %multiple_of3A_2877 : i32 to index
      %swap3A_2881 = tpu.vector_load %arg10[%swap3A_2880] {strides = array<i32>} : memref<65536xf32, #tpu.memory_space<vmem>>, vector<16xf32>,
      %swap3A_2882 = vector.shape_cast %swap3A_2881 : vector<16xf32> to vector<16xf32>
      %swap3A_2883 = vector.shape_cast %mul3A_2879 : vector<16xf32> to vector<16xf32>
      tpu.vector_store %arg10[%swap3A_2880], %swap3A_2883 {add = true, strides = array<i32>} : memref<65536xf32, #tpu.memory_space<vmem>>, vector<16xf32>,
      %get3A_2884 = arith.constant 1376 : index
      %get3A_2885 = tpu.vector_load %arg9[%get3A_2884] {strides = array<i32>} : memref<2048xf32, #tpu.memory_space<vmem>>, vector<16xf32>,
      %get3A_2886 = vector.shape_cast %get3A_2885 : vector<16xf32> to vector<16xf32>
      %add3A_2887 = arith.constant 96 : i32
      %add3A_2888 = arith.addi %mul3A_2811, %add3A_2887 : i32
      %multiple_of3A_2889 = tpu.assume_multiple %add3A_2888, 16 : i32
      %mul3A_2890 = vector.broadcast %select_n3A_2770 : f32 to vector<16xf32>
      %mul3A_2891 = arith.mulf %get3A_2886, %mul3A_2890 : vector<16xf32>
      %swap3A_2892 = arith.index_cast %multiple_of3A_2889 : i32 to index
      %swap3A_2893 = tpu.vector_load %arg10[%swap3A_2892] {strides = array<i32>} : memref<65536xf32, #tpu.memory_space<vmem>>, vector<16xf32>,
      %swap3A_2894 = vector.shape_cast %swap3A_2893 : vector<16xf32> to vector<16xf32>
      %swap3A_2895 = vector.shape_cast %mul3A_2891 : vector<16xf32> to vector<16xf32>
      tpu.vector_store %arg10[%swap3A_2892], %swap3A_2895 {add = true, strides = array<i32>} : memref<65536xf32, #tpu.memory_space<vmem>>, vector<16xf32>,
      %get3A_2896 = arith.constant 1392 : index
      %get3A_2897 = tpu.vector_load %arg9[%get3A_2896] {strides = array<i32>} : memref<2048xf32, #tpu.memory_space<vmem>>, vector<16xf32>,
      %get3A_2898 = vector.shape_cast %get3A_2897 : vector<16xf32> to vector<16xf32>
      %add3A_2899 = arith.constant 112 : i32
      %add3A_2900 = arith.addi %mul3A_2811, %add3A_2899 : i32
      %multiple_of3A_2901 = tpu.assume_multiple %add3A_2900, 16 : i32
      %mul3A_2902 = vector.broadcast %select_n3A_2770 : f32 to vector<16xf32>
      %mul3A_2903 = arith.mulf %get3A_2898, %mul3A_2902 : vector<16xf32>
      %swap3A_2904 = arith.index_cast %multiple_of3A_2901 : i32 to index
      %swap3A_2905 = tpu.vector_load %arg10[%swap3A_2904] {strides = array<i32>} : memref<65536xf32, #tpu.memory_space<vmem>>, vector<16xf32>,
      %swap3A_2906 = vector.shape_cast %swap3A_2905 : vector<16xf32> to vector<16xf32>
      %swap3A_2907 = vector.shape_cast %mul3A_2903 : vector<16xf32> to vector<16xf32>
      tpu.vector_store %arg10[%swap3A_2904], %swap3A_2907 {add = true, strides = array<i32>} : memref<65536xf32, #tpu.memory_space<vmem>>, vector<16xf32>,
      %get3A_2908 = arith.constant 1408 : index
      %get3A_2909 = tpu.vector_load %arg9[%get3A_2908] {strides = array<i32>} : memref<2048xf32, #tpu.memory_space<vmem>>, vector<16xf32>,
      %get3A_2910 = vector.shape_cast %get3A_2909 : vector<16xf32> to vector<16xf32>
      %add3A_2911 = arith.constant 128 : i32
      %add3A_2912 = arith.addi %mul3A_2811, %add3A_2911 : i32
      %multiple_of3A_2913 = tpu.assume_multiple %add3A_2912, 16 : i32
      %mul3A_2914 = vector.broadcast %select_n3A_2770 : f32 to vector<16xf32>
      %mul3A_2915 = arith.mulf %get3A_2910, %mul3A_2914 : vector<16xf32>
      %swap3A_2916 = arith.index_cast %multiple_of3A_2913 : i32 to index
      %swap3A_2917 = tpu.vector_load %arg10[%swap3A_2916] {strides = array<i32>} : memref<65536xf32, #tpu.memory_space<vmem>>, vector<16xf32>,
      %swap3A_2918 = vector.shape_cast %swap3A_2917 : vector<16xf32> to vector<16xf32>
      %swap3A_2919 = vector.shape_cast %mul3A_2915 : vector<16xf32> to vector<16xf32>
      tpu.vector_store %arg10[%swap3A_2916], %swap3A_2919 {add = true, strides = array<i32>} : memref<65536xf32, #tpu.memory_space<vmem>>, vector<16xf32>,
      %get3A_2920 = arith.constant 1424 : index
      %get3A_2921 = tpu.vector_load %arg9[%get3A_2920] {strides = array<i32>} : memref<2048xf32, #tpu.memory_space<vmem>>, vector<16xf32>,
      %get3A_2922 = vector.shape_cast %get3A_2921 : vector<16xf32> to vector<16xf32>
      %add3A_2923 = arith.constant 144 : i32
      %add3A_2924 = arith.addi %mul3A_2811, %add3A_2923 : i32
      %multiple_of3A_2925 = tpu.assume_multiple %add3A_2924, 16 : i32
      %mul3A_2926 = vector.broadcast %select_n3A_2770 : f32 to vector<16xf32>
      %mul3A_2927 = arith.mulf %get3A_2922, %mul3A_2926 : vector<16xf32>
      %swap3A_2928 = arith.index_cast %multiple_of3A_2925 : i32 to index
      %swap3A_2929 = tpu.vector_load %arg10[%swap3A_2928] {strides = array<i32>} : memref<65536xf32, #tpu.memory_space<vmem>>, vector<16xf32>,
      %swap3A_2930 = vector.shape_cast %swap3A_2929 : vector<16xf32> to vector<16xf32>
      %swap3A_2931 = vector.shape_cast %mul3A_2927 : vector<16xf32> to vector<16xf32>
      tpu.vector_store %arg10[%swap3A_2928], %swap3A_2931 {add = true, strides = array<i32>} : memref<65536xf32, #tpu.memory_space<vmem>>, vector<16xf32>,
      %get3A_2932 = arith.constant 1440 : index
      %get3A_2933 = tpu.vector_load %arg9[%get3A_2932] {strides = array<i32>} : memref<2048xf32, #tpu.memory_space<vmem>>, vector<16xf32>,
      %get3A_2934 = vector.shape_cast %get3A_2933 : vector<16xf32> to vector<16xf32>
      %add3A_2935 = arith.constant 160 : i32
      %add3A_2936 = arith.addi %mul3A_2811, %add3A_2935 : i32
      %multiple_of3A_2937 = tpu.assume_multiple %add3A_2936, 16 : i32
      %mul3A_2938 = vector.broadcast %select_n3A_2770 : f32 to vector<16xf32>
      %mul3A_2939 = arith.mulf %get3A_2934, %mul3A_2938 : vector<16xf32>
      %swap3A_2940 = arith.index_cast %multiple_of3A_2937 : i32 to index
      %swap3A_2941 = tpu.vector_load %arg10[%swap3A_2940] {strides = array<i32>} : memref<65536xf32, #tpu.memory_space<vmem>>, vector<16xf32>,
      %swap3A_2942 = vector.shape_cast %swap3A_2941 : vector<16xf32> to vector<16xf32>
      %swap3A_2943 = vector.shape_cast %mul3A_2939 : vector<16xf32> to vector<16xf32>
      tpu.vector_store %arg10[%swap3A_2940], %swap3A_2943 {add = true, strides = array<i32>} : memref<65536xf32, #tpu.memory_space<vmem>>, vector<16xf32>,
      %get3A_2944 = arith.constant 1456 : index
      %get3A_2945 = tpu.vector_load %arg9[%get3A_2944] {strides = array<i32>} : memref<2048xf32, #tpu.memory_space<vmem>>, vector<16xf32>,
      %get3A_2946 = vector.shape_cast %get3A_2945 : vector<16xf32> to vector<16xf32>
      %add3A_2947 = arith.constant 176 : i32
      %add3A_2948 = arith.addi %mul3A_2811, %add3A_2947 : i32
      %multiple_of3A_2949 = tpu.assume_multiple %add3A_2948, 16 : i32
      %mul3A_2950 = vector.broadcast %select_n3A_2770 : f32 to vector<16xf32>
      %mul3A_2951 = arith.mulf %get3A_2946, %mul3A_2950 : vector<16xf32>
      %swap3A_2952 = arith.index_cast %multiple_of3A_2949 : i32 to index
      %swap3A_2953 = tpu.vector_load %arg10[%swap3A_2952] {strides = array<i32>} : memref<65536xf32, #tpu.memory_space<vmem>>, vector<16xf32>,
      %swap3A_2954 = vector.shape_cast %swap3A_2953 : vector<16xf32> to vector<16xf32>
      %swap3A_2955 = vector.shape_cast %mul3A_2951 : vector<16xf32> to vector<16xf32>
      tpu.vector_store %arg10[%swap3A_2952], %swap3A_2955 {add = true, strides = array<i32>} : memref<65536xf32, #tpu.memory_space<vmem>>, vector<16xf32>,
      %get3A_2956 = arith.constant 1472 : index
      %get3A_2957 = tpu.vector_load %arg9[%get3A_2956] {strides = array<i32>} : memref<2048xf32, #tpu.memory_space<vmem>>, vector<16xf32>,
      %get3A_2958 = vector.shape_cast %get3A_2957 : vector<16xf32> to vector<16xf32>
      %add3A_2959 = arith.constant 192 : i32
      %add3A_2960 = arith.addi %mul3A_2811, %add3A_2959 : i32
      %multiple_of3A_2961 = tpu.assume_multiple %add3A_2960, 16 : i32
      %mul3A_2962 = vector.broadcast %select_n3A_2770 : f32 to vector<16xf32>
      %mul3A_2963 = arith.mulf %get3A_2958, %mul3A_2962 : vector<16xf32>
      %swap3A_2964 = arith.index_cast %multiple_of3A_2961 : i32 to index
      %swap3A_2965 = tpu.vector_load %arg10[%swap3A_2964] {strides = array<i32>} : memref<65536xf32, #tpu.memory_space<vmem>>, vector<16xf32>,
      %swap3A_2966 = vector.shape_cast %swap3A_2965 : vector<16xf32> to vector<16xf32>
      %swap3A_2967 = vector.shape_cast %mul3A_2963 : vector<16xf32> to vector<16xf32>
      tpu.vector_store %arg10[%swap3A_2964], %swap3A_2967 {add = true, strides = array<i32>} : memref<65536xf32, #tpu.memory_space<vmem>>, vector<16xf32>,
      %get3A_2968 = arith.constant 1488 : index
      %get3A_2969 = tpu.vector_load %arg9[%get3A_2968] {strides = array<i32>} : memref<2048xf32, #tpu.memory_space<vmem>>, vector<16xf32>,
      %get3A_2970 = vector.shape_cast %get3A_2969 : vector<16xf32> to vector<16xf32>
      %add3A_2971 = arith.constant 208 : i32
      %add3A_2972 = arith.addi %mul3A_2811, %add3A_2971 : i32
      %multiple_of3A_2973 = tpu.assume_multiple %add3A_2972, 16 : i32
      %mul3A_2974 = vector.broadcast %select_n3A_2770 : f32 to vector<16xf32>
      %mul3A_2975 = arith.mulf %get3A_2970, %mul3A_2974 : vector<16xf32>
      %swap3A_2976 = arith.index_cast %multiple_of3A_2973 : i32 to index
      %swap3A_2977 = tpu.vector_load %arg10[%swap3A_2976] {strides = array<i32>} : memref<65536xf32, #tpu.memory_space<vmem>>, vector<16xf32>,
      %swap3A_2978 = vector.shape_cast %swap3A_2977 : vector<16xf32> to vector<16xf32>
      %swap3A_2979 = vector.shape_cast %mul3A_2975 : vector<16xf32> to vector<16xf32>
      tpu.vector_store %arg10[%swap3A_2976], %swap3A_2979 {add = true, strides = array<i32>} : memref<65536xf32, #tpu.memory_space<vmem>>, vector<16xf32>,
      %get3A_2980 = arith.constant 1504 : index
      %get3A_2981 = tpu.vector_load %arg9[%get3A_2980] {strides = array<i32>} : memref<2048xf32, #tpu.memory_space<vmem>>, vector<16xf32>,
      %get3A_2982 = vector.shape_cast %get3A_2981 : vector<16xf32> to vector<16xf32>
      %add3A_2983 = arith.constant 224 : i32
      %add3A_2984 = arith.addi %mul3A_2811, %add3A_2983 : i32
      %multiple_of3A_2985 = tpu.assume_multiple %add3A_2984, 16 : i32
      %mul3A_2986 = vector.broadcast %select_n3A_2770 : f32 to vector<16xf32>
      %mul3A_2987 = arith.mulf %get3A_2982, %mul3A_2986 : vector<16xf32>
      %swap3A_2988 = arith.index_cast %multiple_of3A_2985 : i32 to index
      %swap3A_2989 = tpu.vector_load %arg10[%swap3A_2988] {strides = array<i32>} : memref<65536xf32, #tpu.memory_space<vmem>>, vector<16xf32>,
      %swap3A_2990 = vector.shape_cast %swap3A_2989 : vector<16xf32> to vector<16xf32>
      %swap3A_2991 = vector.shape_cast %mul3A_2987 : vector<16xf32> to vector<16xf32>
      tpu.vector_store %arg10[%swap3A_2988], %swap3A_2991 {add = true, strides = array<i32>} : memref<65536xf32, #tpu.memory_space<vmem>>, vector<16xf32>,
      %get3A_2992 = arith.constant 1520 : index
      %get3A_2993 = tpu.vector_load %arg9[%get3A_2992] {strides = array<i32>} : memref<2048xf32, #tpu.memory_space<vmem>>, vector<16xf32>,
      %get3A_2994 = vector.shape_cast %get3A_2993 : vector<16xf32> to vector<16xf32>
      %add3A_2995 = arith.constant 240 : i32
      %add3A_2996 = arith.addi %mul3A_2811, %add3A_2995 : i32
      %multiple_of3A_2997 = tpu.assume_multiple %add3A_2996, 16 : i32
      %mul3A_2998 = vector.broadcast %select_n3A_2770 : f32 to vector<16xf32>
      %mul3A_2999 = arith.mulf %get3A_2994, %mul3A_2998 : vector<16xf32>
      %swap3A_3000 = arith.index_cast %multiple_of3A_2997 : i32 to index
      %swap3A_3001 = tpu.vector_load %arg10[%swap3A_3000] {strides = array<i32>} : memref<65536xf32, #tpu.memory_space<vmem>>, vector<16xf32>,
      %swap3A_3002 = vector.shape_cast %swap3A_3001 : vector<16xf32> to vector<16xf32>
      %swap3A_3003 = vector.shape_cast %mul3A_2999 : vector<16xf32> to vector<16xf32>
      tpu.vector_store %arg10[%swap3A_3000], %swap3A_3003 {add = true, strides = array<i32>} : memref<65536xf32, #tpu.memory_space<vmem>>, vector<16xf32>,
      %get3A_3004 = arith.constant 1536 : index
      %get3A_3005 = tpu.vector_load %arg8[%get3A_3004] {strides = array<i32>} : memref<2048xf32, #tpu.memory_space<vmem>>, vector<16xf32>,
      %get3A_3006 = vector.shape_cast %get3A_3005 : vector<16xf32> to vector<16xf32>
      %get3A_3007 = arith.constant 1552 : index
      %get3A_3008 = tpu.vector_load %arg8[%get3A_3007] {strides = array<i32>} : memref<2048xf32, #tpu.memory_space<vmem>>, vector<16xf32>,
      %get3A_3009 = vector.shape_cast %get3A_3008 : vector<16xf32> to vector<16xf32>
      %gt3A_3010 = arith.cmpf ogt, %get3A_3009, %get3A_3006 : vector<16xf32>
      %select_n3A_3011 = arith.select %gt3A_3010, %get3A_3009, %get3A_3006 : vector<16xi1>, vector<16xf32>
      %add3A_3012 = arith.constant 16 : i32
      %add3A_3013 = vector.broadcast %add3A_3012 : i32 to vector<16xi32>
      %add3A_3014 = arith.addi %iota3A, %add3A_3013 : vector<16xi32>
      %select_n3A_3015 = arith.select %gt3A_3010, %add3A_3014, %iota3A : vector<16xi1>, vector<16xi32>
      %get3A_3016 = arith.constant 1568 : index
      %get3A_3017 = tpu.vector_load %arg8[%get3A_3016] {strides = array<i32>} : memref<2048xf32, #tpu.memory_space<vmem>>, vector<16xf32>,
      %get3A_3018 = vector.shape_cast %get3A_3017 : vector<16xf32> to vector<16xf32>
      %gt3A_3019 = arith.cmpf ogt, %get3A_3018, %select_n3A_3011 : vector<16xf32>
      %select_n3A_3020 = arith.select %gt3A_3019, %get3A_3018, %select_n3A_3011 : vector<16xi1>, vector<16xf32>
      %add3A_3021 = arith.constant 32 : i32
      %add3A_3022 = vector.broadcast %add3A_3021 : i32 to vector<16xi32>
      %add3A_3023 = arith.addi %iota3A, %add3A_3022 : vector<16xi32>
      %select_n3A_3024 = arith.select %gt3A_3019, %add3A_3023, %select_n3A_3015 : vector<16xi1>, vector<16xi32>
      %get3A_3025 = arith.constant 1584 : index
      %get3A_3026 = tpu.vector_load %arg8[%get3A_3025] {strides = array<i32>} : memref<2048xf32, #tpu.memory_space<vmem>>, vector<16xf32>,
      %get3A_3027 = vector.shape_cast %get3A_3026 : vector<16xf32> to vector<16xf32>
      %gt3A_3028 = arith.cmpf ogt, %get3A_3027, %select_n3A_3020 : vector<16xf32>
      %select_n3A_3029 = arith.select %gt3A_3028, %get3A_3027, %select_n3A_3020 : vector<16xi1>, vector<16xf32>
      %add3A_3030 = arith.constant 48 : i32
      %add3A_3031 = vector.broadcast %add3A_3030 : i32 to vector<16xi32>
      %add3A_3032 = arith.addi %iota3A, %add3A_3031 : vector<16xi32>
      %select_n3A_3033 = arith.select %gt3A_3028, %add3A_3032, %select_n3A_3024 : vector<16xi1>, vector<16xi32>
      %get3A_3034 = arith.constant 1600 : index
      %get3A_3035 = tpu.vector_load %arg8[%get3A_3034] {strides = array<i32>} : memref<2048xf32, #tpu.memory_space<vmem>>, vector<16xf32>,
      %get3A_3036 = vector.shape_cast %get3A_3035 : vector<16xf32> to vector<16xf32>
      %gt3A_3037 = arith.cmpf ogt, %get3A_3036, %select_n3A_3029 : vector<16xf32>
      %select_n3A_3038 = arith.select %gt3A_3037, %get3A_3036, %select_n3A_3029 : vector<16xi1>, vector<16xf32>
      %add3A_3039 = arith.constant 64 : i32
      %add3A_3040 = vector.broadcast %add3A_3039 : i32 to vector<16xi32>
      %add3A_3041 = arith.addi %iota3A, %add3A_3040 : vector<16xi32>
      %select_n3A_3042 = arith.select %gt3A_3037, %add3A_3041, %select_n3A_3033 : vector<16xi1>, vector<16xi32>
      %get3A_3043 = arith.constant 1616 : index
      %get3A_3044 = tpu.vector_load %arg8[%get3A_3043] {strides = array<i32>} : memref<2048xf32, #tpu.memory_space<vmem>>, vector<16xf32>,
      %get3A_3045 = vector.shape_cast %get3A_3044 : vector<16xf32> to vector<16xf32>
      %gt3A_3046 = arith.cmpf ogt, %get3A_3045, %select_n3A_3038 : vector<16xf32>
      %select_n3A_3047 = arith.select %gt3A_3046, %get3A_3045, %select_n3A_3038 : vector<16xi1>, vector<16xf32>
      %add3A_3048 = arith.constant 80 : i32
      %add3A_3049 = vector.broadcast %add3A_3048 : i32 to vector<16xi32>
      %add3A_3050 = arith.addi %iota3A, %add3A_3049 : vector<16xi32>
      %select_n3A_3051 = arith.select %gt3A_3046, %add3A_3050, %select_n3A_3042 : vector<16xi1>, vector<16xi32>
      %get3A_3052 = arith.constant 1632 : index
      %get3A_3053 = tpu.vector_load %arg8[%get3A_3052] {strides = array<i32>} : memref<2048xf32, #tpu.memory_space<vmem>>, vector<16xf32>,
      %get3A_3054 = vector.shape_cast %get3A_3053 : vector<16xf32> to vector<16xf32>
      %gt3A_3055 = arith.cmpf ogt, %get3A_3054, %select_n3A_3047 : vector<16xf32>
      %select_n3A_3056 = arith.select %gt3A_3055, %get3A_3054, %select_n3A_3047 : vector<16xi1>, vector<16xf32>
      %add3A_3057 = arith.constant 96 : i32
      %add3A_3058 = vector.broadcast %add3A_3057 : i32 to vector<16xi32>
      %add3A_3059 = arith.addi %iota3A, %add3A_3058 : vector<16xi32>
      %select_n3A_3060 = arith.select %gt3A_3055, %add3A_3059, %select_n3A_3051 : vector<16xi1>, vector<16xi32>
      %get3A_3061 = arith.constant 1648 : index
      %get3A_3062 = tpu.vector_load %arg8[%get3A_3061] {strides = array<i32>} : memref<2048xf32, #tpu.memory_space<vmem>>, vector<16xf32>,
      %get3A_3063 = vector.shape_cast %get3A_3062 : vector<16xf32> to vector<16xf32>
      %gt3A_3064 = arith.cmpf ogt, %get3A_3063, %select_n3A_3056 : vector<16xf32>
      %select_n3A_3065 = arith.select %gt3A_3064, %get3A_3063, %select_n3A_3056 : vector<16xi1>, vector<16xf32>
      %add3A_3066 = arith.constant 112 : i32
      %add3A_3067 = vector.broadcast %add3A_3066 : i32 to vector<16xi32>
      %add3A_3068 = arith.addi %iota3A, %add3A_3067 : vector<16xi32>
      %select_n3A_3069 = arith.select %gt3A_3064, %add3A_3068, %select_n3A_3060 : vector<16xi1>, vector<16xi32>
      %get3A_3070 = arith.constant 1664 : index
      %get3A_3071 = tpu.vector_load %arg8[%get3A_3070] {strides = array<i32>} : memref<2048xf32, #tpu.memory_space<vmem>>, vector<16xf32>,
      %get3A_3072 = vector.shape_cast %get3A_3071 : vector<16xf32> to vector<16xf32>
      %gt3A_3073 = arith.cmpf ogt, %get3A_3072, %select_n3A_3065 : vector<16xf32>
      %select_n3A_3074 = arith.select %gt3A_3073, %get3A_3072, %select_n3A_3065 : vector<16xi1>, vector<16xf32>
      %add3A_3075 = arith.constant 128 : i32
      %add3A_3076 = vector.broadcast %add3A_3075 : i32 to vector<16xi32>
      %add3A_3077 = arith.addi %iota3A, %add3A_3076 : vector<16xi32>
      %select_n3A_3078 = arith.select %gt3A_3073, %add3A_3077, %select_n3A_3069 : vector<16xi1>, vector<16xi32>
      %get3A_3079 = arith.constant 1680 : index
      %get3A_3080 = tpu.vector_load %arg8[%get3A_3079] {strides = array<i32>} : memref<2048xf32, #tpu.memory_space<vmem>>, vector<16xf32>,
      %get3A_3081 = vector.shape_cast %get3A_3080 : vector<16xf32> to vector<16xf32>
      %gt3A_3082 = arith.cmpf ogt, %get3A_3081, %select_n3A_3074 : vector<16xf32>
      %select_n3A_3083 = arith.select %gt3A_3082, %get3A_3081, %select_n3A_3074 : vector<16xi1>, vector<16xf32>
      %add3A_3084 = arith.constant 144 : i32
      %add3A_3085 = vector.broadcast %add3A_3084 : i32 to vector<16xi32>
      %add3A_3086 = arith.addi %iota3A, %add3A_3085 : vector<16xi32>
      %select_n3A_3087 = arith.select %gt3A_3082, %add3A_3086, %select_n3A_3078 : vector<16xi1>, vector<16xi32>
      %get3A_3088 = arith.constant 1696 : index
      %get3A_3089 = tpu.vector_load %arg8[%get3A_3088] {strides = array<i32>} : memref<2048xf32, #tpu.memory_space<vmem>>, vector<16xf32>,
      %get3A_3090 = vector.shape_cast %get3A_3089 : vector<16xf32> to vector<16xf32>
      %gt3A_3091 = arith.cmpf ogt, %get3A_3090, %select_n3A_3083 : vector<16xf32>
      %select_n3A_3092 = arith.select %gt3A_3091, %get3A_3090, %select_n3A_3083 : vector<16xi1>, vector<16xf32>
      %add3A_3093 = arith.constant 160 : i32
      %add3A_3094 = vector.broadcast %add3A_3093 : i32 to vector<16xi32>
      %add3A_3095 = arith.addi %iota3A, %add3A_3094 : vector<16xi32>
      %select_n3A_3096 = arith.select %gt3A_3091, %add3A_3095, %select_n3A_3087 : vector<16xi1>, vector<16xi32>
      %get3A_3097 = arith.constant 1712 : index
      %get3A_3098 = tpu.vector_load %arg8[%get3A_3097] {strides = array<i32>} : memref<2048xf32, #tpu.memory_space<vmem>>, vector<16xf32>,
      %get3A_3099 = vector.shape_cast %get3A_3098 : vector<16xf32> to vector<16xf32>
      %gt3A_3100 = arith.cmpf ogt, %get3A_3099, %select_n3A_3092 : vector<16xf32>
      %select_n3A_3101 = arith.select %gt3A_3100, %get3A_3099, %select_n3A_3092 : vector<16xi1>, vector<16xf32>
      %add3A_3102 = arith.constant 176 : i32
      %add3A_3103 = vector.broadcast %add3A_3102 : i32 to vector<16xi32>
      %add3A_3104 = arith.addi %iota3A, %add3A_3103 : vector<16xi32>
      %select_n3A_3105 = arith.select %gt3A_3100, %add3A_3104, %select_n3A_3096 : vector<16xi1>, vector<16xi32>
      %get3A_3106 = arith.constant 1728 : index
      %get3A_3107 = tpu.vector_load %arg8[%get3A_3106] {strides = array<i32>} : memref<2048xf32, #tpu.memory_space<vmem>>, vector<16xf32>,
      %get3A_3108 = vector.shape_cast %get3A_3107 : vector<16xf32> to vector<16xf32>
      %gt3A_3109 = arith.cmpf ogt, %get3A_3108, %select_n3A_3101 : vector<16xf32>
      %select_n3A_3110 = arith.select %gt3A_3109, %get3A_3108, %select_n3A_3101 : vector<16xi1>, vector<16xf32>
      %add3A_3111 = arith.constant 192 : i32
      %add3A_3112 = vector.broadcast %add3A_3111 : i32 to vector<16xi32>
      %add3A_3113 = arith.addi %iota3A, %add3A_3112 : vector<16xi32>
      %select_n3A_3114 = arith.select %gt3A_3109, %add3A_3113, %select_n3A_3105 : vector<16xi1>, vector<16xi32>
      %get3A_3115 = arith.constant 1744 : index
      %get3A_3116 = tpu.vector_load %arg8[%get3A_3115] {strides = array<i32>} : memref<2048xf32, #tpu.memory_space<vmem>>, vector<16xf32>,
      %get3A_3117 = vector.shape_cast %get3A_3116 : vector<16xf32> to vector<16xf32>
      %gt3A_3118 = arith.cmpf ogt, %get3A_3117, %select_n3A_3110 : vector<16xf32>
      %select_n3A_3119 = arith.select %gt3A_3118, %get3A_3117, %select_n3A_3110 : vector<16xi1>, vector<16xf32>
      %add3A_3120 = arith.constant 208 : i32
      %add3A_3121 = vector.broadcast %add3A_3120 : i32 to vector<16xi32>
      %add3A_3122 = arith.addi %iota3A, %add3A_3121 : vector<16xi32>
      %select_n3A_3123 = arith.select %gt3A_3118, %add3A_3122, %select_n3A_3114 : vector<16xi1>, vector<16xi32>
      %get3A_3124 = arith.constant 1760 : index
      %get3A_3125 = tpu.vector_load %arg8[%get3A_3124] {strides = array<i32>} : memref<2048xf32, #tpu.memory_space<vmem>>, vector<16xf32>,
      %get3A_3126 = vector.shape_cast %get3A_3125 : vector<16xf32> to vector<16xf32>
      %gt3A_3127 = arith.cmpf ogt, %get3A_3126, %select_n3A_3119 : vector<16xf32>
      %select_n3A_3128 = arith.select %gt3A_3127, %get3A_3126, %select_n3A_3119 : vector<16xi1>, vector<16xf32>
      %add3A_3129 = arith.constant 224 : i32
      %add3A_3130 = vector.broadcast %add3A_3129 : i32 to vector<16xi32>
      %add3A_3131 = arith.addi %iota3A, %add3A_3130 : vector<16xi32>
      %select_n3A_3132 = arith.select %gt3A_3127, %add3A_3131, %select_n3A_3123 : vector<16xi1>, vector<16xi32>
      %get3A_3133 = arith.constant 1776 : index
      %get3A_3134 = tpu.vector_load %arg8[%get3A_3133] {strides = array<i32>} : memref<2048xf32, #tpu.memory_space<vmem>>, vector<16xf32>,
      %get3A_3135 = vector.shape_cast %get3A_3134 : vector<16xf32> to vector<16xf32>
      %gt3A_3136 = arith.cmpf ogt, %get3A_3135, %select_n3A_3128 : vector<16xf32>
      %select_n3A_3137 = arith.select %gt3A_3136, %get3A_3135, %select_n3A_3128 : vector<16xi1>, vector<16xf32>
      %add3A_3138 = arith.constant 240 : i32
      %add3A_3139 = vector.broadcast %add3A_3138 : i32 to vector<16xi32>
      %add3A_3140 = arith.addi %iota3A, %add3A_3139 : vector<16xi32>
      %select_n3A_3141 = arith.select %gt3A_3136, %add3A_3140, %select_n3A_3132 : vector<16xi1>, vector<16xi32>
      %lt3A_3142 = arith.constant 0 : i32
      %lt3A_3143 = vector.broadcast %lt3A_3142 : i32 to vector<16xi32>
      %lt3A_3144 = arith.cmpi slt, %xor3A_1, %lt3A_3143 : vector<16xi32>
      %add3A_3145 = arith.constant 16 : i32
      %add3A_3146 = vector.broadcast %add3A_3145 : i32 to vector<16xi32>
      %add3A_3147 = arith.addi %xor3A_1, %add3A_3146 : vector<16xi32>
      %select_n3A_3148 = arith.select %lt3A_3144, %add3A_3147, %xor3A_1 : vector<16xi1>, vector<16xi32>
      %broadcast_in_dim3A_3149 = vector.shape_cast %select_n3A_3148 : vector<16xi32> to vector<16x1xi32>
      %gather3A_3150 = vector.shape_cast %broadcast_in_dim3A_3149 : vector<16x1xi32> to vector<16xi32>
      %gather3A_3151 = tpu.dynamic_gather %select_n3A_3137[%gather3A_3150] in [0] : vector<16xf32>, vector<16xi32> -> vector<16xf32>
      %lt3A_3152 = arith.constant 0 : i32
      %lt3A_3153 = vector.broadcast %lt3A_3152 : i32 to vector<16xi32>
      %lt3A_3154 = arith.cmpi slt, %xor3A_1, %lt3A_3153 : vector<16xi32>
      %add3A_3155 = arith.constant 16 : i32
      %add3A_3156 = vector.broadcast %add3A_3155 : i32 to vector<16xi32>
      %add3A_3157 = arith.addi %xor3A_1, %add3A_3156 : vector<16xi32>
      %select_n3A_3158 = arith.select %lt3A_3154, %add3A_3157, %xor3A_1 : vector<16xi1>, vector<16xi32>
      %broadcast_in_dim3A_3159 = vector.shape_cast %select_n3A_3158 : vector<16xi32> to vector<16x1xi32>
      %gather3A_3160 = vector.shape_cast %broadcast_in_dim3A_3159 : vector<16x1xi32> to vector<16xi32>
      %gather3A_3161 = tpu.dynamic_gather %select_n3A_3141[%gather3A_3160] in [0] : vector<16xi32>, vector<16xi32> -> vector<16xi32>
      %gt3A_3162 = arith.cmpf ogt, %gather3A_3151, %select_n3A_3137 : vector<16xf32>
      %eq3A_3163 = arith.cmpf oeq, %gather3A_3151, %select_n3A_3137 : vector<16xf32>
      %lt3A_3164 = arith.cmpi slt, %gather3A_3161, %select_n3A_3141 : vector<16xi32>
      %and3A_3165 = arith.andi %eq3A_3163, %lt3A_3164 : vector<16xi1>
      %or3A_3166 = arith.ori %gt3A_3162, %and3A_3165 : vector<16xi1>
      %select_n3A_3167 = arith.select %or3A_3166, %gather3A_3151, %select_n3A_3137 : vector<16xi1>, vector<16xf32>
      %select_n3A_3168 = arith.select %or3A_3166, %gather3A_3161, %select_n3A_3141 : vector<16xi1>, vector<16xi32>
      %lt3A_3169 = arith.constant 0 : i32
      %lt3A_3170 = vector.broadcast %lt3A_3169 : i32 to vector<16xi32>
      %lt3A_3171 = arith.cmpi slt, %xor3A_4, %lt3A_3170 : vector<16xi32>
      %add3A_3172 = arith.constant 16 : i32
      %add3A_3173 = vector.broadcast %add3A_3172 : i32 to vector<16xi32>
      %add3A_3174 = arith.addi %xor3A_4, %add3A_3173 : vector<16xi32>
      %select_n3A_3175 = arith.select %lt3A_3171, %add3A_3174, %xor3A_4 : vector<16xi1>, vector<16xi32>
      %broadcast_in_dim3A_3176 = vector.shape_cast %select_n3A_3175 : vector<16xi32> to vector<16x1xi32>
      %gather3A_3177 = vector.shape_cast %broadcast_in_dim3A_3176 : vector<16x1xi32> to vector<16xi32>
      %gather3A_3178 = tpu.dynamic_gather %select_n3A_3167[%gather3A_3177] in [0] : vector<16xf32>, vector<16xi32> -> vector<16xf32>
      %lt3A_3179 = arith.constant 0 : i32
      %lt3A_3180 = vector.broadcast %lt3A_3179 : i32 to vector<16xi32>
      %lt3A_3181 = arith.cmpi slt, %xor3A_4, %lt3A_3180 : vector<16xi32>
      %add3A_3182 = arith.constant 16 : i32
      %add3A_3183 = vector.broadcast %add3A_3182 : i32 to vector<16xi32>
      %add3A_3184 = arith.addi %xor3A_4, %add3A_3183 : vector<16xi32>
      %select_n3A_3185 = arith.select %lt3A_3181, %add3A_3184, %xor3A_4 : vector<16xi1>, vector<16xi32>
      %broadcast_in_dim3A_3186 = vector.shape_cast %select_n3A_3185 : vector<16xi32> to vector<16x1xi32>
      %gather3A_3187 = vector.shape_cast %broadcast_in_dim3A_3186 : vector<16x1xi32> to vector<16xi32>
      %gather3A_3188 = tpu.dynamic_gather %select_n3A_3168[%gather3A_3187] in [0] : vector<16xi32>, vector<16xi32> -> vector<16xi32>
      %gt3A_3189 = arith.cmpf ogt, %gather3A_3178, %select_n3A_3167 : vector<16xf32>
      %eq3A_3190 = arith.cmpf oeq, %gather3A_3178, %select_n3A_3167 : vector<16xf32>
      %lt3A_3191 = arith.cmpi slt, %gather3A_3188, %select_n3A_3168 : vector<16xi32>
      %and3A_3192 = arith.andi %eq3A_3190, %lt3A_3191 : vector<16xi1>
      %or3A_3193 = arith.ori %gt3A_3189, %and3A_3192 : vector<16xi1>
      %select_n3A_3194 = arith.select %or3A_3193, %gather3A_3178, %select_n3A_3167 : vector<16xi1>, vector<16xf32>
      %select_n3A_3195 = arith.select %or3A_3193, %gather3A_3188, %select_n3A_3168 : vector<16xi1>, vector<16xi32>
      %lt3A_3196 = arith.constant 0 : i32
      %lt3A_3197 = vector.broadcast %lt3A_3196 : i32 to vector<16xi32>
      %lt3A_3198 = arith.cmpi slt, %xor3A_7, %lt3A_3197 : vector<16xi32>
      %add3A_3199 = arith.constant 16 : i32
      %add3A_3200 = vector.broadcast %add3A_3199 : i32 to vector<16xi32>
      %add3A_3201 = arith.addi %xor3A_7, %add3A_3200 : vector<16xi32>
      %select_n3A_3202 = arith.select %lt3A_3198, %add3A_3201, %xor3A_7 : vector<16xi1>, vector<16xi32>
      %broadcast_in_dim3A_3203 = vector.shape_cast %select_n3A_3202 : vector<16xi32> to vector<16x1xi32>
      %gather3A_3204 = vector.shape_cast %broadcast_in_dim3A_3203 : vector<16x1xi32> to vector<16xi32>
      %gather3A_3205 = tpu.dynamic_gather %select_n3A_3194[%gather3A_3204] in [0] : vector<16xf32>, vector<16xi32> -> vector<16xf32>
      %lt3A_3206 = arith.constant 0 : i32
      %lt3A_3207 = vector.broadcast %lt3A_3206 : i32 to vector<16xi32>
      %lt3A_3208 = arith.cmpi slt, %xor3A_7, %lt3A_3207 : vector<16xi32>
      %add3A_3209 = arith.constant 16 : i32
      %add3A_3210 = vector.broadcast %add3A_3209 : i32 to vector<16xi32>
      %add3A_3211 = arith.addi %xor3A_7, %add3A_3210 : vector<16xi32>
      %select_n3A_3212 = arith.select %lt3A_3208, %add3A_3211, %xor3A_7 : vector<16xi1>, vector<16xi32>
      %broadcast_in_dim3A_3213 = vector.shape_cast %select_n3A_3212 : vector<16xi32> to vector<16x1xi32>
      %gather3A_3214 = vector.shape_cast %broadcast_in_dim3A_3213 : vector<16x1xi32> to vector<16xi32>
      %gather3A_3215 = tpu.dynamic_gather %select_n3A_3195[%gather3A_3214] in [0] : vector<16xi32>, vector<16xi32> -> vector<16xi32>
      %gt3A_3216 = arith.cmpf ogt, %gather3A_3205, %select_n3A_3194 : vector<16xf32>
      %eq3A_3217 = arith.cmpf oeq, %gather3A_3205, %select_n3A_3194 : vector<16xf32>
      %lt3A_3218 = arith.cmpi slt, %gather3A_3215, %select_n3A_3195 : vector<16xi32>
      %and3A_3219 = arith.andi %eq3A_3217, %lt3A_3218 : vector<16xi1>
      %or3A_3220 = arith.ori %gt3A_3216, %and3A_3219 : vector<16xi1>
      %select_n3A_3221 = arith.select %or3A_3220, %gather3A_3205, %select_n3A_3194 : vector<16xi1>, vector<16xf32>
      %select_n3A_3222 = arith.select %or3A_3220, %gather3A_3215, %select_n3A_3195 : vector<16xi1>, vector<16xi32>
      %lt3A_3223 = arith.constant 0 : i32
      %lt3A_3224 = vector.broadcast %lt3A_3223 : i32 to vector<16xi32>
      %lt3A_3225 = arith.cmpi slt, %xor3A_10, %lt3A_3224 : vector<16xi32>
      %add3A_3226 = arith.constant 16 : i32
      %add3A_3227 = vector.broadcast %add3A_3226 : i32 to vector<16xi32>
      %add3A_3228 = arith.addi %xor3A_10, %add3A_3227 : vector<16xi32>
      %select_n3A_3229 = arith.select %lt3A_3225, %add3A_3228, %xor3A_10 : vector<16xi1>, vector<16xi32>
      %broadcast_in_dim3A_3230 = vector.shape_cast %select_n3A_3229 : vector<16xi32> to vector<16x1xi32>
      %gather3A_3231 = vector.shape_cast %broadcast_in_dim3A_3230 : vector<16x1xi32> to vector<16xi32>
      %gather3A_3232 = tpu.dynamic_gather %select_n3A_3221[%gather3A_3231] in [0] : vector<16xf32>, vector<16xi32> -> vector<16xf32>
      %lt3A_3233 = arith.constant 0 : i32
      %lt3A_3234 = vector.broadcast %lt3A_3233 : i32 to vector<16xi32>
      %lt3A_3235 = arith.cmpi slt, %xor3A_10, %lt3A_3234 : vector<16xi32>
      %add3A_3236 = arith.constant 16 : i32
      %add3A_3237 = vector.broadcast %add3A_3236 : i32 to vector<16xi32>
      %add3A_3238 = arith.addi %xor3A_10, %add3A_3237 : vector<16xi32>
      %select_n3A_3239 = arith.select %lt3A_3235, %add3A_3238, %xor3A_10 : vector<16xi1>, vector<16xi32>
      %broadcast_in_dim3A_3240 = vector.shape_cast %select_n3A_3239 : vector<16xi32> to vector<16x1xi32>
      %gather3A_3241 = vector.shape_cast %broadcast_in_dim3A_3240 : vector<16x1xi32> to vector<16xi32>
      %gather3A_3242 = tpu.dynamic_gather %select_n3A_3222[%gather3A_3241] in [0] : vector<16xi32>, vector<16xi32> -> vector<16xi32>
      %gt3A_3243 = arith.cmpf ogt, %gather3A_3232, %select_n3A_3221 : vector<16xf32>
      %eq3A_3244 = arith.cmpf oeq, %gather3A_3232, %select_n3A_3221 : vector<16xf32>
      %lt3A_3245 = arith.cmpi slt, %gather3A_3242, %select_n3A_3222 : vector<16xi32>
      %and3A_3246 = arith.andi %eq3A_3244, %lt3A_3245 : vector<16xi1>
      %or3A_3247 = arith.ori %gt3A_3243, %and3A_3246 : vector<16xi1>
      %select_n3A_3248 = arith.select %or3A_3247, %gather3A_3232, %select_n3A_3221 : vector<16xi1>, vector<16xf32>
      %select_n3A_3249 = arith.select %or3A_3247, %gather3A_3242, %select_n3A_3222 : vector<16xi1>, vector<16xi32>
      %slice3A_3250 = vector.extract_strided_slice %select_n3A_3248 {offsets = [0], sizes = [1], strides = [1]} : vector<16xf32> to vector<1xf32>
      %squeeze3A_3251 = vector.extract %slice3A_3250[0] : f32 from vector<1xf32>
      %slice3A_3252 = vector.extract_strided_slice %select_n3A_3249 {offsets = [0], sizes = [1], strides = [1]} : vector<16xi32> to vector<1xi32>
      %squeeze3A_3253 = vector.extract %slice3A_3252[0] : i32 from vector<1xi32>
      %gt3A_3254 = arith.constant 0.899999976 : f32
      %gt3A_3255 = arith.cmpf ogt, %squeeze3A_3251, %gt3A_3254 : f32
      %jit3A_3256 = arith.constant 0.000000e+00 : f32
      %select_n3A_3257 = arith.select %gt3A_3255, %squeeze3A_3251, %jit3A_3256 : f32
      %jit3A_3258 = arith.constant 16 : i32
      %div3A_3259 = arith.divsi %squeeze3A_3253, %jit3A_3258 : i32
      %sign3A_3260 = arith.constant 0 : i32
      %sign3A_3261 = arith.cmpi sgt, %squeeze3A_3253, %sign3A_3260 : i32
      %sign3A_3262 = arith.extui %sign3A_3261 : i1 to i32
      %sign3A_3263 = arith.constant 0 : i32
      %sign3A_3264 = arith.cmpi slt, %squeeze3A_3253, %sign3A_3263 : i32
      %sign3A_3265 = arith.extui %sign3A_3264 : i1 to i32
      %sign3A_3266 = arith.subi %sign3A_3262, %sign3A_3265 : i32
      %sign3A_3267 = arith.constant 0 : i32
      %sign3A_3268 = arith.cmpi sgt, %jit3A_3258, %sign3A_3267 : i32
      %sign3A_3269 = arith.extui %sign3A_3268 : i1 to i32
      %sign3A_3270 = arith.constant 0 : i32
      %sign3A_3271 = arith.cmpi slt, %jit3A_3258, %sign3A_3270 : i32
      %sign3A_3272 = arith.extui %sign3A_3271 : i1 to i32
      %sign3A_3273 = arith.subi %sign3A_3269, %sign3A_3272 : i32
      %ne3A_3274 = arith.cmpi ne, %sign3A_3266, %sign3A_3273 : i32
      %rem3A_3275 = arith.remsi %squeeze3A_3253, %jit3A_3258 : i32
      %ne3A_3276 = arith.constant 0 : i32
      %ne3A_3277 = arith.cmpi ne, %rem3A_3275, %ne3A_3276 : i32
      %and3A_3278 = arith.andi %ne3A_3274, %ne3A_3277 : i1
      %sub3A_3279 = arith.constant 1 : i32
      %sub3A_3280 = arith.subi %div3A_3259, %sub3A_3279 : i32
      %select_n3A_3281 = arith.select %and3A_3278, %sub3A_3280, %div3A_3259 : i32
      %mul3A_3282 = arith.constant 16 : i32
      %mul3A_3283 = arith.muli %select_n3A_3281, %mul3A_3282 : i32
      %multiple_of3A_3284 = tpu.assume_multiple %mul3A_3283, 16 : i32
      %sub3A_3285 = arith.subi %squeeze3A_3253, %multiple_of3A_3284 : i32
      %eq3A_3286 = vector.broadcast %sub3A_3285 : i32 to vector<16xi32>
      %eq3A_3287 = arith.cmpi eq, %iota3A, %eq3A_3286 : vector<16xi32>
      %jit3A_3288 = arith.constant 1.000000e+00 : f32
      %jit3A_3289 = arith.constant 0.000000e+00 : f32
      %broadcast_in_dim3A_3290 = vector.broadcast %jit3A_3288 : f32 to vector<16xf32>
      %broadcast_in_dim3A_3291 = vector.broadcast %jit3A_3289 : f32 to vector<16xf32>
      %select_n3A_3292 = arith.select %eq3A_3287, %broadcast_in_dim3A_3290, %broadcast_in_dim3A_3291 : vector<16xi1>, vector<16xf32>
      %swap3A_3293 = arith.index_cast %multiple_of3A_3284 : i32 to index
      %swap3A_3294 = tpu.vector_load %arg11[%swap3A_3293] {strides = array<i32>} : memref<256xf32, #tpu.memory_space<vmem>>, vector<16xf32>,
      %swap3A_3295 = vector.shape_cast %swap3A_3294 : vector<16xf32> to vector<16xf32>
      %swap3A_3296 = vector.shape_cast %select_n3A_3292 : vector<16xf32> to vector<16xf32>
      tpu.vector_store %arg11[%swap3A_3293], %swap3A_3296 {add = true, strides = array<i32>} : memref<256xf32, #tpu.memory_space<vmem>>, vector<16xf32>,
      %mul3A_3297 = arith.constant 256 : i32
      %mul3A_3298 = arith.muli %squeeze3A_3253, %mul3A_3297 : i32
      %get3A_3299 = arith.constant 1536 : index
      %get3A_3300 = tpu.vector_load %arg9[%get3A_3299] {strides = array<i32>} : memref<2048xf32, #tpu.memory_space<vmem>>, vector<16xf32>,
      %get3A_3301 = vector.shape_cast %get3A_3300 : vector<16xf32> to vector<16xf32>
      %add3A_3302 = arith.constant 0 : i32
      %add3A_3303 = arith.addi %mul3A_3298, %add3A_3302 : i32
      %multiple_of3A_3304 = tpu.assume_multiple %add3A_3303, 16 : i32
      %mul3A_3305 = vector.broadcast %select_n3A_3257 : f32 to vector<16xf32>
      %mul3A_3306 = arith.mulf %get3A_3301, %mul3A_3305 : vector<16xf32>
      %swap3A_3307 = arith.index_cast %multiple_of3A_3304 : i32 to index
      %swap3A_3308 = tpu.vector_load %arg10[%swap3A_3307] {strides = array<i32>} : memref<65536xf32, #tpu.memory_space<vmem>>, vector<16xf32>,
      %swap3A_3309 = vector.shape_cast %swap3A_3308 : vector<16xf32> to vector<16xf32>
      %swap3A_3310 = vector.shape_cast %mul3A_3306 : vector<16xf32> to vector<16xf32>
      tpu.vector_store %arg10[%swap3A_3307], %swap3A_3310 {add = true, strides = array<i32>} : memref<65536xf32, #tpu.memory_space<vmem>>, vector<16xf32>,
      %get3A_3311 = arith.constant 1552 : index
      %get3A_3312 = tpu.vector_load %arg9[%get3A_3311] {strides = array<i32>} : memref<2048xf32, #tpu.memory_space<vmem>>, vector<16xf32>,
      %get3A_3313 = vector.shape_cast %get3A_3312 : vector<16xf32> to vector<16xf32>
      %add3A_3314 = arith.constant 16 : i32
      %add3A_3315 = arith.addi %mul3A_3298, %add3A_3314 : i32
      %multiple_of3A_3316 = tpu.assume_multiple %add3A_3315, 16 : i32
      %mul3A_3317 = vector.broadcast %select_n3A_3257 : f32 to vector<16xf32>
      %mul3A_3318 = arith.mulf %get3A_3313, %mul3A_3317 : vector<16xf32>
      %swap3A_3319 = arith.index_cast %multiple_of3A_3316 : i32 to index
      %swap3A_3320 = tpu.vector_load %arg10[%swap3A_3319] {strides = array<i32>} : memref<65536xf32, #tpu.memory_space<vmem>>, vector<16xf32>,
      %swap3A_3321 = vector.shape_cast %swap3A_3320 : vector<16xf32> to vector<16xf32>
      %swap3A_3322 = vector.shape_cast %mul3A_3318 : vector<16xf32> to vector<16xf32>
      tpu.vector_store %arg10[%swap3A_3319], %swap3A_3322 {add = true, strides = array<i32>} : memref<65536xf32, #tpu.memory_space<vmem>>, vector<16xf32>,
      %get3A_3323 = arith.constant 1568 : index
      %get3A_3324 = tpu.vector_load %arg9[%get3A_3323] {strides = array<i32>} : memref<2048xf32, #tpu.memory_space<vmem>>, vector<16xf32>,
      %get3A_3325 = vector.shape_cast %get3A_3324 : vector<16xf32> to vector<16xf32>
      %add3A_3326 = arith.constant 32 : i32
      %add3A_3327 = arith.addi %mul3A_3298, %add3A_3326 : i32
      %multiple_of3A_3328 = tpu.assume_multiple %add3A_3327, 16 : i32
      %mul3A_3329 = vector.broadcast %select_n3A_3257 : f32 to vector<16xf32>
      %mul3A_3330 = arith.mulf %get3A_3325, %mul3A_3329 : vector<16xf32>
      %swap3A_3331 = arith.index_cast %multiple_of3A_3328 : i32 to index
      %swap3A_3332 = tpu.vector_load %arg10[%swap3A_3331] {strides = array<i32>} : memref<65536xf32, #tpu.memory_space<vmem>>, vector<16xf32>,
      %swap3A_3333 = vector.shape_cast %swap3A_3332 : vector<16xf32> to vector<16xf32>
      %swap3A_3334 = vector.shape_cast %mul3A_3330 : vector<16xf32> to vector<16xf32>
      tpu.vector_store %arg10[%swap3A_3331], %swap3A_3334 {add = true, strides = array<i32>} : memref<65536xf32, #tpu.memory_space<vmem>>, vector<16xf32>,
      %get3A_3335 = arith.constant 1584 : index
      %get3A_3336 = tpu.vector_load %arg9[%get3A_3335] {strides = array<i32>} : memref<2048xf32, #tpu.memory_space<vmem>>, vector<16xf32>,
      %get3A_3337 = vector.shape_cast %get3A_3336 : vector<16xf32> to vector<16xf32>
      %add3A_3338 = arith.constant 48 : i32
      %add3A_3339 = arith.addi %mul3A_3298, %add3A_3338 : i32
      %multiple_of3A_3340 = tpu.assume_multiple %add3A_3339, 16 : i32
      %mul3A_3341 = vector.broadcast %select_n3A_3257 : f32 to vector<16xf32>
      %mul3A_3342 = arith.mulf %get3A_3337, %mul3A_3341 : vector<16xf32>
      %swap3A_3343 = arith.index_cast %multiple_of3A_3340 : i32 to index
      %swap3A_3344 = tpu.vector_load %arg10[%swap3A_3343] {strides = array<i32>} : memref<65536xf32, #tpu.memory_space<vmem>>, vector<16xf32>,
      %swap3A_3345 = vector.shape_cast %swap3A_3344 : vector<16xf32> to vector<16xf32>
      %swap3A_3346 = vector.shape_cast %mul3A_3342 : vector<16xf32> to vector<16xf32>
      tpu.vector_store %arg10[%swap3A_3343], %swap3A_3346 {add = true, strides = array<i32>} : memref<65536xf32, #tpu.memory_space<vmem>>, vector<16xf32>,
      %get3A_3347 = arith.constant 1600 : index
      %get3A_3348 = tpu.vector_load %arg9[%get3A_3347] {strides = array<i32>} : memref<2048xf32, #tpu.memory_space<vmem>>, vector<16xf32>,
      %get3A_3349 = vector.shape_cast %get3A_3348 : vector<16xf32> to vector<16xf32>
      %add3A_3350 = arith.constant 64 : i32
      %add3A_3351 = arith.addi %mul3A_3298, %add3A_3350 : i32
      %multiple_of3A_3352 = tpu.assume_multiple %add3A_3351, 16 : i32
      %mul3A_3353 = vector.broadcast %select_n3A_3257 : f32 to vector<16xf32>
      %mul3A_3354 = arith.mulf %get3A_3349, %mul3A_3353 : vector<16xf32>
      %swap3A_3355 = arith.index_cast %multiple_of3A_3352 : i32 to index
      %swap3A_3356 = tpu.vector_load %arg10[%swap3A_3355] {strides = array<i32>} : memref<65536xf32, #tpu.memory_space<vmem>>, vector<16xf32>,
      %swap3A_3357 = vector.shape_cast %swap3A_3356 : vector<16xf32> to vector<16xf32>
      %swap3A_3358 = vector.shape_cast %mul3A_3354 : vector<16xf32> to vector<16xf32>
      tpu.vector_store %arg10[%swap3A_3355], %swap3A_3358 {add = true, strides = array<i32>} : memref<65536xf32, #tpu.memory_space<vmem>>, vector<16xf32>,
      %get3A_3359 = arith.constant 1616 : index
      %get3A_3360 = tpu.vector_load %arg9[%get3A_3359] {strides = array<i32>} : memref<2048xf32, #tpu.memory_space<vmem>>, vector<16xf32>,
      %get3A_3361 = vector.shape_cast %get3A_3360 : vector<16xf32> to vector<16xf32>
      %add3A_3362 = arith.constant 80 : i32
      %add3A_3363 = arith.addi %mul3A_3298, %add3A_3362 : i32
      %multiple_of3A_3364 = tpu.assume_multiple %add3A_3363, 16 : i32
      %mul3A_3365 = vector.broadcast %select_n3A_3257 : f32 to vector<16xf32>
      %mul3A_3366 = arith.mulf %get3A_3361, %mul3A_3365 : vector<16xf32>
      %swap3A_3367 = arith.index_cast %multiple_of3A_3364 : i32 to index
      %swap3A_3368 = tpu.vector_load %arg10[%swap3A_3367] {strides = array<i32>} : memref<65536xf32, #tpu.memory_space<vmem>>, vector<16xf32>,
      %swap3A_3369 = vector.shape_cast %swap3A_3368 : vector<16xf32> to vector<16xf32>
      %swap3A_3370 = vector.shape_cast %mul3A_3366 : vector<16xf32> to vector<16xf32>
      tpu.vector_store %arg10[%swap3A_3367], %swap3A_3370 {add = true, strides = array<i32>} : memref<65536xf32, #tpu.memory_space<vmem>>, vector<16xf32>,
      %get3A_3371 = arith.constant 1632 : index
      %get3A_3372 = tpu.vector_load %arg9[%get3A_3371] {strides = array<i32>} : memref<2048xf32, #tpu.memory_space<vmem>>, vector<16xf32>,
      %get3A_3373 = vector.shape_cast %get3A_3372 : vector<16xf32> to vector<16xf32>
      %add3A_3374 = arith.constant 96 : i32
      %add3A_3375 = arith.addi %mul3A_3298, %add3A_3374 : i32
      %multiple_of3A_3376 = tpu.assume_multiple %add3A_3375, 16 : i32
      %mul3A_3377 = vector.broadcast %select_n3A_3257 : f32 to vector<16xf32>
      %mul3A_3378 = arith.mulf %get3A_3373, %mul3A_3377 : vector<16xf32>
      %swap3A_3379 = arith.index_cast %multiple_of3A_3376 : i32 to index
      %swap3A_3380 = tpu.vector_load %arg10[%swap3A_3379] {strides = array<i32>} : memref<65536xf32, #tpu.memory_space<vmem>>, vector<16xf32>,
      %swap3A_3381 = vector.shape_cast %swap3A_3380 : vector<16xf32> to vector<16xf32>
      %swap3A_3382 = vector.shape_cast %mul3A_3378 : vector<16xf32> to vector<16xf32>
      tpu.vector_store %arg10[%swap3A_3379], %swap3A_3382 {add = true, strides = array<i32>} : memref<65536xf32, #tpu.memory_space<vmem>>, vector<16xf32>,
      %get3A_3383 = arith.constant 1648 : index
      %get3A_3384 = tpu.vector_load %arg9[%get3A_3383] {strides = array<i32>} : memref<2048xf32, #tpu.memory_space<vmem>>, vector<16xf32>,
      %get3A_3385 = vector.shape_cast %get3A_3384 : vector<16xf32> to vector<16xf32>
      %add3A_3386 = arith.constant 112 : i32
      %add3A_3387 = arith.addi %mul3A_3298, %add3A_3386 : i32
      %multiple_of3A_3388 = tpu.assume_multiple %add3A_3387, 16 : i32
      %mul3A_3389 = vector.broadcast %select_n3A_3257 : f32 to vector<16xf32>
      %mul3A_3390 = arith.mulf %get3A_3385, %mul3A_3389 : vector<16xf32>
      %swap3A_3391 = arith.index_cast %multiple_of3A_3388 : i32 to index
      %swap3A_3392 = tpu.vector_load %arg10[%swap3A_3391] {strides = array<i32>} : memref<65536xf32, #tpu.memory_space<vmem>>, vector<16xf32>,
      %swap3A_3393 = vector.shape_cast %swap3A_3392 : vector<16xf32> to vector<16xf32>
      %swap3A_3394 = vector.shape_cast %mul3A_3390 : vector<16xf32> to vector<16xf32>
      tpu.vector_store %arg10[%swap3A_3391], %swap3A_3394 {add = true, strides = array<i32>} : memref<65536xf32, #tpu.memory_space<vmem>>, vector<16xf32>,
      %get3A_3395 = arith.constant 1664 : index
      %get3A_3396 = tpu.vector_load %arg9[%get3A_3395] {strides = array<i32>} : memref<2048xf32, #tpu.memory_space<vmem>>, vector<16xf32>,
      %get3A_3397 = vector.shape_cast %get3A_3396 : vector<16xf32> to vector<16xf32>
      %add3A_3398 = arith.constant 128 : i32
      %add3A_3399 = arith.addi %mul3A_3298, %add3A_3398 : i32
      %multiple_of3A_3400 = tpu.assume_multiple %add3A_3399, 16 : i32
      %mul3A_3401 = vector.broadcast %select_n3A_3257 : f32 to vector<16xf32>
      %mul3A_3402 = arith.mulf %get3A_3397, %mul3A_3401 : vector<16xf32>
      %swap3A_3403 = arith.index_cast %multiple_of3A_3400 : i32 to index
      %swap3A_3404 = tpu.vector_load %arg10[%swap3A_3403] {strides = array<i32>} : memref<65536xf32, #tpu.memory_space<vmem>>, vector<16xf32>,
      %swap3A_3405 = vector.shape_cast %swap3A_3404 : vector<16xf32> to vector<16xf32>
      %swap3A_3406 = vector.shape_cast %mul3A_3402 : vector<16xf32> to vector<16xf32>
      tpu.vector_store %arg10[%swap3A_3403], %swap3A_3406 {add = true, strides = array<i32>} : memref<65536xf32, #tpu.memory_space<vmem>>, vector<16xf32>,
      %get3A_3407 = arith.constant 1680 : index
      %get3A_3408 = tpu.vector_load %arg9[%get3A_3407] {strides = array<i32>} : memref<2048xf32, #tpu.memory_space<vmem>>, vector<16xf32>,
      %get3A_3409 = vector.shape_cast %get3A_3408 : vector<16xf32> to vector<16xf32>
      %add3A_3410 = arith.constant 144 : i32
      %add3A_3411 = arith.addi %mul3A_3298, %add3A_3410 : i32
      %multiple_of3A_3412 = tpu.assume_multiple %add3A_3411, 16 : i32
      %mul3A_3413 = vector.broadcast %select_n3A_3257 : f32 to vector<16xf32>
      %mul3A_3414 = arith.mulf %get3A_3409, %mul3A_3413 : vector<16xf32>
      %swap3A_3415 = arith.index_cast %multiple_of3A_3412 : i32 to index
      %swap3A_3416 = tpu.vector_load %arg10[%swap3A_3415] {strides = array<i32>} : memref<65536xf32, #tpu.memory_space<vmem>>, vector<16xf32>,
      %swap3A_3417 = vector.shape_cast %swap3A_3416 : vector<16xf32> to vector<16xf32>
      %swap3A_3418 = vector.shape_cast %mul3A_3414 : vector<16xf32> to vector<16xf32>
      tpu.vector_store %arg10[%swap3A_3415], %swap3A_3418 {add = true, strides = array<i32>} : memref<65536xf32, #tpu.memory_space<vmem>>, vector<16xf32>,
      %get3A_3419 = arith.constant 1696 : index
      %get3A_3420 = tpu.vector_load %arg9[%get3A_3419] {strides = array<i32>} : memref<2048xf32, #tpu.memory_space<vmem>>, vector<16xf32>,
      %get3A_3421 = vector.shape_cast %get3A_3420 : vector<16xf32> to vector<16xf32>
      %add3A_3422 = arith.constant 160 : i32
      %add3A_3423 = arith.addi %mul3A_3298, %add3A_3422 : i32
      %multiple_of3A_3424 = tpu.assume_multiple %add3A_3423, 16 : i32
      %mul3A_3425 = vector.broadcast %select_n3A_3257 : f32 to vector<16xf32>
      %mul3A_3426 = arith.mulf %get3A_3421, %mul3A_3425 : vector<16xf32>
      %swap3A_3427 = arith.index_cast %multiple_of3A_3424 : i32 to index
      %swap3A_3428 = tpu.vector_load %arg10[%swap3A_3427] {strides = array<i32>} : memref<65536xf32, #tpu.memory_space<vmem>>, vector<16xf32>,
      %swap3A_3429 = vector.shape_cast %swap3A_3428 : vector<16xf32> to vector<16xf32>
      %swap3A_3430 = vector.shape_cast %mul3A_3426 : vector<16xf32> to vector<16xf32>
      tpu.vector_store %arg10[%swap3A_3427], %swap3A_3430 {add = true, strides = array<i32>} : memref<65536xf32, #tpu.memory_space<vmem>>, vector<16xf32>,
      %get3A_3431 = arith.constant 1712 : index
      %get3A_3432 = tpu.vector_load %arg9[%get3A_3431] {strides = array<i32>} : memref<2048xf32, #tpu.memory_space<vmem>>, vector<16xf32>,
      %get3A_3433 = vector.shape_cast %get3A_3432 : vector<16xf32> to vector<16xf32>
      %add3A_3434 = arith.constant 176 : i32
      %add3A_3435 = arith.addi %mul3A_3298, %add3A_3434 : i32
      %multiple_of3A_3436 = tpu.assume_multiple %add3A_3435, 16 : i32
      %mul3A_3437 = vector.broadcast %select_n3A_3257 : f32 to vector<16xf32>
      %mul3A_3438 = arith.mulf %get3A_3433, %mul3A_3437 : vector<16xf32>
      %swap3A_3439 = arith.index_cast %multiple_of3A_3436 : i32 to index
      %swap3A_3440 = tpu.vector_load %arg10[%swap3A_3439] {strides = array<i32>} : memref<65536xf32, #tpu.memory_space<vmem>>, vector<16xf32>,
      %swap3A_3441 = vector.shape_cast %swap3A_3440 : vector<16xf32> to vector<16xf32>
      %swap3A_3442 = vector.shape_cast %mul3A_3438 : vector<16xf32> to vector<16xf32>
      tpu.vector_store %arg10[%swap3A_3439], %swap3A_3442 {add = true, strides = array<i32>} : memref<65536xf32, #tpu.memory_space<vmem>>, vector<16xf32>,
      %get3A_3443 = arith.constant 1728 : index
      %get3A_3444 = tpu.vector_load %arg9[%get3A_3443] {strides = array<i32>} : memref<2048xf32, #tpu.memory_space<vmem>>, vector<16xf32>,
      %get3A_3445 = vector.shape_cast %get3A_3444 : vector<16xf32> to vector<16xf32>
      %add3A_3446 = arith.constant 192 : i32
      %add3A_3447 = arith.addi %mul3A_3298, %add3A_3446 : i32
      %multiple_of3A_3448 = tpu.assume_multiple %add3A_3447, 16 : i32
      %mul3A_3449 = vector.broadcast %select_n3A_3257 : f32 to vector<16xf32>
      %mul3A_3450 = arith.mulf %get3A_3445, %mul3A_3449 : vector<16xf32>
      %swap3A_3451 = arith.index_cast %multiple_of3A_3448 : i32 to index
      %swap3A_3452 = tpu.vector_load %arg10[%swap3A_3451] {strides = array<i32>} : memref<65536xf32, #tpu.memory_space<vmem>>, vector<16xf32>,
      %swap3A_3453 = vector.shape_cast %swap3A_3452 : vector<16xf32> to vector<16xf32>
      %swap3A_3454 = vector.shape_cast %mul3A_3450 : vector<16xf32> to vector<16xf32>
      tpu.vector_store %arg10[%swap3A_3451], %swap3A_3454 {add = true, strides = array<i32>} : memref<65536xf32, #tpu.memory_space<vmem>>, vector<16xf32>,
      %get3A_3455 = arith.constant 1744 : index
      %get3A_3456 = tpu.vector_load %arg9[%get3A_3455] {strides = array<i32>} : memref<2048xf32, #tpu.memory_space<vmem>>, vector<16xf32>,
      %get3A_3457 = vector.shape_cast %get3A_3456 : vector<16xf32> to vector<16xf32>
      %add3A_3458 = arith.constant 208 : i32
      %add3A_3459 = arith.addi %mul3A_3298, %add3A_3458 : i32
      %multiple_of3A_3460 = tpu.assume_multiple %add3A_3459, 16 : i32
      %mul3A_3461 = vector.broadcast %select_n3A_3257 : f32 to vector<16xf32>
      %mul3A_3462 = arith.mulf %get3A_3457, %mul3A_3461 : vector<16xf32>
      %swap3A_3463 = arith.index_cast %multiple_of3A_3460 : i32 to index
      %swap3A_3464 = tpu.vector_load %arg10[%swap3A_3463] {strides = array<i32>} : memref<65536xf32, #tpu.memory_space<vmem>>, vector<16xf32>,
      %swap3A_3465 = vector.shape_cast %swap3A_3464 : vector<16xf32> to vector<16xf32>
      %swap3A_3466 = vector.shape_cast %mul3A_3462 : vector<16xf32> to vector<16xf32>
      tpu.vector_store %arg10[%swap3A_3463], %swap3A_3466 {add = true, strides = array<i32>} : memref<65536xf32, #tpu.memory_space<vmem>>, vector<16xf32>,
      %get3A_3467 = arith.constant 1760 : index
      %get3A_3468 = tpu.vector_load %arg9[%get3A_3467] {strides = array<i32>} : memref<2048xf32, #tpu.memory_space<vmem>>, vector<16xf32>,
      %get3A_3469 = vector.shape_cast %get3A_3468 : vector<16xf32> to vector<16xf32>
      %add3A_3470 = arith.constant 224 : i32
      %add3A_3471 = arith.addi %mul3A_3298, %add3A_3470 : i32
      %multiple_of3A_3472 = tpu.assume_multiple %add3A_3471, 16 : i32
      %mul3A_3473 = vector.broadcast %select_n3A_3257 : f32 to vector<16xf32>
      %mul3A_3474 = arith.mulf %get3A_3469, %mul3A_3473 : vector<16xf32>
      %swap3A_3475 = arith.index_cast %multiple_of3A_3472 : i32 to index
      %swap3A_3476 = tpu.vector_load %arg10[%swap3A_3475] {strides = array<i32>} : memref<65536xf32, #tpu.memory_space<vmem>>, vector<16xf32>,
      %swap3A_3477 = vector.shape_cast %swap3A_3476 : vector<16xf32> to vector<16xf32>
      %swap3A_3478 = vector.shape_cast %mul3A_3474 : vector<16xf32> to vector<16xf32>
      tpu.vector_store %arg10[%swap3A_3475], %swap3A_3478 {add = true, strides = array<i32>} : memref<65536xf32, #tpu.memory_space<vmem>>, vector<16xf32>,
      %get3A_3479 = arith.constant 1776 : index
      %get3A_3480 = tpu.vector_load %arg9[%get3A_3479] {strides = array<i32>} : memref<2048xf32, #tpu.memory_space<vmem>>, vector<16xf32>,
      %get3A_3481 = vector.shape_cast %get3A_3480 : vector<16xf32> to vector<16xf32>
      %add3A_3482 = arith.constant 240 : i32
      %add3A_3483 = arith.addi %mul3A_3298, %add3A_3482 : i32
      %multiple_of3A_3484 = tpu.assume_multiple %add3A_3483, 16 : i32
      %mul3A_3485 = vector.broadcast %select_n3A_3257 : f32 to vector<16xf32>
      %mul3A_3486 = arith.mulf %get3A_3481, %mul3A_3485 : vector<16xf32>
      %swap3A_3487 = arith.index_cast %multiple_of3A_3484 : i32 to index
      %swap3A_3488 = tpu.vector_load %arg10[%swap3A_3487] {strides = array<i32>} : memref<65536xf32, #tpu.memory_space<vmem>>, vector<16xf32>,
      %swap3A_3489 = vector.shape_cast %swap3A_3488 : vector<16xf32> to vector<16xf32>
      %swap3A_3490 = vector.shape_cast %mul3A_3486 : vector<16xf32> to vector<16xf32>
      tpu.vector_store %arg10[%swap3A_3487], %swap3A_3490 {add = true, strides = array<i32>} : memref<65536xf32, #tpu.memory_space<vmem>>, vector<16xf32>,
      %get3A_3491 = arith.constant 1792 : index
      %get3A_3492 = tpu.vector_load %arg8[%get3A_3491] {strides = array<i32>} : memref<2048xf32, #tpu.memory_space<vmem>>, vector<16xf32>,
      %get3A_3493 = vector.shape_cast %get3A_3492 : vector<16xf32> to vector<16xf32>
      %get3A_3494 = arith.constant 1808 : index
      %get3A_3495 = tpu.vector_load %arg8[%get3A_3494] {strides = array<i32>} : memref<2048xf32, #tpu.memory_space<vmem>>, vector<16xf32>,
      %get3A_3496 = vector.shape_cast %get3A_3495 : vector<16xf32> to vector<16xf32>
      %gt3A_3497 = arith.cmpf ogt, %get3A_3496, %get3A_3493 : vector<16xf32>
      %select_n3A_3498 = arith.select %gt3A_3497, %get3A_3496, %get3A_3493 : vector<16xi1>, vector<16xf32>
      %add3A_3499 = arith.constant 16 : i32
      %add3A_3500 = vector.broadcast %add3A_3499 : i32 to vector<16xi32>
      %add3A_3501 = arith.addi %iota3A, %add3A_3500 : vector<16xi32>
      %select_n3A_3502 = arith.select %gt3A_3497, %add3A_3501, %iota3A : vector<16xi1>, vector<16xi32>
      %get3A_3503 = arith.constant 1824 : index
      %get3A_3504 = tpu.vector_load %arg8[%get3A_3503] {strides = array<i32>} : memref<2048xf32, #tpu.memory_space<vmem>>, vector<16xf32>,
      %get3A_3505 = vector.shape_cast %get3A_3504 : vector<16xf32> to vector<16xf32>
      %gt3A_3506 = arith.cmpf ogt, %get3A_3505, %select_n3A_3498 : vector<16xf32>
      %select_n3A_3507 = arith.select %gt3A_3506, %get3A_3505, %select_n3A_3498 : vector<16xi1>, vector<16xf32>
      %add3A_3508 = arith.constant 32 : i32
      %add3A_3509 = vector.broadcast %add3A_3508 : i32 to vector<16xi32>
      %add3A_3510 = arith.addi %iota3A, %add3A_3509 : vector<16xi32>
      %select_n3A_3511 = arith.select %gt3A_3506, %add3A_3510, %select_n3A_3502 : vector<16xi1>, vector<16xi32>
      %get3A_3512 = arith.constant 1840 : index
      %get3A_3513 = tpu.vector_load %arg8[%get3A_3512] {strides = array<i32>} : memref<2048xf32, #tpu.memory_space<vmem>>, vector<16xf32>,
      %get3A_3514 = vector.shape_cast %get3A_3513 : vector<16xf32> to vector<16xf32>
      %gt3A_3515 = arith.cmpf ogt, %get3A_3514, %select_n3A_3507 : vector<16xf32>
      %select_n3A_3516 = arith.select %gt3A_3515, %get3A_3514, %select_n3A_3507 : vector<16xi1>, vector<16xf32>
      %add3A_3517 = arith.constant 48 : i32
      %add3A_3518 = vector.broadcast %add3A_3517 : i32 to vector<16xi32>
      %add3A_3519 = arith.addi %iota3A, %add3A_3518 : vector<16xi32>
      %select_n3A_3520 = arith.select %gt3A_3515, %add3A_3519, %select_n3A_3511 : vector<16xi1>, vector<16xi32>
      %get3A_3521 = arith.constant 1856 : index
      %get3A_3522 = tpu.vector_load %arg8[%get3A_3521] {strides = array<i32>} : memref<2048xf32, #tpu.memory_space<vmem>>, vector<16xf32>,
      %get3A_3523 = vector.shape_cast %get3A_3522 : vector<16xf32> to vector<16xf32>
      %gt3A_3524 = arith.cmpf ogt, %get3A_3523, %select_n3A_3516 : vector<16xf32>
      %select_n3A_3525 = arith.select %gt3A_3524, %get3A_3523, %select_n3A_3516 : vector<16xi1>, vector<16xf32>
      %add3A_3526 = arith.constant 64 : i32
      %add3A_3527 = vector.broadcast %add3A_3526 : i32 to vector<16xi32>
      %add3A_3528 = arith.addi %iota3A, %add3A_3527 : vector<16xi32>
      %select_n3A_3529 = arith.select %gt3A_3524, %add3A_3528, %select_n3A_3520 : vector<16xi1>, vector<16xi32>
      %get3A_3530 = arith.constant 1872 : index
      %get3A_3531 = tpu.vector_load %arg8[%get3A_3530] {strides = array<i32>} : memref<2048xf32, #tpu.memory_space<vmem>>, vector<16xf32>,
      %get3A_3532 = vector.shape_cast %get3A_3531 : vector<16xf32> to vector<16xf32>
      %gt3A_3533 = arith.cmpf ogt, %get3A_3532, %select_n3A_3525 : vector<16xf32>
      %select_n3A_3534 = arith.select %gt3A_3533, %get3A_3532, %select_n3A_3525 : vector<16xi1>, vector<16xf32>
      %add3A_3535 = arith.constant 80 : i32
      %add3A_3536 = vector.broadcast %add3A_3535 : i32 to vector<16xi32>
      %add3A_3537 = arith.addi %iota3A, %add3A_3536 : vector<16xi32>
      %select_n3A_3538 = arith.select %gt3A_3533, %add3A_3537, %select_n3A_3529 : vector<16xi1>, vector<16xi32>
      %get3A_3539 = arith.constant 1888 : index
      %get3A_3540 = tpu.vector_load %arg8[%get3A_3539] {strides = array<i32>} : memref<2048xf32, #tpu.memory_space<vmem>>, vector<16xf32>,
      %get3A_3541 = vector.shape_cast %get3A_3540 : vector<16xf32> to vector<16xf32>
      %gt3A_3542 = arith.cmpf ogt, %get3A_3541, %select_n3A_3534 : vector<16xf32>
      %select_n3A_3543 = arith.select %gt3A_3542, %get3A_3541, %select_n3A_3534 : vector<16xi1>, vector<16xf32>
      %add3A_3544 = arith.constant 96 : i32
      %add3A_3545 = vector.broadcast %add3A_3544 : i32 to vector<16xi32>
      %add3A_3546 = arith.addi %iota3A, %add3A_3545 : vector<16xi32>
      %select_n3A_3547 = arith.select %gt3A_3542, %add3A_3546, %select_n3A_3538 : vector<16xi1>, vector<16xi32>
      %get3A_3548 = arith.constant 1904 : index
      %get3A_3549 = tpu.vector_load %arg8[%get3A_3548] {strides = array<i32>} : memref<2048xf32, #tpu.memory_space<vmem>>, vector<16xf32>,
      %get3A_3550 = vector.shape_cast %get3A_3549 : vector<16xf32> to vector<16xf32>
      %gt3A_3551 = arith.cmpf ogt, %get3A_3550, %select_n3A_3543 : vector<16xf32>
      %select_n3A_3552 = arith.select %gt3A_3551, %get3A_3550, %select_n3A_3543 : vector<16xi1>, vector<16xf32>
      %add3A_3553 = arith.constant 112 : i32
      %add3A_3554 = vector.broadcast %add3A_3553 : i32 to vector<16xi32>
      %add3A_3555 = arith.addi %iota3A, %add3A_3554 : vector<16xi32>
      %select_n3A_3556 = arith.select %gt3A_3551, %add3A_3555, %select_n3A_3547 : vector<16xi1>, vector<16xi32>
      %get3A_3557 = arith.constant 1920 : index
      %get3A_3558 = tpu.vector_load %arg8[%get3A_3557] {strides = array<i32>} : memref<2048xf32, #tpu.memory_space<vmem>>, vector<16xf32>,
      %get3A_3559 = vector.shape_cast %get3A_3558 : vector<16xf32> to vector<16xf32>
      %gt3A_3560 = arith.cmpf ogt, %get3A_3559, %select_n3A_3552 : vector<16xf32>
      %select_n3A_3561 = arith.select %gt3A_3560, %get3A_3559, %select_n3A_3552 : vector<16xi1>, vector<16xf32>
      %add3A_3562 = arith.constant 128 : i32
      %add3A_3563 = vector.broadcast %add3A_3562 : i32 to vector<16xi32>
      %add3A_3564 = arith.addi %iota3A, %add3A_3563 : vector<16xi32>
      %select_n3A_3565 = arith.select %gt3A_3560, %add3A_3564, %select_n3A_3556 : vector<16xi1>, vector<16xi32>
      %get3A_3566 = arith.constant 1936 : index
      %get3A_3567 = tpu.vector_load %arg8[%get3A_3566] {strides = array<i32>} : memref<2048xf32, #tpu.memory_space<vmem>>, vector<16xf32>,
      %get3A_3568 = vector.shape_cast %get3A_3567 : vector<16xf32> to vector<16xf32>
      %gt3A_3569 = arith.cmpf ogt, %get3A_3568, %select_n3A_3561 : vector<16xf32>
      %select_n3A_3570 = arith.select %gt3A_3569, %get3A_3568, %select_n3A_3561 : vector<16xi1>, vector<16xf32>
      %add3A_3571 = arith.constant 144 : i32
      %add3A_3572 = vector.broadcast %add3A_3571 : i32 to vector<16xi32>
      %add3A_3573 = arith.addi %iota3A, %add3A_3572 : vector<16xi32>
      %select_n3A_3574 = arith.select %gt3A_3569, %add3A_3573, %select_n3A_3565 : vector<16xi1>, vector<16xi32>
      %get3A_3575 = arith.constant 1952 : index
      %get3A_3576 = tpu.vector_load %arg8[%get3A_3575] {strides = array<i32>} : memref<2048xf32, #tpu.memory_space<vmem>>, vector<16xf32>,
      %get3A_3577 = vector.shape_cast %get3A_3576 : vector<16xf32> to vector<16xf32>
      %gt3A_3578 = arith.cmpf ogt, %get3A_3577, %select_n3A_3570 : vector<16xf32>
      %select_n3A_3579 = arith.select %gt3A_3578, %get3A_3577, %select_n3A_3570 : vector<16xi1>, vector<16xf32>
      %add3A_3580 = arith.constant 160 : i32
      %add3A_3581 = vector.broadcast %add3A_3580 : i32 to vector<16xi32>
      %add3A_3582 = arith.addi %iota3A, %add3A_3581 : vector<16xi32>
      %select_n3A_3583 = arith.select %gt3A_3578, %add3A_3582, %select_n3A_3574 : vector<16xi1>, vector<16xi32>
      %get3A_3584 = arith.constant 1968 : index
      %get3A_3585 = tpu.vector_load %arg8[%get3A_3584] {strides = array<i32>} : memref<2048xf32, #tpu.memory_space<vmem>>, vector<16xf32>,
      %get3A_3586 = vector.shape_cast %get3A_3585 : vector<16xf32> to vector<16xf32>
      %gt3A_3587 = arith.cmpf ogt, %get3A_3586, %select_n3A_3579 : vector<16xf32>
      %select_n3A_3588 = arith.select %gt3A_3587, %get3A_3586, %select_n3A_3579 : vector<16xi1>, vector<16xf32>
      %add3A_3589 = arith.constant 176 : i32
      %add3A_3590 = vector.broadcast %add3A_3589 : i32 to vector<16xi32>
      %add3A_3591 = arith.addi %iota3A, %add3A_3590 : vector<16xi32>
      %select_n3A_3592 = arith.select %gt3A_3587, %add3A_3591, %select_n3A_3583 : vector<16xi1>, vector<16xi32>
      %get3A_3593 = arith.constant 1984 : index
      %get3A_3594 = tpu.vector_load %arg8[%get3A_3593] {strides = array<i32>} : memref<2048xf32, #tpu.memory_space<vmem>>, vector<16xf32>,
      %get3A_3595 = vector.shape_cast %get3A_3594 : vector<16xf32> to vector<16xf32>
      %gt3A_3596 = arith.cmpf ogt, %get3A_3595, %select_n3A_3588 : vector<16xf32>
      %select_n3A_3597 = arith.select %gt3A_3596, %get3A_3595, %select_n3A_3588 : vector<16xi1>, vector<16xf32>
      %add3A_3598 = arith.constant 192 : i32
      %add3A_3599 = vector.broadcast %add3A_3598 : i32 to vector<16xi32>
      %add3A_3600 = arith.addi %iota3A, %add3A_3599 : vector<16xi32>
      %select_n3A_3601 = arith.select %gt3A_3596, %add3A_3600, %select_n3A_3592 : vector<16xi1>, vector<16xi32>
      %get3A_3602 = arith.constant 2000 : index
      %get3A_3603 = tpu.vector_load %arg8[%get3A_3602] {strides = array<i32>} : memref<2048xf32, #tpu.memory_space<vmem>>, vector<16xf32>,
      %get3A_3604 = vector.shape_cast %get3A_3603 : vector<16xf32> to vector<16xf32>
      %gt3A_3605 = arith.cmpf ogt, %get3A_3604, %select_n3A_3597 : vector<16xf32>
      %select_n3A_3606 = arith.select %gt3A_3605, %get3A_3604, %select_n3A_3597 : vector<16xi1>, vector<16xf32>
      %add3A_3607 = arith.constant 208 : i32
      %add3A_3608 = vector.broadcast %add3A_3607 : i32 to vector<16xi32>
      %add3A_3609 = arith.addi %iota3A, %add3A_3608 : vector<16xi32>
      %select_n3A_3610 = arith.select %gt3A_3605, %add3A_3609, %select_n3A_3601 : vector<16xi1>, vector<16xi32>
      %get3A_3611 = arith.constant 2016 : index
      %get3A_3612 = tpu.vector_load %arg8[%get3A_3611] {strides = array<i32>} : memref<2048xf32, #tpu.memory_space<vmem>>, vector<16xf32>,
      %get3A_3613 = vector.shape_cast %get3A_3612 : vector<16xf32> to vector<16xf32>
      %gt3A_3614 = arith.cmpf ogt, %get3A_3613, %select_n3A_3606 : vector<16xf32>
      %select_n3A_3615 = arith.select %gt3A_3614, %get3A_3613, %select_n3A_3606 : vector<16xi1>, vector<16xf32>
      %add3A_3616 = arith.constant 224 : i32
      %add3A_3617 = vector.broadcast %add3A_3616 : i32 to vector<16xi32>
      %add3A_3618 = arith.addi %iota3A, %add3A_3617 : vector<16xi32>
      %select_n3A_3619 = arith.select %gt3A_3614, %add3A_3618, %select_n3A_3610 : vector<16xi1>, vector<16xi32>
      %get3A_3620 = arith.constant 2032 : index
      %get3A_3621 = tpu.vector_load %arg8[%get3A_3620] {strides = array<i32>} : memref<2048xf32, #tpu.memory_space<vmem>>, vector<16xf32>,
      %get3A_3622 = vector.shape_cast %get3A_3621 : vector<16xf32> to vector<16xf32>
      %gt3A_3623 = arith.cmpf ogt, %get3A_3622, %select_n3A_3615 : vector<16xf32>
      %select_n3A_3624 = arith.select %gt3A_3623, %get3A_3622, %select_n3A_3615 : vector<16xi1>, vector<16xf32>
      %add3A_3625 = arith.constant 240 : i32
      %add3A_3626 = vector.broadcast %add3A_3625 : i32 to vector<16xi32>
      %add3A_3627 = arith.addi %iota3A, %add3A_3626 : vector<16xi32>
      %select_n3A_3628 = arith.select %gt3A_3623, %add3A_3627, %select_n3A_3619 : vector<16xi1>, vector<16xi32>
      %lt3A_3629 = arith.constant 0 : i32
      %lt3A_3630 = vector.broadcast %lt3A_3629 : i32 to vector<16xi32>
      %lt3A_3631 = arith.cmpi slt, %xor3A_1, %lt3A_3630 : vector<16xi32>
      %add3A_3632 = arith.constant 16 : i32
      %add3A_3633 = vector.broadcast %add3A_3632 : i32 to vector<16xi32>
      %add3A_3634 = arith.addi %xor3A_1, %add3A_3633 : vector<16xi32>
      %select_n3A_3635 = arith.select %lt3A_3631, %add3A_3634, %xor3A_1 : vector<16xi1>, vector<16xi32>
      %broadcast_in_dim3A_3636 = vector.shape_cast %select_n3A_3635 : vector<16xi32> to vector<16x1xi32>
      %gather3A_3637 = vector.shape_cast %broadcast_in_dim3A_3636 : vector<16x1xi32> to vector<16xi32>
      %gather3A_3638 = tpu.dynamic_gather %select_n3A_3624[%gather3A_3637] in [0] : vector<16xf32>, vector<16xi32> -> vector<16xf32>
      %lt3A_3639 = arith.constant 0 : i32
      %lt3A_3640 = vector.broadcast %lt3A_3639 : i32 to vector<16xi32>
      %lt3A_3641 = arith.cmpi slt, %xor3A_1, %lt3A_3640 : vector<16xi32>
      %add3A_3642 = arith.constant 16 : i32
      %add3A_3643 = vector.broadcast %add3A_3642 : i32 to vector<16xi32>
      %add3A_3644 = arith.addi %xor3A_1, %add3A_3643 : vector<16xi32>
      %select_n3A_3645 = arith.select %lt3A_3641, %add3A_3644, %xor3A_1 : vector<16xi1>, vector<16xi32>
      %broadcast_in_dim3A_3646 = vector.shape_cast %select_n3A_3645 : vector<16xi32> to vector<16x1xi32>
      %gather3A_3647 = vector.shape_cast %broadcast_in_dim3A_3646 : vector<16x1xi32> to vector<16xi32>
      %gather3A_3648 = tpu.dynamic_gather %select_n3A_3628[%gather3A_3647] in [0] : vector<16xi32>, vector<16xi32> -> vector<16xi32>
      %gt3A_3649 = arith.cmpf ogt, %gather3A_3638, %select_n3A_3624 : vector<16xf32>
      %eq3A_3650 = arith.cmpf oeq, %gather3A_3638, %select_n3A_3624 : vector<16xf32>
      %lt3A_3651 = arith.cmpi slt, %gather3A_3648, %select_n3A_3628 : vector<16xi32>
      %and3A_3652 = arith.andi %eq3A_3650, %lt3A_3651 : vector<16xi1>
      %or3A_3653 = arith.ori %gt3A_3649, %and3A_3652 : vector<16xi1>
      %select_n3A_3654 = arith.select %or3A_3653, %gather3A_3638, %select_n3A_3624 : vector<16xi1>, vector<16xf32>
      %select_n3A_3655 = arith.select %or3A_3653, %gather3A_3648, %select_n3A_3628 : vector<16xi1>, vector<16xi32>
      %lt3A_3656 = arith.constant 0 : i32
      %lt3A_3657 = vector.broadcast %lt3A_3656 : i32 to vector<16xi32>
      %lt3A_3658 = arith.cmpi slt, %xor3A_4, %lt3A_3657 : vector<16xi32>
      %add3A_3659 = arith.constant 16 : i32
      %add3A_3660 = vector.broadcast %add3A_3659 : i32 to vector<16xi32>
      %add3A_3661 = arith.addi %xor3A_4, %add3A_3660 : vector<16xi32>
      %select_n3A_3662 = arith.select %lt3A_3658, %add3A_3661, %xor3A_4 : vector<16xi1>, vector<16xi32>
      %broadcast_in_dim3A_3663 = vector.shape_cast %select_n3A_3662 : vector<16xi32> to vector<16x1xi32>
      %gather3A_3664 = vector.shape_cast %broadcast_in_dim3A_3663 : vector<16x1xi32> to vector<16xi32>
      %gather3A_3665 = tpu.dynamic_gather %select_n3A_3654[%gather3A_3664] in [0] : vector<16xf32>, vector<16xi32> -> vector<16xf32>
      %lt3A_3666 = arith.constant 0 : i32
      %lt3A_3667 = vector.broadcast %lt3A_3666 : i32 to vector<16xi32>
      %lt3A_3668 = arith.cmpi slt, %xor3A_4, %lt3A_3667 : vector<16xi32>
      %add3A_3669 = arith.constant 16 : i32
      %add3A_3670 = vector.broadcast %add3A_3669 : i32 to vector<16xi32>
      %add3A_3671 = arith.addi %xor3A_4, %add3A_3670 : vector<16xi32>
      %select_n3A_3672 = arith.select %lt3A_3668, %add3A_3671, %xor3A_4 : vector<16xi1>, vector<16xi32>
      %broadcast_in_dim3A_3673 = vector.shape_cast %select_n3A_3672 : vector<16xi32> to vector<16x1xi32>
      %gather3A_3674 = vector.shape_cast %broadcast_in_dim3A_3673 : vector<16x1xi32> to vector<16xi32>
      %gather3A_3675 = tpu.dynamic_gather %select_n3A_3655[%gather3A_3674] in [0] : vector<16xi32>, vector<16xi32> -> vector<16xi32>
      %gt3A_3676 = arith.cmpf ogt, %gather3A_3665, %select_n3A_3654 : vector<16xf32>
      %eq3A_3677 = arith.cmpf oeq, %gather3A_3665, %select_n3A_3654 : vector<16xf32>
      %lt3A_3678 = arith.cmpi slt, %gather3A_3675, %select_n3A_3655 : vector<16xi32>
      %and3A_3679 = arith.andi %eq3A_3677, %lt3A_3678 : vector<16xi1>
      %or3A_3680 = arith.ori %gt3A_3676, %and3A_3679 : vector<16xi1>
      %select_n3A_3681 = arith.select %or3A_3680, %gather3A_3665, %select_n3A_3654 : vector<16xi1>, vector<16xf32>
      %select_n3A_3682 = arith.select %or3A_3680, %gather3A_3675, %select_n3A_3655 : vector<16xi1>, vector<16xi32>
      %lt3A_3683 = arith.constant 0 : i32
      %lt3A_3684 = vector.broadcast %lt3A_3683 : i32 to vector<16xi32>
      %lt3A_3685 = arith.cmpi slt, %xor3A_7, %lt3A_3684 : vector<16xi32>
      %add3A_3686 = arith.constant 16 : i32
      %add3A_3687 = vector.broadcast %add3A_3686 : i32 to vector<16xi32>
      %add3A_3688 = arith.addi %xor3A_7, %add3A_3687 : vector<16xi32>
      %select_n3A_3689 = arith.select %lt3A_3685, %add3A_3688, %xor3A_7 : vector<16xi1>, vector<16xi32>
      %broadcast_in_dim3A_3690 = vector.shape_cast %select_n3A_3689 : vector<16xi32> to vector<16x1xi32>
      %gather3A_3691 = vector.shape_cast %broadcast_in_dim3A_3690 : vector<16x1xi32> to vector<16xi32>
      %gather3A_3692 = tpu.dynamic_gather %select_n3A_3681[%gather3A_3691] in [0] : vector<16xf32>, vector<16xi32> -> vector<16xf32>
      %lt3A_3693 = arith.constant 0 : i32
      %lt3A_3694 = vector.broadcast %lt3A_3693 : i32 to vector<16xi32>
      %lt3A_3695 = arith.cmpi slt, %xor3A_7, %lt3A_3694 : vector<16xi32>
      %add3A_3696 = arith.constant 16 : i32
      %add3A_3697 = vector.broadcast %add3A_3696 : i32 to vector<16xi32>
      %add3A_3698 = arith.addi %xor3A_7, %add3A_3697 : vector<16xi32>
      %select_n3A_3699 = arith.select %lt3A_3695, %add3A_3698, %xor3A_7 : vector<16xi1>, vector<16xi32>
      %broadcast_in_dim3A_3700 = vector.shape_cast %select_n3A_3699 : vector<16xi32> to vector<16x1xi32>
      %gather3A_3701 = vector.shape_cast %broadcast_in_dim3A_3700 : vector<16x1xi32> to vector<16xi32>
      %gather3A_3702 = tpu.dynamic_gather %select_n3A_3682[%gather3A_3701] in [0] : vector<16xi32>, vector<16xi32> -> vector<16xi32>
      %gt3A_3703 = arith.cmpf ogt, %gather3A_3692, %select_n3A_3681 : vector<16xf32>
      %eq3A_3704 = arith.cmpf oeq, %gather3A_3692, %select_n3A_3681 : vector<16xf32>
      %lt3A_3705 = arith.cmpi slt, %gather3A_3702, %select_n3A_3682 : vector<16xi32>
      %and3A_3706 = arith.andi %eq3A_3704, %lt3A_3705 : vector<16xi1>
      %or3A_3707 = arith.ori %gt3A_3703, %and3A_3706 : vector<16xi1>
      %select_n3A_3708 = arith.select %or3A_3707, %gather3A_3692, %select_n3A_3681 : vector<16xi1>, vector<16xf32>
      %select_n3A_3709 = arith.select %or3A_3707, %gather3A_3702, %select_n3A_3682 : vector<16xi1>, vector<16xi32>
      %lt3A_3710 = arith.constant 0 : i32
      %lt3A_3711 = vector.broadcast %lt3A_3710 : i32 to vector<16xi32>
      %lt3A_3712 = arith.cmpi slt, %xor3A_10, %lt3A_3711 : vector<16xi32>
      %add3A_3713 = arith.constant 16 : i32
      %add3A_3714 = vector.broadcast %add3A_3713 : i32 to vector<16xi32>
      %add3A_3715 = arith.addi %xor3A_10, %add3A_3714 : vector<16xi32>
      %select_n3A_3716 = arith.select %lt3A_3712, %add3A_3715, %xor3A_10 : vector<16xi1>, vector<16xi32>
      %broadcast_in_dim3A_3717 = vector.shape_cast %select_n3A_3716 : vector<16xi32> to vector<16x1xi32>
      %gather3A_3718 = vector.shape_cast %broadcast_in_dim3A_3717 : vector<16x1xi32> to vector<16xi32>
      %gather3A_3719 = tpu.dynamic_gather %select_n3A_3708[%gather3A_3718] in [0] : vector<16xf32>, vector<16xi32> -> vector<16xf32>
      %lt3A_3720 = arith.constant 0 : i32
      %lt3A_3721 = vector.broadcast %lt3A_3720 : i32 to vector<16xi32>
      %lt3A_3722 = arith.cmpi slt, %xor3A_10, %lt3A_3721 : vector<16xi32>
      %add3A_3723 = arith.constant 16 : i32
      %add3A_3724 = vector.broadcast %add3A_3723 : i32 to vector<16xi32>
      %add3A_3725 = arith.addi %xor3A_10, %add3A_3724 : vector<16xi32>
      %select_n3A_3726 = arith.select %lt3A_3722, %add3A_3725, %xor3A_10 : vector<16xi1>, vector<16xi32>
      %broadcast_in_dim3A_3727 = vector.shape_cast %select_n3A_3726 : vector<16xi32> to vector<16x1xi32>
      %gather3A_3728 = vector.shape_cast %broadcast_in_dim3A_3727 : vector<16x1xi32> to vector<16xi32>
      %gather3A_3729 = tpu.dynamic_gather %select_n3A_3709[%gather3A_3728] in [0] : vector<16xi32>, vector<16xi32> -> vector<16xi32>
      %gt3A_3730 = arith.cmpf ogt, %gather3A_3719, %select_n3A_3708 : vector<16xf32>
      %eq3A_3731 = arith.cmpf oeq, %gather3A_3719, %select_n3A_3708 : vector<16xf32>
      %lt3A_3732 = arith.cmpi slt, %gather3A_3729, %select_n3A_3709 : vector<16xi32>
      %and3A_3733 = arith.andi %eq3A_3731, %lt3A_3732 : vector<16xi1>
      %or3A_3734 = arith.ori %gt3A_3730, %and3A_3733 : vector<16xi1>
      %select_n3A_3735 = arith.select %or3A_3734, %gather3A_3719, %select_n3A_3708 : vector<16xi1>, vector<16xf32>
      %select_n3A_3736 = arith.select %or3A_3734, %gather3A_3729, %select_n3A_3709 : vector<16xi1>, vector<16xi32>
      %slice3A_3737 = vector.extract_strided_slice %select_n3A_3735 {offsets = [0], sizes = [1], strides = [1]} : vector<16xf32> to vector<1xf32>
      %squeeze3A_3738 = vector.extract %slice3A_3737[0] : f32 from vector<1xf32>
      %slice3A_3739 = vector.extract_strided_slice %select_n3A_3736 {offsets = [0], sizes = [1], strides = [1]} : vector<16xi32> to vector<1xi32>
      %squeeze3A_3740 = vector.extract %slice3A_3739[0] : i32 from vector<1xi32>
      %gt3A_3741 = arith.constant 0.899999976 : f32
      %gt3A_3742 = arith.cmpf ogt, %squeeze3A_3738, %gt3A_3741 : f32
      %jit3A_3743 = arith.constant 0.000000e+00 : f32
      %select_n3A_3744 = arith.select %gt3A_3742, %squeeze3A_3738, %jit3A_3743 : f32
      %jit3A_3745 = arith.constant 16 : i32
      %div3A_3746 = arith.divsi %squeeze3A_3740, %jit3A_3745 : i32
      %sign3A_3747 = arith.constant 0 : i32
      %sign3A_3748 = arith.cmpi sgt, %squeeze3A_3740, %sign3A_3747 : i32
      %sign3A_3749 = arith.extui %sign3A_3748 : i1 to i32
      %sign3A_3750 = arith.constant 0 : i32
      %sign3A_3751 = arith.cmpi slt, %squeeze3A_3740, %sign3A_3750 : i32
      %sign3A_3752 = arith.extui %sign3A_3751 : i1 to i32
      %sign3A_3753 = arith.subi %sign3A_3749, %sign3A_3752 : i32
      %sign3A_3754 = arith.constant 0 : i32
      %sign3A_3755 = arith.cmpi sgt, %jit3A_3745, %sign3A_3754 : i32
      %sign3A_3756 = arith.extui %sign3A_3755 : i1 to i32
      %sign3A_3757 = arith.constant 0 : i32
      %sign3A_3758 = arith.cmpi slt, %jit3A_3745, %sign3A_3757 : i32
      %sign3A_3759 = arith.extui %sign3A_3758 : i1 to i32
      %sign3A_3760 = arith.subi %sign3A_3756, %sign3A_3759 : i32
      %ne3A_3761 = arith.cmpi ne, %sign3A_3753, %sign3A_3760 : i32
      %rem3A_3762 = arith.remsi %squeeze3A_3740, %jit3A_3745 : i32
      %ne3A_3763 = arith.constant 0 : i32
      %ne3A_3764 = arith.cmpi ne, %rem3A_3762, %ne3A_3763 : i32
      %and3A_3765 = arith.andi %ne3A_3761, %ne3A_3764 : i1
      %sub3A_3766 = arith.constant 1 : i32
      %sub3A_3767 = arith.subi %div3A_3746, %sub3A_3766 : i32
      %select_n3A_3768 = arith.select %and3A_3765, %sub3A_3767, %div3A_3746 : i32
      %mul3A_3769 = arith.constant 16 : i32
      %mul3A_3770 = arith.muli %select_n3A_3768, %mul3A_3769 : i32
      %multiple_of3A_3771 = tpu.assume_multiple %mul3A_3770, 16 : i32
      %sub3A_3772 = arith.subi %squeeze3A_3740, %multiple_of3A_3771 : i32
      %eq3A_3773 = vector.broadcast %sub3A_3772 : i32 to vector<16xi32>
      %eq3A_3774 = arith.cmpi eq, %iota3A, %eq3A_3773 : vector<16xi32>
      %jit3A_3775 = arith.constant 1.000000e+00 : f32
      %jit3A_3776 = arith.constant 0.000000e+00 : f32
      %broadcast_in_dim3A_3777 = vector.broadcast %jit3A_3775 : f32 to vector<16xf32>
      %broadcast_in_dim3A_3778 = vector.broadcast %jit3A_3776 : f32 to vector<16xf32>
      %select_n3A_3779 = arith.select %eq3A_3774, %broadcast_in_dim3A_3777, %broadcast_in_dim3A_3778 : vector<16xi1>, vector<16xf32>
      %swap3A_3780 = arith.index_cast %multiple_of3A_3771 : i32 to index
      %swap3A_3781 = tpu.vector_load %arg11[%swap3A_3780] {strides = array<i32>} : memref<256xf32, #tpu.memory_space<vmem>>, vector<16xf32>,
      %swap3A_3782 = vector.shape_cast %swap3A_3781 : vector<16xf32> to vector<16xf32>
      %swap3A_3783 = vector.shape_cast %select_n3A_3779 : vector<16xf32> to vector<16xf32>
      tpu.vector_store %arg11[%swap3A_3780], %swap3A_3783 {add = true, strides = array<i32>} : memref<256xf32, #tpu.memory_space<vmem>>, vector<16xf32>,
      %mul3A_3784 = arith.constant 256 : i32
      %mul3A_3785 = arith.muli %squeeze3A_3740, %mul3A_3784 : i32
      %get3A_3786 = arith.constant 1792 : index
      %get3A_3787 = tpu.vector_load %arg9[%get3A_3786] {strides = array<i32>} : memref<2048xf32, #tpu.memory_space<vmem>>, vector<16xf32>,
      %get3A_3788 = vector.shape_cast %get3A_3787 : vector<16xf32> to vector<16xf32>
      %add3A_3789 = arith.constant 0 : i32
      %add3A_3790 = arith.addi %mul3A_3785, %add3A_3789 : i32
      %multiple_of3A_3791 = tpu.assume_multiple %add3A_3790, 16 : i32
      %mul3A_3792 = vector.broadcast %select_n3A_3744 : f32 to vector<16xf32>
      %mul3A_3793 = arith.mulf %get3A_3788, %mul3A_3792 : vector<16xf32>
      %swap3A_3794 = arith.index_cast %multiple_of3A_3791 : i32 to index
      %swap3A_3795 = tpu.vector_load %arg10[%swap3A_3794] {strides = array<i32>} : memref<65536xf32, #tpu.memory_space<vmem>>, vector<16xf32>,
      %swap3A_3796 = vector.shape_cast %swap3A_3795 : vector<16xf32> to vector<16xf32>
      %swap3A_3797 = vector.shape_cast %mul3A_3793 : vector<16xf32> to vector<16xf32>
      tpu.vector_store %arg10[%swap3A_3794], %swap3A_3797 {add = true, strides = array<i32>} : memref<65536xf32, #tpu.memory_space<vmem>>, vector<16xf32>,
      %get3A_3798 = arith.constant 1808 : index
      %get3A_3799 = tpu.vector_load %arg9[%get3A_3798] {strides = array<i32>} : memref<2048xf32, #tpu.memory_space<vmem>>, vector<16xf32>,
      %get3A_3800 = vector.shape_cast %get3A_3799 : vector<16xf32> to vector<16xf32>
      %add3A_3801 = arith.constant 16 : i32
      %add3A_3802 = arith.addi %mul3A_3785, %add3A_3801 : i32
      %multiple_of3A_3803 = tpu.assume_multiple %add3A_3802, 16 : i32
      %mul3A_3804 = vector.broadcast %select_n3A_3744 : f32 to vector<16xf32>
      %mul3A_3805 = arith.mulf %get3A_3800, %mul3A_3804 : vector<16xf32>
      %swap3A_3806 = arith.index_cast %multiple_of3A_3803 : i32 to index
      %swap3A_3807 = tpu.vector_load %arg10[%swap3A_3806] {strides = array<i32>} : memref<65536xf32, #tpu.memory_space<vmem>>, vector<16xf32>,
      %swap3A_3808 = vector.shape_cast %swap3A_3807 : vector<16xf32> to vector<16xf32>
      %swap3A_3809 = vector.shape_cast %mul3A_3805 : vector<16xf32> to vector<16xf32>
      tpu.vector_store %arg10[%swap3A_3806], %swap3A_3809 {add = true, strides = array<i32>} : memref<65536xf32, #tpu.memory_space<vmem>>, vector<16xf32>,
      %get3A_3810 = arith.constant 1824 : index
      %get3A_3811 = tpu.vector_load %arg9[%get3A_3810] {strides = array<i32>} : memref<2048xf32, #tpu.memory_space<vmem>>, vector<16xf32>,
      %get3A_3812 = vector.shape_cast %get3A_3811 : vector<16xf32> to vector<16xf32>
      %add3A_3813 = arith.constant 32 : i32
      %add3A_3814 = arith.addi %mul3A_3785, %add3A_3813 : i32
      %multiple_of3A_3815 = tpu.assume_multiple %add3A_3814, 16 : i32
      %mul3A_3816 = vector.broadcast %select_n3A_3744 : f32 to vector<16xf32>
      %mul3A_3817 = arith.mulf %get3A_3812, %mul3A_3816 : vector<16xf32>
      %swap3A_3818 = arith.index_cast %multiple_of3A_3815 : i32 to index
      %swap3A_3819 = tpu.vector_load %arg10[%swap3A_3818] {strides = array<i32>} : memref<65536xf32, #tpu.memory_space<vmem>>, vector<16xf32>,
      %swap3A_3820 = vector.shape_cast %swap3A_3819 : vector<16xf32> to vector<16xf32>
      %swap3A_3821 = vector.shape_cast %mul3A_3817 : vector<16xf32> to vector<16xf32>
      tpu.vector_store %arg10[%swap3A_3818], %swap3A_3821 {add = true, strides = array<i32>} : memref<65536xf32, #tpu.memory_space<vmem>>, vector<16xf32>,
      %get3A_3822 = arith.constant 1840 : index
      %get3A_3823 = tpu.vector_load %arg9[%get3A_3822] {strides = array<i32>} : memref<2048xf32, #tpu.memory_space<vmem>>, vector<16xf32>,
      %get3A_3824 = vector.shape_cast %get3A_3823 : vector<16xf32> to vector<16xf32>
      %add3A_3825 = arith.constant 48 : i32
      %add3A_3826 = arith.addi %mul3A_3785, %add3A_3825 : i32
      %multiple_of3A_3827 = tpu.assume_multiple %add3A_3826, 16 : i32
      %mul3A_3828 = vector.broadcast %select_n3A_3744 : f32 to vector<16xf32>
      %mul3A_3829 = arith.mulf %get3A_3824, %mul3A_3828 : vector<16xf32>
      %swap3A_3830 = arith.index_cast %multiple_of3A_3827 : i32 to index
      %swap3A_3831 = tpu.vector_load %arg10[%swap3A_3830] {strides = array<i32>} : memref<65536xf32, #tpu.memory_space<vmem>>, vector<16xf32>,
      %swap3A_3832 = vector.shape_cast %swap3A_3831 : vector<16xf32> to vector<16xf32>
      %swap3A_3833 = vector.shape_cast %mul3A_3829 : vector<16xf32> to vector<16xf32>
      tpu.vector_store %arg10[%swap3A_3830], %swap3A_3833 {add = true, strides = array<i32>} : memref<65536xf32, #tpu.memory_space<vmem>>, vector<16xf32>,
      %get3A_3834 = arith.constant 1856 : index
      %get3A_3835 = tpu.vector_load %arg9[%get3A_3834] {strides = array<i32>} : memref<2048xf32, #tpu.memory_space<vmem>>, vector<16xf32>,
      %get3A_3836 = vector.shape_cast %get3A_3835 : vector<16xf32> to vector<16xf32>
      %add3A_3837 = arith.constant 64 : i32
      %add3A_3838 = arith.addi %mul3A_3785, %add3A_3837 : i32
      %multiple_of3A_3839 = tpu.assume_multiple %add3A_3838, 16 : i32
      %mul3A_3840 = vector.broadcast %select_n3A_3744 : f32 to vector<16xf32>
      %mul3A_3841 = arith.mulf %get3A_3836, %mul3A_3840 : vector<16xf32>
      %swap3A_3842 = arith.index_cast %multiple_of3A_3839 : i32 to index
      %swap3A_3843 = tpu.vector_load %arg10[%swap3A_3842] {strides = array<i32>} : memref<65536xf32, #tpu.memory_space<vmem>>, vector<16xf32>,
      %swap3A_3844 = vector.shape_cast %swap3A_3843 : vector<16xf32> to vector<16xf32>
      %swap3A_3845 = vector.shape_cast %mul3A_3841 : vector<16xf32> to vector<16xf32>
      tpu.vector_store %arg10[%swap3A_3842], %swap3A_3845 {add = true, strides = array<i32>} : memref<65536xf32, #tpu.memory_space<vmem>>, vector<16xf32>,
      %get3A_3846 = arith.constant 1872 : index
      %get3A_3847 = tpu.vector_load %arg9[%get3A_3846] {strides = array<i32>} : memref<2048xf32, #tpu.memory_space<vmem>>, vector<16xf32>,
      %get3A_3848 = vector.shape_cast %get3A_3847 : vector<16xf32> to vector<16xf32>
      %add3A_3849 = arith.constant 80 : i32
      %add3A_3850 = arith.addi %mul3A_3785, %add3A_3849 : i32
      %multiple_of3A_3851 = tpu.assume_multiple %add3A_3850, 16 : i32
      %mul3A_3852 = vector.broadcast %select_n3A_3744 : f32 to vector<16xf32>
      %mul3A_3853 = arith.mulf %get3A_3848, %mul3A_3852 : vector<16xf32>
      %swap3A_3854 = arith.index_cast %multiple_of3A_3851 : i32 to index
      %swap3A_3855 = tpu.vector_load %arg10[%swap3A_3854] {strides = array<i32>} : memref<65536xf32, #tpu.memory_space<vmem>>, vector<16xf32>,
      %swap3A_3856 = vector.shape_cast %swap3A_3855 : vector<16xf32> to vector<16xf32>
      %swap3A_3857 = vector.shape_cast %mul3A_3853 : vector<16xf32> to vector<16xf32>
      tpu.vector_store %arg10[%swap3A_3854], %swap3A_3857 {add = true, strides = array<i32>} : memref<65536xf32, #tpu.memory_space<vmem>>, vector<16xf32>,
      %get3A_3858 = arith.constant 1888 : index
      %get3A_3859 = tpu.vector_load %arg9[%get3A_3858] {strides = array<i32>} : memref<2048xf32, #tpu.memory_space<vmem>>, vector<16xf32>,
      %get3A_3860 = vector.shape_cast %get3A_3859 : vector<16xf32> to vector<16xf32>
      %add3A_3861 = arith.constant 96 : i32
      %add3A_3862 = arith.addi %mul3A_3785, %add3A_3861 : i32
      %multiple_of3A_3863 = tpu.assume_multiple %add3A_3862, 16 : i32
      %mul3A_3864 = vector.broadcast %select_n3A_3744 : f32 to vector<16xf32>
      %mul3A_3865 = arith.mulf %get3A_3860, %mul3A_3864 : vector<16xf32>
      %swap3A_3866 = arith.index_cast %multiple_of3A_3863 : i32 to index
      %swap3A_3867 = tpu.vector_load %arg10[%swap3A_3866] {strides = array<i32>} : memref<65536xf32, #tpu.memory_space<vmem>>, vector<16xf32>,
      %swap3A_3868 = vector.shape_cast %swap3A_3867 : vector<16xf32> to vector<16xf32>
      %swap3A_3869 = vector.shape_cast %mul3A_3865 : vector<16xf32> to vector<16xf32>
      tpu.vector_store %arg10[%swap3A_3866], %swap3A_3869 {add = true, strides = array<i32>} : memref<65536xf32, #tpu.memory_space<vmem>>, vector<16xf32>,
      %get3A_3870 = arith.constant 1904 : index
      %get3A_3871 = tpu.vector_load %arg9[%get3A_3870] {strides = array<i32>} : memref<2048xf32, #tpu.memory_space<vmem>>, vector<16xf32>,
      %get3A_3872 = vector.shape_cast %get3A_3871 : vector<16xf32> to vector<16xf32>
      %add3A_3873 = arith.constant 112 : i32
      %add3A_3874 = arith.addi %mul3A_3785, %add3A_3873 : i32
      %multiple_of3A_3875 = tpu.assume_multiple %add3A_3874, 16 : i32
      %mul3A_3876 = vector.broadcast %select_n3A_3744 : f32 to vector<16xf32>
      %mul3A_3877 = arith.mulf %get3A_3872, %mul3A_3876 : vector<16xf32>
      %swap3A_3878 = arith.index_cast %multiple_of3A_3875 : i32 to index
      %swap3A_3879 = tpu.vector_load %arg10[%swap3A_3878] {strides = array<i32>} : memref<65536xf32, #tpu.memory_space<vmem>>, vector<16xf32>,
      %swap3A_3880 = vector.shape_cast %swap3A_3879 : vector<16xf32> to vector<16xf32>
      %swap3A_3881 = vector.shape_cast %mul3A_3877 : vector<16xf32> to vector<16xf32>
      tpu.vector_store %arg10[%swap3A_3878], %swap3A_3881 {add = true, strides = array<i32>} : memref<65536xf32, #tpu.memory_space<vmem>>, vector<16xf32>,
      %get3A_3882 = arith.constant 1920 : index
      %get3A_3883 = tpu.vector_load %arg9[%get3A_3882] {strides = array<i32>} : memref<2048xf32, #tpu.memory_space<vmem>>, vector<16xf32>,
      %get3A_3884 = vector.shape_cast %get3A_3883 : vector<16xf32> to vector<16xf32>
      %add3A_3885 = arith.constant 128 : i32
      %add3A_3886 = arith.addi %mul3A_3785, %add3A_3885 : i32
      %multiple_of3A_3887 = tpu.assume_multiple %add3A_3886, 16 : i32
      %mul3A_3888 = vector.broadcast %select_n3A_3744 : f32 to vector<16xf32>
      %mul3A_3889 = arith.mulf %get3A_3884, %mul3A_3888 : vector<16xf32>
      %swap3A_3890 = arith.index_cast %multiple_of3A_3887 : i32 to index
      %swap3A_3891 = tpu.vector_load %arg10[%swap3A_3890] {strides = array<i32>} : memref<65536xf32, #tpu.memory_space<vmem>>, vector<16xf32>,
      %swap3A_3892 = vector.shape_cast %swap3A_3891 : vector<16xf32> to vector<16xf32>
      %swap3A_3893 = vector.shape_cast %mul3A_3889 : vector<16xf32> to vector<16xf32>
      tpu.vector_store %arg10[%swap3A_3890], %swap3A_3893 {add = true, strides = array<i32>} : memref<65536xf32, #tpu.memory_space<vmem>>, vector<16xf32>,
      %get3A_3894 = arith.constant 1936 : index
      %get3A_3895 = tpu.vector_load %arg9[%get3A_3894] {strides = array<i32>} : memref<2048xf32, #tpu.memory_space<vmem>>, vector<16xf32>,
      %get3A_3896 = vector.shape_cast %get3A_3895 : vector<16xf32> to vector<16xf32>
      %add3A_3897 = arith.constant 144 : i32
      %add3A_3898 = arith.addi %mul3A_3785, %add3A_3897 : i32
      %multiple_of3A_3899 = tpu.assume_multiple %add3A_3898, 16 : i32
      %mul3A_3900 = vector.broadcast %select_n3A_3744 : f32 to vector<16xf32>
      %mul3A_3901 = arith.mulf %get3A_3896, %mul3A_3900 : vector<16xf32>
      %swap3A_3902 = arith.index_cast %multiple_of3A_3899 : i32 to index
      %swap3A_3903 = tpu.vector_load %arg10[%swap3A_3902] {strides = array<i32>} : memref<65536xf32, #tpu.memory_space<vmem>>, vector<16xf32>,
      %swap3A_3904 = vector.shape_cast %swap3A_3903 : vector<16xf32> to vector<16xf32>
      %swap3A_3905 = vector.shape_cast %mul3A_3901 : vector<16xf32> to vector<16xf32>
      tpu.vector_store %arg10[%swap3A_3902], %swap3A_3905 {add = true, strides = array<i32>} : memref<65536xf32, #tpu.memory_space<vmem>>, vector<16xf32>,
      %get3A_3906 = arith.constant 1952 : index
      %get3A_3907 = tpu.vector_load %arg9[%get3A_3906] {strides = array<i32>} : memref<2048xf32, #tpu.memory_space<vmem>>, vector<16xf32>,
      %get3A_3908 = vector.shape_cast %get3A_3907 : vector<16xf32> to vector<16xf32>
      %add3A_3909 = arith.constant 160 : i32
      %add3A_3910 = arith.addi %mul3A_3785, %add3A_3909 : i32
      %multiple_of3A_3911 = tpu.assume_multiple %add3A_3910, 16 : i32
      %mul3A_3912 = vector.broadcast %select_n3A_3744 : f32 to vector<16xf32>
      %mul3A_3913 = arith.mulf %get3A_3908, %mul3A_3912 : vector<16xf32>
      %swap3A_3914 = arith.index_cast %multiple_of3A_3911 : i32 to index
      %swap3A_3915 = tpu.vector_load %arg10[%swap3A_3914] {strides = array<i32>} : memref<65536xf32, #tpu.memory_space<vmem>>, vector<16xf32>,
      %swap3A_3916 = vector.shape_cast %swap3A_3915 : vector<16xf32> to vector<16xf32>
      %swap3A_3917 = vector.shape_cast %mul3A_3913 : vector<16xf32> to vector<16xf32>
      tpu.vector_store %arg10[%swap3A_3914], %swap3A_3917 {add = true, strides = array<i32>} : memref<65536xf32, #tpu.memory_space<vmem>>, vector<16xf32>,
      %get3A_3918 = arith.constant 1968 : index
      %get3A_3919 = tpu.vector_load %arg9[%get3A_3918] {strides = array<i32>} : memref<2048xf32, #tpu.memory_space<vmem>>, vector<16xf32>,
      %get3A_3920 = vector.shape_cast %get3A_3919 : vector<16xf32> to vector<16xf32>
      %add3A_3921 = arith.constant 176 : i32
      %add3A_3922 = arith.addi %mul3A_3785, %add3A_3921 : i32
      %multiple_of3A_3923 = tpu.assume_multiple %add3A_3922, 16 : i32
      %mul3A_3924 = vector.broadcast %select_n3A_3744 : f32 to vector<16xf32>
      %mul3A_3925 = arith.mulf %get3A_3920, %mul3A_3924 : vector<16xf32>
      %swap3A_3926 = arith.index_cast %multiple_of3A_3923 : i32 to index
      %swap3A_3927 = tpu.vector_load %arg10[%swap3A_3926] {strides = array<i32>} : memref<65536xf32, #tpu.memory_space<vmem>>, vector<16xf32>,
      %swap3A_3928 = vector.shape_cast %swap3A_3927 : vector<16xf32> to vector<16xf32>
      %swap3A_3929 = vector.shape_cast %mul3A_3925 : vector<16xf32> to vector<16xf32>
      tpu.vector_store %arg10[%swap3A_3926], %swap3A_3929 {add = true, strides = array<i32>} : memref<65536xf32, #tpu.memory_space<vmem>>, vector<16xf32>,
      %get3A_3930 = arith.constant 1984 : index
      %get3A_3931 = tpu.vector_load %arg9[%get3A_3930] {strides = array<i32>} : memref<2048xf32, #tpu.memory_space<vmem>>, vector<16xf32>,
      %get3A_3932 = vector.shape_cast %get3A_3931 : vector<16xf32> to vector<16xf32>
      %add3A_3933 = arith.constant 192 : i32
      %add3A_3934 = arith.addi %mul3A_3785, %add3A_3933 : i32
      %multiple_of3A_3935 = tpu.assume_multiple %add3A_3934, 16 : i32
      %mul3A_3936 = vector.broadcast %select_n3A_3744 : f32 to vector<16xf32>
      %mul3A_3937 = arith.mulf %get3A_3932, %mul3A_3936 : vector<16xf32>
      %swap3A_3938 = arith.index_cast %multiple_of3A_3935 : i32 to index
      %swap3A_3939 = tpu.vector_load %arg10[%swap3A_3938] {strides = array<i32>} : memref<65536xf32, #tpu.memory_space<vmem>>, vector<16xf32>,
      %swap3A_3940 = vector.shape_cast %swap3A_3939 : vector<16xf32> to vector<16xf32>
      %swap3A_3941 = vector.shape_cast %mul3A_3937 : vector<16xf32> to vector<16xf32>
      tpu.vector_store %arg10[%swap3A_3938], %swap3A_3941 {add = true, strides = array<i32>} : memref<65536xf32, #tpu.memory_space<vmem>>, vector<16xf32>,
      %get3A_3942 = arith.constant 2000 : index
      %get3A_3943 = tpu.vector_load %arg9[%get3A_3942] {strides = array<i32>} : memref<2048xf32, #tpu.memory_space<vmem>>, vector<16xf32>,
      %get3A_3944 = vector.shape_cast %get3A_3943 : vector<16xf32> to vector<16xf32>
      %add3A_3945 = arith.constant 208 : i32
      %add3A_3946 = arith.addi %mul3A_3785, %add3A_3945 : i32
      %multiple_of3A_3947 = tpu.assume_multiple %add3A_3946, 16 : i32
      %mul3A_3948 = vector.broadcast %select_n3A_3744 : f32 to vector<16xf32>
      %mul3A_3949 = arith.mulf %get3A_3944, %mul3A_3948 : vector<16xf32>
      %swap3A_3950 = arith.index_cast %multiple_of3A_3947 : i32 to index
      %swap3A_3951 = tpu.vector_load %arg10[%swap3A_3950] {strides = array<i32>} : memref<65536xf32, #tpu.memory_space<vmem>>, vector<16xf32>,
      %swap3A_3952 = vector.shape_cast %swap3A_3951 : vector<16xf32> to vector<16xf32>
      %swap3A_3953 = vector.shape_cast %mul3A_3949 : vector<16xf32> to vector<16xf32>
      tpu.vector_store %arg10[%swap3A_3950], %swap3A_3953 {add = true, strides = array<i32>} : memref<65536xf32, #tpu.memory_space<vmem>>, vector<16xf32>,
      %get3A_3954 = arith.constant 2016 : index
      %get3A_3955 = tpu.vector_load %arg9[%get3A_3954] {strides = array<i32>} : memref<2048xf32, #tpu.memory_space<vmem>>, vector<16xf32>,
      %get3A_3956 = vector.shape_cast %get3A_3955 : vector<16xf32> to vector<16xf32>
      %add3A_3957 = arith.constant 224 : i32
      %add3A_3958 = arith.addi %mul3A_3785, %add3A_3957 : i32
      %multiple_of3A_3959 = tpu.assume_multiple %add3A_3958, 16 : i32
      %mul3A_3960 = vector.broadcast %select_n3A_3744 : f32 to vector<16xf32>
      %mul3A_3961 = arith.mulf %get3A_3956, %mul3A_3960 : vector<16xf32>
      %swap3A_3962 = arith.index_cast %multiple_of3A_3959 : i32 to index
      %swap3A_3963 = tpu.vector_load %arg10[%swap3A_3962] {strides = array<i32>} : memref<65536xf32, #tpu.memory_space<vmem>>, vector<16xf32>,
      %swap3A_3964 = vector.shape_cast %swap3A_3963 : vector<16xf32> to vector<16xf32>
      %swap3A_3965 = vector.shape_cast %mul3A_3961 : vector<16xf32> to vector<16xf32>
      tpu.vector_store %arg10[%swap3A_3962], %swap3A_3965 {add = true, strides = array<i32>} : memref<65536xf32, #tpu.memory_space<vmem>>, vector<16xf32>,
      %get3A_3966 = arith.constant 2032 : index
      %get3A_3967 = tpu.vector_load %arg9[%get3A_3966] {strides = array<i32>} : memref<2048xf32, #tpu.memory_space<vmem>>, vector<16xf32>,
      %get3A_3968 = vector.shape_cast %get3A_3967 : vector<16xf32> to vector<16xf32>
      %add3A_3969 = arith.constant 240 : i32
      %add3A_3970 = arith.addi %mul3A_3785, %add3A_3969 : i32
      %multiple_of3A_3971 = tpu.assume_multiple %add3A_3970, 16 : i32
      %mul3A_3972 = vector.broadcast %select_n3A_3744 : f32 to vector<16xf32>
      %mul3A_3973 = arith.mulf %get3A_3968, %mul3A_3972 : vector<16xf32>
      %swap3A_3974 = arith.index_cast %multiple_of3A_3971 : i32 to index
      %swap3A_3975 = tpu.vector_load %arg10[%swap3A_3974] {strides = array<i32>} : memref<65536xf32, #tpu.memory_space<vmem>>, vector<16xf32>,
      %swap3A_3976 = vector.shape_cast %swap3A_3975 : vector<16xf32> to vector<16xf32>
      %swap3A_3977 = vector.shape_cast %mul3A_3973 : vector<16xf32> to vector<16xf32>
      tpu.vector_store %arg10[%swap3A_3974], %swap3A_3977 {add = true, strides = array<i32>} : memref<65536xf32, #tpu.memory_space<vmem>>, vector<16xf32>,
    }
    %scan3A_86 = arith.constant 1250 : i32
    "tpu.region"() ({
      %run_scoped3A = tpu.sem_alloc : memref<!tpu.dma_semaphore, #tpu.memory_space<semaphore_mem>>
      %dma_start3A = arith.constant 0 : i32
      %dma_start3A_87 = tpu.memref_slice %arg6[%arg0, %arg1, %dma_start3A] : memref<2x16x65536xf32, #tpu.memory_space<hbm>> -> memref<1x1x65536xf32, #tpu.memory_space<hbm>>
      %dma_start3A_88 = tpu.memref_squeeze %dma_start3A_87 : memref<1x1x65536xf32, #tpu.memory_space<hbm>> -> memref<65536xf32, #tpu.memory_space<hbm>>
      %dma_start3A_89 = arith.constant 0 : i32
      %dma_start3A_90 = tpu.memref_slice %arg6[%arg0, %arg1, %dma_start3A_89] : memref<2x16x65536xf32, #tpu.memory_space<hbm>> -> memref<1x1x65536xf32, #tpu.memory_space<hbm>>
      %dma_start3A_91 = tpu.memref_squeeze %dma_start3A_90 : memref<1x1x65536xf32, #tpu.memory_space<hbm>> -> memref<65536xf32, #tpu.memory_space<hbm>>
      tpu.enqueue_dma source(%arg10 : memref<65536xf32, #tpu.memory_space<vmem>>) target(%dma_start3A_91 : memref<65536xf32, #tpu.memory_space<hbm>>) target_semaphore(%run_scoped3A : memref<!tpu.dma_semaphore, #tpu.memory_space<semaphore_mem>>)
      %dma_wait3A = arith.constant 0 : i32
      %dma_wait3A_92 = tpu.memref_slice %arg6[%arg0, %arg1, %dma_wait3A] : memref<2x16x65536xf32, #tpu.memory_space<hbm>> -> memref<1x1x65536xf32, #tpu.memory_space<hbm>>
      %dma_wait3A_93 = tpu.memref_squeeze %dma_wait3A_92 : memref<1x1x65536xf32, #tpu.memory_space<hbm>> -> memref<65536xf32, #tpu.memory_space<hbm>>
      %dma_wait3A_94 = arith.constant 0 : i32
      %dma_wait3A_95 = tpu.memref_slice %arg6[%arg0, %arg1, %dma_wait3A_94] : memref<2x16x65536xf32, #tpu.memory_space<hbm>> -> memref<1x1x65536xf32, #tpu.memory_space<hbm>>
      %dma_wait3A_96 = tpu.memref_squeeze %dma_wait3A_95 : memref<1x1x65536xf32, #tpu.memory_space<hbm>> -> memref<65536xf32, #tpu.memory_space<hbm>>
      tpu.wait_dma2 semaphore(%run_scoped3A : memref<!tpu.dma_semaphore, #tpu.memory_space<semaphore_mem>>) src(%arg10 : memref<65536xf32, #tpu.memory_space<vmem>>) dst(%dma_wait3A_96 : memref<65536xf32, #tpu.memory_space<hbm>>)
      tpu.yield
    }) : () -> ()
    "tpu.region"() ({
      %run_scoped3A = tpu.sem_alloc : memref<!tpu.dma_semaphore, #tpu.memory_space<semaphore_mem>>
      %dma_start3A = arith.constant 0 : i32
      %dma_start3A_87 = tpu.memref_slice %arg7[%arg0, %arg1, %dma_start3A] : memref<2x16x256xf32, #tpu.memory_space<hbm>> -> memref<1x1x256xf32, #tpu.memory_space<hbm>>
      %dma_start3A_88 = tpu.memref_squeeze %dma_start3A_87 : memref<1x1x256xf32, #tpu.memory_space<hbm>> -> memref<256xf32, #tpu.memory_space<hbm>>
      %dma_start3A_89 = arith.constant 0 : i32
      %dma_start3A_90 = tpu.memref_slice %arg7[%arg0, %arg1, %dma_start3A_89] : memref<2x16x256xf32, #tpu.memory_space<hbm>> -> memref<1x1x256xf32, #tpu.memory_space<hbm>>
      %dma_start3A_91 = tpu.memref_squeeze %dma_start3A_90 : memref<1x1x256xf32, #tpu.memory_space<hbm>> -> memref<256xf32, #tpu.memory_space<hbm>>
      tpu.enqueue_dma source(%arg11 : memref<256xf32, #tpu.memory_space<vmem>>) target(%dma_start3A_91 : memref<256xf32, #tpu.memory_space<hbm>>) target_semaphore(%run_scoped3A : memref<!tpu.dma_semaphore, #tpu.memory_space<semaphore_mem>>)
      %dma_wait3A = arith.constant 0 : i32
      %dma_wait3A_92 = tpu.memref_slice %arg7[%arg0, %arg1, %dma_wait3A] : memref<2x16x256xf32, #tpu.memory_space<hbm>> -> memref<1x1x256xf32, #tpu.memory_space<hbm>>
      %dma_wait3A_93 = tpu.memref_squeeze %dma_wait3A_92 : memref<1x1x256xf32, #tpu.memory_space<hbm>> -> memref<256xf32, #tpu.memory_space<hbm>>
      %dma_wait3A_94 = arith.constant 0 : i32
      %dma_wait3A_95 = tpu.memref_slice %arg7[%arg0, %arg1, %dma_wait3A_94] : memref<2x16x256xf32, #tpu.memory_space<hbm>> -> memref<1x1x256xf32, #tpu.memory_space<hbm>>
      %dma_wait3A_96 = tpu.memref_squeeze %dma_wait3A_95 : memref<1x1x256xf32, #tpu.memory_space<hbm>> -> memref<256xf32, #tpu.memory_space<hbm>>
      tpu.wait_dma2 semaphore(%run_scoped3A : memref<!tpu.dma_semaphore, #tpu.memory_space<semaphore_mem>>) src(%arg11 : memref<256xf32, #tpu.memory_space<vmem>>) dst(%dma_wait3A_96 : memref<256xf32, #tpu.memory_space<hbm>>)
      tpu.yield
    }) : () -> ()
    return
  }
}

module attributes {stable_mosaic.version = 14 : i64} {
  func.func @_combine_body(%arg0: memref<2x16x256x256xf32, #tpu.memory_space<vmem>>, %arg1: memref<2x16x256x1xf32, #tpu.memory_space<vmem>>, %arg2: memref<256x256xf32, #tpu.memory_space<vmem>>, %arg3: memref<256x256xf32, #tpu.memory_space<vmem>>, %arg4: memref<1x1xf32, #tpu.memory_space<vmem>>) attributes {dimension_semantics = [], scalar_prefetch = 0 : i64, scratch_operands = 0 : i64, tpu.core_type = #tpu.core_type<tc>} {
    %get3A = arith.constant 0 : index
    %get3A_0 = arith.constant 0 : index
    %get3A_1 = arith.constant 0 : index
    %get3A_2 = arith.constant 0 : index
    %get3A_3 = vector.load %arg0[%get3A, %get3A_0, %get3A_1, %get3A_2] : memref<2x16x256x256xf32, #tpu.memory_space<vmem>>, vector<1x16x256x256xf32>
    %get3A_4 = vector.shape_cast %get3A_3 : vector<1x16x256x256xf32> to vector<16x256x256xf32>
    %reduce_sum3A = arith.constant dense<0.000000e+00> : vector<256x256xf32>
    %reduce_sum3A_5 = vector.multi_reduction <add>, %get3A_4, %reduce_sum3A [0] : vector<16x256x256xf32> to vector<256x256xf32>
    %get3A_6 = arith.constant 1 : index
    %get3A_7 = arith.constant 0 : index
    %get3A_8 = arith.constant 0 : index
    %get3A_9 = arith.constant 0 : index
    %get3A_10 = vector.load %arg0[%get3A_6, %get3A_7, %get3A_8, %get3A_9] : memref<2x16x256x256xf32, #tpu.memory_space<vmem>>, vector<1x16x256x256xf32>
    %get3A_11 = vector.shape_cast %get3A_10 : vector<1x16x256x256xf32> to vector<16x256x256xf32>
    %reduce_sum3A_12 = arith.constant dense<0.000000e+00> : vector<256x256xf32>
    %reduce_sum3A_13 = vector.multi_reduction <add>, %get3A_11, %reduce_sum3A_12 [0] : vector<16x256x256xf32> to vector<256x256xf32>
    %get3A_14 = arith.constant 0 : index
    %get3A_15 = arith.constant 0 : index
    %get3A_16 = arith.constant 0 : index
    %get3A_17 = arith.constant 0 : index
    %get3A_18 = vector.load %arg1[%get3A_14, %get3A_15, %get3A_16, %get3A_17] : memref<2x16x256x1xf32, #tpu.memory_space<vmem>>, vector<1x16x256x1xf32>
    %get3A_19 = vector.shape_cast %get3A_18 : vector<1x16x256x1xf32> to vector<16x256x1xf32>
    %reduce_sum3A_20 = arith.constant dense<0.000000e+00> : vector<256x1xf32>
    %reduce_sum3A_21 = vector.multi_reduction <add>, %get3A_19, %reduce_sum3A_20 [0] : vector<16x256x1xf32> to vector<256x1xf32>
    %max3A = arith.constant 1.000000e+00 : f32
    %max3A_22 = vector.broadcast %max3A : f32 to vector<256x1xf32>
    %max3A_23 = arith.maximumf %reduce_sum3A_21, %max3A_22 : vector<256x1xf32>
    %get3A_24 = arith.constant 1 : index
    %get3A_25 = arith.constant 0 : index
    %get3A_26 = arith.constant 0 : index
    %get3A_27 = arith.constant 0 : index
    %get3A_28 = vector.load %arg1[%get3A_24, %get3A_25, %get3A_26, %get3A_27] : memref<2x16x256x1xf32, #tpu.memory_space<vmem>>, vector<1x16x256x1xf32>
    %get3A_29 = vector.shape_cast %get3A_28 : vector<1x16x256x1xf32> to vector<16x256x1xf32>
    %reduce_sum3A_30 = arith.constant dense<0.000000e+00> : vector<256x1xf32>
    %reduce_sum3A_31 = vector.multi_reduction <add>, %get3A_29, %reduce_sum3A_30 [0] : vector<16x256x1xf32> to vector<256x1xf32>
    %max3A_32 = arith.constant 1.000000e+00 : f32
    %max3A_33 = vector.broadcast %max3A_32 : f32 to vector<256x1xf32>
    %max3A_34 = arith.maximumf %reduce_sum3A_31, %max3A_33 : vector<256x1xf32>
    %get3A_35 = arith.constant 0 : index
    %get3A_36 = arith.constant 0 : index
    %get3A_37 = vector.load %arg2[%get3A_35, %get3A_36] : memref<256x256xf32, #tpu.memory_space<vmem>>, vector<256x256xf32>
    %get3A_38 = arith.constant 0 : index
    %get3A_39 = arith.constant 0 : index
    %get3A_40 = vector.load %arg3[%get3A_38, %get3A_39] : memref<256x256xf32, #tpu.memory_space<vmem>>, vector<256x256xf32>
    %sub3A = arith.subf %get3A_37, %get3A_40 : vector<256x256xf32>
    %mul3A = arith.constant 0.699999988 : f32
    %mul3A_41 = vector.broadcast %mul3A : f32 to vector<256x256xf32>
    %mul3A_42 = arith.mulf %mul3A_41, %sub3A : vector<256x256xf32>
    %div3A = vector.broadcast %max3A_23 : vector<256x1xf32> to vector<256x256xf32>
    %div3A_43 = arith.divf %reduce_sum3A_5, %div3A : vector<256x256xf32>
    %div3A_44 = vector.broadcast %max3A_34 : vector<256x1xf32> to vector<256x256xf32>
    %div3A_45 = arith.divf %reduce_sum3A_13, %div3A_44 : vector<256x256xf32>
    %sub3A_46 = arith.subf %div3A_43, %div3A_45 : vector<256x256xf32>
    %mul3A_47 = arith.constant 3.000000e-01 : f32
    %mul3A_48 = vector.broadcast %mul3A_47 : f32 to vector<256x256xf32>
    %mul3A_49 = arith.mulf %mul3A_48, %sub3A_46 : vector<256x256xf32>
    %add3A = arith.addf %mul3A_42, %mul3A_49 : vector<256x256xf32>
    %mul3A_50 = arith.mulf %add3A, %add3A : vector<256x256xf32>
    %reduce_sum3A_51 = vector.shape_cast %mul3A_50 : vector<256x256xf32> to vector<1x256x256xf32>
    %reduce_sum3A_52 = arith.constant dense<0.000000e+00> : vector<1xf32>
    %reduce_sum3A_53 = vector.multi_reduction <add>, %reduce_sum3A_51, %reduce_sum3A_52 [1, 2] : vector<1x256x256xf32> to vector<1xf32>
    %reduce_sum3A_54 = vector.shape_cast %reduce_sum3A_53 : vector<1xf32> to vector<1x1x1xf32>
    %reduce_sum3A_55 = vector.extract %reduce_sum3A_54[0, 0, 0] : f32 from vector<1x1x1xf32>
    %div3A_56 = arith.constant 6.553600e+04 : f32
    %div3A_57 = arith.divf %reduce_sum3A_55, %div3A_56 : f32
    %reshape3A = vector.broadcast %div3A_57 : f32 to vector<1x1xf32>
    %swap3A = arith.constant 0 : index
    %swap3A_58 = arith.constant 0 : index
    %swap3A_59 = vector.load %arg4[%swap3A, %swap3A_58] : memref<1x1xf32, #tpu.memory_space<vmem>>, vector<1x1xf32>
    tpu.vector_store %arg4[%swap3A, %swap3A_58], %reshape3A {strides = array<i32>} : memref<1x1xf32, #tpu.memory_space<vmem>>, vector<1x1xf32>,
    return
  }
}

</mosaic_0001>

<sc_bundles>
// kernel: kernel.4.cloned.1.call-start
scs
__scs_entry_jumppad:
0x0: {  	(pc) =	sbr.rel $0x88, $3  }
0x1: {  	(tag) =	ssettag $0x0;
	lr =	simm.s32 $0x1  }
0x2: {  	[smem:$0x3F9B] =	sst lr;
	_ =	strace $0xD0000000  }
0x3: {  	_ = 	snop  }
0x4: {  	_ = 	snop  }
0x5: {  	_ = 	snop  }
0x6: {  	_ = 	snop  }
0x7: {  	_ = 	snop  }
__scs_overlays_trampoline_lowered:
0x8: {  	[smem:$0x3FAA] =	sst s0  }
0x9: {  	[smem:$0x3FAB] =	sst s1  }
0xa: {  	[smem:$0x3FAC] =	sst s2  }
0xb: {  	[smem:$0x3FAD] =	sst s3  }
0xc: {  	[smem:$0x3FAE] =	sst s4  }
0xd: {  	[smem:$0x3FAF] =	sst s5  }
0xe: {  	[smem:$0x3FB0] =	sst s6  }
0xf: {  	[smem:$0x3FB1] =	sst s7  }
0x10: {  	[smem:$0x3FB2] =	sst s8  }
0x11: {  	[smem:$0x3FB3] =	sst s9;
	s0 =	simm.s32 @!p0 $0x0  }
0x12: {  	s1 =	sld [smem:$0x3F99];
	s0 =	simm.s32 @p0 $0x1  }
0x13: {  	[smem:$0x3FB4] =	sst s0;
	s0 =	simm.s32 @!p1 $0x0  }
0x14: {  	s2 =	sld [smem:$0x3F98];
	s0 =	simm.s32 @p1 $0x1  }
0x15: {  	[smem:$0x3FB5] =	sst s0;
	s0 =	simm.s32 @!p2 $0x0  }
0x16: {  	s3 =	sld [smem:$0x3FDB];
	s0 =	simm.s32 @p2 $0x1  }
0x17: {  	s4 =	simm.s32 $0x1BF5;
	[smem:$0x3FB7] =	sst s0  }
0x18: {  	s0 =	sld [smem:$0x3F9A];
	_ =	swait.ge [sflag:s4], $0x0  }
0x19: {  	s7 =	sld [smem:$0x3F9B]  }
0x1a: {  	s8 =	sadd.s32 $0xFFFFE003, lr  }
0x1b: {  	s9 =	sadd.s32 $0xFFFFFEF7, lr;
	s5 =	simm.s32 $0xFFFFFFFF;
	p2 =	slt.u32 s8, $0xFFFFF086  }
0x1c: {  	p1 =	slt.u32 s9, $0xF7A;
	s5 =	simm.s32 @!p2 $0x0  }
0x1d: {  	s5 =	simm.s32 @p1 $0x1;
	p0 =	seq.s32 s7, s2  }
0x1e: {  	s7 =	smul.u32 @!p0 $0xF7A, s2;
	p2 =	seq.s32 @!p0 s5, $0x0  }
0x1f: {  	s9 =	smul.u32 $0xF7A, s1;
	s8 =	simm.s32 @!p0 $0x1BF5;
	p2 =	por !p2, p0  }
0x20: {  	[sflag:s8] =	ssyncset.s32 @!p0 $0xFFFFF086;
	s6 =	sadd.s32 @!p0 s3, s7;
	s7 =	simm.s32 @!p0 $0x108  }
0x21: {  	s3 =	sadd.s32 s3, s9;
	s6 =	sadd.s32 @!p0 $0x88, s6;
	s7 =	simm.s32 @p2 $0x1082  }
0x22: {  	[simem:s7], [sflag:s8] =	dma.local @!p0 [hbm:s6], $0xF7A  }
0x23: {  	s9 =	sor.u32 $0xD0000000, s2;
	s6 =	simm.s32 $0x108;
	_ =	swait.ge @!p0 [sflag:s8], $0x0  }
0x24: {  	s3 =	sadd.s32 $0x88, s3;
	s6 =	simm.s32 @!p1 $0x1082;
	[sflag:s4] =	ssyncset.s32 $0xFFFFF086  }
0x25: {  	[simem:s6], [sflag:s4] =	dma.local [hbm:s3], $0xF7A  }
0x26: {  	[smem:$0x3F9B] =	sst s1;
	(tag) =	ssettag s2;
	_ =	strace s9  }
0x27: {  	s1 =	sld [smem:$0x3FAB]  }
0x28: {  	s2 =	sld [smem:$0x3FAC]  }
0x29: {  	s4 =	sld [smem:$0x3FAE]  }
0x2a: {  	p0 =	seq.s32 s5, $0x0;
	s5 =	sld [smem:$0x3FAF]  }
0x2b: {  	s6 =	sld [smem:$0x3FB0]  }
0x2c: {  	s7 =	sld [smem:$0x3FB1]  }
0x2d: {  	s3 =	simm.s32 $0x108;
	s8 =	sld [smem:$0x3FB2]  }
0x2e: {  	s3 =	simm.s32 @!p0 $0x1082;
	s9 =	sld [smem:$0x3FB3]  }
0x2f: {  	lr =	sadd.s32 s0, s3;
	s0 =	sld [smem:$0x3FAA]  }
0x30: {  	s3 =	sld [smem:$0x3FAD]  }
0x31: {  	[smem:$0x3FB6] =	sst s10  }
0x32: {  	s10 =	sld [smem:$0x3FB4];
	_ =	sdelay $0x3  }
0x33: {  	p0 =	seq.s32 s10, $0x1;
	s10 =	sld [smem:$0x3FB6];
	_ =	sdelay $0x3  }
0x34: {  	[smem:$0x3FB6] =	sst s10  }
0x35: {  	s10 =	sld [smem:$0x3FB5];
	_ =	sdelay $0x3  }
0x36: {  	p1 =	seq.s32 s10, $0x1;
	s10 =	sld [smem:$0x3FB6];
	_ =	sdelay $0x3  }
0x37: {  	[smem:$0x3FB6] =	sst s10  }
0x38: {  	s10 =	sld [smem:$0x3FB7]  }
0x39: {  	_ = 	snop;
	(pc) =	sbr.ind lr, $3  }
0x3a: {  	_ = 	snop  }
0x3b: {  	_ = 	snop  }
0x3c: {  	p2 =	seq.s32 s10, $0x1;
	s10 =	sld [smem:$0x3FB6]  }
0x3d: {  	_ =	shalt  }
0x3e: {  	_ =	shalt  }
0x3f: {  	_ =	shalt  }
0x40: {  	_ =	shalt  }
0x41: {  	_ =	shalt  }
0x42: {  	_ =	shalt  }
0x43: {  	_ =	shalt  }
0x44: {  	_ =	shalt  }
0x45: {  	_ =	shalt  }
0x46: {  	_ =	shalt  }
0x47: {  	_ =	shalt  }
0x48: {  	_ =	shalt  }
0x49: {  	_ =	shalt  }
0x4a: {  	_ =	shalt  }
0x4b: {  	_ =	shalt  }
0x4c: {  	_ =	shalt  }
0x4d: {  	_ =	shalt  }
0x4e: {  	_ =	shalt  }
0x4f: {  	_ =	shalt  }
0x50: {  	_ =	shalt  }
0x51: {  	_ =	shalt  }
0x52: {  	_ =	shalt  }
0x53: {  	_ =	shalt  }
0x54: {  	_ =	shalt  }
0x55: {  	_ =	shalt  }
0x56: {  	_ =	shalt  }
0x57: {  	_ =	shalt  }
0x58: {  	_ =	shalt  }
0x59: {  	_ =	shalt  }
0x5a: {  	_ =	shalt  }
0x5b: {  	_ =	shalt  }
0x5c: {  	_ =	shalt  }
0x5d: {  	_ =	shalt  }
0x5e: {  	_ =	shalt  }
0x5f: {  	_ =	shalt  }
0x60: {  	_ =	shalt  }
0x61: {  	_ =	shalt  }
0x62: {  	_ =	shalt  }
0x63: {  	_ =	shalt  }
0x64: {  	_ =	shalt  }
0x65: {  	_ =	shalt  }
0x66: {  	_ =	shalt  }
0x67: {  	_ =	shalt  }
0x68: {  	_ =	shalt  }
0x69: {  	_ =	shalt  }
0x6a: {  	_ =	shalt  }
0x6b: {  	_ =	shalt  }
0x6c: {  	_ =	shalt  }
0x6d: {  	_ =	shalt  }
0x6e: {  	_ =	shalt  }
0x6f: {  	_ =	shalt  }
0x70: {  	_ =	shalt  }
0x71: {  	_ =	shalt  }
0x72: {  	_ =	shalt  }
0x73: {  	_ =	shalt  }
0x74: {  	_ =	shalt  }
0x75: {  	_ =	shalt  }
0x76: {  	_ =	shalt  }
0x77: {  	_ =	shalt  }
0x78: {  	_ =	shalt  }
0x79: {  	_ =	shalt  }
0x7a: {  	_ =	shalt  }
0x7b: {  	_ =	shalt  }
0x7c: {  	_ =	shalt  }
0x7d: {  	_ =	shalt  }
0x7e: {  	_ =	shalt  }
0x7f: {  	_ =	shalt  }
0x80: {  	_ =	shalt  }
0x81: {  	_ =	shalt  }
0x82: {  	_ =	shalt  }
0x83: {  	_ =	shalt  }
0x84: {  	_ =	shalt  }
0x85: {  	_ =	shalt  }
0x86: {  	_ =	shalt  }
0x87: {  	_ =	shalt  }
.Lfunc_end0:
.L_simem_size_0:
called_computation.4_lowered:
.L_overlay_start_0:
0x88: {  	s2 =	sld [smem:$0x3FD9]  }
0x89: {  	s3 =	sld [smem:$0x3FFE];
	_ =	sdelay $0x1  }
0x8a: {  	s1 =	srdreg.scid  }
0x8b: {  	s0 =	sand.u32 $0x1, s1  }
0x8c: {  	s16 =	sshll.u32 s0, $0xA;
	s2 =	sadd.s32 s3, s2  }
0x8d: {  	s2 =	sadd.s32 s2, s16  }
0x8e: {  	[smem:$0x3FC2] =	sst s2  }
0x8f: {  	_ = 	snop  }
0x90: {  	(tm) =	ssettm $0x1  }
0x91: {  	s17 =	sld [smem:$0x3FFB];
	_ =	sdelay $0x3  }
0x92: {  	_ =	strace s17  }
0x93: {  	s2 =	sld [smem:$0x3FFC];
	_ =	sdelay $0x3  }
0x94: {  	_ =	strace s2  }
0x95: {  	s2 =	sld [smem:$0x3FFD];
	_ =	sdelay $0x3  }
0x96: {  	_ =	strace s2  }
0x97: {  	_ =	strace $0x8FFFFFFF  }
0x98: {  	s18 =	sld [smem:$0x3FDB];
	_ =	sdelay $0x1  }
0x99: {  	s19 =	simm.s32 $_scs_section_size  }
0x9a: {  	s4 =	simm.s32 $_size__tile_overlayer_lowered;
	s5 =	simm.s32 $_tile_overlayer_lowered  }
0x9b: {  	s22 =	simm.s32 $0x1BFF;
	s21 =	sshll.u32 s5, $0x1;
	s2 =	sadd.s32 s19, s18  }
0x9c: {  	s6 =	simm.s32 $0x0;
	s20 =	sshll.u32 s4, $0x1;
	s4 =	sadd.s32 s21, s2  }
0x9d: {  	[timem:s6], [sflag:s22] =	dma.local [hbm:s4], s20  }
0x9e: {  	_ =	swait.ge [sflag:s22], s20  }
0x9f: {  	s3 =	ssub.s32 $0x0, s20;
	[sflag:s22] =	ssyncset.done $0x0  }
0xa0: {  	[sflag:s22] =	ssyncadd.s32 s3;
	_ =	sdelay $0x1  }
0xa1: {  	s23 =	simm.s32 $0x1B8B  }
0xa2: {  	_ =	swait.ge [sflag:s23], $0x1  }
0xa3: {  	[sflag:s23] =	ssyncset.done $0x0  }
0xa4: {  	s25 =	simm.s32 $0x1B8E;
	s24 =	sld [smem:$0x3FFE];
	[sflag:s23] =	ssyncadd.s32 $0xFFFFFFFF  }
0xa5: {  	s26 =	simm.s32 $execute0_lowered;
	[smem:$0x3FD2] =	sst s25  }
0xa6: {  	s4 =	sshll.u32 s26, $0x1;
	_ =	strace $0x80000052;
	[dreg:$0x1] =	wrdreg $0xFFFFFFFF  }
0xa7: {  	s28 =	simm.s32 $_size_execute0_lowered;
	s2 =	sadd.s32 s2, s4;
	[dreg:$0x0] =	wrdreg $0x0  }
0xa8: {  	s4 =	sshll.u32 s28, $0x1;
	[dreg:$0x2] =	wrdreg s2  }
0xa9: {  	[dreg:$0x3] =	wrdreg s4  }
0xaa: {  	[dreg:$0x4] =	wrdreg $0xC0  }
0xab: {  	_ =	task [dreg:s6], $0x5FFFF  }
0xac: {  	[dreg:$0x1] =	wrdreg $0xFFFFFFFF  }
0xad: {  	[dreg:$0x0] =	wrdreg $0x60  }
0xae: {  	[dreg:$0x2] =	wrdreg s24  }
0xaf: {  	[dreg:$0x3] =	wrdreg $0x9  }
0xb0: {  	_ =	task.clear_ibuf [dreg:s6], $0x4FFFF;
	_ =	strace $0x90000052  }
0xb1: {  	s29 =	simm.s32 $0x9;
	_ =	strace $0x80000054  }
0xb2: {  	_ =	swait.ge [sflag:s29], $0x1  }
0xb3: {  	[sflag:s29] =	ssyncadd.s32 $0xFFFFFFFF  }
0xb4: {  	_ =	strace $0x90000054  }
0xb5: {  	_ =	sfence  }
0xb6: {  	s30 =	sld [smem:$0x0];
	_ =	sdelay $0x2  }
0xb7: {  	s31 =	sshll.u32 s1, $0xD;
	s1 =	sshrl.u32 s1, $0x2  }
0xb8: {  	s3 =	sand.u32 $0x4000, s31;
	s1 =	sadd.s32 s1, s30  }
0xb9: {  	s0 =	sor.u32 s3, s0;
	s1 =	sshll.u32 s1, $0x11  }
0xba: {  	s0 =	sor.u32 s1, s0  }
0xbb: {  	s0 =	sadd.s32 $0x8F2B, s0  }
0xbc: {  	[sflag:s0] =	ssyncadd.remote.s32 $0x1  }
0xbd: {  	_ =	sfence.sel $0xFFFF  }
0xbe: {  	[dreg:$0x0] =	wrdreg $0xFFFFFFFF;
	(pc) =	sbr.abs _section_cstart, $3  }
0xbf: {  	[dreg:$0x1] =	wrdreg $0xFFFFFFFF  }
0xc0: {  	_ =	task.clear_ibuf [dreg:s6], $0x2FFFF;
	_ =	strace $0x9FFFFFFF  }
0xc1: {  	(tm) =	ssettm $0x7FFFFFFF  }
tec
execute0_lowered:
.L_overlay_start_1:
0x0: {  	(tag) =	ssettag $0x1  }
0x1: {  	s3 =	rddreg [dreg:$0x0];
	v0 =	vlaneseq.u32;
	v9 =	vimm.s32 $0xEFCDAB89  }
0x2: {  	s0 =	rddreg [dreg:$0x1];
	s1 =	simm.s32 $0x0;
	s4 =	srdreg.scid;
	v10 =	vimm.s32 $0x67452301;
	v13 =	vimm.s32 $0xDCFE98BA;
	v18 =	vimm.s32 $0x32107654  }
0x3: {  	s2 =	stileid.u32;
	v19 =	vimm.s32 $0xFEDCBA98;
	s31 =	simm.s32 $0x800;
	[smem:$0x7FF] =	sst s1;
	v2 =	vor.u32 $0x10, v0  }
0x4: {  	v3 =	vor.u32 $0x20, v0;
	s6 =	sadd.s32 $0x9C5C00, s3;
	v4 =	vor.u32 $0x30, v0;
	v5 =	vor.u32 $0x40, v0;
	s4 =	sand.u32 $0x1, s4;
	s5 =	sshrl.u32 s2, $0x3  }
0x5: {  	v6 =	vor.u32 $0x50, v0;
	s7 =	sadd.s32 $0xEA7C00, s3;
	v11 =	vunpack.c.l.s4.s8 v9;
	v12 =	vunpack.c.l.s4.s8 v10;
	s10 =	sshll.u32 s2, $0x7;
	s12 =	smul.u32 $0x4E200, s2  }
0x6: {  	v1 =	vimm.f32 $0.0e+00;
	v7 =	vor.u32 $0x60, v0;
	v8 =	vor.u32 $0x70, v0;
	_ =	strace $0x80000053;
	s8 =	sshll.u32 s4, $0x14;
	s9 =	sshll.u32 s5, $0x13  }
0x7: {  	v9 =	vor.u32 $0x80, v0;
	s11 =	sshll.u32 s4, $0xC;
	s5 =	sshll.u32 s5, $0xB;
	s26 =	sand.u32 $0x380, s10;
	v14 =	vunpack.c.0.s8.s32 v11;
	v15 =	vunpack.c.0.s8.s32 v12  }
0x8: {  	v10 =	vor.u32 $0x90, v0;
	v16 =	vunpack.c.l.s4.s8 v13;
	v13 =	vor.u32 $0xC0, v0;
	s10 =	sadd.s32 $0x1C00, s3;
	s28 =	ssub.s32 $0x2, s4;
	p0 =	seq.s32 s4, $0x1  }
0x9: {  	v19 =	vunpack.c.l.s4.s8 v19;
	[dreg:$0x4] =	wrdreg s31;
	s8 =	sor.u32 s8, s9;
	s5 =	sor.u32 s11, s5;
	v17 =	vcombine.low v15, v14;
	v14 =	vimm.s32 $0x54761032  }
0xa: {  	s9 =	sadd.s32 $0x4E3C00, s3;
	s29 =	sshrl.u32 s28, $0x1;
	s6 =	smov.u32 @p0 s7;
	v15 =	vunpack.c.0.s8.s32 v16;
	v16 =	vimm.s32 $0xBA98FEDC;
	v14 =	vunpack.c.l.s4.s8 v14  }
0xb: {  	v18 =	vunpack.c.l.s4.s8 v18;
	v11 =	vor.u32 $0xA0, v0;
	s7 =	simm.s32 $0x80;
	s8 =	sor.u32 s26, s8;
	s5 =	sor.u32 s26, s5;
	v16 =	vunpack.c.l.s4.s8 v16  }
0xc: {  	v19 =	vunpack.c.0.s8.s32 v19;
	s11 =	ssub.s32 s28, s29;
	s10 =	smov.u32 @p0 s9;
	s6 =	sadd.s32 s12, s6;
	v20 =	vunpack.c.0.s8.s32 v14;
	v14 =	vimm.s32 $0x76543210  }
0xd: {  	v18 =	vunpack.c.0.s8.s32 v18;
	s9 =	simm.s32 $0x1000;
	s8 =	sshrl.u32 s8, $0x3;
	s5 =	sshrl.u32 s5, $0x3;
	v16 =	vunpack.c.0.s8.s32 v16;
	v21 =	vunpack.c.l.s4.s8 v14  }
0xe: {  	v12 =	vor.u32 $0xB0, v0;
	s30 =	sadd.s32 s12, s10;
	[dreg:$0x2] =	wrdreg s6;
	v23 =	vand.u32 $0xF, v19;
	s8 =	sadd.s32 s8, s3;
	v17 =	vand.u32 $0xF, v17  }
0xf: {  	s6 =	simm.s32 $0x1;
	s5 =	sadd.s32 s5, s3;
	s3 =	sadd.s32 $0x1389C00, s8;
	v20 =	vcombine.low v20, v15;
	v22 =	vcombine.low v18, v16;
	v21 =	vunpack.c.0.s8.s32 v21  }
0x10: {  	s10 =	simm.s32 $0x11000;
	[dreg:$0x3] =	wrdreg s30;
	s4 =	sadd.s32 $0x13C9C00, s5;
	v14 =	vor.u32 $0xD0, v0;
	v15 =	vor.u32 $0xE0, v0;
	v16 =	vor.u32 $0xF0, v0  }
0x11: {  	s5 =	smax.u32 s11, $0x1;
	s8 =	simm.s32 $0x400;
	s11 =	simm.s32 $0x0;
	v18 =	vand.u32 $0xF, v20;
	v19 =	vand.u32 $0xF, v22;
	v20 =	vcombine.low v23, v21  }
.LBB2_1:
0x12: {  	s12 =	simm.s32 $0x40;
	s13 =	simm.s32 $0x0  }
.LBB2_2:
0x13: {  	p0 =	sne.s32 s12, $0x3FFC0;
	[tilespmem:s13+$0x1000] =	vst v1;
	s13 =	smov.u32 s12;
	s12 =	sadd.s32 $0x40, s12  }
.Ltmp0:
0x14: {  	(pc) =	sbr.rel @p0 .LBB2_2-.Ltmp0, $2  }
0x15: {  	_ =	sdelay $0x2  }
0x16: {  	s13 =	sshra.s32 s13, $0x2  }
0x17: {  	[tilespmem:s13+$0x1000] =	vst v1  }
0x18: {  	[tilespmem:$0x11000] =	vst v1  }
0x19: {  	[tilespmem:$0x11010] =	vst v1  }
0x1a: {  	[tilespmem:$0x11020] =	vst v1  }
0x1b: {  	[tilespmem:$0x11030] =	vst v1  }
0x1c: {  	[tilespmem:$0x11040] =	vst v1  }
0x1d: {  	[tilespmem:$0x11050] =	vst v1  }
0x1e: {  	[tilespmem:$0x11060] =	vst v1  }
0x1f: {  	[tilespmem:$0x11070] =	vst v1  }
0x20: {  	[tilespmem:$0x11080] =	vst v1  }
0x21: {  	[tilespmem:$0x11090] =	vst v1  }
0x22: {  	[tilespmem:$0x110A0] =	vst v1  }
0x23: {  	[tilespmem:$0x110B0] =	vst v1  }
0x24: {  	[tilespmem:$0x110C0] =	vst v1  }
0x25: {  	[tilespmem:$0x110D0] =	vst v1  }
0x26: {  	[tilespmem:$0x110E0] =	vst v1  }
0x27: {  	s12 =	simm.s32 $0x0;
	[tilespmem:$0x110F0] =	vst v1  }
.LBB2_4:
0x28: {  	s13 =	rddreg [dreg:$0x2]  }
0x29: {  	s13 =	sadd.s32 s12, s13  }
0x2a: {  	[tilespmem:s1], [sflag:$0x1] =	stream.linear.gather [hbm4b:s13+s1], $0x800, $0x38;
	[tilespmem:$0x11100] =	vst v63  }
0x2b: {  	_ =	swait.ge [sflag:s6], $0x800  }
0x2c: {  	s21 =	rddreg [dreg:$0x3];
	[sflag:s6] =	ssyncset.done $0x0  }
0x2d: {  	s14 =	rddreg [dreg:$0x4];
	[sflag:s6] =	ssyncadd.s32 $0xFFFFF800;
	s13 =	sadd.s32 s12, s21  }
0x2e: {  	[tilespmem:s14], [sflag:$0x1] =	stream.linear.gather [hbm4b:s13+s1], $0x800, $0x38;
	[tilespmem:$0x11100] =	vst v63  }
0x2f: {  	_ =	swait.ge [sflag:s6], $0x800  }
0x30: {  	[sflag:s6] =	ssyncset.done $0x0  }
0x31: {  	[sflag:s6] =	ssyncadd.s32 $0xFFFFF800  }
0x32: {  	v21 =	vld [tilespmem:$0x0]  }
0x33: {  	v22 =	vld [tilespmem:$0x10];
	_ =	sdelay $0x1  }
0x34: {  	v23 =	vld [tilespmem:$0x20];
	_ =	sdelay $0x1  }
0x35: {  	v24 =	vld [tilespmem:$0x30]  }
0x36: {  	vm0 =	vgt.f32 v22, v21  }
0x37: {  	v21 =	vsel vm0, v22, v21;
	v22 =	vld [tilespmem:$0x40]  }
0x38: {  	vm1 =	vgt.f32 v23, v21  }
0x39: {  	v21 =	vsel vm1, v23, v21;
	v23 =	vld [tilespmem:$0x50]  }
0x3a: {  	vm2 =	vgt.f32 v24, v21  }
0x3b: {  	v46 =	vld [tilespmem:$0x60];
	v21 =	vsel vm2, v24, v21  }
0x3c: {  	vm3 =	vgt.f32 v22, v21  }
0x3d: {  	v21 =	vsel vm3, v22, v21;
	v22 =	vld [tilespmem:$0x70]  }
0x3e: {  	vm4 =	vgt.f32 v23, v21  }
0x3f: {  	v21 =	vsel vm4, v23, v21;
	v23 =	vld [tilespmem:$0x80]  }
0x40: {  	vm5 =	vgt.f32 v46, v21  }
0x41: {  	v47 =	vld [tilespmem:$0x90];
	v21 =	vsel vm5, v46, v21  }
0x42: {  	vm6 =	vgt.f32 v22, v21  }
0x43: {  	v21 =	vsel vm6, v22, v21;
	v22 =	vld [tilespmem:$0xA0]  }
0x44: {  	vm7 =	vgt.f32 v23, v21  }
0x45: {  	v25 =	vsel vm0, v2, v0;
	v21 =	vsel vm7, v23, v21;
	v23 =	vld [tilespmem:$0xB0]  }
0x46: {  	v25 =	vsel vm1, v3, v25;
	vm13 =	vgt.f32 v47, v21  }
0x47: {  	v48 =	vld [tilespmem:$0xC0];
	v25 =	vsel vm2, v4, v25;
	v21 =	vsel vm13, v47, v21  }
0x48: {  	v25 =	vsel vm3, v5, v25;
	vm14 =	vgt.f32 v22, v21  }
0x49: {  	v25 =	vsel vm4, v6, v25;
	v21 =	vsel vm14, v22, v21;
	v22 =	vld [tilespmem:$0xD0]  }
0x4a: {  	v25 =	vsel vm5, v7, v25;
	vm15 =	vgt.f32 v23, v21  }
0x4b: {  	v25 =	vsel vm6, v8, v25;
	v21 =	vsel vm15, v23, v21;
	v23 =	vld [tilespmem:$0xE0]  }
0x4c: {  	v25 =	vsel vm7, v9, v25;
	vm8 =	vgt.f32 v48, v21  }
0x4d: {  	v49 =	vld [tilespmem:$0xF0];
	v25 =	vsel vm13, v10, v25;
	v21 =	vsel vm8, v48, v21  }
0x4e: {  	v25 =	vsel vm14, v11, v25;
	vm9 =	vgt.f32 v22, v21  }
0x4f: {  	v25 =	vsel vm15, v12, v25;
	v21 =	vsel vm9, v22, v21  }
0x50: {  	v22 =	vsel vm8, v13, v25;
	vm10 =	vgt.f32 v23, v21  }
0x51: {  	v22 =	vsel vm9, v14, v22;
	v21 =	vsel vm10, v23, v21  }
0x52: {  	v22 =	vsel vm10, v15, v22;
	vm11 =	vgt.f32 v49, v21  }
0x53: {  	v21 =	vsel vm11, v49, v21;
	v22 =	vsel vm11, v16, v22  }
0x54: {  	v23 =	vperm.xlane v21, v17;
	v50 =	vperm.xlane v22, v17;
	_ =	sdelay $0x1  }
0x55: {  	vm12 =	veq.f32 v23, v21;
	vm13 =	vlt.s32 v50, v22  }
0x56: {  	vm14 =	vgt.f32 v23, v21;
	vm0 =	vmand vm12, vm13  }
0x57: {  	vm0 =	vmor vm14, vm0  }
0x58: {  	v21 =	vsel vm0, v23, v21;
	v22 =	vsel vm0, v50, v22  }
0x59: {  	v23 =	vperm.xlane v21, v18;
	v24 =	vperm.xlane v22, v18;
	_ =	sdelay $0x1  }
0x5a: {  	vm15 =	veq.f32 v23, v21;
	vm4 =	vlt.s32 v24, v22  }
0x5b: {  	vm5 =	vgt.f32 v23, v21;
	vm0 =	vmand vm15, vm4  }
0x5c: {  	vm0 =	vmor vm5, vm0  }
0x5d: {  	v21 =	vsel vm0, v23, v21;
	v22 =	vsel vm0, v24, v22  }
0x5e: {  	v23 =	vperm.xlane v21, v19;
	v24 =	vperm.xlane v22, v19;
	_ =	sdelay $0x1  }
0x5f: {  	vm6 =	veq.f32 v23, v21;
	vm7 =	vlt.s32 v24, v22  }
0x60: {  	vm8 =	vgt.f32 v23, v21;
	vm0 =	vmand vm6, vm7  }
0x61: {  	vm0 =	vmor vm8, vm0  }
0x62: {  	v21 =	vsel vm0, v23, v21;
	v22 =	vsel vm0, v24, v22  }
0x63: {  	v23 =	vperm.xlane v21, v20;
	v24 =	vperm.xlane v22, v20;
	_ =	sdelay $0x1  }
0x64: {  	vm9 =	veq.f32 v23, v21;
	vm10 =	vlt.s32 v24, v22  }
0x65: {  	vm11 =	vgt.f32 v23, v21;
	vm0 =	vmand vm9, vm10  }
0x66: {  	vm0 =	vmor vm11, vm0  }
0x67: {  	v21 =	vsel vm0, v23, v21  }
0x68: {  	v22 =	vsel vm0, v24, v22;
	(v2sf) =	vpush v21, $0x0  }
0x69: {  	(v2sf) =	vpush v22, $0x0;
	_ =	sdelay $0xd  }
0x6a: {  	s13 =	spop (v2sf)  }
0x6b: {  	s22 =	spop (v2sf)  }
0x6c: {  	s15 =	sand.u32 $0xF, s22  }
0x6d: {  	s16 =	sshra.s32 s22, $0x1F;
	p0 =	slt.s32 s22, $0x1;
	p1 =	sne.s32 s15, $0x0  }
0x6e: {  	s23 =	sshrl.u32 s16, $0x1C;
	p0 =	por !p0, !p1  }
0x6f: {  	s16 =	simm.s32 $0x1;
	s15 =	sadd.s32 s23, s22;
	p0 =	por !p0, !p0  }
0x70: {  	s15 =	sshrl.u32 s15, $0x4;
	s16 =	simm.s32 @!p0 $0x0  }
0x71: {  	s15 =	ssub.s32 s15, s16  }
0x72: {  	s15 =	sshll.u32 s15, $0x4  }
0x73: {  	s24 =	ssub.s32 s22, s15  }
0x74: {  	v21 =	vmov s24  }
0x75: {  	vm12 =	veq.s32 v21, v0  }
0x76: {  	v21 =	vsel vm12, $0x3F800000, v1  }
0x77: {  	[tilespmem:s15+$0x11000] =	vst.add.f32.msk $0xffff, v21  }
0x78: {  	v21 =	vld [tilespmem:$0x800];
	_ =	sdelay $0x1  }
0x79: {  	p0 =	sgt.f32 s13, $8.999999760e-01;
	_ =	sdelay $0x1  }
0x7a: {  	s13 =	simm.s32 @!p0 $0x0  }
0x7b: {  	s14 =	sshll.u32 s22, $0xA;
	v21 =	vmul.f32 s13, v21  }
0x7c: {  	s14 =	sshra.s32 s14, $0x2  }
0x7d: {  	[tilespmem:s14+$0x1000] =	vst.add.f32.msk $0xffff, v21  }
0x7e: {  	v21 =	vld [tilespmem:$0x810];
	_ =	sdelay $0x4  }
0x7f: {  	v21 =	vmul.f32 s13, v21;
	_ =	sdelay $0x1  }
0x80: {  	[tilespmem:s14+$0x1010] =	vst.add.f32.msk $0xffff, v21  }
0x81: {  	v21 =	vld [tilespmem:$0x820];
	_ =	sdelay $0x4  }
0x82: {  	v21 =	vmul.f32 s13, v21;
	_ =	sdelay $0x1  }
0x83: {  	[tilespmem:s14+$0x1020] =	vst.add.f32.msk $0xffff, v21  }
0x84: {  	v21 =	vld [tilespmem:$0x830];
	_ =	sdelay $0x4  }
0x85: {  	v21 =	vmul.f32 s13, v21;
	_ =	sdelay $0x1  }
0x86: {  	[tilespmem:s14+$0x1030] =	vst.add.f32.msk $0xffff, v21  }
0x87: {  	v21 =	vld [tilespmem:$0x840];
	_ =	sdelay $0x4  }
0x88: {  	v21 =	vmul.f32 s13, v21;
	_ =	sdelay $0x1  }
0x89: {  	[tilespmem:s14+$0x1040] =	vst.add.f32.msk $0xffff, v21  }
0x8a: {  	v21 =	vld [tilespmem:$0x850];
	_ =	sdelay $0x4  }
0x8b: {  	v21 =	vmul.f32 s13, v21;
	_ =	sdelay $0x1  }
0x8c: {  	[tilespmem:s14+$0x1050] =	vst.add.f32.msk $0xffff, v21  }
0x8d: {  	v21 =	vld [tilespmem:$0x860];
	_ =	sdelay $0x4  }
0x8e: {  	v21 =	vmul.f32 s13, v21;
	_ =	sdelay $0x1  }
0x8f: {  	[tilespmem:s14+$0x1060] =	vst.add.f32.msk $0xffff, v21  }
0x90: {  	v21 =	vld [tilespmem:$0x870];
	_ =	sdelay $0x4  }
0x91: {  	v21 =	vmul.f32 s13, v21;
	_ =	sdelay $0x1  }
0x92: {  	[tilespmem:s14+$0x1070] =	vst.add.f32.msk $0xffff, v21  }
0x93: {  	v21 =	vld [tilespmem:$0x880];
	_ =	sdelay $0x4  }
0x94: {  	v21 =	vmul.f32 s13, v21;
	_ =	sdelay $0x1  }
0x95: {  	[tilespmem:s14+$0x1080] =	vst.add.f32.msk $0xffff, v21  }
0x96: {  	v21 =	vld [tilespmem:$0x890];
	_ =	sdelay $0x4  }
0x97: {  	v21 =	vmul.f32 s13, v21;
	_ =	sdelay $0x1  }
0x98: {  	[tilespmem:s14+$0x1090] =	vst.add.f32.msk $0xffff, v21  }
0x99: {  	v21 =	vld [tilespmem:$0x8A0];
	_ =	sdelay $0x4  }
0x9a: {  	v21 =	vmul.f32 s13, v21;
	_ =	sdelay $0x1  }
0x9b: {  	[tilespmem:s14+$0x10A0] =	vst.add.f32.msk $0xffff, v21  }
0x9c: {  	v21 =	vld [tilespmem:$0x8B0];
	_ =	sdelay $0x4  }
0x9d: {  	v21 =	vmul.f32 s13, v21;
	_ =	sdelay $0x1  }
0x9e: {  	[tilespmem:s14+$0x10B0] =	vst.add.f32.msk $0xffff, v21  }
0x9f: {  	v21 =	vld [tilespmem:$0x8C0];
	_ =	sdelay $0x4  }
0xa0: {  	v21 =	vmul.f32 s13, v21;
	_ =	sdelay $0x1  }
0xa1: {  	[tilespmem:s14+$0x10C0] =	vst.add.f32.msk $0xffff, v21  }
0xa2: {  	v21 =	vld [tilespmem:$0x8D0];
	_ =	sdelay $0x4  }
0xa3: {  	v21 =	vmul.f32 s13, v21;
	_ =	sdelay $0x1  }
0xa4: {  	[tilespmem:s14+$0x10D0] =	vst.add.f32.msk $0xffff, v21  }
0xa5: {  	v21 =	vld [tilespmem:$0x8E0];
	_ =	sdelay $0x4  }
0xa6: {  	v21 =	vmul.f32 s13, v21;
	_ =	sdelay $0x1  }
0xa7: {  	[tilespmem:s14+$0x10E0] =	vst.add.f32.msk $0xffff, v21  }
0xa8: {  	v21 =	vld [tilespmem:$0x8F0];
	_ =	sdelay $0x4  }
0xa9: {  	v21 =	vmul.f32 s13, v21;
	_ =	sdelay $0x1  }
0xaa: {  	[tilespmem:s14+$0x10F0] =	vst.add.f32.msk $0xffff, v21  }
0xab: {  	v21 =	vld [tilespmem:$0x100]  }
0xac: {  	v22 =	vld [tilespmem:$0x110];
	_ =	sdelay $0x1  }
0xad: {  	v23 =	vld [tilespmem:$0x120];
	_ =	sdelay $0x1  }
0xae: {  	v51 =	vld [tilespmem:$0x130]  }
0xaf: {  	vm0 =	vgt.f32 v22, v21  }
0xb0: {  	v21 =	vsel vm0, v22, v21;
	v22 =	vld [tilespmem:$0x140]  }
0xb1: {  	vm13 =	vgt.f32 v23, v21  }
0xb2: {  	v21 =	vsel vm13, v23, v21;
	v23 =	vld [tilespmem:$0x150]  }
0xb3: {  	vm14 =	vgt.f32 v51, v21  }
0xb4: {  	v52 =	vld [tilespmem:$0x160];
	v21 =	vsel vm14, v51, v21  }
0xb5: {  	vm15 =	vgt.f32 v22, v21  }
0xb6: {  	v21 =	vsel vm15, v22, v21;
	v22 =	vld [tilespmem:$0x170]  }
0xb7: {  	vm9 =	vgt.f32 v23, v21  }
0xb8: {  	v21 =	vsel vm9, v23, v21;
	v23 =	vld [tilespmem:$0x180]  }
0xb9: {  	vm10 =	vgt.f32 v52, v21  }
0xba: {  	v53 =	vld [tilespmem:$0x190];
	v21 =	vsel vm10, v52, v21  }
0xbb: {  	vm11 =	vgt.f32 v22, v21  }
0xbc: {  	v21 =	vsel vm11, v22, v21;
	v22 =	vld [tilespmem:$0x1A0]  }
0xbd: {  	vm12 =	vgt.f32 v23, v21  }
0xbe: {  	v54 =	vsel vm0, v2, v0;
	v21 =	vsel vm12, v23, v21;
	v23 =	vld [tilespmem:$0x1B0]  }
0xbf: {  	v25 =	vsel vm13, v3, v54;
	vm13 =	vgt.f32 v53, v21  }
0xc0: {  	v55 =	vld [tilespmem:$0x1C0];
	v25 =	vsel vm14, v4, v25;
	v21 =	vsel vm13, v53, v21  }
0xc1: {  	v25 =	vsel vm15, v5, v25;
	vm14 =	vgt.f32 v22, v21  }
0xc2: {  	v25 =	vsel vm9, v6, v25;
	v21 =	vsel vm14, v22, v21;
	v22 =	vld [tilespmem:$0x1D0]  }
0xc3: {  	v25 =	vsel vm10, v7, v25;
	vm15 =	vgt.f32 v23, v21  }
0xc4: {  	v25 =	vsel vm11, v8, v25;
	v21 =	vsel vm15, v23, v21;
	v23 =	vld [tilespmem:$0x1E0]  }
0xc5: {  	v25 =	vsel vm12, v9, v25;
	vm8 =	vgt.f32 v55, v21  }
0xc6: {  	v56 =	vld [tilespmem:$0x1F0];
	v25 =	vsel vm13, v10, v25;
	v21 =	vsel vm8, v55, v21  }
0xc7: {  	v25 =	vsel vm14, v11, v25;
	vm9 =	vgt.f32 v22, v21  }
0xc8: {  	v25 =	vsel vm15, v12, v25;
	v21 =	vsel vm9, v22, v21  }
0xc9: {  	v22 =	vsel vm8, v13, v25;
	vm10 =	vgt.f32 v23, v21  }
0xca: {  	v22 =	vsel vm9, v14, v22;
	v21 =	vsel vm10, v23, v21  }
0xcb: {  	v22 =	vsel vm10, v15, v22;
	vm11 =	vgt.f32 v56, v21  }
0xcc: {  	v21 =	vsel vm11, v56, v21;
	v22 =	vsel vm11, v16, v22  }
0xcd: {  	v23 =	vperm.xlane v21, v17;
	v57 =	vperm.xlane v22, v17;
	_ =	sdelay $0x1  }
0xce: {  	vm12 =	veq.f32 v23, v21;
	vm13 =	vlt.s32 v57, v22  }
0xcf: {  	vm14 =	vgt.f32 v23, v21;
	vm0 =	vmand vm12, vm13  }
0xd0: {  	vm0 =	vmor vm14, vm0  }
0xd1: {  	v21 =	vsel vm0, v23, v21;
	v22 =	vsel vm0, v57, v22  }
0xd2: {  	v23 =	vperm.xlane v21, v18;
	v24 =	vperm.xlane v22, v18;
	_ =	sdelay $0x1  }
0xd3: {  	vm15 =	veq.f32 v23, v21;
	vm4 =	vlt.s32 v24, v22  }
0xd4: {  	vm5 =	vgt.f32 v23, v21;
	vm0 =	vmand vm15, vm4  }
0xd5: {  	vm0 =	vmor vm5, vm0  }
0xd6: {  	v21 =	vsel vm0, v23, v21;
	v22 =	vsel vm0, v24, v22  }
0xd7: {  	v23 =	vperm.xlane v21, v19;
	v24 =	vperm.xlane v22, v19;
	_ =	sdelay $0x1  }
0xd8: {  	vm6 =	veq.f32 v23, v21;
	vm7 =	vlt.s32 v24, v22  }
0xd9: {  	vm8 =	vgt.f32 v23, v21;
	vm0 =	vmand vm6, vm7  }
0xda: {  	vm0 =	vmor vm8, vm0  }
0xdb: {  	v21 =	vsel vm0, v23, v21;
	v22 =	vsel vm0, v24, v22  }
0xdc: {  	v23 =	vperm.xlane v21, v20;
	v24 =	vperm.xlane v22, v20;
	_ =	sdelay $0x1  }
0xdd: {  	vm9 =	veq.f32 v23, v21;
	vm10 =	vlt.s32 v24, v22  }
0xde: {  	vm11 =	vgt.f32 v23, v21;
	vm0 =	vmand vm9, vm10  }
0xdf: {  	vm0 =	vmor vm11, vm0  }
0xe0: {  	v21 =	vsel vm0, v23, v21  }
0xe1: {  	v22 =	vsel vm0, v24, v22;
	(v2sf) =	vpush v21, $0x0  }
0xe2: {  	(v2sf) =	vpush v22, $0x0;
	_ =	sdelay $0xd  }
0xe3: {  	s13 =	spop (v2sf)  }
0xe4: {  	s25 =	spop (v2sf)  }
0xe5: {  	s26 =	sand.u32 $0xF, s25  }
0xe6: {  	s28 =	sshra.s32 s25, $0x1F;
	p5 =	slt.s32 s25, $0x1;
	p6 =	sne.s32 s26, $0x0  }
0xe7: {  	s29 =	sshrl.u32 s28, $0x1C;
	p0 =	por !p5, !p6  }
0xe8: {  	s16 =	simm.s32 $0x1;
	s15 =	sadd.s32 s29, s25;
	p0 =	por !p0, !p0  }
0xe9: {  	s15 =	sshrl.u32 s15, $0x4;
	s16 =	simm.s32 @!p0 $0x0  }
0xea: {  	s15 =	ssub.s32 s15, s16  }
0xeb: {  	s15 =	sshll.u32 s15, $0x4  }
0xec: {  	s30 =	ssub.s32 s25, s15  }
0xed: {  	v21 =	vmov s30  }
0xee: {  	vm12 =	veq.s32 v21, v0  }
0xef: {  	v21 =	vsel vm12, $0x3F800000, v1  }
0xf0: {  	[tilespmem:s15+$0x11000] =	vst.add.f32.msk $0xffff, v21  }
0xf1: {  	v21 =	vld [tilespmem:$0x900];
	_ =	sdelay $0x1  }
0xf2: {  	p0 =	sgt.f32 s13, $8.999999760e-01;
	_ =	sdelay $0x1  }
0xf3: {  	s13 =	simm.s32 @!p0 $0x0  }
0xf4: {  	s14 =	sshll.u32 s25, $0xA;
	v21 =	vmul.f32 s13, v21  }
0xf5: {  	s14 =	sshra.s32 s14, $0x2  }
0xf6: {  	[tilespmem:s14+$0x1000] =	vst.add.f32.msk $0xffff, v21  }
0xf7: {  	v21 =	vld [tilespmem:$0x910];
	_ =	sdelay $0x4  }
0xf8: {  	v21 =	vmul.f32 s13, v21;
	_ =	sdelay $0x1  }
0xf9: {  	[tilespmem:s14+$0x1010] =	vst.add.f32.msk $0xffff, v21  }
0xfa: {  	v21 =	vld [tilespmem:$0x920];
	_ =	sdelay $0x4  }
0xfb: {  	v21 =	vmul.f32 s13, v21;
	_ =	sdelay $0x1  }
0xfc: {  	[tilespmem:s14+$0x1020] =	vst.add.f32.msk $0xffff, v21  }
0xfd: {  	v21 =	vld [tilespmem:$0x930];
	_ =	sdelay $0x4  }
0xfe: {  	v21 =	vmul.f32 s13, v21;
	_ =	sdelay $0x1  }
0xff: {  	[tilespmem:s14+$0x1030] =	vst.add.f32.msk $0xffff, v21  }
0x100: {  	v21 =	vld [tilespmem:$0x940];
	_ =	sdelay $0x4  }
0x101: {  	v21 =	vmul.f32 s13, v21;
	_ =	sdelay $0x1  }
0x102: {  	[tilespmem:s14+$0x1040] =	vst.add.f32.msk $0xffff, v21  }
0x103: {  	v21 =	vld [tilespmem:$0x950];
	_ =	sdelay $0x4  }
0x104: {  	v21 =	vmul.f32 s13, v21;
	_ =	sdelay $0x1  }
0x105: {  	[tilespmem:s14+$0x1050] =	vst.add.f32.msk $0xffff, v21  }
0x106: {  	v21 =	vld [tilespmem:$0x960];
	_ =	sdelay $0x4  }
0x107: {  	v21 =	vmul.f32 s13, v21;
	_ =	sdelay $0x1  }
0x108: {  	[tilespmem:s14+$0x1060] =	vst.add.f32.msk $0xffff, v21  }
0x109: {  	v21 =	vld [tilespmem:$0x970];
	_ =	sdelay $0x4  }
0x10a: {  	v21 =	vmul.f32 s13, v21;
	_ =	sdelay $0x1  }
0x10b: {  	[tilespmem:s14+$0x1070] =	vst.add.f32.msk $0xffff, v21  }
0x10c: {  	v21 =	vld [tilespmem:$0x980];
	_ =	sdelay $0x4  }
0x10d: {  	v21 =	vmul.f32 s13, v21;
	_ =	sdelay $0x1  }
0x10e: {  	[tilespmem:s14+$0x1080] =	vst.add.f32.msk $0xffff, v21  }
0x10f: {  	v21 =	vld [tilespmem:$0x990];
	_ =	sdelay $0x4  }
0x110: {  	v21 =	vmul.f32 s13, v21;
	_ =	sdelay $0x1  }
0x111: {  	[tilespmem:s14+$0x1090] =	vst.add.f32.msk $0xffff, v21  }
0x112: {  	v21 =	vld [tilespmem:$0x9A0];
	_ =	sdelay $0x4  }
0x113: {  	v21 =	vmul.f32 s13, v21;
	_ =	sdelay $0x1  }
0x114: {  	[tilespmem:s14+$0x10A0] =	vst.add.f32.msk $0xffff, v21  }
0x115: {  	v21 =	vld [tilespmem:$0x9B0];
	_ =	sdelay $0x4  }
0x116: {  	v21 =	vmul.f32 s13, v21;
	_ =	sdelay $0x1  }
0x117: {  	[tilespmem:s14+$0x10B0] =	vst.add.f32.msk $0xffff, v21  }
0x118: {  	v21 =	vld [tilespmem:$0x9C0];
	_ =	sdelay $0x4  }
0x119: {  	v21 =	vmul.f32 s13, v21;
	_ =	sdelay $0x1  }
0x11a: {  	[tilespmem:s14+$0x10C0] =	vst.add.f32.msk $0xffff, v21  }
0x11b: {  	v21 =	vld [tilespmem:$0x9D0];
	_ =	sdelay $0x4  }
0x11c: {  	v21 =	vmul.f32 s13, v21;
	_ =	sdelay $0x1  }
0x11d: {  	[tilespmem:s14+$0x10D0] =	vst.add.f32.msk $0xffff, v21  }
0x11e: {  	v21 =	vld [tilespmem:$0x9E0];
	_ =	sdelay $0x4  }
0x11f: {  	v21 =	vmul.f32 s13, v21;
	_ =	sdelay $0x1  }
0x120: {  	[tilespmem:s14+$0x10E0] =	vst.add.f32.msk $0xffff, v21  }
0x121: {  	v21 =	vld [tilespmem:$0x9F0];
	_ =	sdelay $0x4  }
0x122: {  	v21 =	vmul.f32 s13, v21;
	_ =	sdelay $0x1  }
0x123: {  	[tilespmem:s14+$0x10F0] =	vst.add.f32.msk $0xffff, v21  }
0x124: {  	v21 =	vld [tilespmem:$0x200]  }
0x125: {  	v22 =	vld [tilespmem:$0x210];
	_ =	sdelay $0x1  }
0x126: {  	v23 =	vld [tilespmem:$0x220];
	_ =	sdelay $0x1  }
0x127: {  	v58 =	vld [tilespmem:$0x230]  }
0x128: {  	vm0 =	vgt.f32 v22, v21  }
0x129: {  	v21 =	vsel vm0, v22, v21;
	v22 =	vld [tilespmem:$0x240]  }
0x12a: {  	vm13 =	vgt.f32 v23, v21  }
0x12b: {  	v21 =	vsel vm13, v23, v21;
	v23 =	vld [tilespmem:$0x250]  }
0x12c: {  	vm14 =	vgt.f32 v58, v21  }
0x12d: {  	v59 =	vld [tilespmem:$0x260];
	v21 =	vsel vm14, v58, v21  }
0x12e: {  	vm15 =	vgt.f32 v22, v21  }
0x12f: {  	v21 =	vsel vm15, v22, v21;
	v22 =	vld [tilespmem:$0x270]  }
0x130: {  	vm9 =	vgt.f32 v23, v21  }
0x131: {  	v21 =	vsel vm9, v23, v21;
	v23 =	vld [tilespmem:$0x280]  }
0x132: {  	vm10 =	vgt.f32 v59, v21  }
0x133: {  	v60 =	vld [tilespmem:$0x290];
	v21 =	vsel vm10, v59, v21  }
0x134: {  	vm11 =	vgt.f32 v22, v21  }
0x135: {  	v21 =	vsel vm11, v22, v21;
	v22 =	vld [tilespmem:$0x2A0]  }
0x136: {  	vm12 =	vgt.f32 v23, v21  }
0x137: {  	v61 =	vsel vm0, v2, v0;
	v21 =	vsel vm12, v23, v21;
	v23 =	vld [tilespmem:$0x2B0]  }
0x138: {  	v25 =	vsel vm13, v3, v61;
	vm13 =	vgt.f32 v60, v21  }
0x139: {  	v62 =	vld [tilespmem:$0x2C0];
	v25 =	vsel vm14, v4, v25;
	v21 =	vsel vm13, v60, v21  }
0x13a: {  	v25 =	vsel vm15, v5, v25;
	vm14 =	vgt.f32 v22, v21  }
0x13b: {  	v25 =	vsel vm9, v6, v25;
	v21 =	vsel vm14, v22, v21;
	v22 =	vld [tilespmem:$0x2D0]  }
0x13c: {  	v25 =	vsel vm10, v7, v25;
	vm15 =	vgt.f32 v23, v21  }
0x13d: {  	v25 =	vsel vm11, v8, v25;
	v21 =	vsel vm15, v23, v21;
	v23 =	vld [tilespmem:$0x2E0]  }
0x13e: {  	v25 =	vsel vm12, v9, v25;
	vm8 =	vgt.f32 v62, v21  }
0x13f: {  	v63 =	vld [tilespmem:$0x2F0];
	v25 =	vsel vm13, v10, v25;
	v21 =	vsel vm8, v62, v21  }
0x140: {  	v25 =	vsel vm14, v11, v25;
	vm9 =	vgt.f32 v22, v21  }
0x141: {  	v25 =	vsel vm15, v12, v25;
	v21 =	vsel vm9, v22, v21  }
0x142: {  	v22 =	vsel vm8, v13, v25;
	vm10 =	vgt.f32 v23, v21  }
0x143: {  	v22 =	vsel vm9, v14, v22;
	v21 =	vsel vm10, v23, v21  }
0x144: {  	v22 =	vsel vm10, v15, v22;
	vm11 =	vgt.f32 v63, v21  }
0x145: {  	v21 =	vsel vm11, v63, v21;
	v22 =	vsel vm11, v16, v22  }
0x146: {  	v23 =	vperm.xlane v21, v17;
	v28 =	vperm.xlane v22, v17;
	_ =	sdelay $0x1  }
0x147: {  	vm12 =	veq.f32 v23, v21;
	vm13 =	vlt.s32 v28, v22  }
0x148: {  	vm14 =	vgt.f32 v23, v21;
	vm0 =	vmand vm12, vm13  }
0x149: {  	vm0 =	vmor vm14, vm0  }
0x14a: {  	v21 =	vsel vm0, v23, v21;
	v22 =	vsel vm0, v28, v22  }
0x14b: {  	v23 =	vperm.xlane v21, v18;
	v24 =	vperm.xlane v22, v18;
	_ =	sdelay $0x1  }
0x14c: {  	vm15 =	veq.f32 v23, v21;
	vm4 =	vlt.s32 v24, v22  }
0x14d: {  	vm5 =	vgt.f32 v23, v21;
	vm0 =	vmand vm15, vm4  }
0x14e: {  	vm0 =	vmor vm5, vm0  }
0x14f: {  	v21 =	vsel vm0, v23, v21;
	v22 =	vsel vm0, v24, v22  }
0x150: {  	v23 =	vperm.xlane v21, v19;
	v24 =	vperm.xlane v22, v19;
	_ =	sdelay $0x1  }
0x151: {  	vm6 =	veq.f32 v23, v21;
	vm7 =	vlt.s32 v24, v22  }
0x152: {  	vm8 =	vgt.f32 v23, v21;
	vm0 =	vmand vm6, vm7  }
0x153: {  	vm0 =	vmor vm8, vm0  }
0x154: {  	v21 =	vsel vm0, v23, v21;
	v22 =	vsel vm0, v24, v22  }
0x155: {  	v23 =	vperm.xlane v21, v20;
	v24 =	vperm.xlane v22, v20;
	_ =	sdelay $0x1  }
0x156: {  	vm9 =	veq.f32 v23, v21;
	vm10 =	vlt.s32 v24, v22  }
0x157: {  	vm11 =	vgt.f32 v23, v21;
	vm0 =	vmand vm9, vm10  }
0x158: {  	vm0 =	vmor vm11, vm0  }
0x159: {  	v21 =	vsel vm0, v23, v21  }
0x15a: {  	v22 =	vsel vm0, v24, v22;
	(v2sf) =	vpush v21, $0x0  }
0x15b: {  	(v2sf) =	vpush v22, $0x0;
	_ =	sdelay $0xd  }
0x15c: {  	s13 =	spop (v2sf)  }
0x15d: {  	s31 =	spop (v2sf)  }
0x15e: {  	s16 =	sand.u32 $0xF, s31  }
0x15f: {  	s17 =	sshra.s32 s31, $0x1F;
	p1 =	slt.s32 s31, $0x1;
	p2 =	sne.s32 s16, $0x0  }
0x160: {  	s18 =	sshrl.u32 s17, $0x1C;
	p0 =	por !p1, !p2  }
0x161: {  	s16 =	simm.s32 $0x1;
	s15 =	sadd.s32 s18, s31;
	p0 =	por !p0, !p0  }
0x162: {  	s15 =	sshrl.u32 s15, $0x4;
	s16 =	simm.s32 @!p0 $0x0  }
0x163: {  	s15 =	ssub.s32 s15, s16  }
0x164: {  	s15 =	sshll.u32 s15, $0x4  }
0x165: {  	s19 =	ssub.s32 s31, s15  }
0x166: {  	v21 =	vmov s19  }
0x167: {  	vm12 =	veq.s32 v21, v0  }
0x168: {  	v21 =	vsel vm12, $0x3F800000, v1  }
0x169: {  	[tilespmem:s15+$0x11000] =	vst.add.f32.msk $0xffff, v21  }
0x16a: {  	v21 =	vld [tilespmem:$0xA00];
	_ =	sdelay $0x1  }
0x16b: {  	p0 =	sgt.f32 s13, $8.999999760e-01;
	_ =	sdelay $0x1  }
0x16c: {  	s13 =	simm.s32 @!p0 $0x0  }
0x16d: {  	s14 =	sshll.u32 s31, $0xA;
	v21 =	vmul.f32 s13, v21  }
0x16e: {  	s14 =	sshra.s32 s14, $0x2  }
0x16f: {  	[tilespmem:s14+$0x1000] =	vst.add.f32.msk $0xffff, v21  }
0x170: {  	v21 =	vld [tilespmem:$0xA10];
	_ =	sdelay $0x4  }
0x171: {  	v21 =	vmul.f32 s13, v21;
	_ =	sdelay $0x1  }
0x172: {  	[tilespmem:s14+$0x1010] =	vst.add.f32.msk $0xffff, v21  }
0x173: {  	v21 =	vld [tilespmem:$0xA20];
	_ =	sdelay $0x4  }
0x174: {  	v21 =	vmul.f32 s13, v21;
	_ =	sdelay $0x1  }
0x175: {  	[tilespmem:s14+$0x1020] =	vst.add.f32.msk $0xffff, v21  }
0x176: {  	v21 =	vld [tilespmem:$0xA30];
	_ =	sdelay $0x4  }
0x177: {  	v21 =	vmul.f32 s13, v21;
	_ =	sdelay $0x1  }
0x178: {  	[tilespmem:s14+$0x1030] =	vst.add.f32.msk $0xffff, v21  }
0x179: {  	v21 =	vld [tilespmem:$0xA40];
	_ =	sdelay $0x4  }
0x17a: {  	v21 =	vmul.f32 s13, v21;
	_ =	sdelay $0x1  }
0x17b: {  	[tilespmem:s14+$0x1040] =	vst.add.f32.msk $0xffff, v21  }
0x17c: {  	v21 =	vld [tilespmem:$0xA50];
	_ =	sdelay $0x4  }
0x17d: {  	v21 =	vmul.f32 s13, v21;
	_ =	sdelay $0x1  }
0x17e: {  	[tilespmem:s14+$0x1050] =	vst.add.f32.msk $0xffff, v21  }
0x17f: {  	v21 =	vld [tilespmem:$0xA60];
	_ =	sdelay $0x4  }
0x180: {  	v21 =	vmul.f32 s13, v21;
	_ =	sdelay $0x1  }
0x181: {  	[tilespmem:s14+$0x1060] =	vst.add.f32.msk $0xffff, v21  }
0x182: {  	v21 =	vld [tilespmem:$0xA70];
	_ =	sdelay $0x4  }
0x183: {  	v21 =	vmul.f32 s13, v21;
	_ =	sdelay $0x1  }
0x184: {  	[tilespmem:s14+$0x1070] =	vst.add.f32.msk $0xffff, v21  }
0x185: {  	v21 =	vld [tilespmem:$0xA80];
	_ =	sdelay $0x4  }
0x186: {  	v21 =	vmul.f32 s13, v21;
	_ =	sdelay $0x1  }
0x187: {  	[tilespmem:s14+$0x1080] =	vst.add.f32.msk $0xffff, v21  }
0x188: {  	v21 =	vld [tilespmem:$0xA90];
	_ =	sdelay $0x4  }
0x189: {  	v21 =	vmul.f32 s13, v21;
	_ =	sdelay $0x1  }
0x18a: {  	[tilespmem:s14+$0x1090] =	vst.add.f32.msk $0xffff, v21  }
0x18b: {  	v21 =	vld [tilespmem:$0xAA0];
	_ =	sdelay $0x4  }
0x18c: {  	v21 =	vmul.f32 s13, v21;
	_ =	sdelay $0x1  }
0x18d: {  	[tilespmem:s14+$0x10A0] =	vst.add.f32.msk $0xffff, v21  }
0x18e: {  	v21 =	vld [tilespmem:$0xAB0];
	_ =	sdelay $0x4  }
0x18f: {  	v21 =	vmul.f32 s13, v21;
	_ =	sdelay $0x1  }
0x190: {  	[tilespmem:s14+$0x10B0] =	vst.add.f32.msk $0xffff, v21  }
0x191: {  	v21 =	vld [tilespmem:$0xAC0];
	_ =	sdelay $0x4  }
0x192: {  	v21 =	vmul.f32 s13, v21;
	_ =	sdelay $0x1  }
0x193: {  	[tilespmem:s14+$0x10C0] =	vst.add.f32.msk $0xffff, v21  }
0x194: {  	v21 =	vld [tilespmem:$0xAD0];
	_ =	sdelay $0x4  }
0x195: {  	v21 =	vmul.f32 s13, v21;
	_ =	sdelay $0x1  }
0x196: {  	[tilespmem:s14+$0x10D0] =	vst.add.f32.msk $0xffff, v21  }
0x197: {  	v21 =	vld [tilespmem:$0xAE0];
	_ =	sdelay $0x4  }
0x198: {  	v21 =	vmul.f32 s13, v21;
	_ =	sdelay $0x1  }
0x199: {  	[tilespmem:s14+$0x10E0] =	vst.add.f32.msk $0xffff, v21  }
0x19a: {  	v21 =	vld [tilespmem:$0xAF0];
	_ =	sdelay $0x4  }
0x19b: {  	v21 =	vmul.f32 s13, v21;
	_ =	sdelay $0x1  }
0x19c: {  	[tilespmem:s14+$0x10F0] =	vst.add.f32.msk $0xffff, v21  }
0x19d: {  	v21 =	vld [tilespmem:$0x300]  }
0x19e: {  	v22 =	vld [tilespmem:$0x310];
	_ =	sdelay $0x1  }
0x19f: {  	v23 =	vld [tilespmem:$0x320];
	_ =	sdelay $0x1  }
0x1a0: {  	v29 =	vld [tilespmem:$0x330]  }
0x1a1: {  	vm0 =	vgt.f32 v22, v21  }
0x1a2: {  	v21 =	vsel vm0, v22, v21;
	v22 =	vld [tilespmem:$0x340]  }
0x1a3: {  	vm13 =	vgt.f32 v23, v21  }
0x1a4: {  	v21 =	vsel vm13, v23, v21;
	v23 =	vld [tilespmem:$0x350]  }
0x1a5: {  	vm14 =	vgt.f32 v29, v21  }
0x1a6: {  	v30 =	vld [tilespmem:$0x360];
	v21 =	vsel vm14, v29, v21  }
0x1a7: {  	vm15 =	vgt.f32 v22, v21  }
0x1a8: {  	v21 =	vsel vm15, v22, v21;
	v22 =	vld [tilespmem:$0x370]  }
0x1a9: {  	vm9 =	vgt.f32 v23, v21  }
0x1aa: {  	v21 =	vsel vm9, v23, v21;
	v23 =	vld [tilespmem:$0x380]  }
0x1ab: {  	vm10 =	vgt.f32 v30, v21  }
0x1ac: {  	v31 =	vld [tilespmem:$0x390];
	v21 =	vsel vm10, v30, v21  }
0x1ad: {  	vm11 =	vgt.f32 v22, v21  }
0x1ae: {  	v21 =	vsel vm11, v22, v21;
	v22 =	vld [tilespmem:$0x3A0]  }
0x1af: {  	vm12 =	vgt.f32 v23, v21  }
0x1b0: {  	v32 =	vsel vm0, v2, v0;
	v21 =	vsel vm12, v23, v21;
	v23 =	vld [tilespmem:$0x3B0]  }
0x1b1: {  	v25 =	vsel vm13, v3, v32;
	vm13 =	vgt.f32 v31, v21  }
0x1b2: {  	v33 =	vld [tilespmem:$0x3C0];
	v25 =	vsel vm14, v4, v25;
	v21 =	vsel vm13, v31, v21  }
0x1b3: {  	v25 =	vsel vm15, v5, v25;
	vm14 =	vgt.f32 v22, v21  }
0x1b4: {  	v25 =	vsel vm9, v6, v25;
	v21 =	vsel vm14, v22, v21;
	v22 =	vld [tilespmem:$0x3D0]  }
0x1b5: {  	v25 =	vsel vm10, v7, v25;
	vm15 =	vgt.f32 v23, v21  }
0x1b6: {  	v25 =	vsel vm11, v8, v25;
	v21 =	vsel vm15, v23, v21;
	v23 =	vld [tilespmem:$0x3E0]  }
0x1b7: {  	v25 =	vsel vm12, v9, v25;
	vm8 =	vgt.f32 v33, v21  }
0x1b8: {  	v34 =	vld [tilespmem:$0x3F0];
	v25 =	vsel vm13, v10, v25;
	v21 =	vsel vm8, v33, v21  }
0x1b9: {  	v25 =	vsel vm14, v11, v25;
	vm9 =	vgt.f32 v22, v21  }
0x1ba: {  	v25 =	vsel vm15, v12, v25;
	v21 =	vsel vm9, v22, v21  }
0x1bb: {  	v22 =	vsel vm8, v13, v25;
	vm10 =	vgt.f32 v23, v21  }
0x1bc: {  	v22 =	vsel vm9, v14, v22;
	v21 =	vsel vm10, v23, v21  }
0x1bd: {  	v22 =	vsel vm10, v15, v22;
	vm11 =	vgt.f32 v34, v21  }
0x1be: {  	v21 =	vsel vm11, v34, v21;
	v22 =	vsel vm11, v16, v22  }
0x1bf: {  	v23 =	vperm.xlane v21, v17;
	v35 =	vperm.xlane v22, v17;
	_ =	sdelay $0x1  }
0x1c0: {  	vm12 =	veq.f32 v23, v21;
	vm13 =	vlt.s32 v35, v22  }
0x1c1: {  	vm14 =	vgt.f32 v23, v21;
	vm0 =	vmand vm12, vm13  }
0x1c2: {  	vm0 =	vmor vm14, vm0  }
0x1c3: {  	v21 =	vsel vm0, v23, v21;
	v22 =	vsel vm0, v35, v22  }
0x1c4: {  	v23 =	vperm.xlane v21, v18;
	v24 =	vperm.xlane v22, v18;
	_ =	sdelay $0x1  }
0x1c5: {  	vm15 =	veq.f32 v23, v21;
	vm4 =	vlt.s32 v24, v22  }
0x1c6: {  	vm5 =	vgt.f32 v23, v21;
	vm0 =	vmand vm15, vm4  }
0x1c7: {  	vm0 =	vmor vm5, vm0  }
0x1c8: {  	v21 =	vsel vm0, v23, v21;
	v22 =	vsel vm0, v24, v22  }
0x1c9: {  	v23 =	vperm.xlane v21, v19;
	v24 =	vperm.xlane v22, v19;
	_ =	sdelay $0x1  }
0x1ca: {  	vm6 =	veq.f32 v23, v21;
	vm7 =	vlt.s32 v24, v22  }
0x1cb: {  	vm8 =	vgt.f32 v23, v21;
	vm0 =	vmand vm6, vm7  }
0x1cc: {  	vm0 =	vmor vm8, vm0  }
0x1cd: {  	v21 =	vsel vm0, v23, v21;
	v22 =	vsel vm0, v24, v22  }
0x1ce: {  	v23 =	vperm.xlane v21, v20;
	v24 =	vperm.xlane v22, v20;
	_ =	sdelay $0x1  }
0x1cf: {  	vm9 =	veq.f32 v23, v21;
	vm10 =	vlt.s32 v24, v22  }
0x1d0: {  	vm11 =	vgt.f32 v23, v21;
	vm0 =	vmand vm9, vm10  }
0x1d1: {  	vm0 =	vmor vm11, vm0  }
0x1d2: {  	v21 =	vsel vm0, v23, v21  }
0x1d3: {  	v22 =	vsel vm0, v24, v22;
	(v2sf) =	vpush v21, $0x0  }
0x1d4: {  	(v2sf) =	vpush v22, $0x0;
	_ =	sdelay $0xd  }
0x1d5: {  	s13 =	spop (v2sf)  }
0x1d6: {  	s20 =	spop (v2sf)  }
0x1d7: {  	s21 =	sand.u32 $0xF, s20  }
0x1d8: {  	s22 =	sshra.s32 s20, $0x1F;
	p3 =	slt.s32 s20, $0x1;
	p4 =	sne.s32 s21, $0x0  }
0x1d9: {  	s23 =	sshrl.u32 s22, $0x1C;
	p0 =	por !p3, !p4  }
0x1da: {  	s16 =	simm.s32 $0x1;
	s15 =	sadd.s32 s23, s20;
	p0 =	por !p0, !p0  }
0x1db: {  	s15 =	sshrl.u32 s15, $0x4;
	s16 =	simm.s32 @!p0 $0x0  }
0x1dc: {  	s15 =	ssub.s32 s15, s16  }
0x1dd: {  	s15 =	sshll.u32 s15, $0x4  }
0x1de: {  	s24 =	ssub.s32 s20, s15  }
0x1df: {  	v21 =	vmov s24  }
0x1e0: {  	vm12 =	veq.s32 v21, v0  }
0x1e1: {  	v21 =	vsel vm12, $0x3F800000, v1  }
0x1e2: {  	[tilespmem:s15+$0x11000] =	vst.add.f32.msk $0xffff, v21  }
0x1e3: {  	v21 =	vld [tilespmem:$0xB00];
	_ =	sdelay $0x1  }
0x1e4: {  	p0 =	sgt.f32 s13, $8.999999760e-01;
	_ =	sdelay $0x1  }
0x1e5: {  	s13 =	simm.s32 @!p0 $0x0  }
0x1e6: {  	s14 =	sshll.u32 s20, $0xA;
	v21 =	vmul.f32 s13, v21  }
0x1e7: {  	s14 =	sshra.s32 s14, $0x2  }
0x1e8: {  	[tilespmem:s14+$0x1000] =	vst.add.f32.msk $0xffff, v21  }
0x1e9: {  	v21 =	vld [tilespmem:$0xB10];
	_ =	sdelay $0x4  }
0x1ea: {  	v21 =	vmul.f32 s13, v21;
	_ =	sdelay $0x1  }
0x1eb: {  	[tilespmem:s14+$0x1010] =	vst.add.f32.msk $0xffff, v21  }
0x1ec: {  	v21 =	vld [tilespmem:$0xB20];
	_ =	sdelay $0x4  }
0x1ed: {  	v21 =	vmul.f32 s13, v21;
	_ =	sdelay $0x1  }
0x1ee: {  	[tilespmem:s14+$0x1020] =	vst.add.f32.msk $0xffff, v21  }
0x1ef: {  	v21 =	vld [tilespmem:$0xB30];
	_ =	sdelay $0x4  }
0x1f0: {  	v21 =	vmul.f32 s13, v21;
	_ =	sdelay $0x1  }
0x1f1: {  	[tilespmem:s14+$0x1030] =	vst.add.f32.msk $0xffff, v21  }
0x1f2: {  	v21 =	vld [tilespmem:$0xB40];
	_ =	sdelay $0x4  }
0x1f3: {  	v21 =	vmul.f32 s13, v21;
	_ =	sdelay $0x1  }
0x1f4: {  	[tilespmem:s14+$0x1040] =	vst.add.f32.msk $0xffff, v21  }
0x1f5: {  	v21 =	vld [tilespmem:$0xB50];
	_ =	sdelay $0x4  }
0x1f6: {  	v21 =	vmul.f32 s13, v21;
	_ =	sdelay $0x1  }
0x1f7: {  	[tilespmem:s14+$0x1050] =	vst.add.f32.msk $0xffff, v21  }
0x1f8: {  	v21 =	vld [tilespmem:$0xB60];
	_ =	sdelay $0x4  }
0x1f9: {  	v21 =	vmul.f32 s13, v21;
	_ =	sdelay $0x1  }
0x1fa: {  	[tilespmem:s14+$0x1060] =	vst.add.f32.msk $0xffff, v21  }
0x1fb: {  	v21 =	vld [tilespmem:$0xB70];
	_ =	sdelay $0x4  }
0x1fc: {  	v21 =	vmul.f32 s13, v21;
	_ =	sdelay $0x1  }
0x1fd: {  	[tilespmem:s14+$0x1070] =	vst.add.f32.msk $0xffff, v21  }
0x1fe: {  	v21 =	vld [tilespmem:$0xB80];
	_ =	sdelay $0x4  }
0x1ff: {  	v21 =	vmul.f32 s13, v21;
	_ =	sdelay $0x1  }
0x200: {  	[tilespmem:s14+$0x1080] =	vst.add.f32.msk $0xffff, v21  }
0x201: {  	v21 =	vld [tilespmem:$0xB90];
	_ =	sdelay $0x4  }
0x202: {  	v21 =	vmul.f32 s13, v21;
	_ =	sdelay $0x1  }
0x203: {  	[tilespmem:s14+$0x1090] =	vst.add.f32.msk $0xffff, v21  }
0x204: {  	v21 =	vld [tilespmem:$0xBA0];
	_ =	sdelay $0x4  }
0x205: {  	v21 =	vmul.f32 s13, v21;
	_ =	sdelay $0x1  }
0x206: {  	[tilespmem:s14+$0x10A0] =	vst.add.f32.msk $0xffff, v21  }
0x207: {  	v21 =	vld [tilespmem:$0xBB0];
	_ =	sdelay $0x4  }
0x208: {  	v21 =	vmul.f32 s13, v21;
	_ =	sdelay $0x1  }
0x209: {  	[tilespmem:s14+$0x10B0] =	vst.add.f32.msk $0xffff, v21  }
0x20a: {  	v21 =	vld [tilespmem:$0xBC0];
	_ =	sdelay $0x4  }
0x20b: {  	v21 =	vmul.f32 s13, v21;
	_ =	sdelay $0x1  }
0x20c: {  	[tilespmem:s14+$0x10C0] =	vst.add.f32.msk $0xffff, v21  }
0x20d: {  	v21 =	vld [tilespmem:$0xBD0];
	_ =	sdelay $0x4  }
0x20e: {  	v21 =	vmul.f32 s13, v21;
	_ =	sdelay $0x1  }
0x20f: {  	[tilespmem:s14+$0x10D0] =	vst.add.f32.msk $0xffff, v21  }
0x210: {  	v21 =	vld [tilespmem:$0xBE0];
	_ =	sdelay $0x4  }
0x211: {  	v21 =	vmul.f32 s13, v21;
	_ =	sdelay $0x1  }
0x212: {  	[tilespmem:s14+$0x10E0] =	vst.add.f32.msk $0xffff, v21  }
0x213: {  	v21 =	vld [tilespmem:$0xBF0];
	_ =	sdelay $0x4  }
0x214: {  	v21 =	vmul.f32 s13, v21;
	_ =	sdelay $0x1  }
0x215: {  	[tilespmem:s14+$0x10F0] =	vst.add.f32.msk $0xffff, v21  }
0x216: {  	v21 =	vld [tilespmem:$0x400]  }
0x217: {  	v22 =	vld [tilespmem:$0x410];
	_ =	sdelay $0x1  }
0x218: {  	v23 =	vld [tilespmem:$0x420];
	_ =	sdelay $0x1  }
0x219: {  	v36 =	vld [tilespmem:$0x430]  }
0x21a: {  	vm0 =	vgt.f32 v22, v21  }
0x21b: {  	v21 =	vsel vm0, v22, v21;
	v22 =	vld [tilespmem:$0x440]  }
0x21c: {  	vm13 =	vgt.f32 v23, v21  }
0x21d: {  	v21 =	vsel vm13, v23, v21;
	v23 =	vld [tilespmem:$0x450]  }
0x21e: {  	vm14 =	vgt.f32 v36, v21  }
0x21f: {  	v37 =	vld [tilespmem:$0x460];
	v21 =	vsel vm14, v36, v21  }
0x220: {  	vm15 =	vgt.f32 v22, v21  }
0x221: {  	v21 =	vsel vm15, v22, v21;
	v22 =	vld [tilespmem:$0x470]  }
0x222: {  	vm9 =	vgt.f32 v23, v21  }
0x223: {  	v21 =	vsel vm9, v23, v21;
	v23 =	vld [tilespmem:$0x480]  }
0x224: {  	vm10 =	vgt.f32 v37, v21  }
0x225: {  	v38 =	vld [tilespmem:$0x490];
	v21 =	vsel vm10, v37, v21  }
0x226: {  	vm11 =	vgt.f32 v22, v21  }
0x227: {  	v21 =	vsel vm11, v22, v21;
	v22 =	vld [tilespmem:$0x4A0]  }
0x228: {  	vm12 =	vgt.f32 v23, v21  }
0x229: {  	v39 =	vsel vm0, v2, v0;
	v21 =	vsel vm12, v23, v21;
	v23 =	vld [tilespmem:$0x4B0]  }
0x22a: {  	v25 =	vsel vm13, v3, v39;
	vm13 =	vgt.f32 v38, v21  }
0x22b: {  	v40 =	vld [tilespmem:$0x4C0];
	v25 =	vsel vm14, v4, v25;
	v21 =	vsel vm13, v38, v21  }
0x22c: {  	v25 =	vsel vm15, v5, v25;
	vm14 =	vgt.f32 v22, v21  }
0x22d: {  	v25 =	vsel vm9, v6, v25;
	v21 =	vsel vm14, v22, v21;
	v22 =	vld [tilespmem:$0x4D0]  }
0x22e: {  	v25 =	vsel vm10, v7, v25;
	vm15 =	vgt.f32 v23, v21  }
0x22f: {  	v25 =	vsel vm11, v8, v25;
	v21 =	vsel vm15, v23, v21;
	v23 =	vld [tilespmem:$0x4E0]  }
0x230: {  	v25 =	vsel vm12, v9, v25;
	vm8 =	vgt.f32 v40, v21  }
0x231: {  	v41 =	vld [tilespmem:$0x4F0];
	v25 =	vsel vm13, v10, v25;
	v21 =	vsel vm8, v40, v21  }
0x232: {  	v25 =	vsel vm14, v11, v25;
	vm9 =	vgt.f32 v22, v21  }
0x233: {  	v25 =	vsel vm15, v12, v25;
	v21 =	vsel vm9, v22, v21  }
0x234: {  	v22 =	vsel vm8, v13, v25;
	vm10 =	vgt.f32 v23, v21  }
0x235: {  	v22 =	vsel vm9, v14, v22;
	v21 =	vsel vm10, v23, v21  }
0x236: {  	v22 =	vsel vm10, v15, v22;
	vm11 =	vgt.f32 v41, v21  }
0x237: {  	v21 =	vsel vm11, v41, v21;
	v22 =	vsel vm11, v16, v22  }
0x238: {  	v23 =	vperm.xlane v21, v17;
	v42 =	vperm.xlane v22, v17;
	_ =	sdelay $0x1  }
0x239: {  	vm12 =	veq.f32 v23, v21;
	vm13 =	vlt.s32 v42, v22  }
0x23a: {  	vm14 =	vgt.f32 v23, v21;
	vm0 =	vmand vm12, vm13  }
0x23b: {  	vm0 =	vmor vm14, vm0  }
0x23c: {  	v21 =	vsel vm0, v23, v21;
	v22 =	vsel vm0, v42, v22  }
0x23d: {  	v23 =	vperm.xlane v21, v18;
	v24 =	vperm.xlane v22, v18;
	_ =	sdelay $0x1  }
0x23e: {  	vm15 =	veq.f32 v23, v21;
	vm4 =	vlt.s32 v24, v22  }
0x23f: {  	vm5 =	vgt.f32 v23, v21;
	vm0 =	vmand vm15, vm4  }
0x240: {  	vm0 =	vmor vm5, vm0  }
0x241: {  	v21 =	vsel vm0, v23, v21;
	v22 =	vsel vm0, v24, v22  }
0x242: {  	v23 =	vperm.xlane v21, v19;
	v24 =	vperm.xlane v22, v19;
	_ =	sdelay $0x1  }
0x243: {  	vm6 =	veq.f32 v23, v21;
	vm7 =	vlt.s32 v24, v22  }
0x244: {  	vm8 =	vgt.f32 v23, v21;
	vm0 =	vmand vm6, vm7  }
0x245: {  	vm0 =	vmor vm8, vm0  }
0x246: {  	v21 =	vsel vm0, v23, v21;
	v22 =	vsel vm0, v24, v22  }
0x247: {  	v23 =	vperm.xlane v21, v20;
	v24 =	vperm.xlane v22, v20;
	_ =	sdelay $0x1  }
0x248: {  	vm9 =	veq.f32 v23, v21;
	vm10 =	vlt.s32 v24, v22  }
0x249: {  	vm11 =	vgt.f32 v23, v21;
	vm0 =	vmand vm9, vm10  }
0x24a: {  	vm0 =	vmor vm11, vm0  }
0x24b: {  	v21 =	vsel vm0, v23, v21  }
0x24c: {  	v22 =	vsel vm0, v24, v22;
	(v2sf) =	vpush v21, $0x0  }
0x24d: {  	(v2sf) =	vpush v22, $0x0;
	_ =	sdelay $0xd  }
0x24e: {  	s13 =	spop (v2sf)  }
0x24f: {  	s25 =	spop (v2sf)  }
0x250: {  	s26 =	sand.u32 $0xF, s25  }
0x251: {  	s28 =	sshra.s32 s25, $0x1F;
	p5 =	slt.s32 s25, $0x1;
	p6 =	sne.s32 s26, $0x0  }
0x252: {  	s29 =	sshrl.u32 s28, $0x1C;
	p0 =	por !p5, !p6  }
0x253: {  	s16 =	simm.s32 $0x1;
	s15 =	sadd.s32 s29, s25;
	p0 =	por !p0, !p0  }
0x254: {  	s15 =	sshrl.u32 s15, $0x4;
	s16 =	simm.s32 @!p0 $0x0  }
0x255: {  	s15 =	ssub.s32 s15, s16  }
0x256: {  	s15 =	sshll.u32 s15, $0x4  }
0x257: {  	s30 =	ssub.s32 s25, s15  }
0x258: {  	v21 =	vmov s30  }
0x259: {  	vm12 =	veq.s32 v21, v0  }
0x25a: {  	v21 =	vsel vm12, $0x3F800000, v1  }
0x25b: {  	[tilespmem:s15+$0x11000] =	vst.add.f32.msk $0xffff, v21  }
0x25c: {  	v21 =	vld [tilespmem:$0xC00];
	_ =	sdelay $0x1  }
0x25d: {  	p0 =	sgt.f32 s13, $8.999999760e-01;
	_ =	sdelay $0x1  }
0x25e: {  	s13 =	simm.s32 @!p0 $0x0  }
0x25f: {  	s14 =	sshll.u32 s25, $0xA;
	v21 =	vmul.f32 s13, v21  }
0x260: {  	s14 =	sshra.s32 s14, $0x2  }
0x261: {  	[tilespmem:s14+$0x1000] =	vst.add.f32.msk $0xffff, v21  }
0x262: {  	v21 =	vld [tilespmem:$0xC10];
	_ =	sdelay $0x4  }
0x263: {  	v21 =	vmul.f32 s13, v21;
	_ =	sdelay $0x1  }
0x264: {  	[tilespmem:s14+$0x1010] =	vst.add.f32.msk $0xffff, v21  }
0x265: {  	v21 =	vld [tilespmem:$0xC20];
	_ =	sdelay $0x4  }
0x266: {  	v21 =	vmul.f32 s13, v21;
	_ =	sdelay $0x1  }
0x267: {  	[tilespmem:s14+$0x1020] =	vst.add.f32.msk $0xffff, v21  }
0x268: {  	v21 =	vld [tilespmem:$0xC30];
	_ =	sdelay $0x4  }
0x269: {  	v21 =	vmul.f32 s13, v21;
	_ =	sdelay $0x1  }
0x26a: {  	[tilespmem:s14+$0x1030] =	vst.add.f32.msk $0xffff, v21  }
0x26b: {  	v21 =	vld [tilespmem:$0xC40];
	_ =	sdelay $0x4  }
0x26c: {  	v21 =	vmul.f32 s13, v21;
	_ =	sdelay $0x1  }
0x26d: {  	[tilespmem:s14+$0x1040] =	vst.add.f32.msk $0xffff, v21  }
0x26e: {  	v21 =	vld [tilespmem:$0xC50];
	_ =	sdelay $0x4  }
0x26f: {  	v21 =	vmul.f32 s13, v21;
	_ =	sdelay $0x1  }
0x270: {  	[tilespmem:s14+$0x1050] =	vst.add.f32.msk $0xffff, v21  }
0x271: {  	v21 =	vld [tilespmem:$0xC60];
	_ =	sdelay $0x4  }
0x272: {  	v21 =	vmul.f32 s13, v21;
	_ =	sdelay $0x1  }
0x273: {  	[tilespmem:s14+$0x1060] =	vst.add.f32.msk $0xffff, v21  }
0x274: {  	v21 =	vld [tilespmem:$0xC70];
	_ =	sdelay $0x4  }
0x275: {  	v21 =	vmul.f32 s13, v21;
	_ =	sdelay $0x1  }
0x276: {  	[tilespmem:s14+$0x1070] =	vst.add.f32.msk $0xffff, v21  }
0x277: {  	v21 =	vld [tilespmem:$0xC80];
	_ =	sdelay $0x4  }
0x278: {  	v21 =	vmul.f32 s13, v21;
	_ =	sdelay $0x1  }
0x279: {  	[tilespmem:s14+$0x1080] =	vst.add.f32.msk $0xffff, v21  }
0x27a: {  	v21 =	vld [tilespmem:$0xC90];
	_ =	sdelay $0x4  }
0x27b: {  	v21 =	vmul.f32 s13, v21;
	_ =	sdelay $0x1  }
0x27c: {  	[tilespmem:s14+$0x1090] =	vst.add.f32.msk $0xffff, v21  }
0x27d: {  	v21 =	vld [tilespmem:$0xCA0];
	_ =	sdelay $0x4  }
0x27e: {  	v21 =	vmul.f32 s13, v21;
	_ =	sdelay $0x1  }
0x27f: {  	[tilespmem:s14+$0x10A0] =	vst.add.f32.msk $0xffff, v21  }
0x280: {  	v21 =	vld [tilespmem:$0xCB0];
	_ =	sdelay $0x4  }
0x281: {  	v21 =	vmul.f32 s13, v21;
	_ =	sdelay $0x1  }
0x282: {  	[tilespmem:s14+$0x10B0] =	vst.add.f32.msk $0xffff, v21  }
0x283: {  	v21 =	vld [tilespmem:$0xCC0];
	_ =	sdelay $0x4  }
0x284: {  	v21 =	vmul.f32 s13, v21;
	_ =	sdelay $0x1  }
0x285: {  	[tilespmem:s14+$0x10C0] =	vst.add.f32.msk $0xffff, v21  }
0x286: {  	v21 =	vld [tilespmem:$0xCD0];
	_ =	sdelay $0x4  }
0x287: {  	v21 =	vmul.f32 s13, v21;
	_ =	sdelay $0x1  }
0x288: {  	[tilespmem:s14+$0x10D0] =	vst.add.f32.msk $0xffff, v21  }
0x289: {  	v21 =	vld [tilespmem:$0xCE0];
	_ =	sdelay $0x4  }
0x28a: {  	v21 =	vmul.f32 s13, v21;
	_ =	sdelay $0x1  }
0x28b: {  	[tilespmem:s14+$0x10E0] =	vst.add.f32.msk $0xffff, v21  }
0x28c: {  	v21 =	vld [tilespmem:$0xCF0];
	_ =	sdelay $0x4  }
0x28d: {  	v21 =	vmul.f32 s13, v21;
	_ =	sdelay $0x1  }
0x28e: {  	[tilespmem:s14+$0x10F0] =	vst.add.f32.msk $0xffff, v21  }
0x28f: {  	v21 =	vld [tilespmem:$0x500]  }
0x290: {  	v22 =	vld [tilespmem:$0x510];
	_ =	sdelay $0x1  }
0x291: {  	v23 =	vld [tilespmem:$0x520];
	_ =	sdelay $0x1  }
0x292: {  	v43 =	vld [tilespmem:$0x530]  }
0x293: {  	vm0 =	vgt.f32 v22, v21  }
0x294: {  	v21 =	vsel vm0, v22, v21;
	v22 =	vld [tilespmem:$0x540]  }
0x295: {  	vm13 =	vgt.f32 v23, v21  }
0x296: {  	v21 =	vsel vm13, v23, v21;
	v23 =	vld [tilespmem:$0x550]  }
0x297: {  	vm14 =	vgt.f32 v43, v21  }
0x298: {  	v44 =	vld [tilespmem:$0x560];
	v21 =	vsel vm14, v43, v21  }
0x299: {  	vm15 =	vgt.f32 v22, v21  }
0x29a: {  	v21 =	vsel vm15, v22, v21;
	v22 =	vld [tilespmem:$0x570]  }
0x29b: {  	vm9 =	vgt.f32 v23, v21  }
0x29c: {  	v21 =	vsel vm9, v23, v21;
	v23 =	vld [tilespmem:$0x580]  }
0x29d: {  	vm10 =	vgt.f32 v44, v21  }
0x29e: {  	v45 =	vld [tilespmem:$0x590];
	v21 =	vsel vm10, v44, v21  }
0x29f: {  	vm11 =	vgt.f32 v22, v21  }
0x2a0: {  	v21 =	vsel vm11, v22, v21;
	v22 =	vld [tilespmem:$0x5A0]  }
0x2a1: {  	vm12 =	vgt.f32 v23, v21  }
0x2a2: {  	v46 =	vsel vm0, v2, v0;
	v21 =	vsel vm12, v23, v21;
	v23 =	vld [tilespmem:$0x5B0]  }
0x2a3: {  	v25 =	vsel vm13, v3, v46;
	vm13 =	vgt.f32 v45, v21  }
0x2a4: {  	v47 =	vld [tilespmem:$0x5C0];
	v25 =	vsel vm14, v4, v25;
	v21 =	vsel vm13, v45, v21  }
0x2a5: {  	v25 =	vsel vm15, v5, v25;
	vm14 =	vgt.f32 v22, v21  }
0x2a6: {  	v25 =	vsel vm9, v6, v25;
	v21 =	vsel vm14, v22, v21;
	v22 =	vld [tilespmem:$0x5D0]  }
0x2a7: {  	v25 =	vsel vm10, v7, v25;
	vm15 =	vgt.f32 v23, v21  }
0x2a8: {  	v25 =	vsel vm11, v8, v25;
	v21 =	vsel vm15, v23, v21;
	v23 =	vld [tilespmem:$0x5E0]  }
0x2a9: {  	v25 =	vsel vm12, v9, v25;
	vm7 =	vgt.f32 v47, v21  }
0x2aa: {  	v48 =	vld [tilespmem:$0x5F0];
	v25 =	vsel vm13, v10, v25;
	v21 =	vsel vm7, v47, v21  }
0x2ab: {  	v25 =	vsel vm14, v11, v25;
	vm8 =	vgt.f32 v22, v21  }
0x2ac: {  	v25 =	vsel vm15, v12, v25;
	v21 =	vsel vm8, v22, v21  }
0x2ad: {  	v22 =	vsel vm7, v13, v25;
	vm9 =	vgt.f32 v23, v21  }
0x2ae: {  	v22 =	vsel vm8, v14, v22;
	v21 =	vsel vm9, v23, v21  }
0x2af: {  	v22 =	vsel vm9, v15, v22;
	vm10 =	vgt.f32 v48, v21  }
0x2b0: {  	v21 =	vsel vm10, v48, v21;
	v22 =	vsel vm10, v16, v22  }
0x2b1: {  	v23 =	vperm.xlane v21, v17;
	v49 =	vperm.xlane v22, v17;
	_ =	sdelay $0x1  }
0x2b2: {  	vm11 =	veq.f32 v23, v21;
	vm12 =	vlt.s32 v49, v22  }
0x2b3: {  	vm13 =	vgt.f32 v23, v21;
	vm0 =	vmand vm11, vm12  }
0x2b4: {  	vm0 =	vmor vm13, vm0  }
0x2b5: {  	v21 =	vsel vm0, v23, v21;
	v22 =	vsel vm0, v49, v22  }
0x2b6: {  	v23 =	vperm.xlane v21, v18;
	v24 =	vperm.xlane v22, v18;
	_ =	sdelay $0x1  }
0x2b7: {  	vm14 =	veq.f32 v23, v21;
	vm15 =	vlt.s32 v24, v22  }
0x2b8: {  	vm4 =	vgt.f32 v23, v21;
	vm0 =	vmand vm14, vm15  }
0x2b9: {  	vm0 =	vmor vm4, vm0  }
0x2ba: {  	v21 =	vsel vm0, v23, v21;
	v22 =	vsel vm0, v24, v22  }
0x2bb: {  	v23 =	vperm.xlane v21, v19;
	v24 =	vperm.xlane v22, v19;
	_ =	sdelay $0x1  }
0x2bc: {  	vm5 =	veq.f32 v23, v21;
	vm6 =	vlt.s32 v24, v22  }
0x2bd: {  	vm7 =	vgt.f32 v23, v21;
	vm0 =	vmand vm5, vm6  }
0x2be: {  	vm0 =	vmor vm7, vm0  }
0x2bf: {  	v21 =	vsel vm0, v23, v21;
	v22 =	vsel vm0, v24, v22  }
0x2c0: {  	v23 =	vperm.xlane v21, v20;
	v24 =	vperm.xlane v22, v20;
	_ =	sdelay $0x1  }
0x2c1: {  	vm8 =	veq.f32 v23, v21;
	vm9 =	vlt.s32 v24, v22  }
0x2c2: {  	vm10 =	vgt.f32 v23, v21;
	vm0 =	vmand vm8, vm9  }
0x2c3: {  	vm0 =	vmor vm10, vm0  }
0x2c4: {  	v21 =	vsel vm0, v23, v21  }
0x2c5: {  	v22 =	vsel vm0, v24, v22;
	(v2sf) =	vpush v21, $0x0  }
0x2c6: {  	(v2sf) =	vpush v22, $0x0;
	_ =	sdelay $0xd  }
0x2c7: {  	s13 =	spop (v2sf)  }
0x2c8: {  	s31 =	spop (v2sf)  }
0x2c9: {  	s17 =	sand.u32 $0xF, s31  }
0x2ca: {  	s18 =	sshra.s32 s31, $0x1F;
	p1 =	slt.s32 s31, $0x1;
	p2 =	sne.s32 s17, $0x0  }
0x2cb: {  	s19 =	sshrl.u32 s18, $0x1C;
	p0 =	por !p1, !p2  }
0x2cc: {  	s16 =	simm.s32 $0x1;
	s15 =	sadd.s32 s19, s31;
	p0 =	por !p0, !p0  }
0x2cd: {  	s15 =	sshrl.u32 s15, $0x4;
	s16 =	simm.s32 @!p0 $0x0  }
0x2ce: {  	s15 =	ssub.s32 s15, s16  }
0x2cf: {  	s15 =	sshll.u32 s15, $0x4  }
0x2d0: {  	s20 =	ssub.s32 s31, s15  }
0x2d1: {  	v21 =	vmov s20  }
0x2d2: {  	vm11 =	veq.s32 v21, v0  }
0x2d3: {  	v21 =	vsel vm11, $0x3F800000, v1  }
0x2d4: {  	[tilespmem:s15+$0x11000] =	vst.add.f32.msk $0xffff, v21  }
0x2d5: {  	v21 =	vld [tilespmem:$0xD00];
	_ =	sdelay $0x1  }
0x2d6: {  	p0 =	sgt.f32 s13, $8.999999760e-01;
	_ =	sdelay $0x1  }
0x2d7: {  	s13 =	simm.s32 @!p0 $0x0  }
0x2d8: {  	s14 =	sshll.u32 s31, $0xA;
	v21 =	vmul.f32 s13, v21  }
0x2d9: {  	s14 =	sshra.s32 s14, $0x2  }
0x2da: {  	[tilespmem:s14+$0x1000] =	vst.add.f32.msk $0xffff, v21  }
0x2db: {  	v21 =	vld [tilespmem:$0xD10];
	_ =	sdelay $0x4  }
0x2dc: {  	v21 =	vmul.f32 s13, v21;
	_ =	sdelay $0x1  }
0x2dd: {  	[tilespmem:s14+$0x1010] =	vst.add.f32.msk $0xffff, v21  }
0x2de: {  	v21 =	vld [tilespmem:$0xD20];
	_ =	sdelay $0x4  }
0x2df: {  	v21 =	vmul.f32 s13, v21;
	_ =	sdelay $0x1  }
0x2e0: {  	[tilespmem:s14+$0x1020] =	vst.add.f32.msk $0xffff, v21  }
0x2e1: {  	v21 =	vld [tilespmem:$0xD30];
	_ =	sdelay $0x4  }
0x2e2: {  	v21 =	vmul.f32 s13, v21;
	_ =	sdelay $0x1  }
0x2e3: {  	[tilespmem:s14+$0x1030] =	vst.add.f32.msk $0xffff, v21  }
0x2e4: {  	v21 =	vld [tilespmem:$0xD40];
	_ =	sdelay $0x4  }
0x2e5: {  	v21 =	vmul.f32 s13, v21;
	_ =	sdelay $0x1  }
0x2e6: {  	[tilespmem:s14+$0x1040] =	vst.add.f32.msk $0xffff, v21  }
0x2e7: {  	v21 =	vld [tilespmem:$0xD50];
	_ =	sdelay $0x4  }
0x2e8: {  	v21 =	vmul.f32 s13, v21;
	_ =	sdelay $0x1  }
0x2e9: {  	[tilespmem:s14+$0x1050] =	vst.add.f32.msk $0xffff, v21  }
0x2ea: {  	v21 =	vld [tilespmem:$0xD60];
	_ =	sdelay $0x4  }
0x2eb: {  	v21 =	vmul.f32 s13, v21;
	_ =	sdelay $0x1  }
0x2ec: {  	[tilespmem:s14+$0x1060] =	vst.add.f32.msk $0xffff, v21  }
0x2ed: {  	v21 =	vld [tilespmem:$0xD70];
	_ =	sdelay $0x4  }
0x2ee: {  	v21 =	vmul.f32 s13, v21;
	_ =	sdelay $0x1  }
0x2ef: {  	[tilespmem:s14+$0x1070] =	vst.add.f32.msk $0xffff, v21  }
0x2f0: {  	v21 =	vld [tilespmem:$0xD80];
	_ =	sdelay $0x4  }
0x2f1: {  	v21 =	vmul.f32 s13, v21;
	_ =	sdelay $0x1  }
0x2f2: {  	[tilespmem:s14+$0x1080] =	vst.add.f32.msk $0xffff, v21  }
0x2f3: {  	v21 =	vld [tilespmem:$0xD90];
	_ =	sdelay $0x4  }
0x2f4: {  	v21 =	vmul.f32 s13, v21;
	_ =	sdelay $0x1  }
0x2f5: {  	[tilespmem:s14+$0x1090] =	vst.add.f32.msk $0xffff, v21  }
0x2f6: {  	v21 =	vld [tilespmem:$0xDA0];
	_ =	sdelay $0x4  }
0x2f7: {  	v21 =	vmul.f32 s13, v21;
	_ =	sdelay $0x1  }
0x2f8: {  	[tilespmem:s14+$0x10A0] =	vst.add.f32.msk $0xffff, v21  }
0x2f9: {  	v21 =	vld [tilespmem:$0xDB0];
	_ =	sdelay $0x4  }
0x2fa: {  	v21 =	vmul.f32 s13, v21;
	_ =	sdelay $0x1  }
0x2fb: {  	[tilespmem:s14+$0x10B0] =	vst.add.f32.msk $0xffff, v21  }
0x2fc: {  	v21 =	vld [tilespmem:$0xDC0];
	_ =	sdelay $0x4  }
0x2fd: {  	v21 =	vmul.f32 s13, v21;
	_ =	sdelay $0x1  }
0x2fe: {  	[tilespmem:s14+$0x10C0] =	vst.add.f32.msk $0xffff, v21  }
0x2ff: {  	v21 =	vld [tilespmem:$0xDD0];
	_ =	sdelay $0x4  }
0x300: {  	v21 =	vmul.f32 s13, v21;
	_ =	sdelay $0x1  }
0x301: {  	[tilespmem:s14+$0x10D0] =	vst.add.f32.msk $0xffff, v21  }
0x302: {  	v21 =	vld [tilespmem:$0xDE0];
	_ =	sdelay $0x4  }
0x303: {  	v21 =	vmul.f32 s13, v21;
	_ =	sdelay $0x1  }
0x304: {  	[tilespmem:s14+$0x10E0] =	vst.add.f32.msk $0xffff, v21  }
0x305: {  	v21 =	vld [tilespmem:$0xDF0];
	_ =	sdelay $0x4  }
0x306: {  	v21 =	vmul.f32 s13, v21;
	_ =	sdelay $0x1  }
0x307: {  	[tilespmem:s14+$0x10F0] =	vst.add.f32.msk $0xffff, v21  }
0x308: {  	v21 =	vld [tilespmem:$0x600]  }
0x309: {  	v22 =	vld [tilespmem:$0x610];
	_ =	sdelay $0x1  }
0x30a: {  	v23 =	vld [tilespmem:$0x620];
	_ =	sdelay $0x1  }
0x30b: {  	v50 =	vld [tilespmem:$0x630]  }
0x30c: {  	vm0 =	vgt.f32 v22, v21  }
0x30d: {  	v21 =	vsel vm0, v22, v21;
	v22 =	vld [tilespmem:$0x640]  }
0x30e: {  	vm12 =	vgt.f32 v23, v21  }
0x30f: {  	v21 =	vsel vm12, v23, v21;
	v23 =	vld [tilespmem:$0x650]  }
0x310: {  	vm13 =	vgt.f32 v50, v21  }
0x311: {  	v51 =	vld [tilespmem:$0x660];
	v21 =	vsel vm13, v50, v21  }
0x312: {  	vm14 =	vgt.f32 v22, v21  }
0x313: {  	v21 =	vsel vm14, v22, v21;
	v22 =	vld [tilespmem:$0x670]  }
0x314: {  	vm15 =	vgt.f32 v23, v21  }
0x315: {  	v21 =	vsel vm15, v23, v21;
	v23 =	vld [tilespmem:$0x680]  }
0x316: {  	vm9 =	vgt.f32 v51, v21  }
0x317: {  	v52 =	vld [tilespmem:$0x690];
	v21 =	vsel vm9, v51, v21  }
0x318: {  	vm10 =	vgt.f32 v22, v21  }
0x319: {  	v21 =	vsel vm10, v22, v21;
	v22 =	vld [tilespmem:$0x6A0]  }
0x31a: {  	vm11 =	vgt.f32 v23, v21  }
0x31b: {  	v53 =	vsel vm0, v2, v0;
	v21 =	vsel vm11, v23, v21;
	v23 =	vld [tilespmem:$0x6B0]  }
0x31c: {  	v25 =	vsel vm12, v3, v53;
	vm12 =	vgt.f32 v52, v21  }
0x31d: {  	v54 =	vld [tilespmem:$0x6C0];
	v25 =	vsel vm13, v4, v25;
	v21 =	vsel vm12, v52, v21  }
0x31e: {  	v25 =	vsel vm14, v5, v25;
	vm13 =	vgt.f32 v22, v21  }
0x31f: {  	v25 =	vsel vm15, v6, v25;
	v21 =	vsel vm13, v22, v21;
	v22 =	vld [tilespmem:$0x6D0]  }
0x320: {  	v25 =	vsel vm9, v7, v25;
	vm14 =	vgt.f32 v23, v21  }
0x321: {  	v25 =	vsel vm10, v8, v25;
	v21 =	vsel vm14, v23, v21;
	v23 =	vld [tilespmem:$0x6E0]  }
0x322: {  	v25 =	vsel vm11, v9, v25;
	vm15 =	vgt.f32 v54, v21  }
0x323: {  	v55 =	vld [tilespmem:$0x6F0];
	v25 =	vsel vm12, v10, v25;
	v21 =	vsel vm15, v54, v21  }
0x324: {  	v25 =	vsel vm13, v11, v25;
	vm5 =	vgt.f32 v22, v21  }
0x325: {  	v25 =	vsel vm14, v12, v25;
	v21 =	vsel vm5, v22, v21  }
0x326: {  	v22 =	vsel vm15, v13, v25;
	vm6 =	vgt.f32 v23, v21  }
0x327: {  	v22 =	vsel vm5, v14, v22;
	v21 =	vsel vm6, v23, v21  }
0x328: {  	v22 =	vsel vm6, v15, v22;
	vm7 =	vgt.f32 v55, v21  }
0x329: {  	v21 =	vsel vm7, v55, v21;
	v22 =	vsel vm7, v16, v22  }
0x32a: {  	v23 =	vperm.xlane v21, v17;
	v56 =	vperm.xlane v22, v17;
	_ =	sdelay $0x1  }
0x32b: {  	vm8 =	veq.f32 v23, v21;
	vm9 =	vlt.s32 v56, v22  }
0x32c: {  	vm10 =	vgt.f32 v23, v21;
	vm0 =	vmand vm8, vm9  }
0x32d: {  	vm0 =	vmor vm10, vm0  }
0x32e: {  	v21 =	vsel vm0, v23, v21;
	v22 =	vsel vm0, v56, v22  }
0x32f: {  	v23 =	vperm.xlane v21, v18;
	v24 =	vperm.xlane v22, v18;
	_ =	sdelay $0x1  }
0x330: {  	vm11 =	veq.f32 v23, v21;
	vm12 =	vlt.s32 v24, v22  }
0x331: {  	vm13 =	vgt.f32 v23, v21;
	vm0 =	vmand vm11, vm12  }
0x332: {  	vm0 =	vmor vm13, vm0  }
0x333: {  	v21 =	vsel vm0, v23, v21;
	v22 =	vsel vm0, v24, v22  }
0x334: {  	v23 =	vperm.xlane v21, v19;
	v24 =	vperm.xlane v22, v19;
	_ =	sdelay $0x1  }
0x335: {  	vm14 =	veq.f32 v23, v21;
	vm15 =	vlt.s32 v24, v22  }
0x336: {  	vm4 =	vgt.f32 v23, v21;
	vm0 =	vmand vm14, vm15  }
0x337: {  	vm0 =	vmor vm4, vm0  }
0x338: {  	v21 =	vsel vm0, v23, v21;
	v22 =	vsel vm0, v24, v22  }
0x339: {  	v23 =	vperm.xlane v21, v20;
	v24 =	vperm.xlane v22, v20;
	_ =	sdelay $0x1  }
0x33a: {  	vm5 =	veq.f32 v23, v21;
	vm6 =	vlt.s32 v24, v22  }
0x33b: {  	vm7 =	vgt.f32 v23, v21;
	vm0 =	vmand vm5, vm6  }
0x33c: {  	vm0 =	vmor vm7, vm0  }
0x33d: {  	v21 =	vsel vm0, v23, v21  }
0x33e: {  	v22 =	vsel vm0, v24, v22;
	(v2sf) =	vpush v21, $0x0  }
0x33f: {  	(v2sf) =	vpush v22, $0x0;
	_ =	sdelay $0xd  }
0x340: {  	s13 =	spop (v2sf)  }
0x341: {  	s21 =	spop (v2sf)  }
0x342: {  	s22 =	sand.u32 $0xF, s21  }
0x343: {  	s23 =	sshra.s32 s21, $0x1F;
	p3 =	slt.s32 s21, $0x1;
	p4 =	sne.s32 s22, $0x0  }
0x344: {  	s24 =	sshrl.u32 s23, $0x1C;
	p0 =	por !p3, !p4  }
0x345: {  	s16 =	simm.s32 $0x1;
	s15 =	sadd.s32 s24, s21;
	p0 =	por !p0, !p0  }
0x346: {  	s15 =	sshrl.u32 s15, $0x4;
	s16 =	simm.s32 @!p0 $0x0  }
0x347: {  	s15 =	ssub.s32 s15, s16  }
0x348: {  	s15 =	sshll.u32 s15, $0x4  }
0x349: {  	s25 =	ssub.s32 s21, s15  }
0x34a: {  	v21 =	vmov s25  }
0x34b: {  	vm8 =	veq.s32 v21, v0  }
0x34c: {  	v21 =	vsel vm8, $0x3F800000, v1  }
0x34d: {  	[tilespmem:s15+$0x11000] =	vst.add.f32.msk $0xffff, v21  }
0x34e: {  	v21 =	vld [tilespmem:$0xE00];
	_ =	sdelay $0x1  }
0x34f: {  	p0 =	sgt.f32 s13, $8.999999760e-01;
	_ =	sdelay $0x1  }
0x350: {  	s13 =	simm.s32 @!p0 $0x0  }
0x351: {  	s14 =	sshll.u32 s21, $0xA;
	v21 =	vmul.f32 s13, v21  }
0x352: {  	s14 =	sshra.s32 s14, $0x2  }
0x353: {  	[tilespmem:s14+$0x1000] =	vst.add.f32.msk $0xffff, v21  }
0x354: {  	v21 =	vld [tilespmem:$0xE10];
	_ =	sdelay $0x4  }
0x355: {  	v21 =	vmul.f32 s13, v21;
	_ =	sdelay $0x1  }
0x356: {  	[tilespmem:s14+$0x1010] =	vst.add.f32.msk $0xffff, v21  }
0x357: {  	v21 =	vld [tilespmem:$0xE20];
	_ =	sdelay $0x4  }
0x358: {  	v21 =	vmul.f32 s13, v21;
	_ =	sdelay $0x1  }
0x359: {  	[tilespmem:s14+$0x1020] =	vst.add.f32.msk $0xffff, v21  }
0x35a: {  	v21 =	vld [tilespmem:$0xE30];
	_ =	sdelay $0x4  }
0x35b: {  	v21 =	vmul.f32 s13, v21;
	_ =	sdelay $0x1  }
0x35c: {  	[tilespmem:s14+$0x1030] =	vst.add.f32.msk $0xffff, v21  }
0x35d: {  	v21 =	vld [tilespmem:$0xE40];
	_ =	sdelay $0x4  }
0x35e: {  	v21 =	vmul.f32 s13, v21;
	_ =	sdelay $0x1  }
0x35f: {  	[tilespmem:s14+$0x1040] =	vst.add.f32.msk $0xffff, v21  }
0x360: {  	v21 =	vld [tilespmem:$0xE50];
	_ =	sdelay $0x4  }
0x361: {  	v21 =	vmul.f32 s13, v21;
	_ =	sdelay $0x1  }
0x362: {  	[tilespmem:s14+$0x1050] =	vst.add.f32.msk $0xffff, v21  }
0x363: {  	v21 =	vld [tilespmem:$0xE60];
	_ =	sdelay $0x4  }
0x364: {  	v21 =	vmul.f32 s13, v21;
	_ =	sdelay $0x1  }
0x365: {  	[tilespmem:s14+$0x1060] =	vst.add.f32.msk $0xffff, v21  }
0x366: {  	v21 =	vld [tilespmem:$0xE70];
	_ =	sdelay $0x4  }
0x367: {  	v21 =	vmul.f32 s13, v21;
	_ =	sdelay $0x1  }
0x368: {  	[tilespmem:s14+$0x1070] =	vst.add.f32.msk $0xffff, v21  }
0x369: {  	v21 =	vld [tilespmem:$0xE80];
	_ =	sdelay $0x4  }
0x36a: {  	v21 =	vmul.f32 s13, v21;
	_ =	sdelay $0x1  }
0x36b: {  	[tilespmem:s14+$0x1080] =	vst.add.f32.msk $0xffff, v21  }
0x36c: {  	v21 =	vld [tilespmem:$0xE90];
	_ =	sdelay $0x4  }
0x36d: {  	v21 =	vmul.f32 s13, v21;
	_ =	sdelay $0x1  }
0x36e: {  	[tilespmem:s14+$0x1090] =	vst.add.f32.msk $0xffff, v21  }
0x36f: {  	v21 =	vld [tilespmem:$0xEA0];
	_ =	sdelay $0x4  }
0x370: {  	v21 =	vmul.f32 s13, v21;
	_ =	sdelay $0x1  }
0x371: {  	[tilespmem:s14+$0x10A0] =	vst.add.f32.msk $0xffff, v21  }
0x372: {  	v21 =	vld [tilespmem:$0xEB0];
	_ =	sdelay $0x4  }
0x373: {  	v21 =	vmul.f32 s13, v21;
	_ =	sdelay $0x1  }
0x374: {  	[tilespmem:s14+$0x10B0] =	vst.add.f32.msk $0xffff, v21  }
0x375: {  	v21 =	vld [tilespmem:$0xEC0];
	_ =	sdelay $0x4  }
0x376: {  	v21 =	vmul.f32 s13, v21;
	_ =	sdelay $0x1  }
0x377: {  	[tilespmem:s14+$0x10C0] =	vst.add.f32.msk $0xffff, v21  }
0x378: {  	v21 =	vld [tilespmem:$0xED0];
	_ =	sdelay $0x4  }
0x379: {  	v21 =	vmul.f32 s13, v21;
	_ =	sdelay $0x1  }
0x37a: {  	[tilespmem:s14+$0x10D0] =	vst.add.f32.msk $0xffff, v21  }
0x37b: {  	v21 =	vld [tilespmem:$0xEE0];
	_ =	sdelay $0x4  }
0x37c: {  	v21 =	vmul.f32 s13, v21;
	_ =	sdelay $0x1  }
0x37d: {  	[tilespmem:s14+$0x10E0] =	vst.add.f32.msk $0xffff, v21  }
0x37e: {  	v21 =	vld [tilespmem:$0xEF0];
	_ =	sdelay $0x4  }
0x37f: {  	v21 =	vmul.f32 s13, v21;
	_ =	sdelay $0x1  }
0x380: {  	[tilespmem:s14+$0x10F0] =	vst.add.f32.msk $0xffff, v21  }
0x381: {  	v21 =	vld [tilespmem:$0x700]  }
0x382: {  	v22 =	vld [tilespmem:$0x710];
	_ =	sdelay $0x1  }
0x383: {  	v23 =	vld [tilespmem:$0x720];
	_ =	sdelay $0x1  }
0x384: {  	v57 =	vld [tilespmem:$0x730]  }
0x385: {  	vm0 =	vgt.f32 v22, v21  }
0x386: {  	v21 =	vsel vm0, v22, v21;
	v22 =	vld [tilespmem:$0x740]  }
0x387: {  	vm9 =	vgt.f32 v23, v21  }
0x388: {  	v21 =	vsel vm9, v23, v21;
	v23 =	vld [tilespmem:$0x750]  }
0x389: {  	vm10 =	vgt.f32 v57, v21  }
0x38a: {  	v58 =	vld [tilespmem:$0x760];
	v21 =	vsel vm10, v57, v21  }
0x38b: {  	vm11 =	vgt.f32 v22, v21  }
0x38c: {  	v21 =	vsel vm11, v22, v21;
	v22 =	vld [tilespmem:$0x770]  }
0x38d: {  	vm12 =	vgt.f32 v23, v21  }
0x38e: {  	v21 =	vsel vm12, v23, v21;
	v23 =	vld [tilespmem:$0x780]  }
0x38f: {  	vm13 =	vgt.f32 v58, v21  }
0x390: {  	v59 =	vld [tilespmem:$0x790];
	v21 =	vsel vm13, v58, v21  }
0x391: {  	vm14 =	vgt.f32 v22, v21  }
0x392: {  	v21 =	vsel vm14, v22, v21;
	v22 =	vld [tilespmem:$0x7A0]  }
0x393: {  	vm15 =	vgt.f32 v23, v21  }
0x394: {  	v60 =	vsel vm0, v2, v0;
	v21 =	vsel vm15, v23, v21;
	v23 =	vld [tilespmem:$0x7B0]  }
0x395: {  	v25 =	vsel vm9, v3, v60;
	vm8 =	vgt.f32 v59, v21  }
0x396: {  	v61 =	vld [tilespmem:$0x7C0];
	v25 =	vsel vm10, v4, v25;
	v21 =	vsel vm8, v59, v21  }
0x397: {  	v25 =	vsel vm11, v5, v25;
	vm9 =	vgt.f32 v22, v21  }
0x398: {  	v25 =	vsel vm12, v6, v25;
	v21 =	vsel vm9, v22, v21;
	v22 =	vld [tilespmem:$0x7D0]  }
0x399: {  	v25 =	vsel vm13, v7, v25;
	vm10 =	vgt.f32 v23, v21  }
0x39a: {  	v25 =	vsel vm14, v8, v25;
	v21 =	vsel vm10, v23, v21;
	v23 =	vld [tilespmem:$0x7E0]  }
0x39b: {  	v25 =	vsel vm15, v9, v25;
	vm11 =	vgt.f32 v61, v21  }
0x39c: {  	v62 =	vld [tilespmem:$0x7F0];
	v25 =	vsel vm8, v10, v25;
	v21 =	vsel vm11, v61, v21  }
0x39d: {  	v25 =	vsel vm9, v11, v25;
	vm12 =	vgt.f32 v22, v21  }
0x39e: {  	v21 =	vsel vm12, v22, v21;
	v22 =	vsel vm10, v12, v25  }
0x39f: {  	v22 =	vsel vm11, v13, v22;
	vm13 =	vgt.f32 v23, v21  }
0x3a0: {  	v22 =	vsel vm12, v14, v22;
	v21 =	vsel vm13, v23, v21  }
0x3a1: {  	v22 =	vsel vm13, v15, v22;
	vm14 =	vgt.f32 v62, v21  }
0x3a2: {  	v21 =	vsel vm14, v62, v21;
	v22 =	vsel vm14, v16, v22  }
0x3a3: {  	v23 =	vperm.xlane v21, v17;
	v63 =	vperm.xlane v22, v17;
	_ =	sdelay $0x1  }
0x3a4: {  	vm15 =	veq.f32 v23, v21;
	vm4 =	vlt.s32 v63, v22  }
0x3a5: {  	vm5 =	vgt.f32 v23, v21;
	vm0 =	vmand vm15, vm4  }
0x3a6: {  	vm0 =	vmor vm5, vm0  }
0x3a7: {  	v21 =	vsel vm0, v23, v21;
	v22 =	vsel vm0, v63, v22  }
0x3a8: {  	v23 =	vperm.xlane v21, v18;
	v24 =	vperm.xlane v22, v18;
	_ =	sdelay $0x1  }
0x3a9: {  	vm6 =	veq.f32 v23, v21;
	vm7 =	vlt.s32 v24, v22  }
0x3aa: {  	vm8 =	vgt.f32 v23, v21;
	vm0 =	vmand vm6, vm7  }
0x3ab: {  	vm0 =	vmor vm8, vm0  }
0x3ac: {  	v21 =	vsel vm0, v23, v21;
	v22 =	vsel vm0, v24, v22  }
0x3ad: {  	v23 =	vperm.xlane v21, v19;
	v24 =	vperm.xlane v22, v19;
	_ =	sdelay $0x1  }
0x3ae: {  	vm9 =	veq.f32 v23, v21;
	vm10 =	vlt.s32 v24, v22  }
0x3af: {  	vm11 =	vgt.f32 v23, v21;
	vm0 =	vmand vm9, vm10  }
0x3b0: {  	vm0 =	vmor vm11, vm0  }
0x3b1: {  	v21 =	vsel vm0, v23, v21;
	v22 =	vsel vm0, v24, v22  }
0x3b2: {  	v23 =	vperm.xlane v21, v20;
	v24 =	vperm.xlane v22, v20;
	_ =	sdelay $0x1  }
0x3b3: {  	vm12 =	veq.f32 v23, v21;
	vm13 =	vlt.s32 v24, v22  }
0x3b4: {  	vm14 =	vgt.f32 v23, v21;
	vm0 =	vmand vm12, vm13  }
0x3b5: {  	vm0 =	vmor vm14, vm0  }
0x3b6: {  	v21 =	vsel vm0, v23, v21  }
0x3b7: {  	v22 =	vsel vm0, v24, v22;
	(v2sf) =	vpush v21, $0x0  }
0x3b8: {  	(v2sf) =	vpush v22, $0x0;
	_ =	sdelay $0xd  }
0x3b9: {  	s13 =	spop (v2sf)  }
0x3ba: {  	s26 =	spop (v2sf)  }
0x3bb: {  	s28 =	sand.u32 $0xF, s26  }
0x3bc: {  	s29 =	sshra.s32 s26, $0x1F;
	p5 =	slt.s32 s26, $0x1;
	p6 =	sne.s32 s28, $0x0  }
0x3bd: {  	s30 =	sshrl.u32 s29, $0x1C;
	p0 =	por !p5, !p6  }
0x3be: {  	s16 =	simm.s32 $0x1;
	s15 =	sadd.s32 s30, s26;
	p0 =	por !p0, !p0  }
0x3bf: {  	s15 =	sshrl.u32 s15, $0x4;
	s16 =	simm.s32 @!p0 $0x0  }
0x3c0: {  	s15 =	ssub.s32 s15, s16  }
0x3c1: {  	s15 =	sshll.u32 s15, $0x4  }
0x3c2: {  	s31 =	ssub.s32 s26, s15  }
0x3c3: {  	v21 =	vmov s31  }
0x3c4: {  	vm15 =	veq.s32 v21, v0  }
0x3c5: {  	v21 =	vsel vm15, $0x3F800000, v1  }
0x3c6: {  	[tilespmem:s15+$0x11000] =	vst.add.f32.msk $0xffff, v21  }
0x3c7: {  	v21 =	vld [tilespmem:$0xF00];
	_ =	sdelay $0x1  }
0x3c8: {  	p0 =	sgt.f32 s13, $8.999999760e-01;
	_ =	sdelay $0x1  }
0x3c9: {  	s13 =	simm.s32 @!p0 $0x0  }
0x3ca: {  	s14 =	sshll.u32 s26, $0xA;
	v21 =	vmul.f32 s13, v21  }
0x3cb: {  	s14 =	sshra.s32 s14, $0x2  }
0x3cc: {  	[tilespmem:s14+$0x1000] =	vst.add.f32.msk $0xffff, v21  }
0x3cd: {  	v21 =	vld [tilespmem:$0xF10];
	_ =	sdelay $0x4  }
0x3ce: {  	v21 =	vmul.f32 s13, v21;
	_ =	sdelay $0x1  }
0x3cf: {  	[tilespmem:s14+$0x1010] =	vst.add.f32.msk $0xffff, v21  }
0x3d0: {  	v21 =	vld [tilespmem:$0xF20];
	_ =	sdelay $0x4  }
0x3d1: {  	v21 =	vmul.f32 s13, v21;
	_ =	sdelay $0x1  }
0x3d2: {  	[tilespmem:s14+$0x1020] =	vst.add.f32.msk $0xffff, v21  }
0x3d3: {  	v21 =	vld [tilespmem:$0xF30];
	_ =	sdelay $0x4  }
0x3d4: {  	v21 =	vmul.f32 s13, v21;
	_ =	sdelay $0x1  }
0x3d5: {  	[tilespmem:s14+$0x1030] =	vst.add.f32.msk $0xffff, v21  }
0x3d6: {  	v21 =	vld [tilespmem:$0xF40];
	_ =	sdelay $0x4  }
0x3d7: {  	v21 =	vmul.f32 s13, v21;
	_ =	sdelay $0x1  }
0x3d8: {  	[tilespmem:s14+$0x1040] =	vst.add.f32.msk $0xffff, v21  }
0x3d9: {  	v21 =	vld [tilespmem:$0xF50];
	_ =	sdelay $0x4  }
0x3da: {  	v21 =	vmul.f32 s13, v21;
	_ =	sdelay $0x1  }
0x3db: {  	[tilespmem:s14+$0x1050] =	vst.add.f32.msk $0xffff, v21  }
0x3dc: {  	v21 =	vld [tilespmem:$0xF60];
	_ =	sdelay $0x4  }
0x3dd: {  	v21 =	vmul.f32 s13, v21;
	_ =	sdelay $0x1  }
0x3de: {  	[tilespmem:s14+$0x1060] =	vst.add.f32.msk $0xffff, v21  }
0x3df: {  	v21 =	vld [tilespmem:$0xF70];
	_ =	sdelay $0x4  }
0x3e0: {  	v21 =	vmul.f32 s13, v21;
	_ =	sdelay $0x1  }
0x3e1: {  	[tilespmem:s14+$0x1070] =	vst.add.f32.msk $0xffff, v21  }
0x3e2: {  	v21 =	vld [tilespmem:$0xF80];
	_ =	sdelay $0x4  }
0x3e3: {  	v21 =	vmul.f32 s13, v21;
	_ =	sdelay $0x1  }
0x3e4: {  	[tilespmem:s14+$0x1080] =	vst.add.f32.msk $0xffff, v21  }
0x3e5: {  	v21 =	vld [tilespmem:$0xF90];
	_ =	sdelay $0x4  }
0x3e6: {  	v21 =	vmul.f32 s13, v21;
	_ =	sdelay $0x1  }
0x3e7: {  	[tilespmem:s14+$0x1090] =	vst.add.f32.msk $0xffff, v21  }
0x3e8: {  	v21 =	vld [tilespmem:$0xFA0];
	_ =	sdelay $0x4  }
0x3e9: {  	v21 =	vmul.f32 s13, v21;
	_ =	sdelay $0x1  }
0x3ea: {  	[tilespmem:s14+$0x10A0] =	vst.add.f32.msk $0xffff, v21  }
0x3eb: {  	v21 =	vld [tilespmem:$0xFB0];
	_ =	sdelay $0x4  }
0x3ec: {  	v21 =	vmul.f32 s13, v21;
	_ =	sdelay $0x1  }
0x3ed: {  	[tilespmem:s14+$0x10B0] =	vst.add.f32.msk $0xffff, v21  }
0x3ee: {  	v21 =	vld [tilespmem:$0xFC0];
	_ =	sdelay $0x4  }
0x3ef: {  	v21 =	vmul.f32 s13, v21;
	_ =	sdelay $0x1  }
0x3f0: {  	[tilespmem:s14+$0x10C0] =	vst.add.f32.msk $0xffff, v21  }
0x3f1: {  	v21 =	vld [tilespmem:$0xFD0];
	_ =	sdelay $0x4  }
0x3f2: {  	v21 =	vmul.f32 s13, v21;
	_ =	sdelay $0x1  }
0x3f3: {  	[tilespmem:s14+$0x10D0] =	vst.add.f32.msk $0xffff, v21  }
0x3f4: {  	v21 =	vld [tilespmem:$0xFE0];
	_ =	sdelay $0x4  }
0x3f5: {  	v21 =	vmul.f32 s13, v21;
	_ =	sdelay $0x1  }
0x3f6: {  	[tilespmem:s14+$0x10E0] =	vst.add.f32.msk $0xffff, v21  }
0x3f7: {  	v21 =	vld [tilespmem:$0xFF0];
	_ =	sdelay $0x1  }
0x3f8: {  	p0 =	sne.s32 s12, $0x4E100  }
.Ltmp1:
0x3f9: {  	_ = 	snop;
	(pc) =	sbr.rel @p0 .LBB2_4-.Ltmp1, $3  }
0x3fa: {  	_ = 	snop  }
0x3fb: {  	v21 =	vmul.f32 s13, v21;
	_ =	sdelay $0x1  }
0x3fc: {  	s12 =	sadd.s32 $0x100, s12;
	[tilespmem:s14+$0x10F0] =	vst.add.f32.msk $0xffff, v21  }
0x3fd: {  	[hbm4b:s3+s7] =	stream.strided.scatter [tilespmem:s9], [sflag:$0x1], $0x10000, s8, s7, $0x38;
	[tilespmem:$0x11100] =	vst v63  }
0x3fe: {  	s11 =	sadd.s32 $0x1, s11;
	_ =	swait.ge [sflag:s6], $0x10000  }
0x3ff: {  	p0 =	sne.s32 s11, s5;
	[sflag:s6] =	ssyncset.done $0x0  }
.Ltmp2:
0x400: {  	[sflag:s6] =	ssyncadd.s32 $0xFFFF0000;
	(pc) =	sbr.rel @p0 .LBB2_1-.Ltmp2, $4  }
0x401: {  	[hbm4b:s4+s7] =	stream.strided.scatter [tilespmem:s10], [sflag:$0x1], $0x100, s8, s7, $0x38;
	[tilespmem:$0x11100] =	vst v63  }
0x402: {  	_ =	swait.ge [sflag:s6], $0x100  }
0x403: {  	[sflag:s6] =	ssyncset.done $0x0  }
0x404: {  	[sflag:s6] =	ssyncadd.s32 $0xFFFFFF00  }
0x405: {  	_ =	sfence.sel $0x180000  }
0x406: {  	[bflag:$0x0] =	sbarrier.arrive $0xFFFF  }
0x407: {  	p0 =	sne.s32 s2, $0x0;
	_ =	strace $0x90000053  }
0x408: {  	s0 =	sadd.s32 @!p0 $0x100000, s0;
	[bflag:$0x2] =	sbarrier.arrive $0xFFFF  }
0x409: {  	[sflag:s0] =	ssyncadd.tile.s32 @!p0 $0x1;
	_ =	shalt  }
.Lfunc_end2:
_tile_overlayer_lowered:
.L_overlay_start_2:
0x40a: {  	(tag) =	ssettag $0x2  }
0x40b: {  	s0 =	rddreg [dreg:$0x0];
	s2 =	stileid.u32  }
0x40c: {  	s1 =	rddreg [dreg:$0x1];
	p0 =	sne.s32 s2, $0x0  }
0x40d: {  	s3 =	rddreg [dreg:$0x2];
	[bflag:$0x3] =	sbarrier.arrive $0xFFFF;
	s2 =	simm.s32 @!p0 $0x1C01  }
0x40e: {  	[timem:s3], [sflag:s2] =	dma.local @!p0 [hbm:s0], s1  }
0x40f: {  	s0 =	simm.s32 @!p0 $0x1  }
0x410: {  	_ =	swait.ge @!p0 [sflag:s0], s1  }
0x411: {  	s1 =	ssub.s32 @!p0 $0x0, s1;
	[sflag:s0] =	ssyncset.done @!p0 $0x0  }
0x412: {  	[sflag:s0] =	ssyncadd.s32 @!p0 s1  }
0x413: {  	[bflag:$0x3] =	sbarrier.arrive $0xFFFF  }
0x414: {  	_ =	shalt  }

// kernel: sparse-core-data-format-call.1.cloned.1.call-start
scs
called_computation.1_lowered:
.L_overlay_start_0:
0x0: {  	s2 =	sld [smem:$0x3FD9]  }
0x1: {  	s3 =	sld [smem:$0x3FFE];
	_ =	sdelay $0x1  }
0x2: {  	s1 =	srdreg.scid  }
0x3: {  	s0 =	sand.u32 $0x1, s1  }
0x4: {  	s18 =	sshll.u32 s0, $0xA;
	s2 =	sadd.s32 s3, s2  }
0x5: {  	s2 =	sadd.s32 s2, s18  }
0x6: {  	[smem:$0x3FC2] =	sst s2  }
0x7: {  	_ = 	snop  }
0x8: {  	s2 =	sld [smem:$0x3FC9];
	(tm) =	ssettm $0x1  }
0x9: {  	s19 =	sld [smem:$0x3FFB];
	_ =	sdelay $0x3  }
0xa: {  	_ =	strace s19  }
0xb: {  	s3 =	sld [smem:$0x3FFC];
	_ =	sdelay $0x3  }
0xc: {  	_ =	strace s3  }
0xd: {  	s3 =	sld [smem:$0x3FFD];
	_ =	sdelay $0x3  }
0xe: {  	_ =	strace s3  }
0xf: {  	_ =	strace $0x8FFFFFFF  }
0x10: {  	s20 =	sld [smem:$0x3FDB];
	_ =	sdelay $0x1  }
0x11: {  	s4 =	simm.s32 $_scs_section_size  }
0x12: {  	s5 =	simm.s32 $_size__tile_overlayer_lowered;
	s6 =	simm.s32 $_tile_overlayer_lowered  }
0x13: {  	s23 =	simm.s32 $0x1BFF;
	s22 =	sshll.u32 s6, $0x1;
	s3 =	sadd.s32 s4, s20  }
0x14: {  	s7 =	simm.s32 $0x0;
	s21 =	sshll.u32 s5, $0x1;
	s5 =	sadd.s32 s22, s3  }
0x15: {  	[timem:s7], [sflag:s23] =	dma.local [hbm:s5], s21  }
0x16: {  	_ =	swait.ge [sflag:s23], s21  }
0x17: {  	s4 =	ssub.s32 $0x0, s21;
	[sflag:s23] =	ssyncset.done $0x0  }
0x18: {  	[sflag:s23] =	ssyncadd.s32 s4;
	_ =	sdelay $0x1  }
0x19: {  	s24 =	simm.s32 $0x1B8B  }
0x1a: {  	_ =	swait.ge [sflag:s24], $0x1  }
0x1b: {  	[sflag:s24] =	ssyncset.done $0x0  }
0x1c: {  	s26 =	simm.s32 $0x1B8E;
	s25 =	sld [smem:$0x3FFE];
	[sflag:s24] =	ssyncadd.s32 $0xFFFFFFFF  }
0x1d: {  	s27 =	simm.s32 $execute0_lowered;
	[smem:$0x3FD2] =	sst s26  }
0x1e: {  	s5 =	sshll.u32 s27, $0x1;
	_ =	strace $0x80000046;
	[dreg:$0x1] =	wrdreg $0xFFFFFFFF  }
0x1f: {  	s28 =	simm.s32 $_size_execute0_lowered;
	s3 =	sadd.s32 s3, s5;
	[dreg:$0x0] =	wrdreg $0x0  }
0x20: {  	s5 =	sshll.u32 s28, $0x1;
	[dreg:$0x2] =	wrdreg s3  }
0x21: {  	[dreg:$0x3] =	wrdreg s5  }
0x22: {  	[dreg:$0x4] =	wrdreg $0xC0  }
0x23: {  	_ =	task [dreg:s7], $0x5FFFF  }
0x24: {  	[dreg:$0x1] =	wrdreg $0xFFFFFFFF  }
0x25: {  	[dreg:$0x0] =	wrdreg $0x60  }
0x26: {  	[dreg:$0x2] =	wrdreg s2  }
0x27: {  	[dreg:$0x3] =	wrdreg s25  }
0x28: {  	[dreg:$0x4] =	wrdreg $0xA  }
0x29: {  	_ =	task.clear_ibuf [dreg:s7], $0x5FFFF;
	_ =	strace $0x90000046  }
0x2a: {  	s29 =	simm.s32 $0xA;
	_ =	strace $0x80000048  }
0x2b: {  	_ =	swait.ge [sflag:s29], $0x1  }
0x2c: {  	[sflag:s29] =	ssyncadd.s32 $0xFFFFFFFF  }
0x2d: {  	_ =	strace $0x90000048  }
0x2e: {  	_ =	sfence  }
0x2f: {  	s30 =	sld [smem:$0x0];
	_ =	sdelay $0x2  }
0x30: {  	s31 =	sshll.u32 s1, $0xD;
	s1 =	sshrl.u32 s1, $0x2  }
0x31: {  	s3 =	sand.u32 $0x4000, s31;
	s1 =	sadd.s32 s1, s30  }
0x32: {  	s0 =	sor.u32 s3, s0;
	s1 =	sshll.u32 s1, $0x11  }
0x33: {  	s0 =	sor.u32 s1, s0  }
0x34: {  	s0 =	sadd.s32 $0x8F2B, s0  }
0x35: {  	[sflag:s0] =	ssyncadd.remote.s32 $0x1  }
0x36: {  	_ =	sfence.sel $0xFFFF  }
0x37: {  	[dreg:$0x0] =	wrdreg $0xFFFFFFFF;
	(pc) =	sbr.abs _section_cstart, $3  }
0x38: {  	[dreg:$0x1] =	wrdreg $0xFFFFFFFF  }
0x39: {  	_ =	task.clear_ibuf [dreg:s7], $0x2FFFF;
	_ =	strace $0x9FFFFFFF  }
0x3a: {  	(tm) =	ssettm $0x7FFFFFFF  }
0x3b: {  	_ =	shalt  }
tec
execute0_lowered:
.L_overlay_start_1:
0x0: {  	(tag) =	ssettag $0x1  }
0x1: {  	s0 =	srdreg.scid  }
0x2: {  	s1 =	sshll.u32 s0, $0x4  }
0x3: {  	s2 =	rddreg [dreg:$0x0];
	s0 =	stileid.u32;
	s1 =	sand.u32 $0x10, s1  }
0x4: {  	s4 =	rddreg [dreg:$0x1];
	s7 =	simm.s32 $0x1;
	s1 =	sor.u32 s0, s1  }
0x5: {  	s8 =	simm.s32 $0x2;
	s9 =	simm.s32 $0x0;
	s3 =	sshll.u32 s1, $0x3  }
0x6: {  	s12 =	simm.s32 $0x0;
	s11 =	simm.s32 $0x0;
	s6 =	ssub.s32 $0x4E20, s3  }
.Ltmp0:
0x7: {  	s4 =	sadd.s32 $0x1C00, s4;
	s5 =	sand.u32 $0xF8, s6;
	(pc) =	sbr.rel .LBB1_1-.Ltmp0, $4  }
0x8: {  	s1 =	rddreg [dreg:$0x2];
	_ =	strace $0x80000047;
	p0 =	sne.s32 s5, $0x0  }
0x9: {  	s6 =	sshrl.u32 s6, $0x8;
	s5 =	simm.s32 $0x1;
	s7 =	simm.s32 @!p0 $0x0  }
0xa: {  	s10 =	smov.u32 s3;
	[sflag:s5] =	ssyncpa.u1 $0x0;
	s6 =	sadd.s32 s7, s6  }
0xb: {  	[sflag:s8] =	ssyncpa.u1 $0x0;
	s8 =	simm.s32 $0x0;
	s7 =	sadd.s32 $0x1, s6  }
.LBB1_9:
0xc: {  	s14 =	sadd.s32 $0x100, s10  }
0xd: {  	p1 =	sgt.s32 s14, $0x4E1F  }
0xe: {  	s14 =	smov.u32 @p1 s3;
	p1 =	sne.s32 s11, s7  }
.Ltmp1:
0xf: {  	p0 =	slt.u32 s11, $0x2;
	(pc) =	sbr.rel @!p1 .LBB1_10-.Ltmp1, $4  }
0x10: {  	s13 =	simm.s32 @!p0 $0x2  }
0x11: {  	s15 =	sadd.s32 $0x1, s11;
	_ =	swait.ge @!p0 [sflag:s13], $0x4000  }
0x12: {  	s12 =	smov.u32 s10;
	s9 =	sadd.s32 $0x4000, s9;
	[sflag:s13] =	ssyncset.done @!p0 $0x0  }
0x13: {  	s11 =	smov.u32 s15;
	s10 =	smov.u32 s14;
	[sflag:s13] =	ssyncadd.s32 @!p0 $0xFFFFC000  }
.LBB1_1:
0x14: {  	p0 =	sge.u32 s11, s6  }
0x15: {  	s13 =	sxor.u32 @!p0 $0xFFFFFFFF, s11  }
0x16: {  	s31 =	sadd.s32 $0xFFFFFFFF, s11;
	s14 =	sshll.u32 @!p0 s10, $0x8;
	s13 =	sshll.u32 @!p0 s13, $0xE  }
0x17: {  	s15 =	simm.s32 @!p0 $0x0;
	s14 =	sadd.s32 @!p0 s2, s14;
	s13 =	sand.u32 @!p0 $0x4000, s13  }
0x18: {  	[tilespmem:s13], [sflag:$0x1] =	stream.linear.gather @!p0 [hbm4b:s14+s15], $0x4000, $0x38;
	[tilespmem:$0x10000] =	vst v63  }
0x19: {  	p0 =	sge.u32 s31, s6  }
.Ltmp2:
0x1a: {  	_ = 	snop;
	(pc) =	sbr.rel @p0 .LBB1_9-.Ltmp2, $1  }
0x1b: {  	_ =	sdelay $0x3  }
0x1c: {  	s13 =	sshll.u32 s9, $0x2;
	_ =	swait.ge [sflag:s5], $0x4000;
	s14 =	sshll.u32 s11, $0xE  }
0x1d: {  	s16 =	simm.s32 $0x0;
	s17 =	simm.s32 $0x0;
	s15 =	sand.u32 $0x10000, s13  }
0x1e: {  	[sflag:s5] =	ssyncset.done $0x0;
	s31 =	sand.u32 $0x4000, s14;
	s14 =	sshrl.u32 s15, $0x2  }
0x1f: {  	[sflag:s5] =	ssyncadd.s32 $0xFFFFC000;
	s13 =	sor.u32 $0x8000, s31;
	s15 =	sor.u32 $0x8000, s14  }
.LBB1_3:
0x20: {  	s18 =	sshra.s32 s16, $0x2  }
0x21: {  	v0 =	vmov s18;
	_ =	sdelay $0x3  }
0x22: {  	p1 =	por $0x1, $0x1;
	s18 =	simm.s32 $0x0  }
.LBB1_4:
0x23: {  	_ = 	snop  }
0x24: {  	s19 =	sshll.u32 s18, $0xA  }
0x25: {  	s19 =	sand.u32 $0x3FFFFC00, s19  }
0x26: {  	s19 =	sadd.s32 s19, s14  }
0x27: {  	v5 =	vld.idx.msk [tilespmem:v0+s19+$0x70 ss:$0x1], $0xffff  }
0x28: {  	v6 =	vld.idx.msk [tilespmem:v0+s19+$0x10 ss:$0x1], $0xffff  }
0x29: {  	v7 =	vld.idx.msk [tilespmem:v0+s19+$0x20 ss:$0x1], $0xffff  }
0x2a: {  	s31 =	sshll.u32 s18, $0x7;
	v1 =	vld.idx.msk [tilespmem:v0+s19+$0x30 ss:$0x1], $0xffff  }
0x2b: {  	s18 =	sand.u32 $0x3FFFFF80, s31;
	v2 =	vld.idx.msk [tilespmem:v0+s19+$0x40 ss:$0x1], $0xffff  }
0x2c: {  	s18 =	sadd.s32 s18, s15;
	v3 =	vld.idx.msk [tilespmem:v0+s19+$0x50 ss:$0x1], $0xffff  }
0x2d: {  	v4 =	vld.idx.msk [tilespmem:v0+s19+$0x60 ss:$0x1], $0xffff;
	[tilespmem:v0+s18+$0x70 ss:$0x1] =	vst.idx.msk $0xffff, v5  }
0x2e: {  	v5 =	vld.idx.msk [tilespmem:v0+s19+$0x0 ss:$0x1], $0xffff;
	[tilespmem:v0+s18+$0x10 ss:$0x1] =	vst.idx.msk $0xffff, v6;
	s19 =	sadd.s32 $0x80, s19  }
0x2f: {  	p0 =	por p1, p1;
	s20 =	simm.s32 $0x6;
	[tilespmem:v0+s18+$0x20 ss:$0x1] =	vst.idx.msk $0xffff, v7;
	v6 =	vld.idx.msk [tilespmem:v0+s19+$0x70 ss:$0x1], $0xffff  }
.LBB1_5:
0x30: {  	p1 =	sne.s32 s20, $0x1;
	v7 =	vld.idx.msk [tilespmem:v0+s19+$0x10 ss:$0x1], $0xffff;
	[tilespmem:v0+s18+$0x30 ss:$0x1] =	vst.idx.msk $0xffff, v1  }
0x31: {  	v8 =	vld.idx.msk [tilespmem:v0+s19+$0x20 ss:$0x1], $0xffff;
	[tilespmem:v0+s18+$0x40 ss:$0x1] =	vst.idx.msk $0xffff, v2  }
0x32: {  	v1 =	vld.idx.msk [tilespmem:v0+s19+$0x30 ss:$0x1], $0xffff;
	[tilespmem:v0+s18+$0x50 ss:$0x1] =	vst.idx.msk $0xffff, v3  }
.Ltmp3:
0x33: {  	v2 =	vld.idx.msk [tilespmem:v0+s19+$0x40 ss:$0x1], $0xffff;
	[tilespmem:v0+s18+$0x60 ss:$0x1] =	vst.idx.msk $0xffff, v4;
	(pc) =	sbr.rel @p1 .LBB1_5-.Ltmp3, $4  }
0x34: {  	v3 =	vld.idx.msk [tilespmem:v0+s19+$0x50 ss:$0x1], $0xffff;
	[tilespmem:v0+s18+$0x0 ss:$0x1] =	vst.idx.msk $0xffff, v5;
	s18 =	sadd.s32 $0x100, s18  }
0x35: {  	v4 =	vld.idx.msk [tilespmem:v0+s19+$0x60 ss:$0x1], $0xffff;
	[tilespmem:v0+s18+$0x70 ss:$0x1] =	vst.idx.msk $0xffff, v6  }
0x36: {  	v5 =	vld.idx.msk [tilespmem:v0+s19+$0x0 ss:$0x1], $0xffff;
	[tilespmem:v0+s18+$0x10 ss:$0x1] =	vst.idx.msk $0xffff, v7;
	s19 =	sadd.s32 $0x80, s19  }
0x37: {  	s20 =	sadd.s32 $0xFFFFFFFF, s20;
	v6 =	vld.idx.msk [tilespmem:v0+s19+$0x70 ss:$0x1], $0xffff;
	[tilespmem:v0+s18+$0x20 ss:$0x1] =	vst.idx.msk $0xffff, v8  }
0x38: {  	_ =	sdelay $0x3  }
0x39: {  	[tilespmem:v0+s18+$0x30 ss:$0x1] =	vst.idx.msk $0xffff, v1  }
0x3a: {  	v1 =	vld.idx.msk [tilespmem:v0+s19+$0x10 ss:$0x1], $0xffff;
	[tilespmem:v0+s18+$0x40 ss:$0x1] =	vst.idx.msk $0xffff, v2  }
0x3b: {  	v2 =	vld.idx.msk [tilespmem:v0+s19+$0x20 ss:$0x1], $0xffff;
	[tilespmem:v0+s18+$0x50 ss:$0x1] =	vst.idx.msk $0xffff, v3  }
0x3c: {  	v61 =	vld.idx.msk [tilespmem:v0+s19+$0x40 ss:$0x1], $0xffff;
	[tilespmem:v0+s18+$0x60 ss:$0x1] =	vst.idx.msk $0xffff, v4  }
0x3d: {  	s31 =	sadd.s32 $0x100, s18;
	v62 =	vld.idx.msk [tilespmem:v0+s19+$0x50 ss:$0x1], $0xffff;
	[tilespmem:v0+s18+$0x0 ss:$0x1] =	vst.idx.msk $0xffff, v5  }
0x3e: {  	v63 =	vld.idx.msk [tilespmem:v0+s19+$0x60 ss:$0x1], $0xffff;
	[tilespmem:v0+s31+$0x70 ss:$0x1] =	vst.idx.msk $0xffff, v6  }
0x3f: {  	v3 =	vld.idx.msk [tilespmem:v0+s19+$0x30 ss:$0x1], $0xffff;
	[tilespmem:v0+s31+$0x10 ss:$0x1] =	vst.idx.msk $0xffff, v1  }
0x40: {  	v1 =	vld.idx.msk [tilespmem:v0+s19+$0x0 ss:$0x1], $0xffff;
	[tilespmem:v0+s31+$0x20 ss:$0x1] =	vst.idx.msk $0xffff, v2  }
.Ltmp4:
0x41: {  	[tilespmem:v0+s31+$0x40 ss:$0x1] =	vst.idx.msk $0xffff, v61;
	(pc) =	sbr.rel @p0 .LBB1_4-.Ltmp4, $4  }
0x42: {  	[tilespmem:v0+s31+$0x50 ss:$0x1] =	vst.idx.msk $0xffff, v62  }
0x43: {  	[tilespmem:v0+s31+$0x60 ss:$0x1] =	vst.idx.msk $0xffff, v63  }
0x44: {  	[tilespmem:v0+s31+$0x30 ss:$0x1] =	vst.idx.msk $0xffff, v3  }
0x45: {  	p1 =	por $0x0, $0x0;
	s18 =	simm.s32 $0x1;
	[tilespmem:v0+s31+$0x0 ss:$0x1] =	vst.idx.msk $0xffff, v1  }
0x46: {  	s17 =	sadd.s32 $0x1, s17  }
0x47: {  	p0 =	sne.s32 s17, $0x8  }
.Ltmp5:
0x48: {  	_ = 	snop;
	(pc) =	sbr.rel @p0 .LBB1_3-.Ltmp5, $2  }
0x49: {  	_ =	sdelay $0x2  }
0x4a: {  	s16 =	sadd.s32 $0x2000, s16  }
.Ltmp6:
0x4b: {  	(pc) =	sbr.rel .LBB1_9-.Ltmp6, $4  }
0x4c: {  	_ = 	snop  }
0x4d: {  	s12 =	sshll.u32 s12, $0x8  }
0x4e: {  	s12 =	sadd.s32 s4, s12  }
0x4f: {  	[hbm4b:s12+s8] =	stream.linear.scatter [tilespmem:s13], [sflag:$0x2], $0x4000, $0x38;
	[tilespmem:$0x10000] =	vst v63  }
.LBB1_10:
0x50: {  	_ =	sfence.sel $0x180000  }
0x51: {  	s2 =	simm.s32 $0x1;
	[bflag:$0x0] =	sbarrier.arrive $0xFFFF  }
0x52: {  	s31 =	simm.s32 $0x2;
	[sflag:s2] =	ssyncpa.u1 $0x1  }
0x53: {  	[sflag:s31] =	ssyncpa.u1 $0x1  }
0x54: {  	p0 =	sne.s32 s0, $0x0;
	_ =	strace $0x90000047  }
0x55: {  	s0 =	sadd.s32 @!p0 $0x100000, s1;
	[bflag:$0x2] =	sbarrier.arrive $0xFFFF  }
0x56: {  	[sflag:s0] =	ssyncadd.tile.s32 @!p0 $0x1;
	_ =	shalt  }
.Lfunc_end1:
_tile_overlayer_lowered:
.L_overlay_start_2:
0x57: {  	(tag) =	ssettag $0x2  }
0x58: {  	s0 =	rddreg [dreg:$0x0];
	s2 =	stileid.u32  }
0x59: {  	s1 =	rddreg [dreg:$0x1];
	p0 =	sne.s32 s2, $0x0  }
0x5a: {  	s3 =	rddreg [dreg:$0x2];
	[bflag:$0x3] =	sbarrier.arrive $0xFFFF;
	s2 =	simm.s32 @!p0 $0x1C01  }
0x5b: {  	[timem:s3], [sflag:s2] =	dma.local @!p0 [hbm:s0], s1  }
0x5c: {  	s0 =	simm.s32 @!p0 $0x1  }
0x5d: {  	_ =	swait.ge @!p0 [sflag:s0], s1  }
0x5e: {  	s1 =	ssub.s32 @!p0 $0x0, s1;
	[sflag:s0] =	ssyncset.done @!p0 $0x0  }
0x5f: {  	[sflag:s0] =	ssyncadd.s32 @!p0 s1  }
0x60: {  	[bflag:$0x3] =	sbarrier.arrive $0xFFFF  }
0x61: {  	_ =	shalt  }

// kernel: sparse-core-data-format-call.2.cloned.1.call-start
scs
called_computation.2_lowered:
.L_overlay_start_0:
0x0: {  	s2 =	sld [smem:$0x3FD9]  }
0x1: {  	s3 =	sld [smem:$0x3FFE];
	_ =	sdelay $0x1  }
0x2: {  	s1 =	srdreg.scid  }
0x3: {  	s0 =	sand.u32 $0x1, s1  }
0x4: {  	s18 =	sshll.u32 s0, $0xA;
	s2 =	sadd.s32 s3, s2  }
0x5: {  	s2 =	sadd.s32 s2, s18  }
0x6: {  	[smem:$0x3FC2] =	sst s2  }
0x7: {  	_ = 	snop  }
0x8: {  	s19 =	sld [smem:$0x3FC6];
	(tm) =	ssettm $0x1  }
0x9: {  	s20 =	sld [smem:$0x3FFB];
	_ =	sdelay $0x3  }
0xa: {  	_ =	strace s20  }
0xb: {  	s2 =	sld [smem:$0x3FFC];
	_ =	sdelay $0x3  }
0xc: {  	_ =	strace s2  }
0xd: {  	s2 =	sld [smem:$0x3FFD];
	_ =	sdelay $0x3  }
0xe: {  	_ =	strace s2  }
0xf: {  	_ =	strace $0x8FFFFFFF  }
0x10: {  	s21 =	sld [smem:$0x3FDB];
	_ =	sdelay $0x1  }
0x11: {  	s4 =	simm.s32 $_scs_section_size  }
0x12: {  	s5 =	simm.s32 $_size__tile_overlayer_lowered;
	s6 =	simm.s32 $_tile_overlayer_lowered  }
0x13: {  	s7 =	simm.s32 $0x1BFF;
	s22 =	sshll.u32 s6, $0x1;
	s4 =	sadd.s32 s4, s21  }
0x14: {  	s23 =	simm.s32 $0x0;
	s5 =	sshll.u32 s5, $0x1;
	s6 =	sadd.s32 s22, s4  }
0x15: {  	[timem:s23], [sflag:s7] =	dma.local [hbm:s6], s5  }
0x16: {  	_ =	swait.ge [sflag:s7], s5  }
0x17: {  	s5 =	ssub.s32 $0x0, s5;
	[sflag:s7] =	ssyncset.done $0x0  }
0x18: {  	[sflag:s7] =	ssyncadd.s32 s5;
	_ =	sdelay $0x1  }
0x19: {  	s24 =	simm.s32 $0x1B8B  }
0x1a: {  	_ =	swait.ge [sflag:s24], $0x1  }
0x1b: {  	[sflag:s24] =	ssyncset.done $0x0  }
0x1c: {  	[sflag:s24] =	ssyncadd.s32 $0xFFFFFFFF  }
0x1d: {  	s5 =	sld [smem:$0x0]  }
0x1e: {  	s6 =	sand.u32 $0xFFFFFFFE, s1  }
0x1f: {  	p0 =	sne.s32 s1, s6  }
0x20: {  	s6 =	sshll.u32 @p0 s6, $0xE  }
0x21: {  	s6 =	sadd.s32 @p0 $0x11B8D, s6;
	s7 =	sshll.u32 @p0 s5, $0x11  }
0x22: {  	s6 =	sor.u32 @p0 s7, s6  }
0x23: {  	[sflag:s6] =	ssyncadd.remote.s32 @p0 $0x1;
	_ =	sdelay $0x1  }
0x24: {  	s6 =	simm.s32 @p0 $0x1B8D  }
0x25: {  	_ =	swait.eq @p0 [sflag:s6], $0x1  }
0x26: {  	[sflag:s6] =	ssyncadd.s32 @p0 $0xFFFFFFFF  }
0x27: {  	s7 =	sshll.u32 @!p0 s1, $0xE  }
0x28: {  	s7 =	sor.u32 @!p0 $0x4000, s7;
	s6 =	simm.s32 @!p0 $0x1B8D  }
0x29: {  	s5 =	sshll.u32 @!p0 s5, $0x11;
	s7 =	sadd.s32 @!p0 $0x11B8D, s7;
	_ =	swait.eq @!p0 [sflag:s6], $0x1  }
0x2a: {  	s5 =	sor.u32 @!p0 s5, s7;
	[sflag:s6] =	ssyncadd.s32 @!p0 $0xFFFFFFFF  }
0x2b: {  	s26 =	simm.s32 $0x1B8E;
	s25 =	sld [smem:$0x3FFE];
	[sflag:s5] =	ssyncadd.remote.s32 @!p0 $0x1  }
0x2c: {  	s27 =	simm.s32 $execute0_lowered;
	[smem:$0x3FD2] =	sst s26  }
0x2d: {  	s6 =	sshll.u32 s27, $0x1;
	_ =	strace $0x8000004F;
	[dreg:$0x1] =	wrdreg $0xFFFFFFFF  }
0x2e: {  	s28 =	simm.s32 $_size_execute0_lowered;
	s4 =	sadd.s32 s4, s6;
	[dreg:$0x0] =	wrdreg $0x0  }
0x2f: {  	s6 =	sshll.u32 s28, $0x1;
	[dreg:$0x2] =	wrdreg s4  }
0x30: {  	[dreg:$0x3] =	wrdreg s6  }
0x31: {  	[dreg:$0x4] =	wrdreg $0xC0  }
0x32: {  	_ =	task [dreg:s23], $0x5FFFF  }
0x33: {  	[dreg:$0x1] =	wrdreg $0xFFFFFFFF  }
0x34: {  	[dreg:$0x0] =	wrdreg $0x60  }
0x35: {  	[dreg:$0x2] =	wrdreg s19  }
0x36: {  	[dreg:$0x3] =	wrdreg s25  }
0x37: {  	[dreg:$0x4] =	wrdreg $0xB  }
0x38: {  	_ =	task.clear_ibuf [dreg:s23], $0x5FFFF;
	_ =	strace $0x9000004F  }
0x39: {  	s29 =	simm.s32 $0xB;
	_ =	strace $0x80000051  }
0x3a: {  	_ =	swait.ge [sflag:s29], $0x1  }
0x3b: {  	[sflag:s29] =	ssyncadd.s32 $0xFFFFFFFF  }
0x3c: {  	_ =	strace $0x90000051  }
0x3d: {  	_ =	sfence  }
0x3e: {  	s30 =	sld [smem:$0x0];
	_ =	sdelay $0x2  }
0x3f: {  	s31 =	sshll.u32 s1, $0xD;
	s1 =	sshrl.u32 s1, $0x2  }
0x40: {  	s4 =	sand.u32 $0x4000, s31;
	s1 =	sadd.s32 s1, s30  }
0x41: {  	s0 =	sor.u32 s4, s0;
	s1 =	sshll.u32 s1, $0x11  }
0x42: {  	s0 =	sor.u32 s1, s0  }
0x43: {  	s0 =	sadd.s32 $0x8F2B, s0  }
0x44: {  	[sflag:s0] =	ssyncadd.remote.s32 $0x1  }
0x45: {  	_ =	sfence.sel $0xFFFF  }
0x46: {  	[dreg:$0x0] =	wrdreg $0xFFFFFFFF;
	(pc) =	sbr.abs _section_cstart, $3  }
0x47: {  	[dreg:$0x1] =	wrdreg $0xFFFFFFFF  }
0x48: {  	_ =	task.clear_ibuf [dreg:s23], $0x2FFFF;
	_ =	strace $0x9FFFFFFF  }
0x49: {  	(tm) =	ssettm $0x7FFFFFFF  }
tec
execute0_lowered:
.L_overlay_start_1:
0x0: {  	(tag) =	ssettag $0x1  }
0x1: {  	s0 =	srdreg.scid  }
0x2: {  	s1 =	sshll.u32 s0, $0x4  }
0x3: {  	s2 =	rddreg [dreg:$0x0];
	s0 =	stileid.u32;
	s1 =	sand.u32 $0x10, s1  }
0x4: {  	s4 =	rddreg [dreg:$0x1];
	s7 =	simm.s32 $0x1;
	s1 =	sor.u32 s0, s1  }
0x5: {  	s8 =	simm.s32 $0x2;
	s9 =	simm.s32 $0x0;
	s3 =	sshll.u32 s1, $0x3  }
0x6: {  	s12 =	simm.s32 $0x0;
	s11 =	simm.s32 $0x0;
	s6 =	ssub.s32 $0x4E20, s3  }
.Ltmp0:
0x7: {  	s4 =	sadd.s32 $0xEA7C00, s4;
	s5 =	sand.u32 $0xF8, s6;
	(pc) =	sbr.rel .LBB1_1-.Ltmp0, $4  }
0x8: {  	s1 =	rddreg [dreg:$0x2];
	_ =	strace $0x80000050;
	p0 =	sne.s32 s5, $0x0  }
0x9: {  	s6 =	sshrl.u32 s6, $0x8;
	s5 =	simm.s32 $0x1;
	s7 =	simm.s32 @!p0 $0x0  }
0xa: {  	s10 =	smov.u32 s3;
	[sflag:s5] =	ssyncpa.u1 $0x0;
	s6 =	sadd.s32 s7, s6  }
0xb: {  	[sflag:s8] =	ssyncpa.u1 $0x0;
	s8 =	simm.s32 $0x0;
	s7 =	sadd.s32 $0x1, s6  }
.LBB1_9:
0xc: {  	s14 =	sadd.s32 $0x100, s10  }
0xd: {  	p1 =	sgt.s32 s14, $0x4E1F  }
0xe: {  	s14 =	smov.u32 @p1 s3;
	p1 =	sne.s32 s11, s7  }
.Ltmp1:
0xf: {  	p0 =	slt.u32 s11, $0x2;
	(pc) =	sbr.rel @!p1 .LBB1_10-.Ltmp1, $4  }
0x10: {  	s13 =	simm.s32 @!p0 $0x2  }
0x11: {  	s15 =	sadd.s32 $0x1, s11;
	_ =	swait.ge @!p0 [sflag:s13], $0x4000  }
0x12: {  	s12 =	smov.u32 s10;
	s9 =	sadd.s32 $0x4000, s9;
	[sflag:s13] =	ssyncset.done @!p0 $0x0  }
0x13: {  	s11 =	smov.u32 s15;
	s10 =	smov.u32 s14;
	[sflag:s13] =	ssyncadd.s32 @!p0 $0xFFFFC000  }
.LBB1_1:
0x14: {  	p0 =	sge.u32 s11, s6  }
0x15: {  	s13 =	sxor.u32 @!p0 $0xFFFFFFFF, s11  }
0x16: {  	s31 =	sadd.s32 $0xFFFFFFFF, s11;
	s14 =	sshll.u32 @!p0 s10, $0x8;
	s13 =	sshll.u32 @!p0 s13, $0xE  }
0x17: {  	s15 =	simm.s32 @!p0 $0x0;
	s14 =	sadd.s32 @!p0 s2, s14;
	s13 =	sand.u32 @!p0 $0x4000, s13  }
0x18: {  	[tilespmem:s13], [sflag:$0x1] =	stream.linear.gather @!p0 [hbm4b:s14+s15], $0x4000, $0x38;
	[tilespmem:$0x10000] =	vst v63  }
0x19: {  	p0 =	sge.u32 s31, s6  }
.Ltmp2:
0x1a: {  	_ = 	snop;
	(pc) =	sbr.rel @p0 .LBB1_9-.Ltmp2, $1  }
0x1b: {  	_ =	sdelay $0x3  }
0x1c: {  	s13 =	sshll.u32 s9, $0x2;
	_ =	swait.ge [sflag:s5], $0x4000;
	s14 =	sshll.u32 s11, $0xE  }
0x1d: {  	s16 =	simm.s32 $0x0;
	s17 =	simm.s32 $0x0;
	s15 =	sand.u32 $0x10000, s13  }
0x1e: {  	[sflag:s5] =	ssyncset.done $0x0;
	s31 =	sand.u32 $0x4000, s14;
	s14 =	sshrl.u32 s15, $0x2  }
0x1f: {  	[sflag:s5] =	ssyncadd.s32 $0xFFFFC000;
	s13 =	sor.u32 $0x8000, s31;
	s15 =	sor.u32 $0x8000, s14  }
.LBB1_3:
0x20: {  	s18 =	sshra.s32 s16, $0x2  }
0x21: {  	v0 =	vmov s18;
	_ =	sdelay $0x3  }
0x22: {  	p1 =	por $0x1, $0x1;
	s18 =	simm.s32 $0x0  }
.LBB1_4:
0x23: {  	_ = 	snop  }
0x24: {  	s19 =	sshll.u32 s18, $0xA  }
0x25: {  	s19 =	sand.u32 $0x3FFFFC00, s19  }
0x26: {  	s19 =	sadd.s32 s19, s14  }
0x27: {  	v5 =	vld.idx.msk [tilespmem:v0+s19+$0x70 ss:$0x1], $0xffff  }
0x28: {  	v6 =	vld.idx.msk [tilespmem:v0+s19+$0x10 ss:$0x1], $0xffff  }
0x29: {  	v7 =	vld.idx.msk [tilespmem:v0+s19+$0x20 ss:$0x1], $0xffff  }
0x2a: {  	s31 =	sshll.u32 s18, $0x7;
	v1 =	vld.idx.msk [tilespmem:v0+s19+$0x30 ss:$0x1], $0xffff  }
0x2b: {  	s18 =	sand.u32 $0x3FFFFF80, s31;
	v2 =	vld.idx.msk [tilespmem:v0+s19+$0x40 ss:$0x1], $0xffff  }
0x2c: {  	s18 =	sadd.s32 s18, s15;
	v3 =	vld.idx.msk [tilespmem:v0+s19+$0x50 ss:$0x1], $0xffff  }
0x2d: {  	v4 =	vld.idx.msk [tilespmem:v0+s19+$0x60 ss:$0x1], $0xffff;
	[tilespmem:v0+s18+$0x70 ss:$0x1] =	vst.idx.msk $0xffff, v5  }
0x2e: {  	v5 =	vld.idx.msk [tilespmem:v0+s19+$0x0 ss:$0x1], $0xffff;
	[tilespmem:v0+s18+$0x10 ss:$0x1] =	vst.idx.msk $0xffff, v6;
	s19 =	sadd.s32 $0x80, s19  }
0x2f: {  	p0 =	por p1, p1;
	s20 =	simm.s32 $0x6;
	[tilespmem:v0+s18+$0x20 ss:$0x1] =	vst.idx.msk $0xffff, v7;
	v6 =	vld.idx.msk [tilespmem:v0+s19+$0x70 ss:$0x1], $0xffff  }
.LBB1_5:
0x30: {  	p1 =	sne.s32 s20, $0x1;
	v7 =	vld.idx.msk [tilespmem:v0+s19+$0x10 ss:$0x1], $0xffff;
	[tilespmem:v0+s18+$0x30 ss:$0x1] =	vst.idx.msk $0xffff, v1  }
0x31: {  	v8 =	vld.idx.msk [tilespmem:v0+s19+$0x20 ss:$0x1], $0xffff;
	[tilespmem:v0+s18+$0x40 ss:$0x1] =	vst.idx.msk $0xffff, v2  }
0x32: {  	v1 =	vld.idx.msk [tilespmem:v0+s19+$0x30 ss:$0x1], $0xffff;
	[tilespmem:v0+s18+$0x50 ss:$0x1] =	vst.idx.msk $0xffff, v3  }
.Ltmp3:
0x33: {  	v2 =	vld.idx.msk [tilespmem:v0+s19+$0x40 ss:$0x1], $0xffff;
	[tilespmem:v0+s18+$0x60 ss:$0x1] =	vst.idx.msk $0xffff, v4;
	(pc) =	sbr.rel @p1 .LBB1_5-.Ltmp3, $4  }
0x34: {  	v3 =	vld.idx.msk [tilespmem:v0+s19+$0x50 ss:$0x1], $0xffff;
	[tilespmem:v0+s18+$0x0 ss:$0x1] =	vst.idx.msk $0xffff, v5;
	s18 =	sadd.s32 $0x100, s18  }
0x35: {  	v4 =	vld.idx.msk [tilespmem:v0+s19+$0x60 ss:$0x1], $0xffff;
	[tilespmem:v0+s18+$0x70 ss:$0x1] =	vst.idx.msk $0xffff, v6  }
0x36: {  	v5 =	vld.idx.msk [tilespmem:v0+s19+$0x0 ss:$0x1], $0xffff;
	[tilespmem:v0+s18+$0x10 ss:$0x1] =	vst.idx.msk $0xffff, v7;
	s19 =	sadd.s32 $0x80, s19  }
0x37: {  	s20 =	sadd.s32 $0xFFFFFFFF, s20;
	v6 =	vld.idx.msk [tilespmem:v0+s19+$0x70 ss:$0x1], $0xffff;
	[tilespmem:v0+s18+$0x20 ss:$0x1] =	vst.idx.msk $0xffff, v8  }
0x38: {  	_ =	sdelay $0x3  }
0x39: {  	[tilespmem:v0+s18+$0x30 ss:$0x1] =	vst.idx.msk $0xffff, v1  }
0x3a: {  	v1 =	vld.idx.msk [tilespmem:v0+s19+$0x10 ss:$0x1], $0xffff;
	[tilespmem:v0+s18+$0x40 ss:$0x1] =	vst.idx.msk $0xffff, v2  }
0x3b: {  	v2 =	vld.idx.msk [tilespmem:v0+s19+$0x20 ss:$0x1], $0xffff;
	[tilespmem:v0+s18+$0x50 ss:$0x1] =	vst.idx.msk $0xffff, v3  }
0x3c: {  	v61 =	vld.idx.msk [tilespmem:v0+s19+$0x40 ss:$0x1], $0xffff;
	[tilespmem:v0+s18+$0x60 ss:$0x1] =	vst.idx.msk $0xffff, v4  }
0x3d: {  	s31 =	sadd.s32 $0x100, s18;
	v62 =	vld.idx.msk [tilespmem:v0+s19+$0x50 ss:$0x1], $0xffff;
	[tilespmem:v0+s18+$0x0 ss:$0x1] =	vst.idx.msk $0xffff, v5  }
0x3e: {  	v63 =	vld.idx.msk [tilespmem:v0+s19+$0x60 ss:$0x1], $0xffff;
	[tilespmem:v0+s31+$0x70 ss:$0x1] =	vst.idx.msk $0xffff, v6  }
0x3f: {  	v3 =	vld.idx.msk [tilespmem:v0+s19+$0x30 ss:$0x1], $0xffff;
	[tilespmem:v0+s31+$0x10 ss:$0x1] =	vst.idx.msk $0xffff, v1  }
0x40: {  	v1 =	vld.idx.msk [tilespmem:v0+s19+$0x0 ss:$0x1], $0xffff;
	[tilespmem:v0+s31+$0x20 ss:$0x1] =	vst.idx.msk $0xffff, v2  }
.Ltmp4:
0x41: {  	[tilespmem:v0+s31+$0x40 ss:$0x1] =	vst.idx.msk $0xffff, v61;
	(pc) =	sbr.rel @p0 .LBB1_4-.Ltmp4, $4  }
0x42: {  	[tilespmem:v0+s31+$0x50 ss:$0x1] =	vst.idx.msk $0xffff, v62  }
0x43: {  	[tilespmem:v0+s31+$0x60 ss:$0x1] =	vst.idx.msk $0xffff, v63  }
0x44: {  	[tilespmem:v0+s31+$0x30 ss:$0x1] =	vst.idx.msk $0xffff, v3  }
0x45: {  	p1 =	por $0x0, $0x0;
	s18 =	simm.s32 $0x1;
	[tilespmem:v0+s31+$0x0 ss:$0x1] =	vst.idx.msk $0xffff, v1  }
0x46: {  	s17 =	sadd.s32 $0x1, s17  }
0x47: {  	p0 =	sne.s32 s17, $0x8  }
.Ltmp5:
0x48: {  	_ = 	snop;
	(pc) =	sbr.rel @p0 .LBB1_3-.Ltmp5, $2  }
0x49: {  	_ =	sdelay $0x2  }
0x4a: {  	s16 =	sadd.s32 $0x2000, s16  }
.Ltmp6:
0x4b: {  	(pc) =	sbr.rel .LBB1_9-.Ltmp6, $4  }
0x4c: {  	_ = 	snop  }
0x4d: {  	s12 =	sshll.u32 s12, $0x8  }
0x4e: {  	s12 =	sadd.s32 s4, s12  }
0x4f: {  	[hbm4b:s12+s8] =	stream.linear.scatter [tilespmem:s13], [sflag:$0x2], $0x4000, $0x38;
	[tilespmem:$0x10000] =	vst v63  }
.LBB1_10:
0x50: {  	_ =	sfence.sel $0x180000  }
0x51: {  	s2 =	simm.s32 $0x1;
	[bflag:$0x0] =	sbarrier.arrive $0xFFFF  }
0x52: {  	s31 =	simm.s32 $0x2;
	[sflag:s2] =	ssyncpa.u1 $0x1  }
0x53: {  	[sflag:s31] =	ssyncpa.u1 $0x1  }
0x54: {  	p0 =	sne.s32 s0, $0x0;
	_ =	strace $0x90000050  }
0x55: {  	s0 =	sadd.s32 @!p0 $0x100000, s1;
	[bflag:$0x2] =	sbarrier.arrive $0xFFFF  }
0x56: {  	[sflag:s0] =	ssyncadd.tile.s32 @!p0 $0x1;
	_ =	shalt  }
.Lfunc_end1:
_tile_overlayer_lowered:
.L_overlay_start_2:
0x57: {  	(tag) =	ssettag $0x2  }
0x58: {  	s0 =	rddreg [dreg:$0x0];
	s2 =	stileid.u32  }
0x59: {  	s1 =	rddreg [dreg:$0x1];
	p0 =	sne.s32 s2, $0x0  }
0x5a: {  	s3 =	rddreg [dreg:$0x2];
	[bflag:$0x3] =	sbarrier.arrive $0xFFFF;
	s2 =	simm.s32 @!p0 $0x1C01  }
0x5b: {  	[timem:s3], [sflag:s2] =	dma.local @!p0 [hbm:s0], s1  }
0x5c: {  	s0 =	simm.s32 @!p0 $0x1  }
0x5d: {  	_ =	swait.ge @!p0 [sflag:s0], s1  }
0x5e: {  	s1 =	ssub.s32 @!p0 $0x0, s1;
	[sflag:s0] =	ssyncset.done @!p0 $0x0  }
0x5f: {  	[sflag:s0] =	ssyncadd.s32 @!p0 s1  }
0x60: {  	[bflag:$0x3] =	sbarrier.arrive $0xFFFF  }
0x61: {  	_ =	shalt  }

// kernel: sparse-core-data-format-call.3.cloned.1.call-start
scs
called_computation.3_lowered:
.L_overlay_start_0:
0x0: {  	s2 =	sld [smem:$0x3FD9]  }
0x1: {  	s3 =	sld [smem:$0x3FFE];
	_ =	sdelay $0x1  }
0x2: {  	s1 =	srdreg.scid  }
0x3: {  	s0 =	sand.u32 $0x1, s1  }
0x4: {  	s18 =	sshll.u32 s0, $0xA;
	s2 =	sadd.s32 s3, s2  }
0x5: {  	s2 =	sadd.s32 s2, s18  }
0x6: {  	[smem:$0x3FC2] =	sst s2  }
0x7: {  	_ = 	snop  }
0x8: {  	s19 =	sld [smem:$0x3FC7];
	(tm) =	ssettm $0x1  }
0x9: {  	s20 =	sld [smem:$0x3FFB];
	_ =	sdelay $0x3  }
0xa: {  	_ =	strace s20  }
0xb: {  	s2 =	sld [smem:$0x3FFC];
	_ =	sdelay $0x3  }
0xc: {  	_ =	strace s2  }
0xd: {  	s2 =	sld [smem:$0x3FFD];
	_ =	sdelay $0x3  }
0xe: {  	_ =	strace s2  }
0xf: {  	_ =	strace $0x8FFFFFFF  }
0x10: {  	s21 =	sld [smem:$0x3FDB];
	_ =	sdelay $0x1  }
0x11: {  	s4 =	simm.s32 $_scs_section_size  }
0x12: {  	s5 =	simm.s32 $_size__tile_overlayer_lowered;
	s6 =	simm.s32 $_tile_overlayer_lowered  }
0x13: {  	s7 =	simm.s32 $0x1BFF;
	s22 =	sshll.u32 s6, $0x1;
	s4 =	sadd.s32 s4, s21  }
0x14: {  	s23 =	simm.s32 $0x0;
	s5 =	sshll.u32 s5, $0x1;
	s6 =	sadd.s32 s22, s4  }
0x15: {  	[timem:s23], [sflag:s7] =	dma.local [hbm:s6], s5  }
0x16: {  	_ =	swait.ge [sflag:s7], s5  }
0x17: {  	s5 =	ssub.s32 $0x0, s5;
	[sflag:s7] =	ssyncset.done $0x0  }
0x18: {  	[sflag:s7] =	ssyncadd.s32 s5;
	_ =	sdelay $0x1  }
0x19: {  	s24 =	simm.s32 $0x1B8B  }
0x1a: {  	_ =	swait.ge [sflag:s24], $0x1  }
0x1b: {  	[sflag:s24] =	ssyncset.done $0x0  }
0x1c: {  	[sflag:s24] =	ssyncadd.s32 $0xFFFFFFFF  }
0x1d: {  	s5 =	sld [smem:$0x0]  }
0x1e: {  	s6 =	sand.u32 $0xFFFFFFFE, s1  }
0x1f: {  	p0 =	sne.s32 s1, s6  }
0x20: {  	s6 =	sshll.u32 @p0 s6, $0xE  }
0x21: {  	s6 =	sadd.s32 @p0 $0x11B8D, s6;
	s7 =	sshll.u32 @p0 s5, $0x11  }
0x22: {  	s6 =	sor.u32 @p0 s7, s6  }
0x23: {  	[sflag:s6] =	ssyncadd.remote.s32 @p0 $0x1;
	_ =	sdelay $0x1  }
0x24: {  	s6 =	simm.s32 @p0 $0x1B8D  }
0x25: {  	_ =	swait.eq @p0 [sflag:s6], $0x1  }
0x26: {  	[sflag:s6] =	ssyncadd.s32 @p0 $0xFFFFFFFF  }
0x27: {  	s7 =	sshll.u32 @!p0 s1, $0xE  }
0x28: {  	s7 =	sor.u32 @!p0 $0x4000, s7;
	s6 =	simm.s32 @!p0 $0x1B8D  }
0x29: {  	s5 =	sshll.u32 @!p0 s5, $0x11;
	s7 =	sadd.s32 @!p0 $0x11B8D, s7;
	_ =	swait.eq @!p0 [sflag:s6], $0x1  }
0x2a: {  	s5 =	sor.u32 @!p0 s5, s7;
	[sflag:s6] =	ssyncadd.s32 @!p0 $0xFFFFFFFF  }
0x2b: {  	s26 =	simm.s32 $0x1B8E;
	s25 =	sld [smem:$0x3FFE];
	[sflag:s5] =	ssyncadd.remote.s32 @!p0 $0x1  }
0x2c: {  	s27 =	simm.s32 $execute0_lowered;
	[smem:$0x3FD2] =	sst s26  }
0x2d: {  	s6 =	sshll.u32 s27, $0x1;
	_ =	strace $0x8000004C;
	[dreg:$0x1] =	wrdreg $0xFFFFFFFF  }
0x2e: {  	s28 =	simm.s32 $_size_execute0_lowered;
	s4 =	sadd.s32 s4, s6;
	[dreg:$0x0] =	wrdreg $0x0  }
0x2f: {  	s6 =	sshll.u32 s28, $0x1;
	[dreg:$0x2] =	wrdreg s4  }
0x30: {  	[dreg:$0x3] =	wrdreg s6  }
0x31: {  	[dreg:$0x4] =	wrdreg $0xC0  }
0x32: {  	_ =	task [dreg:s23], $0x5FFFF  }
0x33: {  	[dreg:$0x1] =	wrdreg $0xFFFFFFFF  }
0x34: {  	[dreg:$0x0] =	wrdreg $0x60  }
0x35: {  	[dreg:$0x2] =	wrdreg s19  }
0x36: {  	[dreg:$0x3] =	wrdreg s25  }
0x37: {  	[dreg:$0x4] =	wrdreg $0xC  }
0x38: {  	_ =	task.clear_ibuf [dreg:s23], $0x5FFFF;
	_ =	strace $0x9000004C  }
0x39: {  	s29 =	simm.s32 $0xC;
	_ =	strace $0x8000004E  }
0x3a: {  	_ =	swait.ge [sflag:s29], $0x1  }
0x3b: {  	[sflag:s29] =	ssyncadd.s32 $0xFFFFFFFF  }
0x3c: {  	_ =	strace $0x9000004E  }
0x3d: {  	_ =	sfence  }
0x3e: {  	s30 =	sld [smem:$0x0];
	_ =	sdelay $0x2  }
0x3f: {  	s31 =	sshll.u32 s1, $0xD;
	s1 =	sshrl.u32 s1, $0x2  }
0x40: {  	s4 =	sand.u32 $0x4000, s31;
	s1 =	sadd.s32 s1, s30  }
0x41: {  	s0 =	sor.u32 s4, s0;
	s1 =	sshll.u32 s1, $0x11  }
0x42: {  	s0 =	sor.u32 s1, s0  }
0x43: {  	s0 =	sadd.s32 $0x8F2B, s0  }
0x44: {  	[sflag:s0] =	ssyncadd.remote.s32 $0x1  }
0x45: {  	_ =	sfence.sel $0xFFFF  }
0x46: {  	[dreg:$0x0] =	wrdreg $0xFFFFFFFF;
	(pc) =	sbr.abs _section_cstart, $3  }
0x47: {  	[dreg:$0x1] =	wrdreg $0xFFFFFFFF  }
0x48: {  	_ =	task.clear_ibuf [dreg:s23], $0x2FFFF;
	_ =	strace $0x9FFFFFFF  }
0x49: {  	(tm) =	ssettm $0x7FFFFFFF  }
tec
execute0_lowered:
.L_overlay_start_1:
0x0: {  	(tag) =	ssettag $0x1  }
0x1: {  	s0 =	srdreg.scid  }
0x2: {  	s1 =	sshll.u32 s0, $0x4  }
0x3: {  	s2 =	rddreg [dreg:$0x0];
	s0 =	stileid.u32;
	s1 =	sand.u32 $0x10, s1  }
0x4: {  	s4 =	rddreg [dreg:$0x1];
	s7 =	simm.s32 $0x1;
	s1 =	sor.u32 s0, s1  }
0x5: {  	s8 =	simm.s32 $0x2;
	s9 =	simm.s32 $0x0;
	s3 =	sshll.u32 s1, $0x3  }
0x6: {  	s12 =	simm.s32 $0x0;
	s11 =	simm.s32 $0x0;
	s6 =	ssub.s32 $0x4E20, s3  }
.Ltmp0:
0x7: {  	s4 =	sadd.s32 $0x9C5C00, s4;
	s5 =	sand.u32 $0xF8, s6;
	(pc) =	sbr.rel .LBB1_1-.Ltmp0, $4  }
0x8: {  	s1 =	rddreg [dreg:$0x2];
	_ =	strace $0x8000004D;
	p0 =	sne.s32 s5, $0x0  }
0x9: {  	s6 =	sshrl.u32 s6, $0x8;
	s5 =	simm.s32 $0x1;
	s7 =	simm.s32 @!p0 $0x0  }
0xa: {  	s10 =	smov.u32 s3;
	[sflag:s5] =	ssyncpa.u1 $0x0;
	s6 =	sadd.s32 s7, s6  }
0xb: {  	[sflag:s8] =	ssyncpa.u1 $0x0;
	s8 =	simm.s32 $0x0;
	s7 =	sadd.s32 $0x1, s6  }
.LBB1_9:
0xc: {  	s14 =	sadd.s32 $0x100, s10  }
0xd: {  	p1 =	sgt.s32 s14, $0x4E1F  }
0xe: {  	s14 =	smov.u32 @p1 s3;
	p1 =	sne.s32 s11, s7  }
.Ltmp1:
0xf: {  	p0 =	slt.u32 s11, $0x2;
	(pc) =	sbr.rel @!p1 .LBB1_10-.Ltmp1, $4  }
0x10: {  	s13 =	simm.s32 @!p0 $0x2  }
0x11: {  	s15 =	sadd.s32 $0x1, s11;
	_ =	swait.ge @!p0 [sflag:s13], $0x4000  }
0x12: {  	s12 =	smov.u32 s10;
	s9 =	sadd.s32 $0x4000, s9;
	[sflag:s13] =	ssyncset.done @!p0 $0x0  }
0x13: {  	s11 =	smov.u32 s15;
	s10 =	smov.u32 s14;
	[sflag:s13] =	ssyncadd.s32 @!p0 $0xFFFFC000  }
.LBB1_1:
0x14: {  	p0 =	sge.u32 s11, s6  }
0x15: {  	s13 =	sxor.u32 @!p0 $0xFFFFFFFF, s11  }
0x16: {  	s31 =	sadd.s32 $0xFFFFFFFF, s11;
	s14 =	sshll.u32 @!p0 s10, $0x8;
	s13 =	sshll.u32 @!p0 s13, $0xE  }
0x17: {  	s15 =	simm.s32 @!p0 $0x0;
	s14 =	sadd.s32 @!p0 s2, s14;
	s13 =	sand.u32 @!p0 $0x4000, s13  }
0x18: {  	[tilespmem:s13], [sflag:$0x1] =	stream.linear.gather @!p0 [hbm4b:s14+s15], $0x4000, $0x38;
	[tilespmem:$0x10000] =	vst v63  }
0x19: {  	p0 =	sge.u32 s31, s6  }
.Ltmp2:
0x1a: {  	_ = 	snop;
	(pc) =	sbr.rel @p0 .LBB1_9-.Ltmp2, $1  }
0x1b: {  	_ =	sdelay $0x3  }
0x1c: {  	s13 =	sshll.u32 s9, $0x2;
	_ =	swait.ge [sflag:s5], $0x4000;
	s14 =	sshll.u32 s11, $0xE  }
0x1d: {  	s16 =	simm.s32 $0x0;
	s17 =	simm.s32 $0x0;
	s15 =	sand.u32 $0x10000, s13  }
0x1e: {  	[sflag:s5] =	ssyncset.done $0x0;
	s31 =	sand.u32 $0x4000, s14;
	s14 =	sshrl.u32 s15, $0x2  }
0x1f: {  	[sflag:s5] =	ssyncadd.s32 $0xFFFFC000;
	s13 =	sor.u32 $0x8000, s31;
	s15 =	sor.u32 $0x8000, s14  }
.LBB1_3:
0x20: {  	s18 =	sshra.s32 s16, $0x2  }
0x21: {  	v0 =	vmov s18;
	_ =	sdelay $0x3  }
0x22: {  	p1 =	por $0x1, $0x1;
	s18 =	simm.s32 $0x0  }
.LBB1_4:
0x23: {  	_ = 	snop  }
0x24: {  	s19 =	sshll.u32 s18, $0xA  }
0x25: {  	s19 =	sand.u32 $0x3FFFFC00, s19  }
0x26: {  	s19 =	sadd.s32 s19, s14  }
0x27: {  	v5 =	vld.idx.msk [tilespmem:v0+s19+$0x70 ss:$0x1], $0xffff  }
0x28: {  	v6 =	vld.idx.msk [tilespmem:v0+s19+$0x10 ss:$0x1], $0xffff  }
0x29: {  	v7 =	vld.idx.msk [tilespmem:v0+s19+$0x20 ss:$0x1], $0xffff  }
0x2a: {  	s31 =	sshll.u32 s18, $0x7;
	v1 =	vld.idx.msk [tilespmem:v0+s19+$0x30 ss:$0x1], $0xffff  }
0x2b: {  	s18 =	sand.u32 $0x3FFFFF80, s31;
	v2 =	vld.idx.msk [tilespmem:v0+s19+$0x40 ss:$0x1], $0xffff  }
0x2c: {  	s18 =	sadd.s32 s18, s15;
	v3 =	vld.idx.msk [tilespmem:v0+s19+$0x50 ss:$0x1], $0xffff  }
0x2d: {  	v4 =	vld.idx.msk [tilespmem:v0+s19+$0x60 ss:$0x1], $0xffff;
	[tilespmem:v0+s18+$0x70 ss:$0x1] =	vst.idx.msk $0xffff, v5  }
0x2e: {  	v5 =	vld.idx.msk [tilespmem:v0+s19+$0x0 ss:$0x1], $0xffff;
	[tilespmem:v0+s18+$0x10 ss:$0x1] =	vst.idx.msk $0xffff, v6;
	s19 =	sadd.s32 $0x80, s19  }
0x2f: {  	p0 =	por p1, p1;
	s20 =	simm.s32 $0x6;
	[tilespmem:v0+s18+$0x20 ss:$0x1] =	vst.idx.msk $0xffff, v7;
	v6 =	vld.idx.msk [tilespmem:v0+s19+$0x70 ss:$0x1], $0xffff  }
.LBB1_5:
0x30: {  	p1 =	sne.s32 s20, $0x1;
	v7 =	vld.idx.msk [tilespmem:v0+s19+$0x10 ss:$0x1], $0xffff;
	[tilespmem:v0+s18+$0x30 ss:$0x1] =	vst.idx.msk $0xffff, v1  }
0x31: {  	v8 =	vld.idx.msk [tilespmem:v0+s19+$0x20 ss:$0x1], $0xffff;
	[tilespmem:v0+s18+$0x40 ss:$0x1] =	vst.idx.msk $0xffff, v2  }
0x32: {  	v1 =	vld.idx.msk [tilespmem:v0+s19+$0x30 ss:$0x1], $0xffff;
	[tilespmem:v0+s18+$0x50 ss:$0x1] =	vst.idx.msk $0xffff, v3  }
.Ltmp3:
0x33: {  	v2 =	vld.idx.msk [tilespmem:v0+s19+$0x40 ss:$0x1], $0xffff;
	[tilespmem:v0+s18+$0x60 ss:$0x1] =	vst.idx.msk $0xffff, v4;
	(pc) =	sbr.rel @p1 .LBB1_5-.Ltmp3, $4  }
0x34: {  	v3 =	vld.idx.msk [tilespmem:v0+s19+$0x50 ss:$0x1], $0xffff;
	[tilespmem:v0+s18+$0x0 ss:$0x1] =	vst.idx.msk $0xffff, v5;
	s18 =	sadd.s32 $0x100, s18  }
0x35: {  	v4 =	vld.idx.msk [tilespmem:v0+s19+$0x60 ss:$0x1], $0xffff;
	[tilespmem:v0+s18+$0x70 ss:$0x1] =	vst.idx.msk $0xffff, v6  }
0x36: {  	v5 =	vld.idx.msk [tilespmem:v0+s19+$0x0 ss:$0x1], $0xffff;
	[tilespmem:v0+s18+$0x10 ss:$0x1] =	vst.idx.msk $0xffff, v7;
	s19 =	sadd.s32 $0x80, s19  }
0x37: {  	s20 =	sadd.s32 $0xFFFFFFFF, s20;
	v6 =	vld.idx.msk [tilespmem:v0+s19+$0x70 ss:$0x1], $0xffff;
	[tilespmem:v0+s18+$0x20 ss:$0x1] =	vst.idx.msk $0xffff, v8  }
0x38: {  	_ =	sdelay $0x3  }
0x39: {  	[tilespmem:v0+s18+$0x30 ss:$0x1] =	vst.idx.msk $0xffff, v1  }
0x3a: {  	v1 =	vld.idx.msk [tilespmem:v0+s19+$0x10 ss:$0x1], $0xffff;
	[tilespmem:v0+s18+$0x40 ss:$0x1] =	vst.idx.msk $0xffff, v2  }
0x3b: {  	v2 =	vld.idx.msk [tilespmem:v0+s19+$0x20 ss:$0x1], $0xffff;
	[tilespmem:v0+s18+$0x50 ss:$0x1] =	vst.idx.msk $0xffff, v3  }
0x3c: {  	v61 =	vld.idx.msk [tilespmem:v0+s19+$0x40 ss:$0x1], $0xffff;
	[tilespmem:v0+s18+$0x60 ss:$0x1] =	vst.idx.msk $0xffff, v4  }
0x3d: {  	s31 =	sadd.s32 $0x100, s18;
	v62 =	vld.idx.msk [tilespmem:v0+s19+$0x50 ss:$0x1], $0xffff;
	[tilespmem:v0+s18+$0x0 ss:$0x1] =	vst.idx.msk $0xffff, v5  }
0x3e: {  	v63 =	vld.idx.msk [tilespmem:v0+s19+$0x60 ss:$0x1], $0xffff;
	[tilespmem:v0+s31+$0x70 ss:$0x1] =	vst.idx.msk $0xffff, v6  }
0x3f: {  	v3 =	vld.idx.msk [tilespmem:v0+s19+$0x30 ss:$0x1], $0xffff;
	[tilespmem:v0+s31+$0x10 ss:$0x1] =	vst.idx.msk $0xffff, v1  }
0x40: {  	v1 =	vld.idx.msk [tilespmem:v0+s19+$0x0 ss:$0x1], $0xffff;
	[tilespmem:v0+s31+$0x20 ss:$0x1] =	vst.idx.msk $0xffff, v2  }
.Ltmp4:
0x41: {  	[tilespmem:v0+s31+$0x40 ss:$0x1] =	vst.idx.msk $0xffff, v61;
	(pc) =	sbr.rel @p0 .LBB1_4-.Ltmp4, $4  }
0x42: {  	[tilespmem:v0+s31+$0x50 ss:$0x1] =	vst.idx.msk $0xffff, v62  }
0x43: {  	[tilespmem:v0+s31+$0x60 ss:$0x1] =	vst.idx.msk $0xffff, v63  }
0x44: {  	[tilespmem:v0+s31+$0x30 ss:$0x1] =	vst.idx.msk $0xffff, v3  }
0x45: {  	p1 =	por $0x0, $0x0;
	s18 =	simm.s32 $0x1;
	[tilespmem:v0+s31+$0x0 ss:$0x1] =	vst.idx.msk $0xffff, v1  }
0x46: {  	s17 =	sadd.s32 $0x1, s17  }
0x47: {  	p0 =	sne.s32 s17, $0x8  }
.Ltmp5:
0x48: {  	_ = 	snop;
	(pc) =	sbr.rel @p0 .LBB1_3-.Ltmp5, $2  }
0x49: {  	_ =	sdelay $0x2  }
0x4a: {  	s16 =	sadd.s32 $0x2000, s16  }
.Ltmp6:
0x4b: {  	(pc) =	sbr.rel .LBB1_9-.Ltmp6, $4  }
0x4c: {  	_ = 	snop  }
0x4d: {  	s12 =	sshll.u32 s12, $0x8  }
0x4e: {  	s12 =	sadd.s32 s4, s12  }
0x4f: {  	[hbm4b:s12+s8] =	stream.linear.scatter [tilespmem:s13], [sflag:$0x2], $0x4000, $0x38;
	[tilespmem:$0x10000] =	vst v63  }
.LBB1_10:
0x50: {  	_ =	sfence.sel $0x180000  }
0x51: {  	s2 =	simm.s32 $0x1;
	[bflag:$0x0] =	sbarrier.arrive $0xFFFF  }
0x52: {  	s31 =	simm.s32 $0x2;
	[sflag:s2] =	ssyncpa.u1 $0x1  }
0x53: {  	[sflag:s31] =	ssyncpa.u1 $0x1  }
0x54: {  	p0 =	sne.s32 s0, $0x0;
	_ =	strace $0x9000004D  }
0x55: {  	s0 =	sadd.s32 @!p0 $0x100000, s1;
	[bflag:$0x2] =	sbarrier.arrive $0xFFFF  }
0x56: {  	[sflag:s0] =	ssyncadd.tile.s32 @!p0 $0x1;
	_ =	shalt  }
.Lfunc_end1:
_tile_overlayer_lowered:
.L_overlay_start_2:
0x57: {  	(tag) =	ssettag $0x2  }
0x58: {  	s0 =	rddreg [dreg:$0x0];
	s2 =	stileid.u32  }
0x59: {  	s1 =	rddreg [dreg:$0x1];
	p0 =	sne.s32 s2, $0x0  }
0x5a: {  	s3 =	rddreg [dreg:$0x2];
	[bflag:$0x3] =	sbarrier.arrive $0xFFFF;
	s2 =	simm.s32 @!p0 $0x1C01  }
0x5b: {  	[timem:s3], [sflag:s2] =	dma.local @!p0 [hbm:s0], s1  }
0x5c: {  	s0 =	simm.s32 @!p0 $0x1  }
0x5d: {  	_ =	swait.ge @!p0 [sflag:s0], s1  }
0x5e: {  	s1 =	ssub.s32 @!p0 $0x0, s1;
	[sflag:s0] =	ssyncset.done @!p0 $0x0  }
0x5f: {  	[sflag:s0] =	ssyncadd.s32 @!p0 s1  }
0x60: {  	[bflag:$0x3] =	sbarrier.arrive $0xFFFF  }
0x61: {  	_ =	shalt  }

// kernel: sparse-core-data-format-call.cloned.1.call-start
scs
called_computation_lowered:
.L_overlay_start_0:
0x0: {  	s2 =	sld [smem:$0x3FD9]  }
0x1: {  	s3 =	sld [smem:$0x3FFE];
	_ =	sdelay $0x1  }
0x2: {  	s1 =	srdreg.scid  }
0x3: {  	s0 =	sand.u32 $0x1, s1  }
0x4: {  	s18 =	sshll.u32 s0, $0xA;
	s2 =	sadd.s32 s3, s2  }
0x5: {  	s2 =	sadd.s32 s2, s18  }
0x6: {  	[smem:$0x3FC2] =	sst s2  }
0x7: {  	_ = 	snop  }
0x8: {  	s19 =	sld [smem:$0x3FC8];
	(tm) =	ssettm $0x1  }
0x9: {  	s20 =	sld [smem:$0x3FFB];
	_ =	sdelay $0x3  }
0xa: {  	_ =	strace s20  }
0xb: {  	s2 =	sld [smem:$0x3FFC];
	_ =	sdelay $0x3  }
0xc: {  	_ =	strace s2  }
0xd: {  	s2 =	sld [smem:$0x3FFD];
	_ =	sdelay $0x3  }
0xe: {  	_ =	strace s2  }
0xf: {  	_ =	strace $0x8FFFFFFF  }
0x10: {  	s21 =	sld [smem:$0x3FDB];
	_ =	sdelay $0x1  }
0x11: {  	s4 =	simm.s32 $_scs_section_size  }
0x12: {  	s5 =	simm.s32 $_size__tile_overlayer_lowered;
	s6 =	simm.s32 $_tile_overlayer_lowered  }
0x13: {  	s7 =	simm.s32 $0x1BFF;
	s22 =	sshll.u32 s6, $0x1;
	s4 =	sadd.s32 s4, s21  }
0x14: {  	s23 =	simm.s32 $0x0;
	s5 =	sshll.u32 s5, $0x1;
	s6 =	sadd.s32 s22, s4  }
0x15: {  	[timem:s23], [sflag:s7] =	dma.local [hbm:s6], s5  }
0x16: {  	_ =	swait.ge [sflag:s7], s5  }
0x17: {  	s5 =	ssub.s32 $0x0, s5;
	[sflag:s7] =	ssyncset.done $0x0  }
0x18: {  	[sflag:s7] =	ssyncadd.s32 s5;
	_ =	sdelay $0x1  }
0x19: {  	s24 =	simm.s32 $0x1B8B  }
0x1a: {  	_ =	swait.ge [sflag:s24], $0x1  }
0x1b: {  	[sflag:s24] =	ssyncset.done $0x0  }
0x1c: {  	[sflag:s24] =	ssyncadd.s32 $0xFFFFFFFF  }
0x1d: {  	s5 =	sld [smem:$0x0]  }
0x1e: {  	s6 =	sand.u32 $0xFFFFFFFE, s1  }
0x1f: {  	p0 =	sne.s32 s1, s6  }
0x20: {  	s6 =	sshll.u32 @p0 s6, $0xE  }
0x21: {  	s6 =	sadd.s32 @p0 $0x11B8D, s6;
	s7 =	sshll.u32 @p0 s5, $0x11  }
0x22: {  	s6 =	sor.u32 @p0 s7, s6  }
0x23: {  	[sflag:s6] =	ssyncadd.remote.s32 @p0 $0x1;
	_ =	sdelay $0x1  }
0x24: {  	s6 =	simm.s32 @p0 $0x1B8D  }
0x25: {  	_ =	swait.eq @p0 [sflag:s6], $0x1  }
0x26: {  	[sflag:s6] =	ssyncadd.s32 @p0 $0xFFFFFFFF  }
0x27: {  	s7 =	sshll.u32 @!p0 s1, $0xE  }
0x28: {  	s7 =	sor.u32 @!p0 $0x4000, s7;
	s6 =	simm.s32 @!p0 $0x1B8D  }
0x29: {  	s5 =	sshll.u32 @!p0 s5, $0x11;
	s7 =	sadd.s32 @!p0 $0x11B8D, s7;
	_ =	swait.eq @!p0 [sflag:s6], $0x1  }
0x2a: {  	s5 =	sor.u32 @!p0 s5, s7;
	[sflag:s6] =	ssyncadd.s32 @!p0 $0xFFFFFFFF  }
0x2b: {  	s26 =	simm.s32 $0x1B8E;
	s25 =	sld [smem:$0x3FFE];
	[sflag:s5] =	ssyncadd.remote.s32 @!p0 $0x1  }
0x2c: {  	s27 =	simm.s32 $execute0_lowered;
	[smem:$0x3FD2] =	sst s26  }
0x2d: {  	s6 =	sshll.u32 s27, $0x1;
	_ =	strace $0x80000049;
	[dreg:$0x1] =	wrdreg $0xFFFFFFFF  }
0x2e: {  	s28 =	simm.s32 $_size_execute0_lowered;
	s4 =	sadd.s32 s4, s6;
	[dreg:$0x0] =	wrdreg $0x0  }
0x2f: {  	s6 =	sshll.u32 s28, $0x1;
	[dreg:$0x2] =	wrdreg s4  }
0x30: {  	[dreg:$0x3] =	wrdreg s6  }
0x31: {  	[dreg:$0x4] =	wrdreg $0xC0  }
0x32: {  	_ =	task [dreg:s23], $0x5FFFF  }
0x33: {  	[dreg:$0x1] =	wrdreg $0xFFFFFFFF  }
0x34: {  	[dreg:$0x0] =	wrdreg $0x60  }
0x35: {  	[dreg:$0x2] =	wrdreg s19  }
0x36: {  	[dreg:$0x3] =	wrdreg s25  }
0x37: {  	[dreg:$0x4] =	wrdreg $0x9  }
0x38: {  	_ =	task.clear_ibuf [dreg:s23], $0x5FFFF;
	_ =	strace $0x90000049  }
0x39: {  	s29 =	simm.s32 $0x9;
	_ =	strace $0x8000004B  }
0x3a: {  	_ =	swait.ge [sflag:s29], $0x1  }
0x3b: {  	[sflag:s29] =	ssyncadd.s32 $0xFFFFFFFF  }
0x3c: {  	_ =	strace $0x9000004B  }
0x3d: {  	_ =	sfence  }
0x3e: {  	s30 =	sld [smem:$0x0];
	_ =	sdelay $0x2  }
0x3f: {  	s31 =	sshll.u32 s1, $0xD;
	s1 =	sshrl.u32 s1, $0x2  }
0x40: {  	s4 =	sand.u32 $0x4000, s31;
	s1 =	sadd.s32 s1, s30  }
0x41: {  	s0 =	sor.u32 s4, s0;
	s1 =	sshll.u32 s1, $0x11  }
0x42: {  	s0 =	sor.u32 s1, s0  }
0x43: {  	s0 =	sadd.s32 $0x8F2B, s0  }
0x44: {  	[sflag:s0] =	ssyncadd.remote.s32 $0x1  }
0x45: {  	_ =	sfence.sel $0xFFFF  }
0x46: {  	[dreg:$0x0] =	wrdreg $0xFFFFFFFF;
	(pc) =	sbr.abs _section_cstart, $3  }
0x47: {  	[dreg:$0x1] =	wrdreg $0xFFFFFFFF  }
0x48: {  	_ =	task.clear_ibuf [dreg:s23], $0x2FFFF;
	_ =	strace $0x9FFFFFFF  }
0x49: {  	(tm) =	ssettm $0x7FFFFFFF  }
tec
execute0_lowered:
.L_overlay_start_1:
0x0: {  	(tag) =	ssettag $0x1  }
0x1: {  	s0 =	srdreg.scid  }
0x2: {  	s1 =	sshll.u32 s0, $0x4  }
0x3: {  	s2 =	rddreg [dreg:$0x0];
	s0 =	stileid.u32;
	s1 =	sand.u32 $0x10, s1  }
0x4: {  	s4 =	rddreg [dreg:$0x1];
	s7 =	simm.s32 $0x1;
	s1 =	sor.u32 s0, s1  }
0x5: {  	s8 =	simm.s32 $0x2;
	s9 =	simm.s32 $0x0;
	s3 =	sshll.u32 s1, $0x3  }
0x6: {  	s12 =	simm.s32 $0x0;
	s11 =	simm.s32 $0x0;
	s6 =	ssub.s32 $0x4E20, s3  }
.Ltmp0:
0x7: {  	s4 =	sadd.s32 $0x4E3C00, s4;
	s5 =	sand.u32 $0xF8, s6;
	(pc) =	sbr.rel .LBB1_1-.Ltmp0, $4  }
0x8: {  	s1 =	rddreg [dreg:$0x2];
	_ =	strace $0x8000004A;
	p0 =	sne.s32 s5, $0x0  }
0x9: {  	s6 =	sshrl.u32 s6, $0x8;
	s5 =	simm.s32 $0x1;
	s7 =	simm.s32 @!p0 $0x0  }
0xa: {  	s10 =	smov.u32 s3;
	[sflag:s5] =	ssyncpa.u1 $0x0;
	s6 =	sadd.s32 s7, s6  }
0xb: {  	[sflag:s8] =	ssyncpa.u1 $0x0;
	s8 =	simm.s32 $0x0;
	s7 =	sadd.s32 $0x1, s6  }
.LBB1_9:
0xc: {  	s14 =	sadd.s32 $0x100, s10  }
0xd: {  	p1 =	sgt.s32 s14, $0x4E1F  }
0xe: {  	s14 =	smov.u32 @p1 s3;
	p1 =	sne.s32 s11, s7  }
.Ltmp1:
0xf: {  	p0 =	slt.u32 s11, $0x2;
	(pc) =	sbr.rel @!p1 .LBB1_10-.Ltmp1, $4  }
0x10: {  	s13 =	simm.s32 @!p0 $0x2  }
0x11: {  	s15 =	sadd.s32 $0x1, s11;
	_ =	swait.ge @!p0 [sflag:s13], $0x4000  }
0x12: {  	s12 =	smov.u32 s10;
	s9 =	sadd.s32 $0x4000, s9;
	[sflag:s13] =	ssyncset.done @!p0 $0x0  }
0x13: {  	s11 =	smov.u32 s15;
	s10 =	smov.u32 s14;
	[sflag:s13] =	ssyncadd.s32 @!p0 $0xFFFFC000  }
.LBB1_1:
0x14: {  	p0 =	sge.u32 s11, s6  }
0x15: {  	s13 =	sxor.u32 @!p0 $0xFFFFFFFF, s11  }
0x16: {  	s31 =	sadd.s32 $0xFFFFFFFF, s11;
	s14 =	sshll.u32 @!p0 s10, $0x8;
	s13 =	sshll.u32 @!p0 s13, $0xE  }
0x17: {  	s15 =	simm.s32 @!p0 $0x0;
	s14 =	sadd.s32 @!p0 s2, s14;
	s13 =	sand.u32 @!p0 $0x4000, s13  }
0x18: {  	[tilespmem:s13], [sflag:$0x1] =	stream.linear.gather @!p0 [hbm4b:s14+s15], $0x4000, $0x38;
	[tilespmem:$0x10000] =	vst v63  }
0x19: {  	p0 =	sge.u32 s31, s6  }
.Ltmp2:
0x1a: {  	_ = 	snop;
	(pc) =	sbr.rel @p0 .LBB1_9-.Ltmp2, $1  }
0x1b: {  	_ =	sdelay $0x3  }
0x1c: {  	s13 =	sshll.u32 s9, $0x2;
	_ =	swait.ge [sflag:s5], $0x4000;
	s14 =	sshll.u32 s11, $0xE  }
0x1d: {  	s16 =	simm.s32 $0x0;
	s17 =	simm.s32 $0x0;
	s15 =	sand.u32 $0x10000, s13  }
0x1e: {  	[sflag:s5] =	ssyncset.done $0x0;
	s31 =	sand.u32 $0x4000, s14;
	s14 =	sshrl.u32 s15, $0x2  }
0x1f: {  	[sflag:s5] =	ssyncadd.s32 $0xFFFFC000;
	s13 =	sor.u32 $0x8000, s31;
	s15 =	sor.u32 $0x8000, s14  }
.LBB1_3:
0x20: {  	s18 =	sshra.s32 s16, $0x2  }
0x21: {  	v0 =	vmov s18;
	_ =	sdelay $0x3  }
0x22: {  	p1 =	por $0x1, $0x1;
	s18 =	simm.s32 $0x0  }
.LBB1_4:
0x23: {  	_ = 	snop  }
0x24: {  	s19 =	sshll.u32 s18, $0xA  }
0x25: {  	s19 =	sand.u32 $0x3FFFFC00, s19  }
0x26: {  	s19 =	sadd.s32 s19, s14  }
0x27: {  	v5 =	vld.idx.msk [tilespmem:v0+s19+$0x70 ss:$0x1], $0xffff  }
0x28: {  	v6 =	vld.idx.msk [tilespmem:v0+s19+$0x10 ss:$0x1], $0xffff  }
0x29: {  	v7 =	vld.idx.msk [tilespmem:v0+s19+$0x20 ss:$0x1], $0xffff  }
0x2a: {  	s31 =	sshll.u32 s18, $0x7;
	v1 =	vld.idx.msk [tilespmem:v0+s19+$0x30 ss:$0x1], $0xffff  }
0x2b: {  	s18 =	sand.u32 $0x3FFFFF80, s31;
	v2 =	vld.idx.msk [tilespmem:v0+s19+$0x40 ss:$0x1], $0xffff  }
0x2c: {  	s18 =	sadd.s32 s18, s15;
	v3 =	vld.idx.msk [tilespmem:v0+s19+$0x50 ss:$0x1], $0xffff  }
0x2d: {  	v4 =	vld.idx.msk [tilespmem:v0+s19+$0x60 ss:$0x1], $0xffff;
	[tilespmem:v0+s18+$0x70 ss:$0x1] =	vst.idx.msk $0xffff, v5  }
0x2e: {  	v5 =	vld.idx.msk [tilespmem:v0+s19+$0x0 ss:$0x1], $0xffff;
	[tilespmem:v0+s18+$0x10 ss:$0x1] =	vst.idx.msk $0xffff, v6;
	s19 =	sadd.s32 $0x80, s19  }
0x2f: {  	p0 =	por p1, p1;
	s20 =	simm.s32 $0x6;
	[tilespmem:v0+s18+$0x20 ss:$0x1] =	vst.idx.msk $0xffff, v7;
	v6 =	vld.idx.msk [tilespmem:v0+s19+$0x70 ss:$0x1], $0xffff  }
.LBB1_5:
0x30: {  	p1 =	sne.s32 s20, $0x1;
	v7 =	vld.idx.msk [tilespmem:v0+s19+$0x10 ss:$0x1], $0xffff;
	[tilespmem:v0+s18+$0x30 ss:$0x1] =	vst.idx.msk $0xffff, v1  }
0x31: {  	v8 =	vld.idx.msk [tilespmem:v0+s19+$0x20 ss:$0x1], $0xffff;
	[tilespmem:v0+s18+$0x40 ss:$0x1] =	vst.idx.msk $0xffff, v2  }
0x32: {  	v1 =	vld.idx.msk [tilespmem:v0+s19+$0x30 ss:$0x1], $0xffff;
	[tilespmem:v0+s18+$0x50 ss:$0x1] =	vst.idx.msk $0xffff, v3  }
.Ltmp3:
0x33: {  	v2 =	vld.idx.msk [tilespmem:v0+s19+$0x40 ss:$0x1], $0xffff;
	[tilespmem:v0+s18+$0x60 ss:$0x1] =	vst.idx.msk $0xffff, v4;
	(pc) =	sbr.rel @p1 .LBB1_5-.Ltmp3, $4  }
0x34: {  	v3 =	vld.idx.msk [tilespmem:v0+s19+$0x50 ss:$0x1], $0xffff;
	[tilespmem:v0+s18+$0x0 ss:$0x1] =	vst.idx.msk $0xffff, v5;
	s18 =	sadd.s32 $0x100, s18  }
0x35: {  	v4 =	vld.idx.msk [tilespmem:v0+s19+$0x60 ss:$0x1], $0xffff;
	[tilespmem:v0+s18+$0x70 ss:$0x1] =	vst.idx.msk $0xffff, v6  }
0x36: {  	v5 =	vld.idx.msk [tilespmem:v0+s19+$0x0 ss:$0x1], $0xffff;
	[tilespmem:v0+s18+$0x10 ss:$0x1] =	vst.idx.msk $0xffff, v7;
	s19 =	sadd.s32 $0x80, s19  }
0x37: {  	s20 =	sadd.s32 $0xFFFFFFFF, s20;
	v6 =	vld.idx.msk [tilespmem:v0+s19+$0x70 ss:$0x1], $0xffff;
	[tilespmem:v0+s18+$0x20 ss:$0x1] =	vst.idx.msk $0xffff, v8  }
0x38: {  	_ =	sdelay $0x3  }
0x39: {  	[tilespmem:v0+s18+$0x30 ss:$0x1] =	vst.idx.msk $0xffff, v1  }
0x3a: {  	v1 =	vld.idx.msk [tilespmem:v0+s19+$0x10 ss:$0x1], $0xffff;
	[tilespmem:v0+s18+$0x40 ss:$0x1] =	vst.idx.msk $0xffff, v2  }
0x3b: {  	v2 =	vld.idx.msk [tilespmem:v0+s19+$0x20 ss:$0x1], $0xffff;
	[tilespmem:v0+s18+$0x50 ss:$0x1] =	vst.idx.msk $0xffff, v3  }
0x3c: {  	v61 =	vld.idx.msk [tilespmem:v0+s19+$0x40 ss:$0x1], $0xffff;
	[tilespmem:v0+s18+$0x60 ss:$0x1] =	vst.idx.msk $0xffff, v4  }
0x3d: {  	s31 =	sadd.s32 $0x100, s18;
	v62 =	vld.idx.msk [tilespmem:v0+s19+$0x50 ss:$0x1], $0xffff;
	[tilespmem:v0+s18+$0x0 ss:$0x1] =	vst.idx.msk $0xffff, v5  }
0x3e: {  	v63 =	vld.idx.msk [tilespmem:v0+s19+$0x60 ss:$0x1], $0xffff;
	[tilespmem:v0+s31+$0x70 ss:$0x1] =	vst.idx.msk $0xffff, v6  }
0x3f: {  	v3 =	vld.idx.msk [tilespmem:v0+s19+$0x30 ss:$0x1], $0xffff;
	[tilespmem:v0+s31+$0x10 ss:$0x1] =	vst.idx.msk $0xffff, v1  }
0x40: {  	v1 =	vld.idx.msk [tilespmem:v0+s19+$0x0 ss:$0x1], $0xffff;
	[tilespmem:v0+s31+$0x20 ss:$0x1] =	vst.idx.msk $0xffff, v2  }
.Ltmp4:
0x41: {  	[tilespmem:v0+s31+$0x40 ss:$0x1] =	vst.idx.msk $0xffff, v61;
	(pc) =	sbr.rel @p0 .LBB1_4-.Ltmp4, $4  }
0x42: {  	[tilespmem:v0+s31+$0x50 ss:$0x1] =	vst.idx.msk $0xffff, v62  }
0x43: {  	[tilespmem:v0+s31+$0x60 ss:$0x1] =	vst.idx.msk $0xffff, v63  }
0x44: {  	[tilespmem:v0+s31+$0x30 ss:$0x1] =	vst.idx.msk $0xffff, v3  }
0x45: {  	p1 =	por $0x0, $0x0;
	s18 =	simm.s32 $0x1;
	[tilespmem:v0+s31+$0x0 ss:$0x1] =	vst.idx.msk $0xffff, v1  }
0x46: {  	s17 =	sadd.s32 $0x1, s17  }
0x47: {  	p0 =	sne.s32 s17, $0x8  }
.Ltmp5:
0x48: {  	_ = 	snop;
	(pc) =	sbr.rel @p0 .LBB1_3-.Ltmp5, $2  }
0x49: {  	_ =	sdelay $0x2  }
0x4a: {  	s16 =	sadd.s32 $0x2000, s16  }
.Ltmp6:
0x4b: {  	(pc) =	sbr.rel .LBB1_9-.Ltmp6, $4  }
0x4c: {  	_ = 	snop  }
0x4d: {  	s12 =	sshll.u32 s12, $0x8  }
0x4e: {  	s12 =	sadd.s32 s4, s12  }
0x4f: {  	[hbm4b:s12+s8] =	stream.linear.scatter [tilespmem:s13], [sflag:$0x2], $0x4000, $0x38;
	[tilespmem:$0x10000] =	vst v63  }
.LBB1_10:
0x50: {  	_ =	sfence.sel $0x180000  }
0x51: {  	s2 =	simm.s32 $0x1;
	[bflag:$0x0] =	sbarrier.arrive $0xFFFF  }
0x52: {  	s31 =	simm.s32 $0x2;
	[sflag:s2] =	ssyncpa.u1 $0x1  }
0x53: {  	[sflag:s31] =	ssyncpa.u1 $0x1  }
0x54: {  	p0 =	sne.s32 s0, $0x0;
	_ =	strace $0x9000004A  }
0x55: {  	s0 =	sadd.s32 @!p0 $0x100000, s1;
	[bflag:$0x2] =	sbarrier.arrive $0xFFFF  }
0x56: {  	[sflag:s0] =	ssyncadd.tile.s32 @!p0 $0x1;
	_ =	shalt  }
.Lfunc_end1:
_tile_overlayer_lowered:
.L_overlay_start_2:
0x57: {  	(tag) =	ssettag $0x2  }
0x58: {  	s0 =	rddreg [dreg:$0x0];
	s2 =	stileid.u32  }
0x59: {  	s1 =	rddreg [dreg:$0x1];
	p0 =	sne.s32 s2, $0x0  }
0x5a: {  	s3 =	rddreg [dreg:$0x2];
	[bflag:$0x3] =	sbarrier.arrive $0xFFFF;
	s2 =	simm.s32 @!p0 $0x1C01  }
0x5b: {  	[timem:s3], [sflag:s2] =	dma.local @!p0 [hbm:s0], s1  }
0x5c: {  	s0 =	simm.s32 @!p0 $0x1  }
0x5d: {  	_ =	swait.ge @!p0 [sflag:s0], s1  }
0x5e: {  	s1 =	ssub.s32 @!p0 $0x0, s1;
	[sflag:s0] =	ssyncset.done @!p0 $0x0  }
0x5f: {  	[sflag:s0] =	ssyncadd.s32 @!p0 s1  }
0x60: {  	[bflag:$0x3] =	sbarrier.arrive $0xFFFF  }
0x61: {  	_ =	shalt  }

</sc_bundles>
